<compile_context>
chip_gen: v7x
topology: tpu7x:2x2x1
jax: 0.10.2.dev20260603
libtpu: 0.0.44.dev20260713+nightly
codegen_flags: <defaults>
</compile_context>

<pallas_src>
import functools

import jax
import jax.numpy as jnp
import numpy as np
from jax import lax
from jax.experimental import pallas as pl
from jax.experimental.pallas import tpu as pltpu
from jax.experimental.pallas import tpu_sc as plsc

N = 10000
D = 128
E = 320000

CHUNK = 64
NC, NS = 2, 16
NW = NC * NS
STEPS = 160
PSTEPS = 40
NBUF = 4
E_PAD = NW * STEPS * CHUNK
ROWS_PAD = 640
N_PAD = ROWS_PAD * NS

BLK = 5000
NBLK = N // BLK


_PAD_EDGES = np.stack([
    np.arange(E_PAD - E, dtype=np.int32) % N,
    N + np.arange(E_PAD - E, dtype=np.int32) % (N_PAD - N),
]).astype(np.int32)


def _sc_agg(x, e_all):
    mesh = plsc.VectorSubcoreMesh(core_axis_name="c", subcore_axis_name="s")

    @functools.partial(
        pl.kernel,
        out_type=jax.ShapeDtypeStruct((NC, N, D), jnp.float32),
        mesh=mesh,
        scratch_types=[
            pltpu.VMEM((PSTEPS, CHUNK), jnp.int32),
            pltpu.VMEM((PSTEPS, CHUNK), jnp.int32),
        ] + [pltpu.VMEM((CHUNK, D), jnp.float32) for _ in range(NBUF)] + [
            pltpu.VMEM_SHARED((N_PAD, D), jnp.float32),
            pltpu.SemaphoreType.DMA,
        ] + [pltpu.SemaphoreType.DMA for _ in range(2 * NBUF)],
    )
    def k(x_hbm, e_hbm, out_hbm, sidx, didx, b0, b1, b2, b3, agg,
          isem, g0, g1, g2, g3, s0, s1, s2, s3):
        bufs = (b0, b1, b2, b3)
        gsem = (g0, g1, g2, g3)
        ssem = (s0, s1, s2, s3)
        cid = lax.axis_index("c")
        sid = lax.axis_index("s")
        wid = sid * NC + cid

        for p in range(STEPS // PSTEPS):
            pltpu.async_copy(e_hbm.at[0, wid, pl.ds(p * PSTEPS, PSTEPS)],
                             sidx, isem)
            pltpu.async_copy(e_hbm.at[1, wid, pl.ds(p * PSTEPS, PSTEPS)],
                             didx, isem)

            if p == 0:
                @pl.loop(0, CHUNK)
                def _(r):
                    @pl.loop(0, D, step=16)
                    def _(c):
                        b0[r, pl.ds(c, 16)] = jnp.zeros((16,), jnp.float32)

                zbase = sid * ROWS_PAD

                @pl.loop(0, ROWS_PAD // CHUNK)
                def _(t):
                    pltpu.sync_copy(b0, agg.at[pl.ds(zbase + t * CHUNK,
                                                     CHUNK)])

            pltpu.make_async_copy(e_hbm.at[0, wid, pl.ds(p * PSTEPS, PSTEPS)],
                                  sidx, isem).wait()
            pltpu.make_async_copy(e_hbm.at[1, wid, pl.ds(p * PSTEPS, PSTEPS)],
                                  didx, isem).wait()
            if p == 0:
                plsc.subcore_barrier()

            for b in range(NBUF - 1):
                pltpu.async_copy(x_hbm.at[sidx.at[b]], bufs[b], gsem[b])

            @pl.loop(0, PSTEPS, step=NBUF)
            def _(t):
                for b in range(NBUF):
                    c = t + b
                    nb = (b + NBUF - 1) % NBUF
                    pltpu.make_async_copy(x_hbm.at[sidx.at[c]], bufs[b],
                                          gsem[b]).wait()
                    pltpu.async_copy(bufs[b], agg.at[didx.at[c]], ssem[b],
                                     add=True)

                    @pl.when(c + NBUF - 1 < PSTEPS)
                    def _():
                        @pl.when(c - 1 >= 0)
                        def _():
                            pltpu.make_async_copy(
                                bufs[nb], agg.at[didx.at[c - 1]],
                                ssem[nb]).wait()

                        pltpu.async_copy(x_hbm.at[sidx.at[c + NBUF - 1]],
                                         bufs[nb], gsem[nb])

            for kk in range(NBUF):
                c = PSTEPS - NBUF + kk
                pltpu.make_async_copy(bufs[c % NBUF], agg.at[didx.at[c]],
                                      ssem[c % NBUF]).wait()

        plsc.subcore_barrier()

        obase = sid * ROWS_PAD

        @pl.when(sid < NS - 1)
        def _():
            pltpu.sync_copy(agg.at[pl.ds(obase, ROWS_PAD)],
                            out_hbm.at[cid, pl.ds(obase, ROWS_PAD)])

        @pl.when(sid == NS - 1)
        def _():
            pltpu.sync_copy(agg.at[pl.ds(obase, N - (NS - 1) * ROWS_PAD)],
                            out_hbm.at[cid, pl.ds(obase, N - (NS - 1) * ROWS_PAD)])

    return k(x, e_all)


def _dot(a, b):
    return lax.dot_general(a, b, (((1,), (0,)), ((), ())),
                           preferred_element_type=jnp.float32,
                           precision=lax.Precision.DEFAULT)


def _phases01(p, i, eps_ref, o_ref, a0_ref, a1_ref, Wa_ref, ba_ref, gm_ref,
              bm_ref, Wb_ref, bb_ref, h1_ref, h2_ref, st_ref):
    @pl.when(jnp.logical_and(p == 0, i == 0))
    def _():
        st_ref[...] = jnp.zeros_like(st_ref)

    @pl.when(p == 0)
    def _():
        pre = (1.0 + eps_ref[0, 0]) * o_ref[...] + a0_ref[0] + a1_ref[0]
        h = _dot(pre, Wa_ref[...]) + ba_ref[...]
        h1_ref[pl.ds(i * BLK, BLK), :] = h
        st_ref[0:1, :] += jnp.sum(h, axis=0, keepdims=True)
        st_ref[1:2, :] += jnp.sum(h * h, axis=0, keepdims=True)

    @pl.when(p == 1)
    def _():
        mu = st_ref[0:1, :] * (1.0 / N)
        var = st_ref[1:2, :] * (1.0 / N) - mu * mu
        inv = lax.rsqrt(var + 1e-5)
        hn = (h1_ref[pl.ds(i * BLK, BLK), :] - mu) * (inv * gm_ref[...])
        hn = jnp.maximum(hn + bm_ref[...], 0.0)
        h2 = _dot(hn, Wb_ref[...]) + bb_ref[...]
        h2_ref[pl.ds(i * BLK, BLK), :] = h2
        st_ref[2:3, :] += jnp.sum(h2, axis=0, keepdims=True)
        st_ref[3:4, :] += jnp.sum(h2 * h2, axis=0, keepdims=True)


def _bn2(h2, st_ref, g_ref, b_ref):
    mu = st_ref[2:3, :] * (1.0 / N)
    var = st_ref[3:4, :] * (1.0 / N) - mu * mu
    inv = lax.rsqrt(var + 1e-5)
    return jnp.maximum((h2 - mu) * (inv * g_ref[...]) + b_ref[...], 0.0)


def _layer0_body(eps_ref, o_ref, a0_ref, a1_ref, Wa_ref, ba_ref, gm_ref,
                 bm_ref, Wb_ref, bb_ref, g_ref, b_ref, out_ref,
                 h1_ref, h2_ref, st_ref):
    p, i = pl.program_id(0), pl.program_id(1)
    _phases01(p, i, eps_ref, o_ref, a0_ref, a1_ref, Wa_ref, ba_ref, gm_ref,
              bm_ref, Wb_ref, bb_ref, h1_ref, h2_ref, st_ref)

    @pl.when(p == 2)
    def _():
        out_ref[...] = _bn2(h2_ref[pl.ds(i * BLK, BLK), :], st_ref,
                            g_ref, b_ref)


def _layer1_body(eps_ref, base_ref, o_ref, a0_ref, a1_ref, Wa_ref, ba_ref,
                 gm_ref, bm_ref, Wb_ref, bb_ref, g_ref, b_ref, out_ref,
                 h1_ref, h2_ref, st_ref):
    del base_ref
    p, i = pl.program_id(0), pl.program_id(1)
    _phases01(p, i, eps_ref, o_ref, a0_ref, a1_ref, Wa_ref, ba_ref, gm_ref,
              bm_ref, Wb_ref, bb_ref, h1_ref, h2_ref, st_ref)

    @pl.when(p == 2)
    def _():
        out_ref[...] = _bn2(h2_ref[pl.ds(i * BLK, BLK), :], st_ref,
                            g_ref, b_ref)


def _concat01_body(x_ref, o_ref, out_ref):
    j = pl.program_id(0)

    @pl.when(j == 0)
    def _():
        out_ref[...] = x_ref[...]

    @pl.when(j == 1)
    def _():
        out_ref[...] = o_ref[...]


def _concat01(x, o1):
    return pl.pallas_call(
        _concat01_body,
        grid=(2, NBLK),
        in_specs=[
            pl.BlockSpec((BLK, D), lambda j, i: (jnp.where(j == 0, i, 0), 0)),
            pl.BlockSpec((BLK, D), lambda j, i: (jnp.where(j == 1, i, 0), 0)),
        ],
        out_specs=pl.BlockSpec((BLK, D), lambda j, i: (i, j)),
        out_shape=jax.ShapeDtypeStruct((N, 3 * D), jnp.float32),
    )(x, o1)


def _vspec(shape):
    return pl.BlockSpec(shape, lambda p, i: tuple(0 for _ in shape))


_scratch = [pltpu.VMEM((N, D), jnp.float32),
            pltpu.VMEM((N, D), jnp.float32),
            pltpu.VMEM((8, D), jnp.float32)]


def _prep(eps, vecs):
    return (jnp.reshape(eps, (1, 1)),) + tuple(v.reshape(1, D) for v in vecs)


def _agg_spec(c):
    return pl.BlockSpec((1, BLK, D),
                        lambda p, i: (c, jnp.where(p == 0, i, 0), 0))


def _gin_layer0(o, aggp, eps, Wa, ba, gm, bm, Wb, bb, g, b):
    eps2, ba2, gm2, bm2, bb2, g2, b2 = _prep(eps, (ba, gm, bm, bb, g, b))
    p0_spec = pl.BlockSpec((BLK, D), lambda p, i: (jnp.where(p == 0, i, 0), 0))
    return pl.pallas_call(
        _layer0_body,
        grid=(3, NBLK),
        in_specs=[pl.BlockSpec(memory_space=pltpu.SMEM),
                  p0_spec, _agg_spec(0), _agg_spec(1),
                  _vspec((D, D)), _vspec((1, D)), _vspec((1, D)),
                  _vspec((1, D)), _vspec((D, D)), _vspec((1, D)),
                  _vspec((1, D)), _vspec((1, D))],
        out_specs=pl.BlockSpec((BLK, D),
                               lambda p, i: (jnp.where(p == 2, i, 0), 0)),
        out_shape=jax.ShapeDtypeStruct((N, D), jnp.float32),
        scratch_shapes=_scratch,
    )(eps2, o, aggp, aggp, Wa, ba2, gm2, bm2, Wb, bb2, g2, b2)


def _gin_layer1(base, o, aggp, eps, Wa, ba, gm, bm, Wb, bb, g, b):
    eps2, ba2, gm2, bm2, bb2, g2, b2 = _prep(eps, (ba, gm, bm, bb, g, b))
    p0_spec = pl.BlockSpec((BLK, D), lambda p, i: (jnp.where(p == 0, i, 0), 0))
    return pl.pallas_call(
        _layer1_body,
        grid=(3, NBLK),
        in_specs=[pl.BlockSpec(memory_space=pltpu.SMEM),
                  pl.BlockSpec((8, D), lambda p, i: (0, 0)),
                  p0_spec, _agg_spec(0), _agg_spec(1),
                  _vspec((D, D)), _vspec((1, D)), _vspec((1, D)),
                  _vspec((1, D)), _vspec((D, D)), _vspec((1, D)),
                  _vspec((1, D)), _vspec((1, D))],
        out_specs=pl.BlockSpec((BLK, D),
                               lambda p, i: (jnp.where(p == 2, i, 0), 2)),
        out_shape=jax.ShapeDtypeStruct((N, 3 * D), jnp.float32),
        input_output_aliases={1: 0},
        scratch_shapes=_scratch,
    )(eps2, base, o, aggp, aggp, Wa, ba2, gm2, bm2, Wb, bb2, g2, b2)


def kernel(x, edge_index, eps0, Wa0, ba0, gm0, bm0, Wb0, bb0, g0, b0,
           eps1, Wa1, ba1, gm1, bm1, Wb1, bb1, g1, b1):
    e_all = jnp.concatenate(
        [edge_index.astype(jnp.int32), jnp.asarray(_PAD_EDGES)],
        axis=1).reshape(2, NW, STEPS, CHUNK)

    aggp0 = _sc_agg(x, e_all)
    o1 = _gin_layer0(x, aggp0, eps0, Wa0, ba0, gm0, bm0, Wb0, bb0, g0, b0)
    aggp1 = _sc_agg(o1, e_all)
    base = _concat01(x, o1)
    return _gin_layer1(base, o1, aggp1, eps1, Wa1, ba1, gm1, bm1, Wb1, bb1,
                       g1, b1)

# --- scband reference (transcript-rebuilt; emitter-appended) ---
"""Pipeline reference for scband-ginnet-58205396795403 (READ-ONLY COPY).

The authoritative reference and input builder live on the scoring server;
editing this copy changes nothing except your own understanding.
"""

import jax, jax.numpy as jnp
import numpy as np

N = 10000
E = 320000
D = 128

def _bn(h, g, b):
    mu = jnp.mean(h, axis=0, keepdims=True)
    var = jnp.var(h, axis=0, keepdims=True)
    return (h - mu) / jnp.sqrt(var + 1e-5) * g + b

def setup_inputs(seed: int = 0):
    key = jax.random.key(seed)
    ks = jax.random.split(key, 12)
    inp = {}
    inp["x"] = jax.random.normal(ks[0], (N, D), dtype=jnp.float32)
    inp["edge_index"] = jax.random.randint(ks[1], (2, E), 0, N)
    for i in range(2):
        inp["eps%d" % i] = jnp.zeros((), dtype=jnp.float32)
        inp["Wa%d" % i] = jax.random.normal(ks[2 + 4 * i], (D, D), dtype=jnp.float32) * 0.05
        inp["ba%d" % i] = jnp.zeros((D,), dtype=jnp.float32)
        inp["gm%d" % i] = jnp.ones((D,), dtype=jnp.float32)
        inp["bm%d" % i] = jnp.zeros((D,), dtype=jnp.float32)
        inp["Wb%d" % i] = jax.random.normal(ks[3 + 4 * i], (D, D), dtype=jnp.float32) * 0.05
        inp["bb%d" % i] = jnp.zeros((D,), dtype=jnp.float32)
        inp["g%d" % i] = jnp.ones((D,), dtype=jnp.float32)
        inp["b%d" % i] = jnp.zeros((D,), dtype=jnp.float32)
    return inp

def reference(x, edge_index, eps0, Wa0, ba0, gm0, bm0, Wb0, bb0, g0, b0, eps1, Wa1, ba1, gm1, bm1, Wb1, bb1, g1, b1):
    src = edge_index[0]
    dst = edge_index[1]

    def gin_layer(o, eps, Wa, ba, gm, bm, Wb, bb, g, b):
        # GINConv with train_eps: mlp((1+eps)*x + sum_{j in N(i)} x_j)
        agg = jnp.zeros_like(o).at[dst].add(o[src])
        h = (1.0 + eps) * o + agg
        # MLP: Linear -> BatchNorm1d -> ReLU -> Linear
        h = h @ Wa + ba
        h = _bn(h, gm, bm)
        h = jax.nn.relu(h)
        h = h @ Wb + bb
        # post-layer BatchNorm1d + activation
        h = _bn(h, g, b)
        return jax.nn.relu(h)

    h_v = [x]
    o = gin_layer(x, eps0, Wa0, ba0, gm0, bm0, Wb0, bb0, g0, b0)
    h_v.append(o)
    o = gin_layer(o, eps1, Wa1, ba1, gm1, bm1, Wb1, bb1, g1, b1)
    h_v.append(o)
    # jumping knowledge: concat of input + per-layer embeddings
    return jnp.concatenate(h_v, axis=1)

if __name__ == "__main__":
    import jax
    _d = setup_inputs()
    print(jax.jit(kernel)(*tuple(_d.values())))

</pallas_src>

<mosaic_0001>
#map = affine_map<(d0, d1) -> (0, 0)>
#map1 = affine_map<(d0, d1) -> (0, 0, 0, 0)>
#map2 = affine_map<(d0, d1) -> (0, 0, 0)>
module attributes {stable_mosaic.version = 14 : i64} {
  func.func @k(%arg0: i32, %arg1: i32, %arg2: memref<10000x128xf32, #tpu.memory_space<hbm>>, %arg3: memref<2x32x160x64xi32, #tpu.memory_space<hbm>>, %arg4: memref<2x10000x128xf32, #tpu.memory_space<hbm>>, %arg5: memref<40x64xi32, #tpu.memory_space<vmem>>, %arg6: memref<40x64xi32, #tpu.memory_space<vmem>>, %arg7: memref<64x128xf32, #tpu.memory_space<vmem>>, %arg8: memref<64x128xf32, #tpu.memory_space<vmem>>, %arg9: memref<64x128xf32, #tpu.memory_space<vmem>>, %arg10: memref<64x128xf32, #tpu.memory_space<vmem>>, %arg11: memref<10240x128xf32, #tpu.memory_space<vmem_shared>>, %arg12: memref<!tpu.dma_semaphore, #tpu.memory_space<semaphore_mem>>, %arg13: memref<!tpu.dma_semaphore, #tpu.memory_space<semaphore_mem>>, %arg14: memref<!tpu.dma_semaphore, #tpu.memory_space<semaphore_mem>>, %arg15: memref<!tpu.dma_semaphore, #tpu.memory_space<semaphore_mem>>, %arg16: memref<!tpu.dma_semaphore, #tpu.memory_space<semaphore_mem>>, %arg17: memref<!tpu.dma_semaphore, #tpu.memory_space<semaphore_mem>>, %arg18: memref<!tpu.dma_semaphore, #tpu.memory_space<semaphore_mem>>, %arg19: memref<!tpu.dma_semaphore, #tpu.memory_space<semaphore_mem>>, %arg20: memref<!tpu.dma_semaphore, #tpu.memory_space<semaphore_mem>>) attributes {dimension_semantics = [#tpu.dimension_semantics<core_parallel>, #tpu.dimension_semantics<subcore_parallel>], iteration_bounds = array<i64: 2, 16>, scalar_prefetch = 0 : i64, scratch_operands = 16 : i64, tpu.core_type = #tpu.core_type<sc_vector_subcore>, window_params = [{transform_indices = #map}, {transform_indices = #map1}, {transform_indices = #map2}]} {
    %mul3A = arith.constant 2 : i32
    %mul3A_0 = arith.muli %arg1, %mul3A : i32
    %add3A = arith.addi %mul3A_0, %arg0 : i32
    %dma_start3A = arith.constant 0 : i32
    %dma_start3A_1 = arith.constant 0 : i32
    %dma_start3A_2 = arith.constant 0 : i32
    %dma_start3A_3 = tpu.memref_slice %arg3[%dma_start3A, %add3A, %dma_start3A_1, %dma_start3A_2] : memref<2x32x160x64xi32, #tpu.memory_space<hbm>> -> memref<1x1x40x64xi32, #tpu.memory_space<hbm>>
    %dma_start3A_4 = tpu.memref_squeeze %dma_start3A_3 : memref<1x1x40x64xi32, #tpu.memory_space<hbm>> -> memref<40x64xi32, #tpu.memory_space<hbm>>
    %dma_start3A_5 = arith.constant 0 : i32
    %dma_start3A_6 = arith.constant 0 : i32
    %dma_start3A_7 = tpu.memref_slice %arg3[%dma_start3A, %add3A, %dma_start3A_5, %dma_start3A_6] : memref<2x32x160x64xi32, #tpu.memory_space<hbm>> -> memref<1x1x40x64xi32, #tpu.memory_space<hbm>>
    %dma_start3A_8 = tpu.memref_squeeze %dma_start3A_7 : memref<1x1x40x64xi32, #tpu.memory_space<hbm>> -> memref<40x64xi32, #tpu.memory_space<hbm>>
    tpu.enqueue_dma source(%dma_start3A_8 : memref<40x64xi32, #tpu.memory_space<hbm>>) target(%arg5 : memref<40x64xi32, #tpu.memory_space<vmem>>) target_semaphore(%arg12 : memref<!tpu.dma_semaphore, #tpu.memory_space<semaphore_mem>>)
    %dma_start3A_9 = arith.constant 1 : i32
    %dma_start3A_10 = arith.constant 0 : i32
    %dma_start3A_11 = arith.constant 0 : i32
    %dma_start3A_12 = tpu.memref_slice %arg3[%dma_start3A_9, %add3A, %dma_start3A_10, %dma_start3A_11] : memref<2x32x160x64xi32, #tpu.memory_space<hbm>> -> memref<1x1x40x64xi32, #tpu.memory_space<hbm>>
    %dma_start3A_13 = tpu.memref_squeeze %dma_start3A_12 : memref<1x1x40x64xi32, #tpu.memory_space<hbm>> -> memref<40x64xi32, #tpu.memory_space<hbm>>
    %dma_start3A_14 = arith.constant 0 : i32
    %dma_start3A_15 = arith.constant 0 : i32
    %dma_start3A_16 = tpu.memref_slice %arg3[%dma_start3A_9, %add3A, %dma_start3A_14, %dma_start3A_15] : memref<2x32x160x64xi32, #tpu.memory_space<hbm>> -> memref<1x1x40x64xi32, #tpu.memory_space<hbm>>
    %dma_start3A_17 = tpu.memref_squeeze %dma_start3A_16 : memref<1x1x40x64xi32, #tpu.memory_space<hbm>> -> memref<40x64xi32, #tpu.memory_space<hbm>>
    tpu.enqueue_dma source(%dma_start3A_17 : memref<40x64xi32, #tpu.memory_space<hbm>>) target(%arg6 : memref<40x64xi32, #tpu.memory_space<vmem>>) target_semaphore(%arg12 : memref<!tpu.dma_semaphore, #tpu.memory_space<semaphore_mem>>)
    %scan3A = arith.constant 0 : i32
    %scan3A_18 = arith.constant 64 : i32
    %scan3A_19 = arith.addi %scan3A, %scan3A_18 : i32
    %scan3A_20 = arith.constant 1 : i32
    scf.for %scan3A_379 = %scan3A to %scan3A_19 step %scan3A_20  : i32 {
      %mul3A_380 = arith.constant 1 : i32
      %mul3A_381 = arith.muli %scan3A_379, %mul3A_380 : i32
      %add3A_382 = arith.constant 0 : i32
      %add3A_383 = arith.addi %add3A_382, %mul3A_381 : i32
      %scan3A_384 = arith.constant 0 : i32
      %scan3A_385 = arith.constant 8 : i32
      %scan3A_386 = arith.addi %scan3A_384, %scan3A_385 : i32
      %scan3A_387 = arith.constant 1 : i32
      scf.for %scan3A_389 = %scan3A_384 to %scan3A_386 step %scan3A_387  : i32 {
        %mul3A_390 = arith.constant 16 : i32
        %mul3A_391 = arith.muli %scan3A_389, %mul3A_390 : i32
        %add3A_392 = arith.constant 0 : i32
        %add3A_393 = arith.addi %add3A_392, %mul3A_391 : i32
        %broadcast_in_dim3A = arith.constant 0.000000e+00 : f32
        %broadcast_in_dim3A_394 = vector.broadcast %broadcast_in_dim3A : f32 to vector<16xf32>
        %swap3A = arith.index_cast %add3A_383 : i32 to index
        %swap3A_395 = arith.index_cast %add3A_393 : i32 to index
        %swap3A_396 = tpu.vector_load %arg7[%swap3A, %swap3A_395] {strides = array<i32>} : memref<64x128xf32, #tpu.memory_space<vmem>>, vector<1x16xf32>,
        %swap3A_397 = vector.shape_cast %swap3A_396 : vector<1x16xf32> to vector<16xf32>
        %swap3A_398 = vector.shape_cast %broadcast_in_dim3A_394 : vector<16xf32> to vector<1x16xf32>
        tpu.vector_store %arg7[%swap3A, %swap3A_395], %swap3A_398 {strides = array<i32>} : memref<64x128xf32, #tpu.memory_space<vmem>>, vector<1x16xf32>,
      }
      %scan3A_388 = arith.constant 8 : i32
    }
    %scan3A_21 = arith.constant 64 : i32
    %mul3A_22 = arith.constant 640 : i32
    %mul3A_23 = arith.muli %arg1, %mul3A_22 : i32
    %scan3A_24 = arith.constant 0 : i32
    %scan3A_25 = arith.constant 10 : i32
    %scan3A_26 = arith.addi %scan3A_24, %scan3A_25 : i32
    %scan3A_27 = arith.constant 1 : i32
    scf.for %scan3A_379 = %scan3A_24 to %scan3A_26 step %scan3A_27  : i32 {
      %mul3A_380 = arith.constant 1 : i32
      %mul3A_381 = arith.muli %scan3A_379, %mul3A_380 : i32
      %add3A_382 = arith.constant 0 : i32
      %add3A_383 = arith.addi %add3A_382, %mul3A_381 : i32
      %mul3A_384 = arith.constant 64 : i32
      %mul3A_385 = arith.muli %add3A_383, %mul3A_384 : i32
      %add3A_386 = arith.addi %mul3A_23, %mul3A_385 : i32
      "tpu.region"() ({
        %run_scoped3A = tpu.sem_alloc : memref<!tpu.dma_semaphore, #tpu.memory_space<semaphore_mem>>
        %dma_start3A_387 = arith.constant 0 : i32
        %dma_start3A_388 = tpu.memref_slice %arg11[%add3A_386, %dma_start3A_387] : memref<10240x128xf32, #tpu.memory_space<vmem_shared>> -> memref<64x128xf32, #tpu.memory_space<vmem_shared>>
        %dma_start3A_389 = arith.constant 0 : i32
        %dma_start3A_390 = tpu.memref_slice %arg11[%add3A_386, %dma_start3A_389] : memref<10240x128xf32, #tpu.memory_space<vmem_shared>> -> memref<64x128xf32, #tpu.memory_space<vmem_shared>>
        tpu.enqueue_dma source(%arg7 : memref<64x128xf32, #tpu.memory_space<vmem>>) target(%dma_start3A_390 : memref<64x128xf32, #tpu.memory_space<vmem_shared>>) target_semaphore(%run_scoped3A : memref<!tpu.dma_semaphore, #tpu.memory_space<semaphore_mem>>)
        %dma_wait3A_391 = arith.constant 0 : i32
        %dma_wait3A_392 = tpu.memref_slice %arg11[%add3A_386, %dma_wait3A_391] : memref<10240x128xf32, #tpu.memory_space<vmem_shared>> -> memref<64x128xf32, #tpu.memory_space<vmem_shared>>
        %dma_wait3A_393 = arith.constant 0 : i32
        %dma_wait3A_394 = tpu.memref_slice %arg11[%add3A_386, %dma_wait3A_393] : memref<10240x128xf32, #tpu.memory_space<vmem_shared>> -> memref<64x128xf32, #tpu.memory_space<vmem_shared>>
        tpu.wait_dma2 semaphore(%run_scoped3A : memref<!tpu.dma_semaphore, #tpu.memory_space<semaphore_mem>>) src(%arg7 : memref<64x128xf32, #tpu.memory_space<vmem>>) dst(%dma_wait3A_394 : memref<64x128xf32, #tpu.memory_space<vmem_shared>>)
        tpu.yield
      }) : () -> ()
    }
    %scan3A_28 = arith.constant 10 : i32
    %dma_wait3A = arith.constant 0 : i32
    %dma_wait3A_29 = arith.constant 0 : i32
    %dma_wait3A_30 = arith.constant 0 : i32
    %dma_wait3A_31 = tpu.memref_slice %arg3[%dma_wait3A, %add3A, %dma_wait3A_29, %dma_wait3A_30] : memref<2x32x160x64xi32, #tpu.memory_space<hbm>> -> memref<1x1x40x64xi32, #tpu.memory_space<hbm>>
    %dma_wait3A_32 = tpu.memref_squeeze %dma_wait3A_31 : memref<1x1x40x64xi32, #tpu.memory_space<hbm>> -> memref<40x64xi32, #tpu.memory_space<hbm>>
    %dma_wait3A_33 = arith.constant 0 : i32
    %dma_wait3A_34 = arith.constant 0 : i32
    %dma_wait3A_35 = tpu.memref_slice %arg3[%dma_wait3A, %add3A, %dma_wait3A_33, %dma_wait3A_34] : memref<2x32x160x64xi32, #tpu.memory_space<hbm>> -> memref<1x1x40x64xi32, #tpu.memory_space<hbm>>
    %dma_wait3A_36 = tpu.memref_squeeze %dma_wait3A_35 : memref<1x1x40x64xi32, #tpu.memory_space<hbm>> -> memref<40x64xi32, #tpu.memory_space<hbm>>
    tpu.wait_dma2 semaphore(%arg12 : memref<!tpu.dma_semaphore, #tpu.memory_space<semaphore_mem>>) src(%dma_wait3A_36 : memref<40x64xi32, #tpu.memory_space<hbm>>) dst(%arg5 : memref<40x64xi32, #tpu.memory_space<vmem>>)
    %dma_wait3A_37 = arith.constant 1 : i32
    %dma_wait3A_38 = arith.constant 0 : i32
    %dma_wait3A_39 = arith.constant 0 : i32
    %dma_wait3A_40 = tpu.memref_slice %arg3[%dma_wait3A_37, %add3A, %dma_wait3A_38, %dma_wait3A_39] : memref<2x32x160x64xi32, #tpu.memory_space<hbm>> -> memref<1x1x40x64xi32, #tpu.memory_space<hbm>>
    %dma_wait3A_41 = tpu.memref_squeeze %dma_wait3A_40 : memref<1x1x40x64xi32, #tpu.memory_space<hbm>> -> memref<40x64xi32, #tpu.memory_space<hbm>>
    %dma_wait3A_42 = arith.constant 0 : i32
    %dma_wait3A_43 = arith.constant 0 : i32
    %dma_wait3A_44 = tpu.memref_slice %arg3[%dma_wait3A_37, %add3A, %dma_wait3A_42, %dma_wait3A_43] : memref<2x32x160x64xi32, #tpu.memory_space<hbm>> -> memref<1x1x40x64xi32, #tpu.memory_space<hbm>>
    %dma_wait3A_45 = tpu.memref_squeeze %dma_wait3A_44 : memref<1x1x40x64xi32, #tpu.memory_space<hbm>> -> memref<40x64xi32, #tpu.memory_space<hbm>>
    tpu.wait_dma2 semaphore(%arg12 : memref<!tpu.dma_semaphore, #tpu.memory_space<semaphore_mem>>) src(%dma_wait3A_45 : memref<40x64xi32, #tpu.memory_space<hbm>>) dst(%arg6 : memref<40x64xi32, #tpu.memory_space<vmem>>)
    %barrier3A = arith.constant 0 : index
    tpu.barrier barrier_id(%barrier3A)
    %dma_start3A_46 = arith.constant 0 : i32
    %dma_start3A_47 = arith.constant 0 : i32
    %dma_start3A_48 = tpu.memref_slice %arg5[%dma_start3A_46, %dma_start3A_47] : memref<40x64xi32, #tpu.memory_space<vmem>> -> memref<1x64xi32, #tpu.memory_space<vmem>>
    %dma_start3A_49 = tpu.memref_squeeze %dma_start3A_48 : memref<1x64xi32, #tpu.memory_space<vmem>> -> memref<64xi32, #tpu.memory_space<vmem>>
    %dma_start3A_50 = arith.constant 0 : i32
    %dma_start3A_51 = arith.constant 0 : i32
    %dma_start3A_52 = tpu.memref_slice %arg2[%dma_start3A_50, %dma_start3A_51] : memref<10000x128xf32, #tpu.memory_space<hbm>> -> memref<10000x128xf32, #tpu.memory_space<hbm>>
    tpu.enqueue_indirect_dma source(%dma_start3A_52 : memref<10000x128xf32, #tpu.memory_space<hbm>>) target(%arg7 : memref<64x128xf32, #tpu.memory_space<vmem>>) offsets(%dma_start3A_49 : memref<64xi32, #tpu.memory_space<vmem>>) semaphore(%arg13 : memref<!tpu.dma_semaphore, #tpu.memory_space<semaphore_mem>>)
    %dma_start3A_53 = arith.constant 1 : i32
    %dma_start3A_54 = arith.constant 0 : i32
    %dma_start3A_55 = tpu.memref_slice %arg5[%dma_start3A_53, %dma_start3A_54] : memref<40x64xi32, #tpu.memory_space<vmem>> -> memref<1x64xi32, #tpu.memory_space<vmem>>
    %dma_start3A_56 = tpu.memref_squeeze %dma_start3A_55 : memref<1x64xi32, #tpu.memory_space<vmem>> -> memref<64xi32, #tpu.memory_space<vmem>>
    %dma_start3A_57 = arith.constant 0 : i32
    %dma_start3A_58 = arith.constant 0 : i32
    %dma_start3A_59 = tpu.memref_slice %arg2[%dma_start3A_57, %dma_start3A_58] : memref<10000x128xf32, #tpu.memory_space<hbm>> -> memref<10000x128xf32, #tpu.memory_space<hbm>>
    tpu.enqueue_indirect_dma source(%dma_start3A_59 : memref<10000x128xf32, #tpu.memory_space<hbm>>) target(%arg8 : memref<64x128xf32, #tpu.memory_space<vmem>>) offsets(%dma_start3A_56 : memref<64xi32, #tpu.memory_space<vmem>>) semaphore(%arg14 : memref<!tpu.dma_semaphore, #tpu.memory_space<semaphore_mem>>)
    %dma_start3A_60 = arith.constant 2 : i32
    %dma_start3A_61 = arith.constant 0 : i32
    %dma_start3A_62 = tpu.memref_slice %arg5[%dma_start3A_60, %dma_start3A_61] : memref<40x64xi32, #tpu.memory_space<vmem>> -> memref<1x64xi32, #tpu.memory_space<vmem>>
    %dma_start3A_63 = tpu.memref_squeeze %dma_start3A_62 : memref<1x64xi32, #tpu.memory_space<vmem>> -> memref<64xi32, #tpu.memory_space<vmem>>
    %dma_start3A_64 = arith.constant 0 : i32
    %dma_start3A_65 = arith.constant 0 : i32
    %dma_start3A_66 = tpu.memref_slice %arg2[%dma_start3A_64, %dma_start3A_65] : memref<10000x128xf32, #tpu.memory_space<hbm>> -> memref<10000x128xf32, #tpu.memory_space<hbm>>
    tpu.enqueue_indirect_dma source(%dma_start3A_66 : memref<10000x128xf32, #tpu.memory_space<hbm>>) target(%arg9 : memref<64x128xf32, #tpu.memory_space<vmem>>) offsets(%dma_start3A_63 : memref<64xi32, #tpu.memory_space<vmem>>) semaphore(%arg15 : memref<!tpu.dma_semaphore, #tpu.memory_space<semaphore_mem>>)
    %scan3A_67 = arith.constant 0 : i32
    %scan3A_68 = arith.constant 10 : i32
    %scan3A_69 = arith.addi %scan3A_67, %scan3A_68 : i32
    %scan3A_70 = arith.constant 1 : i32
    scf.for %scan3A_379 = %scan3A_67 to %scan3A_69 step %scan3A_70  : i32 {
      %mul3A_380 = arith.constant 4 : i32
      %mul3A_381 = arith.muli %scan3A_379, %mul3A_380 : i32
      %add3A_382 = arith.constant 0 : i32
      %add3A_383 = arith.addi %add3A_382, %mul3A_381 : i32
      %add3A_384 = arith.constant 0 : i32
      %add3A_385 = arith.addi %add3A_383, %add3A_384 : i32
      %dma_wait3A_386 = arith.constant 0 : i32
      %dma_wait3A_387 = tpu.memref_slice %arg5[%add3A_385, %dma_wait3A_386] : memref<40x64xi32, #tpu.memory_space<vmem>> -> memref<1x64xi32, #tpu.memory_space<vmem>>
      %dma_wait3A_388 = tpu.memref_squeeze %dma_wait3A_387 : memref<1x64xi32, #tpu.memory_space<vmem>> -> memref<64xi32, #tpu.memory_space<vmem>>
      %dma_wait3A_389 = arith.constant 0 : i32
      %dma_wait3A_390 = arith.constant 0 : i32
      %dma_wait3A_391 = tpu.memref_slice %arg2[%dma_wait3A_389, %dma_wait3A_390] : memref<10000x128xf32, #tpu.memory_space<hbm>> -> memref<10000x128xf32, #tpu.memory_space<hbm>>
      tpu.wait_indirect_dma semaphore(%arg13 : memref<!tpu.dma_semaphore, #tpu.memory_space<semaphore_mem>>) src(%dma_wait3A_391 : memref<10000x128xf32, #tpu.memory_space<hbm>>) dst(%arg7 : memref<64x128xf32, #tpu.memory_space<vmem>>)
      %dma_start3A_392 = arith.constant 0 : i32
      %dma_start3A_393 = tpu.memref_slice %arg6[%add3A_385, %dma_start3A_392] : memref<40x64xi32, #tpu.memory_space<vmem>> -> memref<1x64xi32, #tpu.memory_space<vmem>>
      %dma_start3A_394 = tpu.memref_squeeze %dma_start3A_393 : memref<1x64xi32, #tpu.memory_space<vmem>> -> memref<64xi32, #tpu.memory_space<vmem>>
      %dma_start3A_395 = arith.constant 0 : i32
      %dma_start3A_396 = arith.constant 0 : i32
      %dma_start3A_397 = tpu.memref_slice %arg11[%dma_start3A_395, %dma_start3A_396] : memref<10240x128xf32, #tpu.memory_space<vmem_shared>> -> memref<10240x128xf32, #tpu.memory_space<vmem_shared>>
      tpu.enqueue_indirect_dma source(%arg7 : memref<64x128xf32, #tpu.memory_space<vmem>>) target(%dma_start3A_397 : memref<10240x128xf32, #tpu.memory_space<vmem_shared>>) offsets(%dma_start3A_394 : memref<64xi32, #tpu.memory_space<vmem>>) semaphore(%arg17 : memref<!tpu.dma_semaphore, #tpu.memory_space<semaphore_mem>>) {add = true}
      %add3A_398 = arith.constant 4 : i32
      %add3A_399 = arith.addi %add3A_385, %add3A_398 : i32
      %sub3A = arith.constant 1 : i32
      %sub3A_400 = arith.subi %add3A_399, %sub3A : i32
      %lt3A_401 = arith.constant 40 : i32
      %lt3A_402 = arith.cmpi slt, %sub3A_400, %lt3A_401 : i32
      %convert_element_type3A_403 = arith.extui %lt3A_402 : i1 to i32
      %cond3A_404 = arith.constant 0 : i32
      %cond3A_405 = arith.cmpi ne, %convert_element_type3A_403, %cond3A_404 : i32
      scf.if %cond3A_405 {
        %sub3A_475 = arith.constant 1 : i32
        %sub3A_476 = arith.subi %add3A_385, %sub3A_475 : i32
        %ge3A = arith.constant 0 : i32
        %ge3A_477 = arith.cmpi sge, %sub3A_476, %ge3A : i32
        %convert_element_type3A_478 = arith.extui %ge3A_477 : i1 to i32
        %cond3A_479 = arith.constant 0 : i32
        %cond3A_480 = arith.cmpi ne, %convert_element_type3A_478, %cond3A_479 : i32
        scf.if %cond3A_480 {
          %sub3A_491 = arith.constant 1 : i32
          %sub3A_492 = arith.subi %add3A_385, %sub3A_491 : i32
          %dma_wait3A_493 = arith.constant 0 : i32
          %dma_wait3A_494 = tpu.memref_slice %arg6[%sub3A_492, %dma_wait3A_493] : memref<40x64xi32, #tpu.memory_space<vmem>> -> memref<1x64xi32, #tpu.memory_space<vmem>>
          %dma_wait3A_495 = tpu.memref_squeeze %dma_wait3A_494 : memref<1x64xi32, #tpu.memory_space<vmem>> -> memref<64xi32, #tpu.memory_space<vmem>>
          %dma_wait3A_496 = arith.constant 0 : i32
          %dma_wait3A_497 = arith.constant 0 : i32
          %dma_wait3A_498 = tpu.memref_slice %arg11[%dma_wait3A_496, %dma_wait3A_497] : memref<10240x128xf32, #tpu.memory_space<vmem_shared>> -> memref<10240x128xf32, #tpu.memory_space<vmem_shared>>
          tpu.wait_indirect_dma semaphore(%arg20 : memref<!tpu.dma_semaphore, #tpu.memory_space<semaphore_mem>>) src(%arg10 : memref<64x128xf32, #tpu.memory_space<vmem>>) dst(%dma_wait3A_498 : memref<10240x128xf32, #tpu.memory_space<vmem_shared>>)
        } else {
        }
        %add3A_481 = arith.constant 4 : i32
        %add3A_482 = arith.addi %add3A_385, %add3A_481 : i32
        %sub3A_483 = arith.constant 1 : i32
        %sub3A_484 = arith.subi %add3A_482, %sub3A_483 : i32
        %dma_start3A_485 = arith.constant 0 : i32
        %dma_start3A_486 = tpu.memref_slice %arg5[%sub3A_484, %dma_start3A_485] : memref<40x64xi32, #tpu.memory_space<vmem>> -> memref<1x64xi32, #tpu.memory_space<vmem>>
        %dma_start3A_487 = tpu.memref_squeeze %dma_start3A_486 : memref<1x64xi32, #tpu.memory_space<vmem>> -> memref<64xi32, #tpu.memory_space<vmem>>
        %dma_start3A_488 = arith.constant 0 : i32
        %dma_start3A_489 = arith.constant 0 : i32
        %dma_start3A_490 = tpu.memref_slice %arg2[%dma_start3A_488, %dma_start3A_489] : memref<10000x128xf32, #tpu.memory_space<hbm>> -> memref<10000x128xf32, #tpu.memory_space<hbm>>
        tpu.enqueue_indirect_dma source(%dma_start3A_490 : memref<10000x128xf32, #tpu.memory_space<hbm>>) target(%arg10 : memref<64x128xf32, #tpu.memory_space<vmem>>) offsets(%dma_start3A_487 : memref<64xi32, #tpu.memory_space<vmem>>) semaphore(%arg16 : memref<!tpu.dma_semaphore, #tpu.memory_space<semaphore_mem>>)
      } else {
      }
      %add3A_406 = arith.constant 1 : i32
      %add3A_407 = arith.addi %add3A_383, %add3A_406 : i32
      %dma_wait3A_408 = arith.constant 0 : i32
      %dma_wait3A_409 = tpu.memref_slice %arg5[%add3A_407, %dma_wait3A_408] : memref<40x64xi32, #tpu.memory_space<vmem>> -> memref<1x64xi32, #tpu.memory_space<vmem>>
      %dma_wait3A_410 = tpu.memref_squeeze %dma_wait3A_409 : memref<1x64xi32, #tpu.memory_space<vmem>> -> memref<64xi32, #tpu.memory_space<vmem>>
      %dma_wait3A_411 = arith.constant 0 : i32
      %dma_wait3A_412 = arith.constant 0 : i32
      %dma_wait3A_413 = tpu.memref_slice %arg2[%dma_wait3A_411, %dma_wait3A_412] : memref<10000x128xf32, #tpu.memory_space<hbm>> -> memref<10000x128xf32, #tpu.memory_space<hbm>>
      tpu.wait_indirect_dma semaphore(%arg14 : memref<!tpu.dma_semaphore, #tpu.memory_space<semaphore_mem>>) src(%dma_wait3A_413 : memref<10000x128xf32, #tpu.memory_space<hbm>>) dst(%arg8 : memref<64x128xf32, #tpu.memory_space<vmem>>)
      %dma_start3A_414 = arith.constant 0 : i32
      %dma_start3A_415 = tpu.memref_slice %arg6[%add3A_407, %dma_start3A_414] : memref<40x64xi32, #tpu.memory_space<vmem>> -> memref<1x64xi32, #tpu.memory_space<vmem>>
      %dma_start3A_416 = tpu.memref_squeeze %dma_start3A_415 : memref<1x64xi32, #tpu.memory_space<vmem>> -> memref<64xi32, #tpu.memory_space<vmem>>
      %dma_start3A_417 = arith.constant 0 : i32
      %dma_start3A_418 = arith.constant 0 : i32
      %dma_start3A_419 = tpu.memref_slice %arg11[%dma_start3A_417, %dma_start3A_418] : memref<10240x128xf32, #tpu.memory_space<vmem_shared>> -> memref<10240x128xf32, #tpu.memory_space<vmem_shared>>
      tpu.enqueue_indirect_dma source(%arg8 : memref<64x128xf32, #tpu.memory_space<vmem>>) target(%dma_start3A_419 : memref<10240x128xf32, #tpu.memory_space<vmem_shared>>) offsets(%dma_start3A_416 : memref<64xi32, #tpu.memory_space<vmem>>) semaphore(%arg18 : memref<!tpu.dma_semaphore, #tpu.memory_space<semaphore_mem>>) {add = true}
      %add3A_420 = arith.constant 4 : i32
      %add3A_421 = arith.addi %add3A_407, %add3A_420 : i32
      %sub3A_422 = arith.constant 1 : i32
      %sub3A_423 = arith.subi %add3A_421, %sub3A_422 : i32
      %lt3A_424 = arith.constant 40 : i32
      %lt3A_425 = arith.cmpi slt, %sub3A_423, %lt3A_424 : i32
      %convert_element_type3A_426 = arith.extui %lt3A_425 : i1 to i32
      %cond3A_427 = arith.constant 0 : i32
      %cond3A_428 = arith.cmpi ne, %convert_element_type3A_426, %cond3A_427 : i32
      scf.if %cond3A_428 {
        %sub3A_475 = arith.constant 1 : i32
        %sub3A_476 = arith.subi %add3A_407, %sub3A_475 : i32
        %ge3A = arith.constant 0 : i32
        %ge3A_477 = arith.cmpi sge, %sub3A_476, %ge3A : i32
        %convert_element_type3A_478 = arith.extui %ge3A_477 : i1 to i32
        %cond3A_479 = arith.constant 0 : i32
        %cond3A_480 = arith.cmpi ne, %convert_element_type3A_478, %cond3A_479 : i32
        scf.if %cond3A_480 {
          %sub3A_491 = arith.constant 1 : i32
          %sub3A_492 = arith.subi %add3A_407, %sub3A_491 : i32
          %dma_wait3A_493 = arith.constant 0 : i32
          %dma_wait3A_494 = tpu.memref_slice %arg6[%sub3A_492, %dma_wait3A_493] : memref<40x64xi32, #tpu.memory_space<vmem>> -> memref<1x64xi32, #tpu.memory_space<vmem>>
          %dma_wait3A_495 = tpu.memref_squeeze %dma_wait3A_494 : memref<1x64xi32, #tpu.memory_space<vmem>> -> memref<64xi32, #tpu.memory_space<vmem>>
          %dma_wait3A_496 = arith.constant 0 : i32
          %dma_wait3A_497 = arith.constant 0 : i32
          %dma_wait3A_498 = tpu.memref_slice %arg11[%dma_wait3A_496, %dma_wait3A_497] : memref<10240x128xf32, #tpu.memory_space<vmem_shared>> -> memref<10240x128xf32, #tpu.memory_space<vmem_shared>>
          tpu.wait_indirect_dma semaphore(%arg17 : memref<!tpu.dma_semaphore, #tpu.memory_space<semaphore_mem>>) src(%arg7 : memref<64x128xf32, #tpu.memory_space<vmem>>) dst(%dma_wait3A_498 : memref<10240x128xf32, #tpu.memory_space<vmem_shared>>)
        } else {
        }
        %add3A_481 = arith.constant 4 : i32
        %add3A_482 = arith.addi %add3A_407, %add3A_481 : i32
        %sub3A_483 = arith.constant 1 : i32
        %sub3A_484 = arith.subi %add3A_482, %sub3A_483 : i32
        %dma_start3A_485 = arith.constant 0 : i32
        %dma_start3A_486 = tpu.memref_slice %arg5[%sub3A_484, %dma_start3A_485] : memref<40x64xi32, #tpu.memory_space<vmem>> -> memref<1x64xi32, #tpu.memory_space<vmem>>
        %dma_start3A_487 = tpu.memref_squeeze %dma_start3A_486 : memref<1x64xi32, #tpu.memory_space<vmem>> -> memref<64xi32, #tpu.memory_space<vmem>>
        %dma_start3A_488 = arith.constant 0 : i32
        %dma_start3A_489 = arith.constant 0 : i32
        %dma_start3A_490 = tpu.memref_slice %arg2[%dma_start3A_488, %dma_start3A_489] : memref<10000x128xf32, #tpu.memory_space<hbm>> -> memref<10000x128xf32, #tpu.memory_space<hbm>>
        tpu.enqueue_indirect_dma source(%dma_start3A_490 : memref<10000x128xf32, #tpu.memory_space<hbm>>) target(%arg7 : memref<64x128xf32, #tpu.memory_space<vmem>>) offsets(%dma_start3A_487 : memref<64xi32, #tpu.memory_space<vmem>>) semaphore(%arg13 : memref<!tpu.dma_semaphore, #tpu.memory_space<semaphore_mem>>)
      } else {
      }
      %add3A_429 = arith.constant 2 : i32
      %add3A_430 = arith.addi %add3A_383, %add3A_429 : i32
      %dma_wait3A_431 = arith.constant 0 : i32
      %dma_wait3A_432 = tpu.memref_slice %arg5[%add3A_430, %dma_wait3A_431] : memref<40x64xi32, #tpu.memory_space<vmem>> -> memref<1x64xi32, #tpu.memory_space<vmem>>
      %dma_wait3A_433 = tpu.memref_squeeze %dma_wait3A_432 : memref<1x64xi32, #tpu.memory_space<vmem>> -> memref<64xi32, #tpu.memory_space<vmem>>
      %dma_wait3A_434 = arith.constant 0 : i32
      %dma_wait3A_435 = arith.constant 0 : i32
      %dma_wait3A_436 = tpu.memref_slice %arg2[%dma_wait3A_434, %dma_wait3A_435] : memref<10000x128xf32, #tpu.memory_space<hbm>> -> memref<10000x128xf32, #tpu.memory_space<hbm>>
      tpu.wait_indirect_dma semaphore(%arg15 : memref<!tpu.dma_semaphore, #tpu.memory_space<semaphore_mem>>) src(%dma_wait3A_436 : memref<10000x128xf32, #tpu.memory_space<hbm>>) dst(%arg9 : memref<64x128xf32, #tpu.memory_space<vmem>>)
      %dma_start3A_437 = arith.constant 0 : i32
      %dma_start3A_438 = tpu.memref_slice %arg6[%add3A_430, %dma_start3A_437] : memref<40x64xi32, #tpu.memory_space<vmem>> -> memref<1x64xi32, #tpu.memory_space<vmem>>
      %dma_start3A_439 = tpu.memref_squeeze %dma_start3A_438 : memref<1x64xi32, #tpu.memory_space<vmem>> -> memref<64xi32, #tpu.memory_space<vmem>>
      %dma_start3A_440 = arith.constant 0 : i32
      %dma_start3A_441 = arith.constant 0 : i32
      %dma_start3A_442 = tpu.memref_slice %arg11[%dma_start3A_440, %dma_start3A_441] : memref<10240x128xf32, #tpu.memory_space<vmem_shared>> -> memref<10240x128xf32, #tpu.memory_space<vmem_shared>>
      tpu.enqueue_indirect_dma source(%arg9 : memref<64x128xf32, #tpu.memory_space<vmem>>) target(%dma_start3A_442 : memref<10240x128xf32, #tpu.memory_space<vmem_shared>>) offsets(%dma_start3A_439 : memref<64xi32, #tpu.memory_space<vmem>>) semaphore(%arg19 : memref<!tpu.dma_semaphore, #tpu.memory_space<semaphore_mem>>) {add = true}
      %add3A_443 = arith.constant 4 : i32
      %add3A_444 = arith.addi %add3A_430, %add3A_443 : i32
      %sub3A_445 = arith.constant 1 : i32
      %sub3A_446 = arith.subi %add3A_444, %sub3A_445 : i32
      %lt3A_447 = arith.constant 40 : i32
      %lt3A_448 = arith.cmpi slt, %sub3A_446, %lt3A_447 : i32
      %convert_element_type3A_449 = arith.extui %lt3A_448 : i1 to i32
      %cond3A_450 = arith.constant 0 : i32
      %cond3A_451 = arith.cmpi ne, %convert_element_type3A_449, %cond3A_450 : i32
      scf.if %cond3A_451 {
        %sub3A_475 = arith.constant 1 : i32
        %sub3A_476 = arith.subi %add3A_430, %sub3A_475 : i32
        %ge3A = arith.constant 0 : i32
        %ge3A_477 = arith.cmpi sge, %sub3A_476, %ge3A : i32
        %convert_element_type3A_478 = arith.extui %ge3A_477 : i1 to i32
        %cond3A_479 = arith.constant 0 : i32
        %cond3A_480 = arith.cmpi ne, %convert_element_type3A_478, %cond3A_479 : i32
        scf.if %cond3A_480 {
          %sub3A_491 = arith.constant 1 : i32
          %sub3A_492 = arith.subi %add3A_430, %sub3A_491 : i32
          %dma_wait3A_493 = arith.constant 0 : i32
          %dma_wait3A_494 = tpu.memref_slice %arg6[%sub3A_492, %dma_wait3A_493] : memref<40x64xi32, #tpu.memory_space<vmem>> -> memref<1x64xi32, #tpu.memory_space<vmem>>
          %dma_wait3A_495 = tpu.memref_squeeze %dma_wait3A_494 : memref<1x64xi32, #tpu.memory_space<vmem>> -> memref<64xi32, #tpu.memory_space<vmem>>
          %dma_wait3A_496 = arith.constant 0 : i32
          %dma_wait3A_497 = arith.constant 0 : i32
          %dma_wait3A_498 = tpu.memref_slice %arg11[%dma_wait3A_496, %dma_wait3A_497] : memref<10240x128xf32, #tpu.memory_space<vmem_shared>> -> memref<10240x128xf32, #tpu.memory_space<vmem_shared>>
          tpu.wait_indirect_dma semaphore(%arg18 : memref<!tpu.dma_semaphore, #tpu.memory_space<semaphore_mem>>) src(%arg8 : memref<64x128xf32, #tpu.memory_space<vmem>>) dst(%dma_wait3A_498 : memref<10240x128xf32, #tpu.memory_space<vmem_shared>>)
        } else {
        }
        %add3A_481 = arith.constant 4 : i32
        %add3A_482 = arith.addi %add3A_430, %add3A_481 : i32
        %sub3A_483 = arith.constant 1 : i32
        %sub3A_484 = arith.subi %add3A_482, %sub3A_483 : i32
        %dma_start3A_485 = arith.constant 0 : i32
        %dma_start3A_486 = tpu.memref_slice %arg5[%sub3A_484, %dma_start3A_485] : memref<40x64xi32, #tpu.memory_space<vmem>> -> memref<1x64xi32, #tpu.memory_space<vmem>>
        %dma_start3A_487 = tpu.memref_squeeze %dma_start3A_486 : memref<1x64xi32, #tpu.memory_space<vmem>> -> memref<64xi32, #tpu.memory_space<vmem>>
        %dma_start3A_488 = arith.constant 0 : i32
        %dma_start3A_489 = arith.constant 0 : i32
        %dma_start3A_490 = tpu.memref_slice %arg2[%dma_start3A_488, %dma_start3A_489] : memref<10000x128xf32, #tpu.memory_space<hbm>> -> memref<10000x128xf32, #tpu.memory_space<hbm>>
        tpu.enqueue_indirect_dma source(%dma_start3A_490 : memref<10000x128xf32, #tpu.memory_space<hbm>>) target(%arg8 : memref<64x128xf32, #tpu.memory_space<vmem>>) offsets(%dma_start3A_487 : memref<64xi32, #tpu.memory_space<vmem>>) semaphore(%arg14 : memref<!tpu.dma_semaphore, #tpu.memory_space<semaphore_mem>>)
      } else {
      }
      %add3A_452 = arith.constant 3 : i32
      %add3A_453 = arith.addi %add3A_383, %add3A_452 : i32
      %dma_wait3A_454 = arith.constant 0 : i32
      %dma_wait3A_455 = tpu.memref_slice %arg5[%add3A_453, %dma_wait3A_454] : memref<40x64xi32, #tpu.memory_space<vmem>> -> memref<1x64xi32, #tpu.memory_space<vmem>>
      %dma_wait3A_456 = tpu.memref_squeeze %dma_wait3A_455 : memref<1x64xi32, #tpu.memory_space<vmem>> -> memref<64xi32, #tpu.memory_space<vmem>>
      %dma_wait3A_457 = arith.constant 0 : i32
      %dma_wait3A_458 = arith.constant 0 : i32
      %dma_wait3A_459 = tpu.memref_slice %arg2[%dma_wait3A_457, %dma_wait3A_458] : memref<10000x128xf32, #tpu.memory_space<hbm>> -> memref<10000x128xf32, #tpu.memory_space<hbm>>
      tpu.wait_indirect_dma semaphore(%arg16 : memref<!tpu.dma_semaphore, #tpu.memory_space<semaphore_mem>>) src(%dma_wait3A_459 : memref<10000x128xf32, #tpu.memory_space<hbm>>) dst(%arg10 : memref<64x128xf32, #tpu.memory_space<vmem>>)
      %dma_start3A_460 = arith.constant 0 : i32
      %dma_start3A_461 = tpu.memref_slice %arg6[%add3A_453, %dma_start3A_460] : memref<40x64xi32, #tpu.memory_space<vmem>> -> memref<1x64xi32, #tpu.memory_space<vmem>>
      %dma_start3A_462 = tpu.memref_squeeze %dma_start3A_461 : memref<1x64xi32, #tpu.memory_space<vmem>> -> memref<64xi32, #tpu.memory_space<vmem>>
      %dma_start3A_463 = arith.constant 0 : i32
      %dma_start3A_464 = arith.constant 0 : i32
      %dma_start3A_465 = tpu.memref_slice %arg11[%dma_start3A_463, %dma_start3A_464] : memref<10240x128xf32, #tpu.memory_space<vmem_shared>> -> memref<10240x128xf32, #tpu.memory_space<vmem_shared>>
      tpu.enqueue_indirect_dma source(%arg10 : memref<64x128xf32, #tpu.memory_space<vmem>>) target(%dma_start3A_465 : memref<10240x128xf32, #tpu.memory_space<vmem_shared>>) offsets(%dma_start3A_462 : memref<64xi32, #tpu.memory_space<vmem>>) semaphore(%arg20 : memref<!tpu.dma_semaphore, #tpu.memory_space<semaphore_mem>>) {add = true}
      %add3A_466 = arith.constant 4 : i32
      %add3A_467 = arith.addi %add3A_453, %add3A_466 : i32
      %sub3A_468 = arith.constant 1 : i32
      %sub3A_469 = arith.subi %add3A_467, %sub3A_468 : i32
      %lt3A_470 = arith.constant 40 : i32
      %lt3A_471 = arith.cmpi slt, %sub3A_469, %lt3A_470 : i32
      %convert_element_type3A_472 = arith.extui %lt3A_471 : i1 to i32
      %cond3A_473 = arith.constant 0 : i32
      %cond3A_474 = arith.cmpi ne, %convert_element_type3A_472, %cond3A_473 : i32
      scf.if %cond3A_474 {
        %sub3A_475 = arith.constant 1 : i32
        %sub3A_476 = arith.subi %add3A_453, %sub3A_475 : i32
        %ge3A = arith.constant 0 : i32
        %ge3A_477 = arith.cmpi sge, %sub3A_476, %ge3A : i32
        %convert_element_type3A_478 = arith.extui %ge3A_477 : i1 to i32
        %cond3A_479 = arith.constant 0 : i32
        %cond3A_480 = arith.cmpi ne, %convert_element_type3A_478, %cond3A_479 : i32
        scf.if %cond3A_480 {
          %sub3A_491 = arith.constant 1 : i32
          %sub3A_492 = arith.subi %add3A_453, %sub3A_491 : i32
          %dma_wait3A_493 = arith.constant 0 : i32
          %dma_wait3A_494 = tpu.memref_slice %arg6[%sub3A_492, %dma_wait3A_493] : memref<40x64xi32, #tpu.memory_space<vmem>> -> memref<1x64xi32, #tpu.memory_space<vmem>>
          %dma_wait3A_495 = tpu.memref_squeeze %dma_wait3A_494 : memref<1x64xi32, #tpu.memory_space<vmem>> -> memref<64xi32, #tpu.memory_space<vmem>>
          %dma_wait3A_496 = arith.constant 0 : i32
          %dma_wait3A_497 = arith.constant 0 : i32
          %dma_wait3A_498 = tpu.memref_slice %arg11[%dma_wait3A_496, %dma_wait3A_497] : memref<10240x128xf32, #tpu.memory_space<vmem_shared>> -> memref<10240x128xf32, #tpu.memory_space<vmem_shared>>
          tpu.wait_indirect_dma semaphore(%arg19 : memref<!tpu.dma_semaphore, #tpu.memory_space<semaphore_mem>>) src(%arg9 : memref<64x128xf32, #tpu.memory_space<vmem>>) dst(%dma_wait3A_498 : memref<10240x128xf32, #tpu.memory_space<vmem_shared>>)
        } else {
        }
        %add3A_481 = arith.constant 4 : i32
        %add3A_482 = arith.addi %add3A_453, %add3A_481 : i32
        %sub3A_483 = arith.constant 1 : i32
        %sub3A_484 = arith.subi %add3A_482, %sub3A_483 : i32
        %dma_start3A_485 = arith.constant 0 : i32
        %dma_start3A_486 = tpu.memref_slice %arg5[%sub3A_484, %dma_start3A_485] : memref<40x64xi32, #tpu.memory_space<vmem>> -> memref<1x64xi32, #tpu.memory_space<vmem>>
        %dma_start3A_487 = tpu.memref_squeeze %dma_start3A_486 : memref<1x64xi32, #tpu.memory_space<vmem>> -> memref<64xi32, #tpu.memory_space<vmem>>
        %dma_start3A_488 = arith.constant 0 : i32
        %dma_start3A_489 = arith.constant 0 : i32
        %dma_start3A_490 = tpu.memref_slice %arg2[%dma_start3A_488, %dma_start3A_489] : memref<10000x128xf32, #tpu.memory_space<hbm>> -> memref<10000x128xf32, #tpu.memory_space<hbm>>
        tpu.enqueue_indirect_dma source(%dma_start3A_490 : memref<10000x128xf32, #tpu.memory_space<hbm>>) target(%arg9 : memref<64x128xf32, #tpu.memory_space<vmem>>) offsets(%dma_start3A_487 : memref<64xi32, #tpu.memory_space<vmem>>) semaphore(%arg15 : memref<!tpu.dma_semaphore, #tpu.memory_space<semaphore_mem>>)
      } else {
      }
    }
    %scan3A_71 = arith.constant 10 : i32
    %dma_wait3A_72 = arith.constant 36 : i32
    %dma_wait3A_73 = arith.constant 0 : i32
    %dma_wait3A_74 = tpu.memref_slice %arg6[%dma_wait3A_72, %dma_wait3A_73] : memref<40x64xi32, #tpu.memory_space<vmem>> -> memref<1x64xi32, #tpu.memory_space<vmem>>
    %dma_wait3A_75 = tpu.memref_squeeze %dma_wait3A_74 : memref<1x64xi32, #tpu.memory_space<vmem>> -> memref<64xi32, #tpu.memory_space<vmem>>
    %dma_wait3A_76 = arith.constant 0 : i32
    %dma_wait3A_77 = arith.constant 0 : i32
    %dma_wait3A_78 = tpu.memref_slice %arg11[%dma_wait3A_76, %dma_wait3A_77] : memref<10240x128xf32, #tpu.memory_space<vmem_shared>> -> memref<10240x128xf32, #tpu.memory_space<vmem_shared>>
    tpu.wait_indirect_dma semaphore(%arg17 : memref<!tpu.dma_semaphore, #tpu.memory_space<semaphore_mem>>) src(%arg7 : memref<64x128xf32, #tpu.memory_space<vmem>>) dst(%dma_wait3A_78 : memref<10240x128xf32, #tpu.memory_space<vmem_shared>>)
    %dma_wait3A_79 = arith.constant 37 : i32
    %dma_wait3A_80 = arith.constant 0 : i32
    %dma_wait3A_81 = tpu.memref_slice %arg6[%dma_wait3A_79, %dma_wait3A_80] : memref<40x64xi32, #tpu.memory_space<vmem>> -> memref<1x64xi32, #tpu.memory_space<vmem>>
    %dma_wait3A_82 = tpu.memref_squeeze %dma_wait3A_81 : memref<1x64xi32, #tpu.memory_space<vmem>> -> memref<64xi32, #tpu.memory_space<vmem>>
    %dma_wait3A_83 = arith.constant 0 : i32
    %dma_wait3A_84 = arith.constant 0 : i32
    %dma_wait3A_85 = tpu.memref_slice %arg11[%dma_wait3A_83, %dma_wait3A_84] : memref<10240x128xf32, #tpu.memory_space<vmem_shared>> -> memref<10240x128xf32, #tpu.memory_space<vmem_shared>>
    tpu.wait_indirect_dma semaphore(%arg18 : memref<!tpu.dma_semaphore, #tpu.memory_space<semaphore_mem>>) src(%arg8 : memref<64x128xf32, #tpu.memory_space<vmem>>) dst(%dma_wait3A_85 : memref<10240x128xf32, #tpu.memory_space<vmem_shared>>)
    %dma_wait3A_86 = arith.constant 38 : i32
    %dma_wait3A_87 = arith.constant 0 : i32
    %dma_wait3A_88 = tpu.memref_slice %arg6[%dma_wait3A_86, %dma_wait3A_87] : memref<40x64xi32, #tpu.memory_space<vmem>> -> memref<1x64xi32, #tpu.memory_space<vmem>>
    %dma_wait3A_89 = tpu.memref_squeeze %dma_wait3A_88 : memref<1x64xi32, #tpu.memory_space<vmem>> -> memref<64xi32, #tpu.memory_space<vmem>>
    %dma_wait3A_90 = arith.constant 0 : i32
    %dma_wait3A_91 = arith.constant 0 : i32
    %dma_wait3A_92 = tpu.memref_slice %arg11[%dma_wait3A_90, %dma_wait3A_91] : memref<10240x128xf32, #tpu.memory_space<vmem_shared>> -> memref<10240x128xf32, #tpu.memory_space<vmem_shared>>
    tpu.wait_indirect_dma semaphore(%arg19 : memref<!tpu.dma_semaphore, #tpu.memory_space<semaphore_mem>>) src(%arg9 : memref<64x128xf32, #tpu.memory_space<vmem>>) dst(%dma_wait3A_92 : memref<10240x128xf32, #tpu.memory_space<vmem_shared>>)
    %dma_wait3A_93 = arith.constant 39 : i32
    %dma_wait3A_94 = arith.constant 0 : i32
    %dma_wait3A_95 = tpu.memref_slice %arg6[%dma_wait3A_93, %dma_wait3A_94] : memref<40x64xi32, #tpu.memory_space<vmem>> -> memref<1x64xi32, #tpu.memory_space<vmem>>
    %dma_wait3A_96 = tpu.memref_squeeze %dma_wait3A_95 : memref<1x64xi32, #tpu.memory_space<vmem>> -> memref<64xi32, #tpu.memory_space<vmem>>
    %dma_wait3A_97 = arith.constant 0 : i32
    %dma_wait3A_98 = arith.constant 0 : i32
    %dma_wait3A_99 = tpu.memref_slice %arg11[%dma_wait3A_97, %dma_wait3A_98] : memref<10240x128xf32, #tpu.memory_space<vmem_shared>> -> memref<10240x128xf32, #tpu.memory_space<vmem_shared>>
    tpu.wait_indirect_dma semaphore(%arg20 : memref<!tpu.dma_semaphore, #tpu.memory_space<semaphore_mem>>) src(%arg10 : memref<64x128xf32, #tpu.memory_space<vmem>>) dst(%dma_wait3A_99 : memref<10240x128xf32, #tpu.memory_space<vmem_shared>>)
    %dma_start3A_100 = arith.constant 0 : i32
    %dma_start3A_101 = arith.constant 40 : i32
    %dma_start3A_102 = arith.constant 0 : i32
    %dma_start3A_103 = tpu.memref_slice %arg3[%dma_start3A_100, %add3A, %dma_start3A_101, %dma_start3A_102] : memref<2x32x160x64xi32, #tpu.memory_space<hbm>> -> memref<1x1x40x64xi32, #tpu.memory_space<hbm>>
    %dma_start3A_104 = tpu.memref_squeeze %dma_start3A_103 : memref<1x1x40x64xi32, #tpu.memory_space<hbm>> -> memref<40x64xi32, #tpu.memory_space<hbm>>
    %dma_start3A_105 = arith.constant 40 : i32
    %dma_start3A_106 = arith.constant 0 : i32
    %dma_start3A_107 = tpu.memref_slice %arg3[%dma_start3A_100, %add3A, %dma_start3A_105, %dma_start3A_106] : memref<2x32x160x64xi32, #tpu.memory_space<hbm>> -> memref<1x1x40x64xi32, #tpu.memory_space<hbm>>
    %dma_start3A_108 = tpu.memref_squeeze %dma_start3A_107 : memref<1x1x40x64xi32, #tpu.memory_space<hbm>> -> memref<40x64xi32, #tpu.memory_space<hbm>>
    tpu.enqueue_dma source(%dma_start3A_108 : memref<40x64xi32, #tpu.memory_space<hbm>>) target(%arg5 : memref<40x64xi32, #tpu.memory_space<vmem>>) target_semaphore(%arg12 : memref<!tpu.dma_semaphore, #tpu.memory_space<semaphore_mem>>)
    %dma_start3A_109 = arith.constant 1 : i32
    %dma_start3A_110 = arith.constant 40 : i32
    %dma_start3A_111 = arith.constant 0 : i32
    %dma_start3A_112 = tpu.memref_slice %arg3[%dma_start3A_109, %add3A, %dma_start3A_110, %dma_start3A_111] : memref<2x32x160x64xi32, #tpu.memory_space<hbm>> -> memref<1x1x40x64xi32, #tpu.memory_space<hbm>>
    %dma_start3A_113 = tpu.memref_squeeze %dma_start3A_112 : memref<1x1x40x64xi32, #tpu.memory_space<hbm>> -> memref<40x64xi32, #tpu.memory_space<hbm>>
    %dma_start3A_114 = arith.constant 40 : i32
    %dma_start3A_115 = arith.constant 0 : i32
    %dma_start3A_116 = tpu.memref_slice %arg3[%dma_start3A_109, %add3A, %dma_start3A_114, %dma_start3A_115] : memref<2x32x160x64xi32, #tpu.memory_space<hbm>> -> memref<1x1x40x64xi32, #tpu.memory_space<hbm>>
    %dma_start3A_117 = tpu.memref_squeeze %dma_start3A_116 : memref<1x1x40x64xi32, #tpu.memory_space<hbm>> -> memref<40x64xi32, #tpu.memory_space<hbm>>
    tpu.enqueue_dma source(%dma_start3A_117 : memref<40x64xi32, #tpu.memory_space<hbm>>) target(%arg6 : memref<40x64xi32, #tpu.memory_space<vmem>>) target_semaphore(%arg12 : memref<!tpu.dma_semaphore, #tpu.memory_space<semaphore_mem>>)
    %dma_wait3A_118 = arith.constant 0 : i32
    %dma_wait3A_119 = arith.constant 40 : i32
    %dma_wait3A_120 = arith.constant 0 : i32
    %dma_wait3A_121 = tpu.memref_slice %arg3[%dma_wait3A_118, %add3A, %dma_wait3A_119, %dma_wait3A_120] : memref<2x32x160x64xi32, #tpu.memory_space<hbm>> -> memref<1x1x40x64xi32, #tpu.memory_space<hbm>>
    %dma_wait3A_122 = tpu.memref_squeeze %dma_wait3A_121 : memref<1x1x40x64xi32, #tpu.memory_space<hbm>> -> memref<40x64xi32, #tpu.memory_space<hbm>>
    %dma_wait3A_123 = arith.constant 40 : i32
    %dma_wait3A_124 = arith.constant 0 : i32
    %dma_wait3A_125 = tpu.memref_slice %arg3[%dma_wait3A_118, %add3A, %dma_wait3A_123, %dma_wait3A_124] : memref<2x32x160x64xi32, #tpu.memory_space<hbm>> -> memref<1x1x40x64xi32, #tpu.memory_space<hbm>>
    %dma_wait3A_126 = tpu.memref_squeeze %dma_wait3A_125 : memref<1x1x40x64xi32, #tpu.memory_space<hbm>> -> memref<40x64xi32, #tpu.memory_space<hbm>>
    tpu.wait_dma2 semaphore(%arg12 : memref<!tpu.dma_semaphore, #tpu.memory_space<semaphore_mem>>) src(%dma_wait3A_126 : memref<40x64xi32, #tpu.memory_space<hbm>>) dst(%arg5 : memref<40x64xi32, #tpu.memory_space<vmem>>)
    %dma_wait3A_127 = arith.constant 1 : i32
    %dma_wait3A_128 = arith.constant 40 : i32
    %dma_wait3A_129 = arith.constant 0 : i32
    %dma_wait3A_130 = tpu.memref_slice %arg3[%dma_wait3A_127, %add3A, %dma_wait3A_128, %dma_wait3A_129] : memref<2x32x160x64xi32, #tpu.memory_space<hbm>> -> memref<1x1x40x64xi32, #tpu.memory_space<hbm>>
    %dma_wait3A_131 = tpu.memref_squeeze %dma_wait3A_130 : memref<1x1x40x64xi32, #tpu.memory_space<hbm>> -> memref<40x64xi32, #tpu.memory_space<hbm>>
    %dma_wait3A_132 = arith.constant 40 : i32
    %dma_wait3A_133 = arith.constant 0 : i32
    %dma_wait3A_134 = tpu.memref_slice %arg3[%dma_wait3A_127, %add3A, %dma_wait3A_132, %dma_wait3A_133] : memref<2x32x160x64xi32, #tpu.memory_space<hbm>> -> memref<1x1x40x64xi32, #tpu.memory_space<hbm>>
    %dma_wait3A_135 = tpu.memref_squeeze %dma_wait3A_134 : memref<1x1x40x64xi32, #tpu.memory_space<hbm>> -> memref<40x64xi32, #tpu.memory_space<hbm>>
    tpu.wait_dma2 semaphore(%arg12 : memref<!tpu.dma_semaphore, #tpu.memory_space<semaphore_mem>>) src(%dma_wait3A_135 : memref<40x64xi32, #tpu.memory_space<hbm>>) dst(%arg6 : memref<40x64xi32, #tpu.memory_space<vmem>>)
    %dma_start3A_136 = arith.constant 0 : i32
    %dma_start3A_137 = arith.constant 0 : i32
    %dma_start3A_138 = tpu.memref_slice %arg5[%dma_start3A_136, %dma_start3A_137] : memref<40x64xi32, #tpu.memory_space<vmem>> -> memref<1x64xi32, #tpu.memory_space<vmem>>
    %dma_start3A_139 = tpu.memref_squeeze %dma_start3A_138 : memref<1x64xi32, #tpu.memory_space<vmem>> -> memref<64xi32, #tpu.memory_space<vmem>>
    %dma_start3A_140 = arith.constant 0 : i32
    %dma_start3A_141 = arith.constant 0 : i32
    %dma_start3A_142 = tpu.memref_slice %arg2[%dma_start3A_140, %dma_start3A_141] : memref<10000x128xf32, #tpu.memory_space<hbm>> -> memref<10000x128xf32, #tpu.memory_space<hbm>>
    tpu.enqueue_indirect_dma source(%dma_start3A_142 : memref<10000x128xf32, #tpu.memory_space<hbm>>) target(%arg7 : memref<64x128xf32, #tpu.memory_space<vmem>>) offsets(%dma_start3A_139 : memref<64xi32, #tpu.memory_space<vmem>>) semaphore(%arg13 : memref<!tpu.dma_semaphore, #tpu.memory_space<semaphore_mem>>)
    %dma_start3A_143 = arith.constant 1 : i32
    %dma_start3A_144 = arith.constant 0 : i32
    %dma_start3A_145 = tpu.memref_slice %arg5[%dma_start3A_143, %dma_start3A_144] : memref<40x64xi32, #tpu.memory_space<vmem>> -> memref<1x64xi32, #tpu.memory_space<vmem>>
    %dma_start3A_146 = tpu.memref_squeeze %dma_start3A_145 : memref<1x64xi32, #tpu.memory_space<vmem>> -> memref<64xi32, #tpu.memory_space<vmem>>
    %dma_start3A_147 = arith.constant 0 : i32
    %dma_start3A_148 = arith.constant 0 : i32
    %dma_start3A_149 = tpu.memref_slice %arg2[%dma_start3A_147, %dma_start3A_148] : memref<10000x128xf32, #tpu.memory_space<hbm>> -> memref<10000x128xf32, #tpu.memory_space<hbm>>
    tpu.enqueue_indirect_dma source(%dma_start3A_149 : memref<10000x128xf32, #tpu.memory_space<hbm>>) target(%arg8 : memref<64x128xf32, #tpu.memory_space<vmem>>) offsets(%dma_start3A_146 : memref<64xi32, #tpu.memory_space<vmem>>) semaphore(%arg14 : memref<!tpu.dma_semaphore, #tpu.memory_space<semaphore_mem>>)
    %dma_start3A_150 = arith.constant 2 : i32
    %dma_start3A_151 = arith.constant 0 : i32
    %dma_start3A_152 = tpu.memref_slice %arg5[%dma_start3A_150, %dma_start3A_151] : memref<40x64xi32, #tpu.memory_space<vmem>> -> memref<1x64xi32, #tpu.memory_space<vmem>>
    %dma_start3A_153 = tpu.memref_squeeze %dma_start3A_152 : memref<1x64xi32, #tpu.memory_space<vmem>> -> memref<64xi32, #tpu.memory_space<vmem>>
    %dma_start3A_154 = arith.constant 0 : i32
    %dma_start3A_155 = arith.constant 0 : i32
    %dma_start3A_156 = tpu.memref_slice %arg2[%dma_start3A_154, %dma_start3A_155] : memref<10000x128xf32, #tpu.memory_space<hbm>> -> memref<10000x128xf32, #tpu.memory_space<hbm>>
    tpu.enqueue_indirect_dma source(%dma_start3A_156 : memref<10000x128xf32, #tpu.memory_space<hbm>>) target(%arg9 : memref<64x128xf32, #tpu.memory_space<vmem>>) offsets(%dma_start3A_153 : memref<64xi32, #tpu.memory_space<vmem>>) semaphore(%arg15 : memref<!tpu.dma_semaphore, #tpu.memory_space<semaphore_mem>>)
    %scan3A_157 = arith.constant 0 : i32
    %scan3A_158 = arith.constant 10 : i32
    %scan3A_159 = arith.addi %scan3A_157, %scan3A_158 : i32
    %scan3A_160 = arith.constant 1 : i32
    scf.for %scan3A_379 = %scan3A_157 to %scan3A_159 step %scan3A_160  : i32 {
      %mul3A_380 = arith.constant 4 : i32
      %mul3A_381 = arith.muli %scan3A_379, %mul3A_380 : i32
      %add3A_382 = arith.constant 0 : i32
      %add3A_383 = arith.addi %add3A_382, %mul3A_381 : i32
      %add3A_384 = arith.constant 0 : i32
      %add3A_385 = arith.addi %add3A_383, %add3A_384 : i32
      %dma_wait3A_386 = arith.constant 0 : i32
      %dma_wait3A_387 = tpu.memref_slice %arg5[%add3A_385, %dma_wait3A_386] : memref<40x64xi32, #tpu.memory_space<vmem>> -> memref<1x64xi32, #tpu.memory_space<vmem>>
      %dma_wait3A_388 = tpu.memref_squeeze %dma_wait3A_387 : memref<1x64xi32, #tpu.memory_space<vmem>> -> memref<64xi32, #tpu.memory_space<vmem>>
      %dma_wait3A_389 = arith.constant 0 : i32
      %dma_wait3A_390 = arith.constant 0 : i32
      %dma_wait3A_391 = tpu.memref_slice %arg2[%dma_wait3A_389, %dma_wait3A_390] : memref<10000x128xf32, #tpu.memory_space<hbm>> -> memref<10000x128xf32, #tpu.memory_space<hbm>>
      tpu.wait_indirect_dma semaphore(%arg13 : memref<!tpu.dma_semaphore, #tpu.memory_space<semaphore_mem>>) src(%dma_wait3A_391 : memref<10000x128xf32, #tpu.memory_space<hbm>>) dst(%arg7 : memref<64x128xf32, #tpu.memory_space<vmem>>)
      %dma_start3A_392 = arith.constant 0 : i32
      %dma_start3A_393 = tpu.memref_slice %arg6[%add3A_385, %dma_start3A_392] : memref<40x64xi32, #tpu.memory_space<vmem>> -> memref<1x64xi32, #tpu.memory_space<vmem>>
      %dma_start3A_394 = tpu.memref_squeeze %dma_start3A_393 : memref<1x64xi32, #tpu.memory_space<vmem>> -> memref<64xi32, #tpu.memory_space<vmem>>
      %dma_start3A_395 = arith.constant 0 : i32
      %dma_start3A_396 = arith.constant 0 : i32
      %dma_start3A_397 = tpu.memref_slice %arg11[%dma_start3A_395, %dma_start3A_396] : memref<10240x128xf32, #tpu.memory_space<vmem_shared>> -> memref<10240x128xf32, #tpu.memory_space<vmem_shared>>
      tpu.enqueue_indirect_dma source(%arg7 : memref<64x128xf32, #tpu.memory_space<vmem>>) target(%dma_start3A_397 : memref<10240x128xf32, #tpu.memory_space<vmem_shared>>) offsets(%dma_start3A_394 : memref<64xi32, #tpu.memory_space<vmem>>) semaphore(%arg17 : memref<!tpu.dma_semaphore, #tpu.memory_space<semaphore_mem>>) {add = true}
      %add3A_398 = arith.constant 4 : i32
      %add3A_399 = arith.addi %add3A_385, %add3A_398 : i32
      %sub3A = arith.constant 1 : i32
      %sub3A_400 = arith.subi %add3A_399, %sub3A : i32
      %lt3A_401 = arith.constant 40 : i32
      %lt3A_402 = arith.cmpi slt, %sub3A_400, %lt3A_401 : i32
      %convert_element_type3A_403 = arith.extui %lt3A_402 : i1 to i32
      %cond3A_404 = arith.constant 0 : i32
      %cond3A_405 = arith.cmpi ne, %convert_element_type3A_403, %cond3A_404 : i32
      scf.if %cond3A_405 {
        %sub3A_475 = arith.constant 1 : i32
        %sub3A_476 = arith.subi %add3A_385, %sub3A_475 : i32
        %ge3A = arith.constant 0 : i32
        %ge3A_477 = arith.cmpi sge, %sub3A_476, %ge3A : i32
        %convert_element_type3A_478 = arith.extui %ge3A_477 : i1 to i32
        %cond3A_479 = arith.constant 0 : i32
        %cond3A_480 = arith.cmpi ne, %convert_element_type3A_478, %cond3A_479 : i32
        scf.if %cond3A_480 {
          %sub3A_491 = arith.constant 1 : i32
          %sub3A_492 = arith.subi %add3A_385, %sub3A_491 : i32
          %dma_wait3A_493 = arith.constant 0 : i32
          %dma_wait3A_494 = tpu.memref_slice %arg6[%sub3A_492, %dma_wait3A_493] : memref<40x64xi32, #tpu.memory_space<vmem>> -> memref<1x64xi32, #tpu.memory_space<vmem>>
          %dma_wait3A_495 = tpu.memref_squeeze %dma_wait3A_494 : memref<1x64xi32, #tpu.memory_space<vmem>> -> memref<64xi32, #tpu.memory_space<vmem>>
          %dma_wait3A_496 = arith.constant 0 : i32
          %dma_wait3A_497 = arith.constant 0 : i32
          %dma_wait3A_498 = tpu.memref_slice %arg11[%dma_wait3A_496, %dma_wait3A_497] : memref<10240x128xf32, #tpu.memory_space<vmem_shared>> -> memref<10240x128xf32, #tpu.memory_space<vmem_shared>>
          tpu.wait_indirect_dma semaphore(%arg20 : memref<!tpu.dma_semaphore, #tpu.memory_space<semaphore_mem>>) src(%arg10 : memref<64x128xf32, #tpu.memory_space<vmem>>) dst(%dma_wait3A_498 : memref<10240x128xf32, #tpu.memory_space<vmem_shared>>)
        } else {
        }
        %add3A_481 = arith.constant 4 : i32
        %add3A_482 = arith.addi %add3A_385, %add3A_481 : i32
        %sub3A_483 = arith.constant 1 : i32
        %sub3A_484 = arith.subi %add3A_482, %sub3A_483 : i32
        %dma_start3A_485 = arith.constant 0 : i32
        %dma_start3A_486 = tpu.memref_slice %arg5[%sub3A_484, %dma_start3A_485] : memref<40x64xi32, #tpu.memory_space<vmem>> -> memref<1x64xi32, #tpu.memory_space<vmem>>
        %dma_start3A_487 = tpu.memref_squeeze %dma_start3A_486 : memref<1x64xi32, #tpu.memory_space<vmem>> -> memref<64xi32, #tpu.memory_space<vmem>>
        %dma_start3A_488 = arith.constant 0 : i32
        %dma_start3A_489 = arith.constant 0 : i32
        %dma_start3A_490 = tpu.memref_slice %arg2[%dma_start3A_488, %dma_start3A_489] : memref<10000x128xf32, #tpu.memory_space<hbm>> -> memref<10000x128xf32, #tpu.memory_space<hbm>>
        tpu.enqueue_indirect_dma source(%dma_start3A_490 : memref<10000x128xf32, #tpu.memory_space<hbm>>) target(%arg10 : memref<64x128xf32, #tpu.memory_space<vmem>>) offsets(%dma_start3A_487 : memref<64xi32, #tpu.memory_space<vmem>>) semaphore(%arg16 : memref<!tpu.dma_semaphore, #tpu.memory_space<semaphore_mem>>)
      } else {
      }
      %add3A_406 = arith.constant 1 : i32
      %add3A_407 = arith.addi %add3A_383, %add3A_406 : i32
      %dma_wait3A_408 = arith.constant 0 : i32
      %dma_wait3A_409 = tpu.memref_slice %arg5[%add3A_407, %dma_wait3A_408] : memref<40x64xi32, #tpu.memory_space<vmem>> -> memref<1x64xi32, #tpu.memory_space<vmem>>
      %dma_wait3A_410 = tpu.memref_squeeze %dma_wait3A_409 : memref<1x64xi32, #tpu.memory_space<vmem>> -> memref<64xi32, #tpu.memory_space<vmem>>
      %dma_wait3A_411 = arith.constant 0 : i32
      %dma_wait3A_412 = arith.constant 0 : i32
      %dma_wait3A_413 = tpu.memref_slice %arg2[%dma_wait3A_411, %dma_wait3A_412] : memref<10000x128xf32, #tpu.memory_space<hbm>> -> memref<10000x128xf32, #tpu.memory_space<hbm>>
      tpu.wait_indirect_dma semaphore(%arg14 : memref<!tpu.dma_semaphore, #tpu.memory_space<semaphore_mem>>) src(%dma_wait3A_413 : memref<10000x128xf32, #tpu.memory_space<hbm>>) dst(%arg8 : memref<64x128xf32, #tpu.memory_space<vmem>>)
      %dma_start3A_414 = arith.constant 0 : i32
      %dma_start3A_415 = tpu.memref_slice %arg6[%add3A_407, %dma_start3A_414] : memref<40x64xi32, #tpu.memory_space<vmem>> -> memref<1x64xi32, #tpu.memory_space<vmem>>
      %dma_start3A_416 = tpu.memref_squeeze %dma_start3A_415 : memref<1x64xi32, #tpu.memory_space<vmem>> -> memref<64xi32, #tpu.memory_space<vmem>>
      %dma_start3A_417 = arith.constant 0 : i32
      %dma_start3A_418 = arith.constant 0 : i32
      %dma_start3A_419 = tpu.memref_slice %arg11[%dma_start3A_417, %dma_start3A_418] : memref<10240x128xf32, #tpu.memory_space<vmem_shared>> -> memref<10240x128xf32, #tpu.memory_space<vmem_shared>>
      tpu.enqueue_indirect_dma source(%arg8 : memref<64x128xf32, #tpu.memory_space<vmem>>) target(%dma_start3A_419 : memref<10240x128xf32, #tpu.memory_space<vmem_shared>>) offsets(%dma_start3A_416 : memref<64xi32, #tpu.memory_space<vmem>>) semaphore(%arg18 : memref<!tpu.dma_semaphore, #tpu.memory_space<semaphore_mem>>) {add = true}
      %add3A_420 = arith.constant 4 : i32
      %add3A_421 = arith.addi %add3A_407, %add3A_420 : i32
      %sub3A_422 = arith.constant 1 : i32
      %sub3A_423 = arith.subi %add3A_421, %sub3A_422 : i32
      %lt3A_424 = arith.constant 40 : i32
      %lt3A_425 = arith.cmpi slt, %sub3A_423, %lt3A_424 : i32
      %convert_element_type3A_426 = arith.extui %lt3A_425 : i1 to i32
      %cond3A_427 = arith.constant 0 : i32
      %cond3A_428 = arith.cmpi ne, %convert_element_type3A_426, %cond3A_427 : i32
      scf.if %cond3A_428 {
        %sub3A_475 = arith.constant 1 : i32
        %sub3A_476 = arith.subi %add3A_407, %sub3A_475 : i32
        %ge3A = arith.constant 0 : i32
        %ge3A_477 = arith.cmpi sge, %sub3A_476, %ge3A : i32
        %convert_element_type3A_478 = arith.extui %ge3A_477 : i1 to i32
        %cond3A_479 = arith.constant 0 : i32
        %cond3A_480 = arith.cmpi ne, %convert_element_type3A_478, %cond3A_479 : i32
        scf.if %cond3A_480 {
          %sub3A_491 = arith.constant 1 : i32
          %sub3A_492 = arith.subi %add3A_407, %sub3A_491 : i32
          %dma_wait3A_493 = arith.constant 0 : i32
          %dma_wait3A_494 = tpu.memref_slice %arg6[%sub3A_492, %dma_wait3A_493] : memref<40x64xi32, #tpu.memory_space<vmem>> -> memref<1x64xi32, #tpu.memory_space<vmem>>
          %dma_wait3A_495 = tpu.memref_squeeze %dma_wait3A_494 : memref<1x64xi32, #tpu.memory_space<vmem>> -> memref<64xi32, #tpu.memory_space<vmem>>
          %dma_wait3A_496 = arith.constant 0 : i32
          %dma_wait3A_497 = arith.constant 0 : i32
          %dma_wait3A_498 = tpu.memref_slice %arg11[%dma_wait3A_496, %dma_wait3A_497] : memref<10240x128xf32, #tpu.memory_space<vmem_shared>> -> memref<10240x128xf32, #tpu.memory_space<vmem_shared>>
          tpu.wait_indirect_dma semaphore(%arg17 : memref<!tpu.dma_semaphore, #tpu.memory_space<semaphore_mem>>) src(%arg7 : memref<64x128xf32, #tpu.memory_space<vmem>>) dst(%dma_wait3A_498 : memref<10240x128xf32, #tpu.memory_space<vmem_shared>>)
        } else {
        }
        %add3A_481 = arith.constant 4 : i32
        %add3A_482 = arith.addi %add3A_407, %add3A_481 : i32
        %sub3A_483 = arith.constant 1 : i32
        %sub3A_484 = arith.subi %add3A_482, %sub3A_483 : i32
        %dma_start3A_485 = arith.constant 0 : i32
        %dma_start3A_486 = tpu.memref_slice %arg5[%sub3A_484, %dma_start3A_485] : memref<40x64xi32, #tpu.memory_space<vmem>> -> memref<1x64xi32, #tpu.memory_space<vmem>>
        %dma_start3A_487 = tpu.memref_squeeze %dma_start3A_486 : memref<1x64xi32, #tpu.memory_space<vmem>> -> memref<64xi32, #tpu.memory_space<vmem>>
        %dma_start3A_488 = arith.constant 0 : i32
        %dma_start3A_489 = arith.constant 0 : i32
        %dma_start3A_490 = tpu.memref_slice %arg2[%dma_start3A_488, %dma_start3A_489] : memref<10000x128xf32, #tpu.memory_space<hbm>> -> memref<10000x128xf32, #tpu.memory_space<hbm>>
        tpu.enqueue_indirect_dma source(%dma_start3A_490 : memref<10000x128xf32, #tpu.memory_space<hbm>>) target(%arg7 : memref<64x128xf32, #tpu.memory_space<vmem>>) offsets(%dma_start3A_487 : memref<64xi32, #tpu.memory_space<vmem>>) semaphore(%arg13 : memref<!tpu.dma_semaphore, #tpu.memory_space<semaphore_mem>>)
      } else {
      }
      %add3A_429 = arith.constant 2 : i32
      %add3A_430 = arith.addi %add3A_383, %add3A_429 : i32
      %dma_wait3A_431 = arith.constant 0 : i32
      %dma_wait3A_432 = tpu.memref_slice %arg5[%add3A_430, %dma_wait3A_431] : memref<40x64xi32, #tpu.memory_space<vmem>> -> memref<1x64xi32, #tpu.memory_space<vmem>>
      %dma_wait3A_433 = tpu.memref_squeeze %dma_wait3A_432 : memref<1x64xi32, #tpu.memory_space<vmem>> -> memref<64xi32, #tpu.memory_space<vmem>>
      %dma_wait3A_434 = arith.constant 0 : i32
      %dma_wait3A_435 = arith.constant 0 : i32
      %dma_wait3A_436 = tpu.memref_slice %arg2[%dma_wait3A_434, %dma_wait3A_435] : memref<10000x128xf32, #tpu.memory_space<hbm>> -> memref<10000x128xf32, #tpu.memory_space<hbm>>
      tpu.wait_indirect_dma semaphore(%arg15 : memref<!tpu.dma_semaphore, #tpu.memory_space<semaphore_mem>>) src(%dma_wait3A_436 : memref<10000x128xf32, #tpu.memory_space<hbm>>) dst(%arg9 : memref<64x128xf32, #tpu.memory_space<vmem>>)
      %dma_start3A_437 = arith.constant 0 : i32
      %dma_start3A_438 = tpu.memref_slice %arg6[%add3A_430, %dma_start3A_437] : memref<40x64xi32, #tpu.memory_space<vmem>> -> memref<1x64xi32, #tpu.memory_space<vmem>>
      %dma_start3A_439 = tpu.memref_squeeze %dma_start3A_438 : memref<1x64xi32, #tpu.memory_space<vmem>> -> memref<64xi32, #tpu.memory_space<vmem>>
      %dma_start3A_440 = arith.constant 0 : i32
      %dma_start3A_441 = arith.constant 0 : i32
      %dma_start3A_442 = tpu.memref_slice %arg11[%dma_start3A_440, %dma_start3A_441] : memref<10240x128xf32, #tpu.memory_space<vmem_shared>> -> memref<10240x128xf32, #tpu.memory_space<vmem_shared>>
      tpu.enqueue_indirect_dma source(%arg9 : memref<64x128xf32, #tpu.memory_space<vmem>>) target(%dma_start3A_442 : memref<10240x128xf32, #tpu.memory_space<vmem_shared>>) offsets(%dma_start3A_439 : memref<64xi32, #tpu.memory_space<vmem>>) semaphore(%arg19 : memref<!tpu.dma_semaphore, #tpu.memory_space<semaphore_mem>>) {add = true}
      %add3A_443 = arith.constant 4 : i32
      %add3A_444 = arith.addi %add3A_430, %add3A_443 : i32
      %sub3A_445 = arith.constant 1 : i32
      %sub3A_446 = arith.subi %add3A_444, %sub3A_445 : i32
      %lt3A_447 = arith.constant 40 : i32
      %lt3A_448 = arith.cmpi slt, %sub3A_446, %lt3A_447 : i32
      %convert_element_type3A_449 = arith.extui %lt3A_448 : i1 to i32
      %cond3A_450 = arith.constant 0 : i32
      %cond3A_451 = arith.cmpi ne, %convert_element_type3A_449, %cond3A_450 : i32
      scf.if %cond3A_451 {
        %sub3A_475 = arith.constant 1 : i32
        %sub3A_476 = arith.subi %add3A_430, %sub3A_475 : i32
        %ge3A = arith.constant 0 : i32
        %ge3A_477 = arith.cmpi sge, %sub3A_476, %ge3A : i32
        %convert_element_type3A_478 = arith.extui %ge3A_477 : i1 to i32
        %cond3A_479 = arith.constant 0 : i32
        %cond3A_480 = arith.cmpi ne, %convert_element_type3A_478, %cond3A_479 : i32
        scf.if %cond3A_480 {
          %sub3A_491 = arith.constant 1 : i32
          %sub3A_492 = arith.subi %add3A_430, %sub3A_491 : i32
          %dma_wait3A_493 = arith.constant 0 : i32
          %dma_wait3A_494 = tpu.memref_slice %arg6[%sub3A_492, %dma_wait3A_493] : memref<40x64xi32, #tpu.memory_space<vmem>> -> memref<1x64xi32, #tpu.memory_space<vmem>>
          %dma_wait3A_495 = tpu.memref_squeeze %dma_wait3A_494 : memref<1x64xi32, #tpu.memory_space<vmem>> -> memref<64xi32, #tpu.memory_space<vmem>>
          %dma_wait3A_496 = arith.constant 0 : i32
          %dma_wait3A_497 = arith.constant 0 : i32
          %dma_wait3A_498 = tpu.memref_slice %arg11[%dma_wait3A_496, %dma_wait3A_497] : memref<10240x128xf32, #tpu.memory_space<vmem_shared>> -> memref<10240x128xf32, #tpu.memory_space<vmem_shared>>
          tpu.wait_indirect_dma semaphore(%arg18 : memref<!tpu.dma_semaphore, #tpu.memory_space<semaphore_mem>>) src(%arg8 : memref<64x128xf32, #tpu.memory_space<vmem>>) dst(%dma_wait3A_498 : memref<10240x128xf32, #tpu.memory_space<vmem_shared>>)
        } else {
        }
        %add3A_481 = arith.constant 4 : i32
        %add3A_482 = arith.addi %add3A_430, %add3A_481 : i32
        %sub3A_483 = arith.constant 1 : i32
        %sub3A_484 = arith.subi %add3A_482, %sub3A_483 : i32
        %dma_start3A_485 = arith.constant 0 : i32
        %dma_start3A_486 = tpu.memref_slice %arg5[%sub3A_484, %dma_start3A_485] : memref<40x64xi32, #tpu.memory_space<vmem>> -> memref<1x64xi32, #tpu.memory_space<vmem>>
        %dma_start3A_487 = tpu.memref_squeeze %dma_start3A_486 : memref<1x64xi32, #tpu.memory_space<vmem>> -> memref<64xi32, #tpu.memory_space<vmem>>
        %dma_start3A_488 = arith.constant 0 : i32
        %dma_start3A_489 = arith.constant 0 : i32
        %dma_start3A_490 = tpu.memref_slice %arg2[%dma_start3A_488, %dma_start3A_489] : memref<10000x128xf32, #tpu.memory_space<hbm>> -> memref<10000x128xf32, #tpu.memory_space<hbm>>
        tpu.enqueue_indirect_dma source(%dma_start3A_490 : memref<10000x128xf32, #tpu.memory_space<hbm>>) target(%arg8 : memref<64x128xf32, #tpu.memory_space<vmem>>) offsets(%dma_start3A_487 : memref<64xi32, #tpu.memory_space<vmem>>) semaphore(%arg14 : memref<!tpu.dma_semaphore, #tpu.memory_space<semaphore_mem>>)
      } else {
      }
      %add3A_452 = arith.constant 3 : i32
      %add3A_453 = arith.addi %add3A_383, %add3A_452 : i32
      %dma_wait3A_454 = arith.constant 0 : i32
      %dma_wait3A_455 = tpu.memref_slice %arg5[%add3A_453, %dma_wait3A_454] : memref<40x64xi32, #tpu.memory_space<vmem>> -> memref<1x64xi32, #tpu.memory_space<vmem>>
      %dma_wait3A_456 = tpu.memref_squeeze %dma_wait3A_455 : memref<1x64xi32, #tpu.memory_space<vmem>> -> memref<64xi32, #tpu.memory_space<vmem>>
      %dma_wait3A_457 = arith.constant 0 : i32
      %dma_wait3A_458 = arith.constant 0 : i32
      %dma_wait3A_459 = tpu.memref_slice %arg2[%dma_wait3A_457, %dma_wait3A_458] : memref<10000x128xf32, #tpu.memory_space<hbm>> -> memref<10000x128xf32, #tpu.memory_space<hbm>>
      tpu.wait_indirect_dma semaphore(%arg16 : memref<!tpu.dma_semaphore, #tpu.memory_space<semaphore_mem>>) src(%dma_wait3A_459 : memref<10000x128xf32, #tpu.memory_space<hbm>>) dst(%arg10 : memref<64x128xf32, #tpu.memory_space<vmem>>)
      %dma_start3A_460 = arith.constant 0 : i32
      %dma_start3A_461 = tpu.memref_slice %arg6[%add3A_453, %dma_start3A_460] : memref<40x64xi32, #tpu.memory_space<vmem>> -> memref<1x64xi32, #tpu.memory_space<vmem>>
      %dma_start3A_462 = tpu.memref_squeeze %dma_start3A_461 : memref<1x64xi32, #tpu.memory_space<vmem>> -> memref<64xi32, #tpu.memory_space<vmem>>
      %dma_start3A_463 = arith.constant 0 : i32
      %dma_start3A_464 = arith.constant 0 : i32
      %dma_start3A_465 = tpu.memref_slice %arg11[%dma_start3A_463, %dma_start3A_464] : memref<10240x128xf32, #tpu.memory_space<vmem_shared>> -> memref<10240x128xf32, #tpu.memory_space<vmem_shared>>
      tpu.enqueue_indirect_dma source(%arg10 : memref<64x128xf32, #tpu.memory_space<vmem>>) target(%dma_start3A_465 : memref<10240x128xf32, #tpu.memory_space<vmem_shared>>) offsets(%dma_start3A_462 : memref<64xi32, #tpu.memory_space<vmem>>) semaphore(%arg20 : memref<!tpu.dma_semaphore, #tpu.memory_space<semaphore_mem>>) {add = true}
      %add3A_466 = arith.constant 4 : i32
      %add3A_467 = arith.addi %add3A_453, %add3A_466 : i32
      %sub3A_468 = arith.constant 1 : i32
      %sub3A_469 = arith.subi %add3A_467, %sub3A_468 : i32
      %lt3A_470 = arith.constant 40 : i32
      %lt3A_471 = arith.cmpi slt, %sub3A_469, %lt3A_470 : i32
      %convert_element_type3A_472 = arith.extui %lt3A_471 : i1 to i32
      %cond3A_473 = arith.constant 0 : i32
      %cond3A_474 = arith.cmpi ne, %convert_element_type3A_472, %cond3A_473 : i32
      scf.if %cond3A_474 {
        %sub3A_475 = arith.constant 1 : i32
        %sub3A_476 = arith.subi %add3A_453, %sub3A_475 : i32
        %ge3A = arith.constant 0 : i32
        %ge3A_477 = arith.cmpi sge, %sub3A_476, %ge3A : i32
        %convert_element_type3A_478 = arith.extui %ge3A_477 : i1 to i32
        %cond3A_479 = arith.constant 0 : i32
        %cond3A_480 = arith.cmpi ne, %convert_element_type3A_478, %cond3A_479 : i32
        scf.if %cond3A_480 {
          %sub3A_491 = arith.constant 1 : i32
          %sub3A_492 = arith.subi %add3A_453, %sub3A_491 : i32
          %dma_wait3A_493 = arith.constant 0 : i32
          %dma_wait3A_494 = tpu.memref_slice %arg6[%sub3A_492, %dma_wait3A_493] : memref<40x64xi32, #tpu.memory_space<vmem>> -> memref<1x64xi32, #tpu.memory_space<vmem>>
          %dma_wait3A_495 = tpu.memref_squeeze %dma_wait3A_494 : memref<1x64xi32, #tpu.memory_space<vmem>> -> memref<64xi32, #tpu.memory_space<vmem>>
          %dma_wait3A_496 = arith.constant 0 : i32
          %dma_wait3A_497 = arith.constant 0 : i32
          %dma_wait3A_498 = tpu.memref_slice %arg11[%dma_wait3A_496, %dma_wait3A_497] : memref<10240x128xf32, #tpu.memory_space<vmem_shared>> -> memref<10240x128xf32, #tpu.memory_space<vmem_shared>>
          tpu.wait_indirect_dma semaphore(%arg19 : memref<!tpu.dma_semaphore, #tpu.memory_space<semaphore_mem>>) src(%arg9 : memref<64x128xf32, #tpu.memory_space<vmem>>) dst(%dma_wait3A_498 : memref<10240x128xf32, #tpu.memory_space<vmem_shared>>)
        } else {
        }
        %add3A_481 = arith.constant 4 : i32
        %add3A_482 = arith.addi %add3A_453, %add3A_481 : i32
        %sub3A_483 = arith.constant 1 : i32
        %sub3A_484 = arith.subi %add3A_482, %sub3A_483 : i32
        %dma_start3A_485 = arith.constant 0 : i32
        %dma_start3A_486 = tpu.memref_slice %arg5[%sub3A_484, %dma_start3A_485] : memref<40x64xi32, #tpu.memory_space<vmem>> -> memref<1x64xi32, #tpu.memory_space<vmem>>
        %dma_start3A_487 = tpu.memref_squeeze %dma_start3A_486 : memref<1x64xi32, #tpu.memory_space<vmem>> -> memref<64xi32, #tpu.memory_space<vmem>>
        %dma_start3A_488 = arith.constant 0 : i32
        %dma_start3A_489 = arith.constant 0 : i32
        %dma_start3A_490 = tpu.memref_slice %arg2[%dma_start3A_488, %dma_start3A_489] : memref<10000x128xf32, #tpu.memory_space<hbm>> -> memref<10000x128xf32, #tpu.memory_space<hbm>>
        tpu.enqueue_indirect_dma source(%dma_start3A_490 : memref<10000x128xf32, #tpu.memory_space<hbm>>) target(%arg9 : memref<64x128xf32, #tpu.memory_space<vmem>>) offsets(%dma_start3A_487 : memref<64xi32, #tpu.memory_space<vmem>>) semaphore(%arg15 : memref<!tpu.dma_semaphore, #tpu.memory_space<semaphore_mem>>)
      } else {
      }
    }
    %scan3A_161 = arith.constant 10 : i32
    %dma_wait3A_162 = arith.constant 36 : i32
    %dma_wait3A_163 = arith.constant 0 : i32
    %dma_wait3A_164 = tpu.memref_slice %arg6[%dma_wait3A_162, %dma_wait3A_163] : memref<40x64xi32, #tpu.memory_space<vmem>> -> memref<1x64xi32, #tpu.memory_space<vmem>>
    %dma_wait3A_165 = tpu.memref_squeeze %dma_wait3A_164 : memref<1x64xi32, #tpu.memory_space<vmem>> -> memref<64xi32, #tpu.memory_space<vmem>>
    %dma_wait3A_166 = arith.constant 0 : i32
    %dma_wait3A_167 = arith.constant 0 : i32
    %dma_wait3A_168 = tpu.memref_slice %arg11[%dma_wait3A_166, %dma_wait3A_167] : memref<10240x128xf32, #tpu.memory_space<vmem_shared>> -> memref<10240x128xf32, #tpu.memory_space<vmem_shared>>
    tpu.wait_indirect_dma semaphore(%arg17 : memref<!tpu.dma_semaphore, #tpu.memory_space<semaphore_mem>>) src(%arg7 : memref<64x128xf32, #tpu.memory_space<vmem>>) dst(%dma_wait3A_168 : memref<10240x128xf32, #tpu.memory_space<vmem_shared>>)
    %dma_wait3A_169 = arith.constant 37 : i32
    %dma_wait3A_170 = arith.constant 0 : i32
    %dma_wait3A_171 = tpu.memref_slice %arg6[%dma_wait3A_169, %dma_wait3A_170] : memref<40x64xi32, #tpu.memory_space<vmem>> -> memref<1x64xi32, #tpu.memory_space<vmem>>
    %dma_wait3A_172 = tpu.memref_squeeze %dma_wait3A_171 : memref<1x64xi32, #tpu.memory_space<vmem>> -> memref<64xi32, #tpu.memory_space<vmem>>
    %dma_wait3A_173 = arith.constant 0 : i32
    %dma_wait3A_174 = arith.constant 0 : i32
    %dma_wait3A_175 = tpu.memref_slice %arg11[%dma_wait3A_173, %dma_wait3A_174] : memref<10240x128xf32, #tpu.memory_space<vmem_shared>> -> memref<10240x128xf32, #tpu.memory_space<vmem_shared>>
    tpu.wait_indirect_dma semaphore(%arg18 : memref<!tpu.dma_semaphore, #tpu.memory_space<semaphore_mem>>) src(%arg8 : memref<64x128xf32, #tpu.memory_space<vmem>>) dst(%dma_wait3A_175 : memref<10240x128xf32, #tpu.memory_space<vmem_shared>>)
    %dma_wait3A_176 = arith.constant 38 : i32
    %dma_wait3A_177 = arith.constant 0 : i32
    %dma_wait3A_178 = tpu.memref_slice %arg6[%dma_wait3A_176, %dma_wait3A_177] : memref<40x64xi32, #tpu.memory_space<vmem>> -> memref<1x64xi32, #tpu.memory_space<vmem>>
    %dma_wait3A_179 = tpu.memref_squeeze %dma_wait3A_178 : memref<1x64xi32, #tpu.memory_space<vmem>> -> memref<64xi32, #tpu.memory_space<vmem>>
    %dma_wait3A_180 = arith.constant 0 : i32
    %dma_wait3A_181 = arith.constant 0 : i32
    %dma_wait3A_182 = tpu.memref_slice %arg11[%dma_wait3A_180, %dma_wait3A_181] : memref<10240x128xf32, #tpu.memory_space<vmem_shared>> -> memref<10240x128xf32, #tpu.memory_space<vmem_shared>>
    tpu.wait_indirect_dma semaphore(%arg19 : memref<!tpu.dma_semaphore, #tpu.memory_space<semaphore_mem>>) src(%arg9 : memref<64x128xf32, #tpu.memory_space<vmem>>) dst(%dma_wait3A_182 : memref<10240x128xf32, #tpu.memory_space<vmem_shared>>)
    %dma_wait3A_183 = arith.constant 39 : i32
    %dma_wait3A_184 = arith.constant 0 : i32
    %dma_wait3A_185 = tpu.memref_slice %arg6[%dma_wait3A_183, %dma_wait3A_184] : memref<40x64xi32, #tpu.memory_space<vmem>> -> memref<1x64xi32, #tpu.memory_space<vmem>>
    %dma_wait3A_186 = tpu.memref_squeeze %dma_wait3A_185 : memref<1x64xi32, #tpu.memory_space<vmem>> -> memref<64xi32, #tpu.memory_space<vmem>>
    %dma_wait3A_187 = arith.constant 0 : i32
    %dma_wait3A_188 = arith.constant 0 : i32
    %dma_wait3A_189 = tpu.memref_slice %arg11[%dma_wait3A_187, %dma_wait3A_188] : memref<10240x128xf32, #tpu.memory_space<vmem_shared>> -> memref<10240x128xf32, #tpu.memory_space<vmem_shared>>
    tpu.wait_indirect_dma semaphore(%arg20 : memref<!tpu.dma_semaphore, #tpu.memory_space<semaphore_mem>>) src(%arg10 : memref<64x128xf32, #tpu.memory_space<vmem>>) dst(%dma_wait3A_189 : memref<10240x128xf32, #tpu.memory_space<vmem_shared>>)
    %dma_start3A_190 = arith.constant 0 : i32
    %dma_start3A_191 = arith.constant 80 : i32
    %dma_start3A_192 = arith.constant 0 : i32
    %dma_start3A_193 = tpu.memref_slice %arg3[%dma_start3A_190, %add3A, %dma_start3A_191, %dma_start3A_192] : memref<2x32x160x64xi32, #tpu.memory_space<hbm>> -> memref<1x1x40x64xi32, #tpu.memory_space<hbm>>
    %dma_start3A_194 = tpu.memref_squeeze %dma_start3A_193 : memref<1x1x40x64xi32, #tpu.memory_space<hbm>> -> memref<40x64xi32, #tpu.memory_space<hbm>>
    %dma_start3A_195 = arith.constant 80 : i32
    %dma_start3A_196 = arith.constant 0 : i32
    %dma_start3A_197 = tpu.memref_slice %arg3[%dma_start3A_190, %add3A, %dma_start3A_195, %dma_start3A_196] : memref<2x32x160x64xi32, #tpu.memory_space<hbm>> -> memref<1x1x40x64xi32, #tpu.memory_space<hbm>>
    %dma_start3A_198 = tpu.memref_squeeze %dma_start3A_197 : memref<1x1x40x64xi32, #tpu.memory_space<hbm>> -> memref<40x64xi32, #tpu.memory_space<hbm>>
    tpu.enqueue_dma source(%dma_start3A_198 : memref<40x64xi32, #tpu.memory_space<hbm>>) target(%arg5 : memref<40x64xi32, #tpu.memory_space<vmem>>) target_semaphore(%arg12 : memref<!tpu.dma_semaphore, #tpu.memory_space<semaphore_mem>>)
    %dma_start3A_199 = arith.constant 1 : i32
    %dma_start3A_200 = arith.constant 80 : i32
    %dma_start3A_201 = arith.constant 0 : i32
    %dma_start3A_202 = tpu.memref_slice %arg3[%dma_start3A_199, %add3A, %dma_start3A_200, %dma_start3A_201] : memref<2x32x160x64xi32, #tpu.memory_space<hbm>> -> memref<1x1x40x64xi32, #tpu.memory_space<hbm>>
    %dma_start3A_203 = tpu.memref_squeeze %dma_start3A_202 : memref<1x1x40x64xi32, #tpu.memory_space<hbm>> -> memref<40x64xi32, #tpu.memory_space<hbm>>
    %dma_start3A_204 = arith.constant 80 : i32
    %dma_start3A_205 = arith.constant 0 : i32
    %dma_start3A_206 = tpu.memref_slice %arg3[%dma_start3A_199, %add3A, %dma_start3A_204, %dma_start3A_205] : memref<2x32x160x64xi32, #tpu.memory_space<hbm>> -> memref<1x1x40x64xi32, #tpu.memory_space<hbm>>
    %dma_start3A_207 = tpu.memref_squeeze %dma_start3A_206 : memref<1x1x40x64xi32, #tpu.memory_space<hbm>> -> memref<40x64xi32, #tpu.memory_space<hbm>>
    tpu.enqueue_dma source(%dma_start3A_207 : memref<40x64xi32, #tpu.memory_space<hbm>>) target(%arg6 : memref<40x64xi32, #tpu.memory_space<vmem>>) target_semaphore(%arg12 : memref<!tpu.dma_semaphore, #tpu.memory_space<semaphore_mem>>)
    %dma_wait3A_208 = arith.constant 0 : i32
    %dma_wait3A_209 = arith.constant 80 : i32
    %dma_wait3A_210 = arith.constant 0 : i32
    %dma_wait3A_211 = tpu.memref_slice %arg3[%dma_wait3A_208, %add3A, %dma_wait3A_209, %dma_wait3A_210] : memref<2x32x160x64xi32, #tpu.memory_space<hbm>> -> memref<1x1x40x64xi32, #tpu.memory_space<hbm>>
    %dma_wait3A_212 = tpu.memref_squeeze %dma_wait3A_211 : memref<1x1x40x64xi32, #tpu.memory_space<hbm>> -> memref<40x64xi32, #tpu.memory_space<hbm>>
    %dma_wait3A_213 = arith.constant 80 : i32
    %dma_wait3A_214 = arith.constant 0 : i32
    %dma_wait3A_215 = tpu.memref_slice %arg3[%dma_wait3A_208, %add3A, %dma_wait3A_213, %dma_wait3A_214] : memref<2x32x160x64xi32, #tpu.memory_space<hbm>> -> memref<1x1x40x64xi32, #tpu.memory_space<hbm>>
    %dma_wait3A_216 = tpu.memref_squeeze %dma_wait3A_215 : memref<1x1x40x64xi32, #tpu.memory_space<hbm>> -> memref<40x64xi32, #tpu.memory_space<hbm>>
    tpu.wait_dma2 semaphore(%arg12 : memref<!tpu.dma_semaphore, #tpu.memory_space<semaphore_mem>>) src(%dma_wait3A_216 : memref<40x64xi32, #tpu.memory_space<hbm>>) dst(%arg5 : memref<40x64xi32, #tpu.memory_space<vmem>>)
    %dma_wait3A_217 = arith.constant 1 : i32
    %dma_wait3A_218 = arith.constant 80 : i32
    %dma_wait3A_219 = arith.constant 0 : i32
    %dma_wait3A_220 = tpu.memref_slice %arg3[%dma_wait3A_217, %add3A, %dma_wait3A_218, %dma_wait3A_219] : memref<2x32x160x64xi32, #tpu.memory_space<hbm>> -> memref<1x1x40x64xi32, #tpu.memory_space<hbm>>
    %dma_wait3A_221 = tpu.memref_squeeze %dma_wait3A_220 : memref<1x1x40x64xi32, #tpu.memory_space<hbm>> -> memref<40x64xi32, #tpu.memory_space<hbm>>
    %dma_wait3A_222 = arith.constant 80 : i32
    %dma_wait3A_223 = arith.constant 0 : i32
    %dma_wait3A_224 = tpu.memref_slice %arg3[%dma_wait3A_217, %add3A, %dma_wait3A_222, %dma_wait3A_223] : memref<2x32x160x64xi32, #tpu.memory_space<hbm>> -> memref<1x1x40x64xi32, #tpu.memory_space<hbm>>
    %dma_wait3A_225 = tpu.memref_squeeze %dma_wait3A_224 : memref<1x1x40x64xi32, #tpu.memory_space<hbm>> -> memref<40x64xi32, #tpu.memory_space<hbm>>
    tpu.wait_dma2 semaphore(%arg12 : memref<!tpu.dma_semaphore, #tpu.memory_space<semaphore_mem>>) src(%dma_wait3A_225 : memref<40x64xi32, #tpu.memory_space<hbm>>) dst(%arg6 : memref<40x64xi32, #tpu.memory_space<vmem>>)
    %dma_start3A_226 = arith.constant 0 : i32
    %dma_start3A_227 = arith.constant 0 : i32
    %dma_start3A_228 = tpu.memref_slice %arg5[%dma_start3A_226, %dma_start3A_227] : memref<40x64xi32, #tpu.memory_space<vmem>> -> memref<1x64xi32, #tpu.memory_space<vmem>>
    %dma_start3A_229 = tpu.memref_squeeze %dma_start3A_228 : memref<1x64xi32, #tpu.memory_space<vmem>> -> memref<64xi32, #tpu.memory_space<vmem>>
    %dma_start3A_230 = arith.constant 0 : i32
    %dma_start3A_231 = arith.constant 0 : i32
    %dma_start3A_232 = tpu.memref_slice %arg2[%dma_start3A_230, %dma_start3A_231] : memref<10000x128xf32, #tpu.memory_space<hbm>> -> memref<10000x128xf32, #tpu.memory_space<hbm>>
    tpu.enqueue_indirect_dma source(%dma_start3A_232 : memref<10000x128xf32, #tpu.memory_space<hbm>>) target(%arg7 : memref<64x128xf32, #tpu.memory_space<vmem>>) offsets(%dma_start3A_229 : memref<64xi32, #tpu.memory_space<vmem>>) semaphore(%arg13 : memref<!tpu.dma_semaphore, #tpu.memory_space<semaphore_mem>>)
    %dma_start3A_233 = arith.constant 1 : i32
    %dma_start3A_234 = arith.constant 0 : i32
    %dma_start3A_235 = tpu.memref_slice %arg5[%dma_start3A_233, %dma_start3A_234] : memref<40x64xi32, #tpu.memory_space<vmem>> -> memref<1x64xi32, #tpu.memory_space<vmem>>
    %dma_start3A_236 = tpu.memref_squeeze %dma_start3A_235 : memref<1x64xi32, #tpu.memory_space<vmem>> -> memref<64xi32, #tpu.memory_space<vmem>>
    %dma_start3A_237 = arith.constant 0 : i32
    %dma_start3A_238 = arith.constant 0 : i32
    %dma_start3A_239 = tpu.memref_slice %arg2[%dma_start3A_237, %dma_start3A_238] : memref<10000x128xf32, #tpu.memory_space<hbm>> -> memref<10000x128xf32, #tpu.memory_space<hbm>>
    tpu.enqueue_indirect_dma source(%dma_start3A_239 : memref<10000x128xf32, #tpu.memory_space<hbm>>) target(%arg8 : memref<64x128xf32, #tpu.memory_space<vmem>>) offsets(%dma_start3A_236 : memref<64xi32, #tpu.memory_space<vmem>>) semaphore(%arg14 : memref<!tpu.dma_semaphore, #tpu.memory_space<semaphore_mem>>)
    %dma_start3A_240 = arith.constant 2 : i32
    %dma_start3A_241 = arith.constant 0 : i32
    %dma_start3A_242 = tpu.memref_slice %arg5[%dma_start3A_240, %dma_start3A_241] : memref<40x64xi32, #tpu.memory_space<vmem>> -> memref<1x64xi32, #tpu.memory_space<vmem>>
    %dma_start3A_243 = tpu.memref_squeeze %dma_start3A_242 : memref<1x64xi32, #tpu.memory_space<vmem>> -> memref<64xi32, #tpu.memory_space<vmem>>
    %dma_start3A_244 = arith.constant 0 : i32
    %dma_start3A_245 = arith.constant 0 : i32
    %dma_start3A_246 = tpu.memref_slice %arg2[%dma_start3A_244, %dma_start3A_245] : memref<10000x128xf32, #tpu.memory_space<hbm>> -> memref<10000x128xf32, #tpu.memory_space<hbm>>
    tpu.enqueue_indirect_dma source(%dma_start3A_246 : memref<10000x128xf32, #tpu.memory_space<hbm>>) target(%arg9 : memref<64x128xf32, #tpu.memory_space<vmem>>) offsets(%dma_start3A_243 : memref<64xi32, #tpu.memory_space<vmem>>) semaphore(%arg15 : memref<!tpu.dma_semaphore, #tpu.memory_space<semaphore_mem>>)
    %scan3A_247 = arith.constant 0 : i32
    %scan3A_248 = arith.constant 10 : i32
    %scan3A_249 = arith.addi %scan3A_247, %scan3A_248 : i32
    %scan3A_250 = arith.constant 1 : i32
    scf.for %scan3A_379 = %scan3A_247 to %scan3A_249 step %scan3A_250  : i32 {
      %mul3A_380 = arith.constant 4 : i32
      %mul3A_381 = arith.muli %scan3A_379, %mul3A_380 : i32
      %add3A_382 = arith.constant 0 : i32
      %add3A_383 = arith.addi %add3A_382, %mul3A_381 : i32
      %add3A_384 = arith.constant 0 : i32
      %add3A_385 = arith.addi %add3A_383, %add3A_384 : i32
      %dma_wait3A_386 = arith.constant 0 : i32
      %dma_wait3A_387 = tpu.memref_slice %arg5[%add3A_385, %dma_wait3A_386] : memref<40x64xi32, #tpu.memory_space<vmem>> -> memref<1x64xi32, #tpu.memory_space<vmem>>
      %dma_wait3A_388 = tpu.memref_squeeze %dma_wait3A_387 : memref<1x64xi32, #tpu.memory_space<vmem>> -> memref<64xi32, #tpu.memory_space<vmem>>
      %dma_wait3A_389 = arith.constant 0 : i32
      %dma_wait3A_390 = arith.constant 0 : i32
      %dma_wait3A_391 = tpu.memref_slice %arg2[%dma_wait3A_389, %dma_wait3A_390] : memref<10000x128xf32, #tpu.memory_space<hbm>> -> memref<10000x128xf32, #tpu.memory_space<hbm>>
      tpu.wait_indirect_dma semaphore(%arg13 : memref<!tpu.dma_semaphore, #tpu.memory_space<semaphore_mem>>) src(%dma_wait3A_391 : memref<10000x128xf32, #tpu.memory_space<hbm>>) dst(%arg7 : memref<64x128xf32, #tpu.memory_space<vmem>>)
      %dma_start3A_392 = arith.constant 0 : i32
      %dma_start3A_393 = tpu.memref_slice %arg6[%add3A_385, %dma_start3A_392] : memref<40x64xi32, #tpu.memory_space<vmem>> -> memref<1x64xi32, #tpu.memory_space<vmem>>
      %dma_start3A_394 = tpu.memref_squeeze %dma_start3A_393 : memref<1x64xi32, #tpu.memory_space<vmem>> -> memref<64xi32, #tpu.memory_space<vmem>>
      %dma_start3A_395 = arith.constant 0 : i32
      %dma_start3A_396 = arith.constant 0 : i32
      %dma_start3A_397 = tpu.memref_slice %arg11[%dma_start3A_395, %dma_start3A_396] : memref<10240x128xf32, #tpu.memory_space<vmem_shared>> -> memref<10240x128xf32, #tpu.memory_space<vmem_shared>>
      tpu.enqueue_indirect_dma source(%arg7 : memref<64x128xf32, #tpu.memory_space<vmem>>) target(%dma_start3A_397 : memref<10240x128xf32, #tpu.memory_space<vmem_shared>>) offsets(%dma_start3A_394 : memref<64xi32, #tpu.memory_space<vmem>>) semaphore(%arg17 : memref<!tpu.dma_semaphore, #tpu.memory_space<semaphore_mem>>) {add = true}
      %add3A_398 = arith.constant 4 : i32
      %add3A_399 = arith.addi %add3A_385, %add3A_398 : i32
      %sub3A = arith.constant 1 : i32
      %sub3A_400 = arith.subi %add3A_399, %sub3A : i32
      %lt3A_401 = arith.constant 40 : i32
      %lt3A_402 = arith.cmpi slt, %sub3A_400, %lt3A_401 : i32
      %convert_element_type3A_403 = arith.extui %lt3A_402 : i1 to i32
      %cond3A_404 = arith.constant 0 : i32
      %cond3A_405 = arith.cmpi ne, %convert_element_type3A_403, %cond3A_404 : i32
      scf.if %cond3A_405 {
        %sub3A_475 = arith.constant 1 : i32
        %sub3A_476 = arith.subi %add3A_385, %sub3A_475 : i32
        %ge3A = arith.constant 0 : i32
        %ge3A_477 = arith.cmpi sge, %sub3A_476, %ge3A : i32
        %convert_element_type3A_478 = arith.extui %ge3A_477 : i1 to i32
        %cond3A_479 = arith.constant 0 : i32
        %cond3A_480 = arith.cmpi ne, %convert_element_type3A_478, %cond3A_479 : i32
        scf.if %cond3A_480 {
          %sub3A_491 = arith.constant 1 : i32
          %sub3A_492 = arith.subi %add3A_385, %sub3A_491 : i32
          %dma_wait3A_493 = arith.constant 0 : i32
          %dma_wait3A_494 = tpu.memref_slice %arg6[%sub3A_492, %dma_wait3A_493] : memref<40x64xi32, #tpu.memory_space<vmem>> -> memref<1x64xi32, #tpu.memory_space<vmem>>
          %dma_wait3A_495 = tpu.memref_squeeze %dma_wait3A_494 : memref<1x64xi32, #tpu.memory_space<vmem>> -> memref<64xi32, #tpu.memory_space<vmem>>
          %dma_wait3A_496 = arith.constant 0 : i32
          %dma_wait3A_497 = arith.constant 0 : i32
          %dma_wait3A_498 = tpu.memref_slice %arg11[%dma_wait3A_496, %dma_wait3A_497] : memref<10240x128xf32, #tpu.memory_space<vmem_shared>> -> memref<10240x128xf32, #tpu.memory_space<vmem_shared>>
          tpu.wait_indirect_dma semaphore(%arg20 : memref<!tpu.dma_semaphore, #tpu.memory_space<semaphore_mem>>) src(%arg10 : memref<64x128xf32, #tpu.memory_space<vmem>>) dst(%dma_wait3A_498 : memref<10240x128xf32, #tpu.memory_space<vmem_shared>>)
        } else {
        }
        %add3A_481 = arith.constant 4 : i32
        %add3A_482 = arith.addi %add3A_385, %add3A_481 : i32
        %sub3A_483 = arith.constant 1 : i32
        %sub3A_484 = arith.subi %add3A_482, %sub3A_483 : i32
        %dma_start3A_485 = arith.constant 0 : i32
        %dma_start3A_486 = tpu.memref_slice %arg5[%sub3A_484, %dma_start3A_485] : memref<40x64xi32, #tpu.memory_space<vmem>> -> memref<1x64xi32, #tpu.memory_space<vmem>>
        %dma_start3A_487 = tpu.memref_squeeze %dma_start3A_486 : memref<1x64xi32, #tpu.memory_space<vmem>> -> memref<64xi32, #tpu.memory_space<vmem>>
        %dma_start3A_488 = arith.constant 0 : i32
        %dma_start3A_489 = arith.constant 0 : i32
        %dma_start3A_490 = tpu.memref_slice %arg2[%dma_start3A_488, %dma_start3A_489] : memref<10000x128xf32, #tpu.memory_space<hbm>> -> memref<10000x128xf32, #tpu.memory_space<hbm>>
        tpu.enqueue_indirect_dma source(%dma_start3A_490 : memref<10000x128xf32, #tpu.memory_space<hbm>>) target(%arg10 : memref<64x128xf32, #tpu.memory_space<vmem>>) offsets(%dma_start3A_487 : memref<64xi32, #tpu.memory_space<vmem>>) semaphore(%arg16 : memref<!tpu.dma_semaphore, #tpu.memory_space<semaphore_mem>>)
      } else {
      }
      %add3A_406 = arith.constant 1 : i32
      %add3A_407 = arith.addi %add3A_383, %add3A_406 : i32
      %dma_wait3A_408 = arith.constant 0 : i32
      %dma_wait3A_409 = tpu.memref_slice %arg5[%add3A_407, %dma_wait3A_408] : memref<40x64xi32, #tpu.memory_space<vmem>> -> memref<1x64xi32, #tpu.memory_space<vmem>>
      %dma_wait3A_410 = tpu.memref_squeeze %dma_wait3A_409 : memref<1x64xi32, #tpu.memory_space<vmem>> -> memref<64xi32, #tpu.memory_space<vmem>>
      %dma_wait3A_411 = arith.constant 0 : i32
      %dma_wait3A_412 = arith.constant 0 : i32
      %dma_wait3A_413 = tpu.memref_slice %arg2[%dma_wait3A_411, %dma_wait3A_412] : memref<10000x128xf32, #tpu.memory_space<hbm>> -> memref<10000x128xf32, #tpu.memory_space<hbm>>
      tpu.wait_indirect_dma semaphore(%arg14 : memref<!tpu.dma_semaphore, #tpu.memory_space<semaphore_mem>>) src(%dma_wait3A_413 : memref<10000x128xf32, #tpu.memory_space<hbm>>) dst(%arg8 : memref<64x128xf32, #tpu.memory_space<vmem>>)
      %dma_start3A_414 = arith.constant 0 : i32
      %dma_start3A_415 = tpu.memref_slice %arg6[%add3A_407, %dma_start3A_414] : memref<40x64xi32, #tpu.memory_space<vmem>> -> memref<1x64xi32, #tpu.memory_space<vmem>>
      %dma_start3A_416 = tpu.memref_squeeze %dma_start3A_415 : memref<1x64xi32, #tpu.memory_space<vmem>> -> memref<64xi32, #tpu.memory_space<vmem>>
      %dma_start3A_417 = arith.constant 0 : i32
      %dma_start3A_418 = arith.constant 0 : i32
      %dma_start3A_419 = tpu.memref_slice %arg11[%dma_start3A_417, %dma_start3A_418] : memref<10240x128xf32, #tpu.memory_space<vmem_shared>> -> memref<10240x128xf32, #tpu.memory_space<vmem_shared>>
      tpu.enqueue_indirect_dma source(%arg8 : memref<64x128xf32, #tpu.memory_space<vmem>>) target(%dma_start3A_419 : memref<10240x128xf32, #tpu.memory_space<vmem_shared>>) offsets(%dma_start3A_416 : memref<64xi32, #tpu.memory_space<vmem>>) semaphore(%arg18 : memref<!tpu.dma_semaphore, #tpu.memory_space<semaphore_mem>>) {add = true}
      %add3A_420 = arith.constant 4 : i32
      %add3A_421 = arith.addi %add3A_407, %add3A_420 : i32
      %sub3A_422 = arith.constant 1 : i32
      %sub3A_423 = arith.subi %add3A_421, %sub3A_422 : i32
      %lt3A_424 = arith.constant 40 : i32
      %lt3A_425 = arith.cmpi slt, %sub3A_423, %lt3A_424 : i32
      %convert_element_type3A_426 = arith.extui %lt3A_425 : i1 to i32
      %cond3A_427 = arith.constant 0 : i32
      %cond3A_428 = arith.cmpi ne, %convert_element_type3A_426, %cond3A_427 : i32
      scf.if %cond3A_428 {
        %sub3A_475 = arith.constant 1 : i32
        %sub3A_476 = arith.subi %add3A_407, %sub3A_475 : i32
        %ge3A = arith.constant 0 : i32
        %ge3A_477 = arith.cmpi sge, %sub3A_476, %ge3A : i32
        %convert_element_type3A_478 = arith.extui %ge3A_477 : i1 to i32
        %cond3A_479 = arith.constant 0 : i32
        %cond3A_480 = arith.cmpi ne, %convert_element_type3A_478, %cond3A_479 : i32
        scf.if %cond3A_480 {
          %sub3A_491 = arith.constant 1 : i32
          %sub3A_492 = arith.subi %add3A_407, %sub3A_491 : i32
          %dma_wait3A_493 = arith.constant 0 : i32
          %dma_wait3A_494 = tpu.memref_slice %arg6[%sub3A_492, %dma_wait3A_493] : memref<40x64xi32, #tpu.memory_space<vmem>> -> memref<1x64xi32, #tpu.memory_space<vmem>>
          %dma_wait3A_495 = tpu.memref_squeeze %dma_wait3A_494 : memref<1x64xi32, #tpu.memory_space<vmem>> -> memref<64xi32, #tpu.memory_space<vmem>>
          %dma_wait3A_496 = arith.constant 0 : i32
          %dma_wait3A_497 = arith.constant 0 : i32
          %dma_wait3A_498 = tpu.memref_slice %arg11[%dma_wait3A_496, %dma_wait3A_497] : memref<10240x128xf32, #tpu.memory_space<vmem_shared>> -> memref<10240x128xf32, #tpu.memory_space<vmem_shared>>
          tpu.wait_indirect_dma semaphore(%arg17 : memref<!tpu.dma_semaphore, #tpu.memory_space<semaphore_mem>>) src(%arg7 : memref<64x128xf32, #tpu.memory_space<vmem>>) dst(%dma_wait3A_498 : memref<10240x128xf32, #tpu.memory_space<vmem_shared>>)
        } else {
        }
        %add3A_481 = arith.constant 4 : i32
        %add3A_482 = arith.addi %add3A_407, %add3A_481 : i32
        %sub3A_483 = arith.constant 1 : i32
        %sub3A_484 = arith.subi %add3A_482, %sub3A_483 : i32
        %dma_start3A_485 = arith.constant 0 : i32
        %dma_start3A_486 = tpu.memref_slice %arg5[%sub3A_484, %dma_start3A_485] : memref<40x64xi32, #tpu.memory_space<vmem>> -> memref<1x64xi32, #tpu.memory_space<vmem>>
        %dma_start3A_487 = tpu.memref_squeeze %dma_start3A_486 : memref<1x64xi32, #tpu.memory_space<vmem>> -> memref<64xi32, #tpu.memory_space<vmem>>
        %dma_start3A_488 = arith.constant 0 : i32
        %dma_start3A_489 = arith.constant 0 : i32
        %dma_start3A_490 = tpu.memref_slice %arg2[%dma_start3A_488, %dma_start3A_489] : memref<10000x128xf32, #tpu.memory_space<hbm>> -> memref<10000x128xf32, #tpu.memory_space<hbm>>
        tpu.enqueue_indirect_dma source(%dma_start3A_490 : memref<10000x128xf32, #tpu.memory_space<hbm>>) target(%arg7 : memref<64x128xf32, #tpu.memory_space<vmem>>) offsets(%dma_start3A_487 : memref<64xi32, #tpu.memory_space<vmem>>) semaphore(%arg13 : memref<!tpu.dma_semaphore, #tpu.memory_space<semaphore_mem>>)
      } else {
      }
      %add3A_429 = arith.constant 2 : i32
      %add3A_430 = arith.addi %add3A_383, %add3A_429 : i32
      %dma_wait3A_431 = arith.constant 0 : i32
      %dma_wait3A_432 = tpu.memref_slice %arg5[%add3A_430, %dma_wait3A_431] : memref<40x64xi32, #tpu.memory_space<vmem>> -> memref<1x64xi32, #tpu.memory_space<vmem>>
      %dma_wait3A_433 = tpu.memref_squeeze %dma_wait3A_432 : memref<1x64xi32, #tpu.memory_space<vmem>> -> memref<64xi32, #tpu.memory_space<vmem>>
      %dma_wait3A_434 = arith.constant 0 : i32
      %dma_wait3A_435 = arith.constant 0 : i32
      %dma_wait3A_436 = tpu.memref_slice %arg2[%dma_wait3A_434, %dma_wait3A_435] : memref<10000x128xf32, #tpu.memory_space<hbm>> -> memref<10000x128xf32, #tpu.memory_space<hbm>>
      tpu.wait_indirect_dma semaphore(%arg15 : memref<!tpu.dma_semaphore, #tpu.memory_space<semaphore_mem>>) src(%dma_wait3A_436 : memref<10000x128xf32, #tpu.memory_space<hbm>>) dst(%arg9 : memref<64x128xf32, #tpu.memory_space<vmem>>)
      %dma_start3A_437 = arith.constant 0 : i32
      %dma_start3A_438 = tpu.memref_slice %arg6[%add3A_430, %dma_start3A_437] : memref<40x64xi32, #tpu.memory_space<vmem>> -> memref<1x64xi32, #tpu.memory_space<vmem>>
      %dma_start3A_439 = tpu.memref_squeeze %dma_start3A_438 : memref<1x64xi32, #tpu.memory_space<vmem>> -> memref<64xi32, #tpu.memory_space<vmem>>
      %dma_start3A_440 = arith.constant 0 : i32
      %dma_start3A_441 = arith.constant 0 : i32
      %dma_start3A_442 = tpu.memref_slice %arg11[%dma_start3A_440, %dma_start3A_441] : memref<10240x128xf32, #tpu.memory_space<vmem_shared>> -> memref<10240x128xf32, #tpu.memory_space<vmem_shared>>
      tpu.enqueue_indirect_dma source(%arg9 : memref<64x128xf32, #tpu.memory_space<vmem>>) target(%dma_start3A_442 : memref<10240x128xf32, #tpu.memory_space<vmem_shared>>) offsets(%dma_start3A_439 : memref<64xi32, #tpu.memory_space<vmem>>) semaphore(%arg19 : memref<!tpu.dma_semaphore, #tpu.memory_space<semaphore_mem>>) {add = true}
      %add3A_443 = arith.constant 4 : i32
      %add3A_444 = arith.addi %add3A_430, %add3A_443 : i32
      %sub3A_445 = arith.constant 1 : i32
      %sub3A_446 = arith.subi %add3A_444, %sub3A_445 : i32
      %lt3A_447 = arith.constant 40 : i32
      %lt3A_448 = arith.cmpi slt, %sub3A_446, %lt3A_447 : i32
      %convert_element_type3A_449 = arith.extui %lt3A_448 : i1 to i32
      %cond3A_450 = arith.constant 0 : i32
      %cond3A_451 = arith.cmpi ne, %convert_element_type3A_449, %cond3A_450 : i32
      scf.if %cond3A_451 {
        %sub3A_475 = arith.constant 1 : i32
        %sub3A_476 = arith.subi %add3A_430, %sub3A_475 : i32
        %ge3A = arith.constant 0 : i32
        %ge3A_477 = arith.cmpi sge, %sub3A_476, %ge3A : i32
        %convert_element_type3A_478 = arith.extui %ge3A_477 : i1 to i32
        %cond3A_479 = arith.constant 0 : i32
        %cond3A_480 = arith.cmpi ne, %convert_element_type3A_478, %cond3A_479 : i32
        scf.if %cond3A_480 {
          %sub3A_491 = arith.constant 1 : i32
          %sub3A_492 = arith.subi %add3A_430, %sub3A_491 : i32
          %dma_wait3A_493 = arith.constant 0 : i32
          %dma_wait3A_494 = tpu.memref_slice %arg6[%sub3A_492, %dma_wait3A_493] : memref<40x64xi32, #tpu.memory_space<vmem>> -> memref<1x64xi32, #tpu.memory_space<vmem>>
          %dma_wait3A_495 = tpu.memref_squeeze %dma_wait3A_494 : memref<1x64xi32, #tpu.memory_space<vmem>> -> memref<64xi32, #tpu.memory_space<vmem>>
          %dma_wait3A_496 = arith.constant 0 : i32
          %dma_wait3A_497 = arith.constant 0 : i32
          %dma_wait3A_498 = tpu.memref_slice %arg11[%dma_wait3A_496, %dma_wait3A_497] : memref<10240x128xf32, #tpu.memory_space<vmem_shared>> -> memref<10240x128xf32, #tpu.memory_space<vmem_shared>>
          tpu.wait_indirect_dma semaphore(%arg18 : memref<!tpu.dma_semaphore, #tpu.memory_space<semaphore_mem>>) src(%arg8 : memref<64x128xf32, #tpu.memory_space<vmem>>) dst(%dma_wait3A_498 : memref<10240x128xf32, #tpu.memory_space<vmem_shared>>)
        } else {
        }
        %add3A_481 = arith.constant 4 : i32
        %add3A_482 = arith.addi %add3A_430, %add3A_481 : i32
        %sub3A_483 = arith.constant 1 : i32
        %sub3A_484 = arith.subi %add3A_482, %sub3A_483 : i32
        %dma_start3A_485 = arith.constant 0 : i32
        %dma_start3A_486 = tpu.memref_slice %arg5[%sub3A_484, %dma_start3A_485] : memref<40x64xi32, #tpu.memory_space<vmem>> -> memref<1x64xi32, #tpu.memory_space<vmem>>
        %dma_start3A_487 = tpu.memref_squeeze %dma_start3A_486 : memref<1x64xi32, #tpu.memory_space<vmem>> -> memref<64xi32, #tpu.memory_space<vmem>>
        %dma_start3A_488 = arith.constant 0 : i32
        %dma_start3A_489 = arith.constant 0 : i32
        %dma_start3A_490 = tpu.memref_slice %arg2[%dma_start3A_488, %dma_start3A_489] : memref<10000x128xf32, #tpu.memory_space<hbm>> -> memref<10000x128xf32, #tpu.memory_space<hbm>>
        tpu.enqueue_indirect_dma source(%dma_start3A_490 : memref<10000x128xf32, #tpu.memory_space<hbm>>) target(%arg8 : memref<64x128xf32, #tpu.memory_space<vmem>>) offsets(%dma_start3A_487 : memref<64xi32, #tpu.memory_space<vmem>>) semaphore(%arg14 : memref<!tpu.dma_semaphore, #tpu.memory_space<semaphore_mem>>)
      } else {
      }
      %add3A_452 = arith.constant 3 : i32
      %add3A_453 = arith.addi %add3A_383, %add3A_452 : i32
      %dma_wait3A_454 = arith.constant 0 : i32
      %dma_wait3A_455 = tpu.memref_slice %arg5[%add3A_453, %dma_wait3A_454] : memref<40x64xi32, #tpu.memory_space<vmem>> -> memref<1x64xi32, #tpu.memory_space<vmem>>
      %dma_wait3A_456 = tpu.memref_squeeze %dma_wait3A_455 : memref<1x64xi32, #tpu.memory_space<vmem>> -> memref<64xi32, #tpu.memory_space<vmem>>
      %dma_wait3A_457 = arith.constant 0 : i32
      %dma_wait3A_458 = arith.constant 0 : i32
      %dma_wait3A_459 = tpu.memref_slice %arg2[%dma_wait3A_457, %dma_wait3A_458] : memref<10000x128xf32, #tpu.memory_space<hbm>> -> memref<10000x128xf32, #tpu.memory_space<hbm>>
      tpu.wait_indirect_dma semaphore(%arg16 : memref<!tpu.dma_semaphore, #tpu.memory_space<semaphore_mem>>) src(%dma_wait3A_459 : memref<10000x128xf32, #tpu.memory_space<hbm>>) dst(%arg10 : memref<64x128xf32, #tpu.memory_space<vmem>>)
      %dma_start3A_460 = arith.constant 0 : i32
      %dma_start3A_461 = tpu.memref_slice %arg6[%add3A_453, %dma_start3A_460] : memref<40x64xi32, #tpu.memory_space<vmem>> -> memref<1x64xi32, #tpu.memory_space<vmem>>
      %dma_start3A_462 = tpu.memref_squeeze %dma_start3A_461 : memref<1x64xi32, #tpu.memory_space<vmem>> -> memref<64xi32, #tpu.memory_space<vmem>>
      %dma_start3A_463 = arith.constant 0 : i32
      %dma_start3A_464 = arith.constant 0 : i32
      %dma_start3A_465 = tpu.memref_slice %arg11[%dma_start3A_463, %dma_start3A_464] : memref<10240x128xf32, #tpu.memory_space<vmem_shared>> -> memref<10240x128xf32, #tpu.memory_space<vmem_shared>>
      tpu.enqueue_indirect_dma source(%arg10 : memref<64x128xf32, #tpu.memory_space<vmem>>) target(%dma_start3A_465 : memref<10240x128xf32, #tpu.memory_space<vmem_shared>>) offsets(%dma_start3A_462 : memref<64xi32, #tpu.memory_space<vmem>>) semaphore(%arg20 : memref<!tpu.dma_semaphore, #tpu.memory_space<semaphore_mem>>) {add = true}
      %add3A_466 = arith.constant 4 : i32
      %add3A_467 = arith.addi %add3A_453, %add3A_466 : i32
      %sub3A_468 = arith.constant 1 : i32
      %sub3A_469 = arith.subi %add3A_467, %sub3A_468 : i32
      %lt3A_470 = arith.constant 40 : i32
      %lt3A_471 = arith.cmpi slt, %sub3A_469, %lt3A_470 : i32
      %convert_element_type3A_472 = arith.extui %lt3A_471 : i1 to i32
      %cond3A_473 = arith.constant 0 : i32
      %cond3A_474 = arith.cmpi ne, %convert_element_type3A_472, %cond3A_473 : i32
      scf.if %cond3A_474 {
        %sub3A_475 = arith.constant 1 : i32
        %sub3A_476 = arith.subi %add3A_453, %sub3A_475 : i32
        %ge3A = arith.constant 0 : i32
        %ge3A_477 = arith.cmpi sge, %sub3A_476, %ge3A : i32
        %convert_element_type3A_478 = arith.extui %ge3A_477 : i1 to i32
        %cond3A_479 = arith.constant 0 : i32
        %cond3A_480 = arith.cmpi ne, %convert_element_type3A_478, %cond3A_479 : i32
        scf.if %cond3A_480 {
          %sub3A_491 = arith.constant 1 : i32
          %sub3A_492 = arith.subi %add3A_453, %sub3A_491 : i32
          %dma_wait3A_493 = arith.constant 0 : i32
          %dma_wait3A_494 = tpu.memref_slice %arg6[%sub3A_492, %dma_wait3A_493] : memref<40x64xi32, #tpu.memory_space<vmem>> -> memref<1x64xi32, #tpu.memory_space<vmem>>
          %dma_wait3A_495 = tpu.memref_squeeze %dma_wait3A_494 : memref<1x64xi32, #tpu.memory_space<vmem>> -> memref<64xi32, #tpu.memory_space<vmem>>
          %dma_wait3A_496 = arith.constant 0 : i32
          %dma_wait3A_497 = arith.constant 0 : i32
          %dma_wait3A_498 = tpu.memref_slice %arg11[%dma_wait3A_496, %dma_wait3A_497] : memref<10240x128xf32, #tpu.memory_space<vmem_shared>> -> memref<10240x128xf32, #tpu.memory_space<vmem_shared>>
          tpu.wait_indirect_dma semaphore(%arg19 : memref<!tpu.dma_semaphore, #tpu.memory_space<semaphore_mem>>) src(%arg9 : memref<64x128xf32, #tpu.memory_space<vmem>>) dst(%dma_wait3A_498 : memref<10240x128xf32, #tpu.memory_space<vmem_shared>>)
        } else {
        }
        %add3A_481 = arith.constant 4 : i32
        %add3A_482 = arith.addi %add3A_453, %add3A_481 : i32
        %sub3A_483 = arith.constant 1 : i32
        %sub3A_484 = arith.subi %add3A_482, %sub3A_483 : i32
        %dma_start3A_485 = arith.constant 0 : i32
        %dma_start3A_486 = tpu.memref_slice %arg5[%sub3A_484, %dma_start3A_485] : memref<40x64xi32, #tpu.memory_space<vmem>> -> memref<1x64xi32, #tpu.memory_space<vmem>>
        %dma_start3A_487 = tpu.memref_squeeze %dma_start3A_486 : memref<1x64xi32, #tpu.memory_space<vmem>> -> memref<64xi32, #tpu.memory_space<vmem>>
        %dma_start3A_488 = arith.constant 0 : i32
        %dma_start3A_489 = arith.constant 0 : i32
        %dma_start3A_490 = tpu.memref_slice %arg2[%dma_start3A_488, %dma_start3A_489] : memref<10000x128xf32, #tpu.memory_space<hbm>> -> memref<10000x128xf32, #tpu.memory_space<hbm>>
        tpu.enqueue_indirect_dma source(%dma_start3A_490 : memref<10000x128xf32, #tpu.memory_space<hbm>>) target(%arg9 : memref<64x128xf32, #tpu.memory_space<vmem>>) offsets(%dma_start3A_487 : memref<64xi32, #tpu.memory_space<vmem>>) semaphore(%arg15 : memref<!tpu.dma_semaphore, #tpu.memory_space<semaphore_mem>>)
      } else {
      }
    }
    %scan3A_251 = arith.constant 10 : i32
    %dma_wait3A_252 = arith.constant 36 : i32
    %dma_wait3A_253 = arith.constant 0 : i32
    %dma_wait3A_254 = tpu.memref_slice %arg6[%dma_wait3A_252, %dma_wait3A_253] : memref<40x64xi32, #tpu.memory_space<vmem>> -> memref<1x64xi32, #tpu.memory_space<vmem>>
    %dma_wait3A_255 = tpu.memref_squeeze %dma_wait3A_254 : memref<1x64xi32, #tpu.memory_space<vmem>> -> memref<64xi32, #tpu.memory_space<vmem>>
    %dma_wait3A_256 = arith.constant 0 : i32
    %dma_wait3A_257 = arith.constant 0 : i32
    %dma_wait3A_258 = tpu.memref_slice %arg11[%dma_wait3A_256, %dma_wait3A_257] : memref<10240x128xf32, #tpu.memory_space<vmem_shared>> -> memref<10240x128xf32, #tpu.memory_space<vmem_shared>>
    tpu.wait_indirect_dma semaphore(%arg17 : memref<!tpu.dma_semaphore, #tpu.memory_space<semaphore_mem>>) src(%arg7 : memref<64x128xf32, #tpu.memory_space<vmem>>) dst(%dma_wait3A_258 : memref<10240x128xf32, #tpu.memory_space<vmem_shared>>)
    %dma_wait3A_259 = arith.constant 37 : i32
    %dma_wait3A_260 = arith.constant 0 : i32
    %dma_wait3A_261 = tpu.memref_slice %arg6[%dma_wait3A_259, %dma_wait3A_260] : memref<40x64xi32, #tpu.memory_space<vmem>> -> memref<1x64xi32, #tpu.memory_space<vmem>>
    %dma_wait3A_262 = tpu.memref_squeeze %dma_wait3A_261 : memref<1x64xi32, #tpu.memory_space<vmem>> -> memref<64xi32, #tpu.memory_space<vmem>>
    %dma_wait3A_263 = arith.constant 0 : i32
    %dma_wait3A_264 = arith.constant 0 : i32
    %dma_wait3A_265 = tpu.memref_slice %arg11[%dma_wait3A_263, %dma_wait3A_264] : memref<10240x128xf32, #tpu.memory_space<vmem_shared>> -> memref<10240x128xf32, #tpu.memory_space<vmem_shared>>
    tpu.wait_indirect_dma semaphore(%arg18 : memref<!tpu.dma_semaphore, #tpu.memory_space<semaphore_mem>>) src(%arg8 : memref<64x128xf32, #tpu.memory_space<vmem>>) dst(%dma_wait3A_265 : memref<10240x128xf32, #tpu.memory_space<vmem_shared>>)
    %dma_wait3A_266 = arith.constant 38 : i32
    %dma_wait3A_267 = arith.constant 0 : i32
    %dma_wait3A_268 = tpu.memref_slice %arg6[%dma_wait3A_266, %dma_wait3A_267] : memref<40x64xi32, #tpu.memory_space<vmem>> -> memref<1x64xi32, #tpu.memory_space<vmem>>
    %dma_wait3A_269 = tpu.memref_squeeze %dma_wait3A_268 : memref<1x64xi32, #tpu.memory_space<vmem>> -> memref<64xi32, #tpu.memory_space<vmem>>
    %dma_wait3A_270 = arith.constant 0 : i32
    %dma_wait3A_271 = arith.constant 0 : i32
    %dma_wait3A_272 = tpu.memref_slice %arg11[%dma_wait3A_270, %dma_wait3A_271] : memref<10240x128xf32, #tpu.memory_space<vmem_shared>> -> memref<10240x128xf32, #tpu.memory_space<vmem_shared>>
    tpu.wait_indirect_dma semaphore(%arg19 : memref<!tpu.dma_semaphore, #tpu.memory_space<semaphore_mem>>) src(%arg9 : memref<64x128xf32, #tpu.memory_space<vmem>>) dst(%dma_wait3A_272 : memref<10240x128xf32, #tpu.memory_space<vmem_shared>>)
    %dma_wait3A_273 = arith.constant 39 : i32
    %dma_wait3A_274 = arith.constant 0 : i32
    %dma_wait3A_275 = tpu.memref_slice %arg6[%dma_wait3A_273, %dma_wait3A_274] : memref<40x64xi32, #tpu.memory_space<vmem>> -> memref<1x64xi32, #tpu.memory_space<vmem>>
    %dma_wait3A_276 = tpu.memref_squeeze %dma_wait3A_275 : memref<1x64xi32, #tpu.memory_space<vmem>> -> memref<64xi32, #tpu.memory_space<vmem>>
    %dma_wait3A_277 = arith.constant 0 : i32
    %dma_wait3A_278 = arith.constant 0 : i32
    %dma_wait3A_279 = tpu.memref_slice %arg11[%dma_wait3A_277, %dma_wait3A_278] : memref<10240x128xf32, #tpu.memory_space<vmem_shared>> -> memref<10240x128xf32, #tpu.memory_space<vmem_shared>>
    tpu.wait_indirect_dma semaphore(%arg20 : memref<!tpu.dma_semaphore, #tpu.memory_space<semaphore_mem>>) src(%arg10 : memref<64x128xf32, #tpu.memory_space<vmem>>) dst(%dma_wait3A_279 : memref<10240x128xf32, #tpu.memory_space<vmem_shared>>)
    %dma_start3A_280 = arith.constant 0 : i32
    %dma_start3A_281 = arith.constant 120 : i32
    %dma_start3A_282 = arith.constant 0 : i32
    %dma_start3A_283 = tpu.memref_slice %arg3[%dma_start3A_280, %add3A, %dma_start3A_281, %dma_start3A_282] : memref<2x32x160x64xi32, #tpu.memory_space<hbm>> -> memref<1x1x40x64xi32, #tpu.memory_space<hbm>>
    %dma_start3A_284 = tpu.memref_squeeze %dma_start3A_283 : memref<1x1x40x64xi32, #tpu.memory_space<hbm>> -> memref<40x64xi32, #tpu.memory_space<hbm>>
    %dma_start3A_285 = arith.constant 120 : i32
    %dma_start3A_286 = arith.constant 0 : i32
    %dma_start3A_287 = tpu.memref_slice %arg3[%dma_start3A_280, %add3A, %dma_start3A_285, %dma_start3A_286] : memref<2x32x160x64xi32, #tpu.memory_space<hbm>> -> memref<1x1x40x64xi32, #tpu.memory_space<hbm>>
    %dma_start3A_288 = tpu.memref_squeeze %dma_start3A_287 : memref<1x1x40x64xi32, #tpu.memory_space<hbm>> -> memref<40x64xi32, #tpu.memory_space<hbm>>
    tpu.enqueue_dma source(%dma_start3A_288 : memref<40x64xi32, #tpu.memory_space<hbm>>) target(%arg5 : memref<40x64xi32, #tpu.memory_space<vmem>>) target_semaphore(%arg12 : memref<!tpu.dma_semaphore, #tpu.memory_space<semaphore_mem>>)
    %dma_start3A_289 = arith.constant 1 : i32
    %dma_start3A_290 = arith.constant 120 : i32
    %dma_start3A_291 = arith.constant 0 : i32
    %dma_start3A_292 = tpu.memref_slice %arg3[%dma_start3A_289, %add3A, %dma_start3A_290, %dma_start3A_291] : memref<2x32x160x64xi32, #tpu.memory_space<hbm>> -> memref<1x1x40x64xi32, #tpu.memory_space<hbm>>
    %dma_start3A_293 = tpu.memref_squeeze %dma_start3A_292 : memref<1x1x40x64xi32, #tpu.memory_space<hbm>> -> memref<40x64xi32, #tpu.memory_space<hbm>>
    %dma_start3A_294 = arith.constant 120 : i32
    %dma_start3A_295 = arith.constant 0 : i32
    %dma_start3A_296 = tpu.memref_slice %arg3[%dma_start3A_289, %add3A, %dma_start3A_294, %dma_start3A_295] : memref<2x32x160x64xi32, #tpu.memory_space<hbm>> -> memref<1x1x40x64xi32, #tpu.memory_space<hbm>>
    %dma_start3A_297 = tpu.memref_squeeze %dma_start3A_296 : memref<1x1x40x64xi32, #tpu.memory_space<hbm>> -> memref<40x64xi32, #tpu.memory_space<hbm>>
    tpu.enqueue_dma source(%dma_start3A_297 : memref<40x64xi32, #tpu.memory_space<hbm>>) target(%arg6 : memref<40x64xi32, #tpu.memory_space<vmem>>) target_semaphore(%arg12 : memref<!tpu.dma_semaphore, #tpu.memory_space<semaphore_mem>>)
    %dma_wait3A_298 = arith.constant 0 : i32
    %dma_wait3A_299 = arith.constant 120 : i32
    %dma_wait3A_300 = arith.constant 0 : i32
    %dma_wait3A_301 = tpu.memref_slice %arg3[%dma_wait3A_298, %add3A, %dma_wait3A_299, %dma_wait3A_300] : memref<2x32x160x64xi32, #tpu.memory_space<hbm>> -> memref<1x1x40x64xi32, #tpu.memory_space<hbm>>
    %dma_wait3A_302 = tpu.memref_squeeze %dma_wait3A_301 : memref<1x1x40x64xi32, #tpu.memory_space<hbm>> -> memref<40x64xi32, #tpu.memory_space<hbm>>
    %dma_wait3A_303 = arith.constant 120 : i32
    %dma_wait3A_304 = arith.constant 0 : i32
    %dma_wait3A_305 = tpu.memref_slice %arg3[%dma_wait3A_298, %add3A, %dma_wait3A_303, %dma_wait3A_304] : memref<2x32x160x64xi32, #tpu.memory_space<hbm>> -> memref<1x1x40x64xi32, #tpu.memory_space<hbm>>
    %dma_wait3A_306 = tpu.memref_squeeze %dma_wait3A_305 : memref<1x1x40x64xi32, #tpu.memory_space<hbm>> -> memref<40x64xi32, #tpu.memory_space<hbm>>
    tpu.wait_dma2 semaphore(%arg12 : memref<!tpu.dma_semaphore, #tpu.memory_space<semaphore_mem>>) src(%dma_wait3A_306 : memref<40x64xi32, #tpu.memory_space<hbm>>) dst(%arg5 : memref<40x64xi32, #tpu.memory_space<vmem>>)
    %dma_wait3A_307 = arith.constant 1 : i32
    %dma_wait3A_308 = arith.constant 120 : i32
    %dma_wait3A_309 = arith.constant 0 : i32
    %dma_wait3A_310 = tpu.memref_slice %arg3[%dma_wait3A_307, %add3A, %dma_wait3A_308, %dma_wait3A_309] : memref<2x32x160x64xi32, #tpu.memory_space<hbm>> -> memref<1x1x40x64xi32, #tpu.memory_space<hbm>>
    %dma_wait3A_311 = tpu.memref_squeeze %dma_wait3A_310 : memref<1x1x40x64xi32, #tpu.memory_space<hbm>> -> memref<40x64xi32, #tpu.memory_space<hbm>>
    %dma_wait3A_312 = arith.constant 120 : i32
    %dma_wait3A_313 = arith.constant 0 : i32
    %dma_wait3A_314 = tpu.memref_slice %arg3[%dma_wait3A_307, %add3A, %dma_wait3A_312, %dma_wait3A_313] : memref<2x32x160x64xi32, #tpu.memory_space<hbm>> -> memref<1x1x40x64xi32, #tpu.memory_space<hbm>>
    %dma_wait3A_315 = tpu.memref_squeeze %dma_wait3A_314 : memref<1x1x40x64xi32, #tpu.memory_space<hbm>> -> memref<40x64xi32, #tpu.memory_space<hbm>>
    tpu.wait_dma2 semaphore(%arg12 : memref<!tpu.dma_semaphore, #tpu.memory_space<semaphore_mem>>) src(%dma_wait3A_315 : memref<40x64xi32, #tpu.memory_space<hbm>>) dst(%arg6 : memref<40x64xi32, #tpu.memory_space<vmem>>)
    %dma_start3A_316 = arith.constant 0 : i32
    %dma_start3A_317 = arith.constant 0 : i32
    %dma_start3A_318 = tpu.memref_slice %arg5[%dma_start3A_316, %dma_start3A_317] : memref<40x64xi32, #tpu.memory_space<vmem>> -> memref<1x64xi32, #tpu.memory_space<vmem>>
    %dma_start3A_319 = tpu.memref_squeeze %dma_start3A_318 : memref<1x64xi32, #tpu.memory_space<vmem>> -> memref<64xi32, #tpu.memory_space<vmem>>
    %dma_start3A_320 = arith.constant 0 : i32
    %dma_start3A_321 = arith.constant 0 : i32
    %dma_start3A_322 = tpu.memref_slice %arg2[%dma_start3A_320, %dma_start3A_321] : memref<10000x128xf32, #tpu.memory_space<hbm>> -> memref<10000x128xf32, #tpu.memory_space<hbm>>
    tpu.enqueue_indirect_dma source(%dma_start3A_322 : memref<10000x128xf32, #tpu.memory_space<hbm>>) target(%arg7 : memref<64x128xf32, #tpu.memory_space<vmem>>) offsets(%dma_start3A_319 : memref<64xi32, #tpu.memory_space<vmem>>) semaphore(%arg13 : memref<!tpu.dma_semaphore, #tpu.memory_space<semaphore_mem>>)
    %dma_start3A_323 = arith.constant 1 : i32
    %dma_start3A_324 = arith.constant 0 : i32
    %dma_start3A_325 = tpu.memref_slice %arg5[%dma_start3A_323, %dma_start3A_324] : memref<40x64xi32, #tpu.memory_space<vmem>> -> memref<1x64xi32, #tpu.memory_space<vmem>>
    %dma_start3A_326 = tpu.memref_squeeze %dma_start3A_325 : memref<1x64xi32, #tpu.memory_space<vmem>> -> memref<64xi32, #tpu.memory_space<vmem>>
    %dma_start3A_327 = arith.constant 0 : i32
    %dma_start3A_328 = arith.constant 0 : i32
    %dma_start3A_329 = tpu.memref_slice %arg2[%dma_start3A_327, %dma_start3A_328] : memref<10000x128xf32, #tpu.memory_space<hbm>> -> memref<10000x128xf32, #tpu.memory_space<hbm>>
    tpu.enqueue_indirect_dma source(%dma_start3A_329 : memref<10000x128xf32, #tpu.memory_space<hbm>>) target(%arg8 : memref<64x128xf32, #tpu.memory_space<vmem>>) offsets(%dma_start3A_326 : memref<64xi32, #tpu.memory_space<vmem>>) semaphore(%arg14 : memref<!tpu.dma_semaphore, #tpu.memory_space<semaphore_mem>>)
    %dma_start3A_330 = arith.constant 2 : i32
    %dma_start3A_331 = arith.constant 0 : i32
    %dma_start3A_332 = tpu.memref_slice %arg5[%dma_start3A_330, %dma_start3A_331] : memref<40x64xi32, #tpu.memory_space<vmem>> -> memref<1x64xi32, #tpu.memory_space<vmem>>
    %dma_start3A_333 = tpu.memref_squeeze %dma_start3A_332 : memref<1x64xi32, #tpu.memory_space<vmem>> -> memref<64xi32, #tpu.memory_space<vmem>>
    %dma_start3A_334 = arith.constant 0 : i32
    %dma_start3A_335 = arith.constant 0 : i32
    %dma_start3A_336 = tpu.memref_slice %arg2[%dma_start3A_334, %dma_start3A_335] : memref<10000x128xf32, #tpu.memory_space<hbm>> -> memref<10000x128xf32, #tpu.memory_space<hbm>>
    tpu.enqueue_indirect_dma source(%dma_start3A_336 : memref<10000x128xf32, #tpu.memory_space<hbm>>) target(%arg9 : memref<64x128xf32, #tpu.memory_space<vmem>>) offsets(%dma_start3A_333 : memref<64xi32, #tpu.memory_space<vmem>>) semaphore(%arg15 : memref<!tpu.dma_semaphore, #tpu.memory_space<semaphore_mem>>)
    %scan3A_337 = arith.constant 0 : i32
    %scan3A_338 = arith.constant 10 : i32
    %scan3A_339 = arith.addi %scan3A_337, %scan3A_338 : i32
    %scan3A_340 = arith.constant 1 : i32
    scf.for %scan3A_379 = %scan3A_337 to %scan3A_339 step %scan3A_340  : i32 {
      %mul3A_380 = arith.constant 4 : i32
      %mul3A_381 = arith.muli %scan3A_379, %mul3A_380 : i32
      %add3A_382 = arith.constant 0 : i32
      %add3A_383 = arith.addi %add3A_382, %mul3A_381 : i32
      %add3A_384 = arith.constant 0 : i32
      %add3A_385 = arith.addi %add3A_383, %add3A_384 : i32
      %dma_wait3A_386 = arith.constant 0 : i32
      %dma_wait3A_387 = tpu.memref_slice %arg5[%add3A_385, %dma_wait3A_386] : memref<40x64xi32, #tpu.memory_space<vmem>> -> memref<1x64xi32, #tpu.memory_space<vmem>>
      %dma_wait3A_388 = tpu.memref_squeeze %dma_wait3A_387 : memref<1x64xi32, #tpu.memory_space<vmem>> -> memref<64xi32, #tpu.memory_space<vmem>>
      %dma_wait3A_389 = arith.constant 0 : i32
      %dma_wait3A_390 = arith.constant 0 : i32
      %dma_wait3A_391 = tpu.memref_slice %arg2[%dma_wait3A_389, %dma_wait3A_390] : memref<10000x128xf32, #tpu.memory_space<hbm>> -> memref<10000x128xf32, #tpu.memory_space<hbm>>
      tpu.wait_indirect_dma semaphore(%arg13 : memref<!tpu.dma_semaphore, #tpu.memory_space<semaphore_mem>>) src(%dma_wait3A_391 : memref<10000x128xf32, #tpu.memory_space<hbm>>) dst(%arg7 : memref<64x128xf32, #tpu.memory_space<vmem>>)
      %dma_start3A_392 = arith.constant 0 : i32
      %dma_start3A_393 = tpu.memref_slice %arg6[%add3A_385, %dma_start3A_392] : memref<40x64xi32, #tpu.memory_space<vmem>> -> memref<1x64xi32, #tpu.memory_space<vmem>>
      %dma_start3A_394 = tpu.memref_squeeze %dma_start3A_393 : memref<1x64xi32, #tpu.memory_space<vmem>> -> memref<64xi32, #tpu.memory_space<vmem>>
      %dma_start3A_395 = arith.constant 0 : i32
      %dma_start3A_396 = arith.constant 0 : i32
      %dma_start3A_397 = tpu.memref_slice %arg11[%dma_start3A_395, %dma_start3A_396] : memref<10240x128xf32, #tpu.memory_space<vmem_shared>> -> memref<10240x128xf32, #tpu.memory_space<vmem_shared>>
      tpu.enqueue_indirect_dma source(%arg7 : memref<64x128xf32, #tpu.memory_space<vmem>>) target(%dma_start3A_397 : memref<10240x128xf32, #tpu.memory_space<vmem_shared>>) offsets(%dma_start3A_394 : memref<64xi32, #tpu.memory_space<vmem>>) semaphore(%arg17 : memref<!tpu.dma_semaphore, #tpu.memory_space<semaphore_mem>>) {add = true}
      %add3A_398 = arith.constant 4 : i32
      %add3A_399 = arith.addi %add3A_385, %add3A_398 : i32
      %sub3A = arith.constant 1 : i32
      %sub3A_400 = arith.subi %add3A_399, %sub3A : i32
      %lt3A_401 = arith.constant 40 : i32
      %lt3A_402 = arith.cmpi slt, %sub3A_400, %lt3A_401 : i32
      %convert_element_type3A_403 = arith.extui %lt3A_402 : i1 to i32
      %cond3A_404 = arith.constant 0 : i32
      %cond3A_405 = arith.cmpi ne, %convert_element_type3A_403, %cond3A_404 : i32
      scf.if %cond3A_405 {
        %sub3A_475 = arith.constant 1 : i32
        %sub3A_476 = arith.subi %add3A_385, %sub3A_475 : i32
        %ge3A = arith.constant 0 : i32
        %ge3A_477 = arith.cmpi sge, %sub3A_476, %ge3A : i32
        %convert_element_type3A_478 = arith.extui %ge3A_477 : i1 to i32
        %cond3A_479 = arith.constant 0 : i32
        %cond3A_480 = arith.cmpi ne, %convert_element_type3A_478, %cond3A_479 : i32
        scf.if %cond3A_480 {
          %sub3A_491 = arith.constant 1 : i32
          %sub3A_492 = arith.subi %add3A_385, %sub3A_491 : i32
          %dma_wait3A_493 = arith.constant 0 : i32
          %dma_wait3A_494 = tpu.memref_slice %arg6[%sub3A_492, %dma_wait3A_493] : memref<40x64xi32, #tpu.memory_space<vmem>> -> memref<1x64xi32, #tpu.memory_space<vmem>>
          %dma_wait3A_495 = tpu.memref_squeeze %dma_wait3A_494 : memref<1x64xi32, #tpu.memory_space<vmem>> -> memref<64xi32, #tpu.memory_space<vmem>>
          %dma_wait3A_496 = arith.constant 0 : i32
          %dma_wait3A_497 = arith.constant 0 : i32
          %dma_wait3A_498 = tpu.memref_slice %arg11[%dma_wait3A_496, %dma_wait3A_497] : memref<10240x128xf32, #tpu.memory_space<vmem_shared>> -> memref<10240x128xf32, #tpu.memory_space<vmem_shared>>
          tpu.wait_indirect_dma semaphore(%arg20 : memref<!tpu.dma_semaphore, #tpu.memory_space<semaphore_mem>>) src(%arg10 : memref<64x128xf32, #tpu.memory_space<vmem>>) dst(%dma_wait3A_498 : memref<10240x128xf32, #tpu.memory_space<vmem_shared>>)
        } else {
        }
        %add3A_481 = arith.constant 4 : i32
        %add3A_482 = arith.addi %add3A_385, %add3A_481 : i32
        %sub3A_483 = arith.constant 1 : i32
        %sub3A_484 = arith.subi %add3A_482, %sub3A_483 : i32
        %dma_start3A_485 = arith.constant 0 : i32
        %dma_start3A_486 = tpu.memref_slice %arg5[%sub3A_484, %dma_start3A_485] : memref<40x64xi32, #tpu.memory_space<vmem>> -> memref<1x64xi32, #tpu.memory_space<vmem>>
        %dma_start3A_487 = tpu.memref_squeeze %dma_start3A_486 : memref<1x64xi32, #tpu.memory_space<vmem>> -> memref<64xi32, #tpu.memory_space<vmem>>
        %dma_start3A_488 = arith.constant 0 : i32
        %dma_start3A_489 = arith.constant 0 : i32
        %dma_start3A_490 = tpu.memref_slice %arg2[%dma_start3A_488, %dma_start3A_489] : memref<10000x128xf32, #tpu.memory_space<hbm>> -> memref<10000x128xf32, #tpu.memory_space<hbm>>
        tpu.enqueue_indirect_dma source(%dma_start3A_490 : memref<10000x128xf32, #tpu.memory_space<hbm>>) target(%arg10 : memref<64x128xf32, #tpu.memory_space<vmem>>) offsets(%dma_start3A_487 : memref<64xi32, #tpu.memory_space<vmem>>) semaphore(%arg16 : memref<!tpu.dma_semaphore, #tpu.memory_space<semaphore_mem>>)
      } else {
      }
      %add3A_406 = arith.constant 1 : i32
      %add3A_407 = arith.addi %add3A_383, %add3A_406 : i32
      %dma_wait3A_408 = arith.constant 0 : i32
      %dma_wait3A_409 = tpu.memref_slice %arg5[%add3A_407, %dma_wait3A_408] : memref<40x64xi32, #tpu.memory_space<vmem>> -> memref<1x64xi32, #tpu.memory_space<vmem>>
      %dma_wait3A_410 = tpu.memref_squeeze %dma_wait3A_409 : memref<1x64xi32, #tpu.memory_space<vmem>> -> memref<64xi32, #tpu.memory_space<vmem>>
      %dma_wait3A_411 = arith.constant 0 : i32
      %dma_wait3A_412 = arith.constant 0 : i32
      %dma_wait3A_413 = tpu.memref_slice %arg2[%dma_wait3A_411, %dma_wait3A_412] : memref<10000x128xf32, #tpu.memory_space<hbm>> -> memref<10000x128xf32, #tpu.memory_space<hbm>>
      tpu.wait_indirect_dma semaphore(%arg14 : memref<!tpu.dma_semaphore, #tpu.memory_space<semaphore_mem>>) src(%dma_wait3A_413 : memref<10000x128xf32, #tpu.memory_space<hbm>>) dst(%arg8 : memref<64x128xf32, #tpu.memory_space<vmem>>)
      %dma_start3A_414 = arith.constant 0 : i32
      %dma_start3A_415 = tpu.memref_slice %arg6[%add3A_407, %dma_start3A_414] : memref<40x64xi32, #tpu.memory_space<vmem>> -> memref<1x64xi32, #tpu.memory_space<vmem>>
      %dma_start3A_416 = tpu.memref_squeeze %dma_start3A_415 : memref<1x64xi32, #tpu.memory_space<vmem>> -> memref<64xi32, #tpu.memory_space<vmem>>
      %dma_start3A_417 = arith.constant 0 : i32
      %dma_start3A_418 = arith.constant 0 : i32
      %dma_start3A_419 = tpu.memref_slice %arg11[%dma_start3A_417, %dma_start3A_418] : memref<10240x128xf32, #tpu.memory_space<vmem_shared>> -> memref<10240x128xf32, #tpu.memory_space<vmem_shared>>
      tpu.enqueue_indirect_dma source(%arg8 : memref<64x128xf32, #tpu.memory_space<vmem>>) target(%dma_start3A_419 : memref<10240x128xf32, #tpu.memory_space<vmem_shared>>) offsets(%dma_start3A_416 : memref<64xi32, #tpu.memory_space<vmem>>) semaphore(%arg18 : memref<!tpu.dma_semaphore, #tpu.memory_space<semaphore_mem>>) {add = true}
      %add3A_420 = arith.constant 4 : i32
      %add3A_421 = arith.addi %add3A_407, %add3A_420 : i32
      %sub3A_422 = arith.constant 1 : i32
      %sub3A_423 = arith.subi %add3A_421, %sub3A_422 : i32
      %lt3A_424 = arith.constant 40 : i32
      %lt3A_425 = arith.cmpi slt, %sub3A_423, %lt3A_424 : i32
      %convert_element_type3A_426 = arith.extui %lt3A_425 : i1 to i32
      %cond3A_427 = arith.constant 0 : i32
      %cond3A_428 = arith.cmpi ne, %convert_element_type3A_426, %cond3A_427 : i32
      scf.if %cond3A_428 {
        %sub3A_475 = arith.constant 1 : i32
        %sub3A_476 = arith.subi %add3A_407, %sub3A_475 : i32
        %ge3A = arith.constant 0 : i32
        %ge3A_477 = arith.cmpi sge, %sub3A_476, %ge3A : i32
        %convert_element_type3A_478 = arith.extui %ge3A_477 : i1 to i32
        %cond3A_479 = arith.constant 0 : i32
        %cond3A_480 = arith.cmpi ne, %convert_element_type3A_478, %cond3A_479 : i32
        scf.if %cond3A_480 {
          %sub3A_491 = arith.constant 1 : i32
          %sub3A_492 = arith.subi %add3A_407, %sub3A_491 : i32
          %dma_wait3A_493 = arith.constant 0 : i32
          %dma_wait3A_494 = tpu.memref_slice %arg6[%sub3A_492, %dma_wait3A_493] : memref<40x64xi32, #tpu.memory_space<vmem>> -> memref<1x64xi32, #tpu.memory_space<vmem>>
          %dma_wait3A_495 = tpu.memref_squeeze %dma_wait3A_494 : memref<1x64xi32, #tpu.memory_space<vmem>> -> memref<64xi32, #tpu.memory_space<vmem>>
          %dma_wait3A_496 = arith.constant 0 : i32
          %dma_wait3A_497 = arith.constant 0 : i32
          %dma_wait3A_498 = tpu.memref_slice %arg11[%dma_wait3A_496, %dma_wait3A_497] : memref<10240x128xf32, #tpu.memory_space<vmem_shared>> -> memref<10240x128xf32, #tpu.memory_space<vmem_shared>>
          tpu.wait_indirect_dma semaphore(%arg17 : memref<!tpu.dma_semaphore, #tpu.memory_space<semaphore_mem>>) src(%arg7 : memref<64x128xf32, #tpu.memory_space<vmem>>) dst(%dma_wait3A_498 : memref<10240x128xf32, #tpu.memory_space<vmem_shared>>)
        } else {
        }
        %add3A_481 = arith.constant 4 : i32
        %add3A_482 = arith.addi %add3A_407, %add3A_481 : i32
        %sub3A_483 = arith.constant 1 : i32
        %sub3A_484 = arith.subi %add3A_482, %sub3A_483 : i32
        %dma_start3A_485 = arith.constant 0 : i32
        %dma_start3A_486 = tpu.memref_slice %arg5[%sub3A_484, %dma_start3A_485] : memref<40x64xi32, #tpu.memory_space<vmem>> -> memref<1x64xi32, #tpu.memory_space<vmem>>
        %dma_start3A_487 = tpu.memref_squeeze %dma_start3A_486 : memref<1x64xi32, #tpu.memory_space<vmem>> -> memref<64xi32, #tpu.memory_space<vmem>>
        %dma_start3A_488 = arith.constant 0 : i32
        %dma_start3A_489 = arith.constant 0 : i32
        %dma_start3A_490 = tpu.memref_slice %arg2[%dma_start3A_488, %dma_start3A_489] : memref<10000x128xf32, #tpu.memory_space<hbm>> -> memref<10000x128xf32, #tpu.memory_space<hbm>>
        tpu.enqueue_indirect_dma source(%dma_start3A_490 : memref<10000x128xf32, #tpu.memory_space<hbm>>) target(%arg7 : memref<64x128xf32, #tpu.memory_space<vmem>>) offsets(%dma_start3A_487 : memref<64xi32, #tpu.memory_space<vmem>>) semaphore(%arg13 : memref<!tpu.dma_semaphore, #tpu.memory_space<semaphore_mem>>)
      } else {
      }
      %add3A_429 = arith.constant 2 : i32
      %add3A_430 = arith.addi %add3A_383, %add3A_429 : i32
      %dma_wait3A_431 = arith.constant 0 : i32
      %dma_wait3A_432 = tpu.memref_slice %arg5[%add3A_430, %dma_wait3A_431] : memref<40x64xi32, #tpu.memory_space<vmem>> -> memref<1x64xi32, #tpu.memory_space<vmem>>
      %dma_wait3A_433 = tpu.memref_squeeze %dma_wait3A_432 : memref<1x64xi32, #tpu.memory_space<vmem>> -> memref<64xi32, #tpu.memory_space<vmem>>
      %dma_wait3A_434 = arith.constant 0 : i32
      %dma_wait3A_435 = arith.constant 0 : i32
      %dma_wait3A_436 = tpu.memref_slice %arg2[%dma_wait3A_434, %dma_wait3A_435] : memref<10000x128xf32, #tpu.memory_space<hbm>> -> memref<10000x128xf32, #tpu.memory_space<hbm>>
      tpu.wait_indirect_dma semaphore(%arg15 : memref<!tpu.dma_semaphore, #tpu.memory_space<semaphore_mem>>) src(%dma_wait3A_436 : memref<10000x128xf32, #tpu.memory_space<hbm>>) dst(%arg9 : memref<64x128xf32, #tpu.memory_space<vmem>>)
      %dma_start3A_437 = arith.constant 0 : i32
      %dma_start3A_438 = tpu.memref_slice %arg6[%add3A_430, %dma_start3A_437] : memref<40x64xi32, #tpu.memory_space<vmem>> -> memref<1x64xi32, #tpu.memory_space<vmem>>
      %dma_start3A_439 = tpu.memref_squeeze %dma_start3A_438 : memref<1x64xi32, #tpu.memory_space<vmem>> -> memref<64xi32, #tpu.memory_space<vmem>>
      %dma_start3A_440 = arith.constant 0 : i32
      %dma_start3A_441 = arith.constant 0 : i32
      %dma_start3A_442 = tpu.memref_slice %arg11[%dma_start3A_440, %dma_start3A_441] : memref<10240x128xf32, #tpu.memory_space<vmem_shared>> -> memref<10240x128xf32, #tpu.memory_space<vmem_shared>>
      tpu.enqueue_indirect_dma source(%arg9 : memref<64x128xf32, #tpu.memory_space<vmem>>) target(%dma_start3A_442 : memref<10240x128xf32, #tpu.memory_space<vmem_shared>>) offsets(%dma_start3A_439 : memref<64xi32, #tpu.memory_space<vmem>>) semaphore(%arg19 : memref<!tpu.dma_semaphore, #tpu.memory_space<semaphore_mem>>) {add = true}
      %add3A_443 = arith.constant 4 : i32
      %add3A_444 = arith.addi %add3A_430, %add3A_443 : i32
      %sub3A_445 = arith.constant 1 : i32
      %sub3A_446 = arith.subi %add3A_444, %sub3A_445 : i32
      %lt3A_447 = arith.constant 40 : i32
      %lt3A_448 = arith.cmpi slt, %sub3A_446, %lt3A_447 : i32
      %convert_element_type3A_449 = arith.extui %lt3A_448 : i1 to i32
      %cond3A_450 = arith.constant 0 : i32
      %cond3A_451 = arith.cmpi ne, %convert_element_type3A_449, %cond3A_450 : i32
      scf.if %cond3A_451 {
        %sub3A_475 = arith.constant 1 : i32
        %sub3A_476 = arith.subi %add3A_430, %sub3A_475 : i32
        %ge3A = arith.constant 0 : i32
        %ge3A_477 = arith.cmpi sge, %sub3A_476, %ge3A : i32
        %convert_element_type3A_478 = arith.extui %ge3A_477 : i1 to i32
        %cond3A_479 = arith.constant 0 : i32
        %cond3A_480 = arith.cmpi ne, %convert_element_type3A_478, %cond3A_479 : i32
        scf.if %cond3A_480 {
          %sub3A_491 = arith.constant 1 : i32
          %sub3A_492 = arith.subi %add3A_430, %sub3A_491 : i32
          %dma_wait3A_493 = arith.constant 0 : i32
          %dma_wait3A_494 = tpu.memref_slice %arg6[%sub3A_492, %dma_wait3A_493] : memref<40x64xi32, #tpu.memory_space<vmem>> -> memref<1x64xi32, #tpu.memory_space<vmem>>
          %dma_wait3A_495 = tpu.memref_squeeze %dma_wait3A_494 : memref<1x64xi32, #tpu.memory_space<vmem>> -> memref<64xi32, #tpu.memory_space<vmem>>
          %dma_wait3A_496 = arith.constant 0 : i32
          %dma_wait3A_497 = arith.constant 0 : i32
          %dma_wait3A_498 = tpu.memref_slice %arg11[%dma_wait3A_496, %dma_wait3A_497] : memref<10240x128xf32, #tpu.memory_space<vmem_shared>> -> memref<10240x128xf32, #tpu.memory_space<vmem_shared>>
          tpu.wait_indirect_dma semaphore(%arg18 : memref<!tpu.dma_semaphore, #tpu.memory_space<semaphore_mem>>) src(%arg8 : memref<64x128xf32, #tpu.memory_space<vmem>>) dst(%dma_wait3A_498 : memref<10240x128xf32, #tpu.memory_space<vmem_shared>>)
        } else {
        }
        %add3A_481 = arith.constant 4 : i32
        %add3A_482 = arith.addi %add3A_430, %add3A_481 : i32
        %sub3A_483 = arith.constant 1 : i32
        %sub3A_484 = arith.subi %add3A_482, %sub3A_483 : i32
        %dma_start3A_485 = arith.constant 0 : i32
        %dma_start3A_486 = tpu.memref_slice %arg5[%sub3A_484, %dma_start3A_485] : memref<40x64xi32, #tpu.memory_space<vmem>> -> memref<1x64xi32, #tpu.memory_space<vmem>>
        %dma_start3A_487 = tpu.memref_squeeze %dma_start3A_486 : memref<1x64xi32, #tpu.memory_space<vmem>> -> memref<64xi32, #tpu.memory_space<vmem>>
        %dma_start3A_488 = arith.constant 0 : i32
        %dma_start3A_489 = arith.constant 0 : i32
        %dma_start3A_490 = tpu.memref_slice %arg2[%dma_start3A_488, %dma_start3A_489] : memref<10000x128xf32, #tpu.memory_space<hbm>> -> memref<10000x128xf32, #tpu.memory_space<hbm>>
        tpu.enqueue_indirect_dma source(%dma_start3A_490 : memref<10000x128xf32, #tpu.memory_space<hbm>>) target(%arg8 : memref<64x128xf32, #tpu.memory_space<vmem>>) offsets(%dma_start3A_487 : memref<64xi32, #tpu.memory_space<vmem>>) semaphore(%arg14 : memref<!tpu.dma_semaphore, #tpu.memory_space<semaphore_mem>>)
      } else {
      }
      %add3A_452 = arith.constant 3 : i32
      %add3A_453 = arith.addi %add3A_383, %add3A_452 : i32
      %dma_wait3A_454 = arith.constant 0 : i32
      %dma_wait3A_455 = tpu.memref_slice %arg5[%add3A_453, %dma_wait3A_454] : memref<40x64xi32, #tpu.memory_space<vmem>> -> memref<1x64xi32, #tpu.memory_space<vmem>>
      %dma_wait3A_456 = tpu.memref_squeeze %dma_wait3A_455 : memref<1x64xi32, #tpu.memory_space<vmem>> -> memref<64xi32, #tpu.memory_space<vmem>>
      %dma_wait3A_457 = arith.constant 0 : i32
      %dma_wait3A_458 = arith.constant 0 : i32
      %dma_wait3A_459 = tpu.memref_slice %arg2[%dma_wait3A_457, %dma_wait3A_458] : memref<10000x128xf32, #tpu.memory_space<hbm>> -> memref<10000x128xf32, #tpu.memory_space<hbm>>
      tpu.wait_indirect_dma semaphore(%arg16 : memref<!tpu.dma_semaphore, #tpu.memory_space<semaphore_mem>>) src(%dma_wait3A_459 : memref<10000x128xf32, #tpu.memory_space<hbm>>) dst(%arg10 : memref<64x128xf32, #tpu.memory_space<vmem>>)
      %dma_start3A_460 = arith.constant 0 : i32
      %dma_start3A_461 = tpu.memref_slice %arg6[%add3A_453, %dma_start3A_460] : memref<40x64xi32, #tpu.memory_space<vmem>> -> memref<1x64xi32, #tpu.memory_space<vmem>>
      %dma_start3A_462 = tpu.memref_squeeze %dma_start3A_461 : memref<1x64xi32, #tpu.memory_space<vmem>> -> memref<64xi32, #tpu.memory_space<vmem>>
      %dma_start3A_463 = arith.constant 0 : i32
      %dma_start3A_464 = arith.constant 0 : i32
      %dma_start3A_465 = tpu.memref_slice %arg11[%dma_start3A_463, %dma_start3A_464] : memref<10240x128xf32, #tpu.memory_space<vmem_shared>> -> memref<10240x128xf32, #tpu.memory_space<vmem_shared>>
      tpu.enqueue_indirect_dma source(%arg10 : memref<64x128xf32, #tpu.memory_space<vmem>>) target(%dma_start3A_465 : memref<10240x128xf32, #tpu.memory_space<vmem_shared>>) offsets(%dma_start3A_462 : memref<64xi32, #tpu.memory_space<vmem>>) semaphore(%arg20 : memref<!tpu.dma_semaphore, #tpu.memory_space<semaphore_mem>>) {add = true}
      %add3A_466 = arith.constant 4 : i32
      %add3A_467 = arith.addi %add3A_453, %add3A_466 : i32
      %sub3A_468 = arith.constant 1 : i32
      %sub3A_469 = arith.subi %add3A_467, %sub3A_468 : i32
      %lt3A_470 = arith.constant 40 : i32
      %lt3A_471 = arith.cmpi slt, %sub3A_469, %lt3A_470 : i32
      %convert_element_type3A_472 = arith.extui %lt3A_471 : i1 to i32
      %cond3A_473 = arith.constant 0 : i32
      %cond3A_474 = arith.cmpi ne, %convert_element_type3A_472, %cond3A_473 : i32
      scf.if %cond3A_474 {
        %sub3A_475 = arith.constant 1 : i32
        %sub3A_476 = arith.subi %add3A_453, %sub3A_475 : i32
        %ge3A = arith.constant 0 : i32
        %ge3A_477 = arith.cmpi sge, %sub3A_476, %ge3A : i32
        %convert_element_type3A_478 = arith.extui %ge3A_477 : i1 to i32
        %cond3A_479 = arith.constant 0 : i32
        %cond3A_480 = arith.cmpi ne, %convert_element_type3A_478, %cond3A_479 : i32
        scf.if %cond3A_480 {
          %sub3A_491 = arith.constant 1 : i32
          %sub3A_492 = arith.subi %add3A_453, %sub3A_491 : i32
          %dma_wait3A_493 = arith.constant 0 : i32
          %dma_wait3A_494 = tpu.memref_slice %arg6[%sub3A_492, %dma_wait3A_493] : memref<40x64xi32, #tpu.memory_space<vmem>> -> memref<1x64xi32, #tpu.memory_space<vmem>>
          %dma_wait3A_495 = tpu.memref_squeeze %dma_wait3A_494 : memref<1x64xi32, #tpu.memory_space<vmem>> -> memref<64xi32, #tpu.memory_space<vmem>>
          %dma_wait3A_496 = arith.constant 0 : i32
          %dma_wait3A_497 = arith.constant 0 : i32
          %dma_wait3A_498 = tpu.memref_slice %arg11[%dma_wait3A_496, %dma_wait3A_497] : memref<10240x128xf32, #tpu.memory_space<vmem_shared>> -> memref<10240x128xf32, #tpu.memory_space<vmem_shared>>
          tpu.wait_indirect_dma semaphore(%arg19 : memref<!tpu.dma_semaphore, #tpu.memory_space<semaphore_mem>>) src(%arg9 : memref<64x128xf32, #tpu.memory_space<vmem>>) dst(%dma_wait3A_498 : memref<10240x128xf32, #tpu.memory_space<vmem_shared>>)
        } else {
        }
        %add3A_481 = arith.constant 4 : i32
        %add3A_482 = arith.addi %add3A_453, %add3A_481 : i32
        %sub3A_483 = arith.constant 1 : i32
        %sub3A_484 = arith.subi %add3A_482, %sub3A_483 : i32
        %dma_start3A_485 = arith.constant 0 : i32
        %dma_start3A_486 = tpu.memref_slice %arg5[%sub3A_484, %dma_start3A_485] : memref<40x64xi32, #tpu.memory_space<vmem>> -> memref<1x64xi32, #tpu.memory_space<vmem>>
        %dma_start3A_487 = tpu.memref_squeeze %dma_start3A_486 : memref<1x64xi32, #tpu.memory_space<vmem>> -> memref<64xi32, #tpu.memory_space<vmem>>
        %dma_start3A_488 = arith.constant 0 : i32
        %dma_start3A_489 = arith.constant 0 : i32
        %dma_start3A_490 = tpu.memref_slice %arg2[%dma_start3A_488, %dma_start3A_489] : memref<10000x128xf32, #tpu.memory_space<hbm>> -> memref<10000x128xf32, #tpu.memory_space<hbm>>
        tpu.enqueue_indirect_dma source(%dma_start3A_490 : memref<10000x128xf32, #tpu.memory_space<hbm>>) target(%arg9 : memref<64x128xf32, #tpu.memory_space<vmem>>) offsets(%dma_start3A_487 : memref<64xi32, #tpu.memory_space<vmem>>) semaphore(%arg15 : memref<!tpu.dma_semaphore, #tpu.memory_space<semaphore_mem>>)
      } else {
      }
    }
    %scan3A_341 = arith.constant 10 : i32
    %dma_wait3A_342 = arith.constant 36 : i32
    %dma_wait3A_343 = arith.constant 0 : i32
    %dma_wait3A_344 = tpu.memref_slice %arg6[%dma_wait3A_342, %dma_wait3A_343] : memref<40x64xi32, #tpu.memory_space<vmem>> -> memref<1x64xi32, #tpu.memory_space<vmem>>
    %dma_wait3A_345 = tpu.memref_squeeze %dma_wait3A_344 : memref<1x64xi32, #tpu.memory_space<vmem>> -> memref<64xi32, #tpu.memory_space<vmem>>
    %dma_wait3A_346 = arith.constant 0 : i32
    %dma_wait3A_347 = arith.constant 0 : i32
    %dma_wait3A_348 = tpu.memref_slice %arg11[%dma_wait3A_346, %dma_wait3A_347] : memref<10240x128xf32, #tpu.memory_space<vmem_shared>> -> memref<10240x128xf32, #tpu.memory_space<vmem_shared>>
    tpu.wait_indirect_dma semaphore(%arg17 : memref<!tpu.dma_semaphore, #tpu.memory_space<semaphore_mem>>) src(%arg7 : memref<64x128xf32, #tpu.memory_space<vmem>>) dst(%dma_wait3A_348 : memref<10240x128xf32, #tpu.memory_space<vmem_shared>>)
    %dma_wait3A_349 = arith.constant 37 : i32
    %dma_wait3A_350 = arith.constant 0 : i32
    %dma_wait3A_351 = tpu.memref_slice %arg6[%dma_wait3A_349, %dma_wait3A_350] : memref<40x64xi32, #tpu.memory_space<vmem>> -> memref<1x64xi32, #tpu.memory_space<vmem>>
    %dma_wait3A_352 = tpu.memref_squeeze %dma_wait3A_351 : memref<1x64xi32, #tpu.memory_space<vmem>> -> memref<64xi32, #tpu.memory_space<vmem>>
    %dma_wait3A_353 = arith.constant 0 : i32
    %dma_wait3A_354 = arith.constant 0 : i32
    %dma_wait3A_355 = tpu.memref_slice %arg11[%dma_wait3A_353, %dma_wait3A_354] : memref<10240x128xf32, #tpu.memory_space<vmem_shared>> -> memref<10240x128xf32, #tpu.memory_space<vmem_shared>>
    tpu.wait_indirect_dma semaphore(%arg18 : memref<!tpu.dma_semaphore, #tpu.memory_space<semaphore_mem>>) src(%arg8 : memref<64x128xf32, #tpu.memory_space<vmem>>) dst(%dma_wait3A_355 : memref<10240x128xf32, #tpu.memory_space<vmem_shared>>)
    %dma_wait3A_356 = arith.constant 38 : i32
    %dma_wait3A_357 = arith.constant 0 : i32
    %dma_wait3A_358 = tpu.memref_slice %arg6[%dma_wait3A_356, %dma_wait3A_357] : memref<40x64xi32, #tpu.memory_space<vmem>> -> memref<1x64xi32, #tpu.memory_space<vmem>>
    %dma_wait3A_359 = tpu.memref_squeeze %dma_wait3A_358 : memref<1x64xi32, #tpu.memory_space<vmem>> -> memref<64xi32, #tpu.memory_space<vmem>>
    %dma_wait3A_360 = arith.constant 0 : i32
    %dma_wait3A_361 = arith.constant 0 : i32
    %dma_wait3A_362 = tpu.memref_slice %arg11[%dma_wait3A_360, %dma_wait3A_361] : memref<10240x128xf32, #tpu.memory_space<vmem_shared>> -> memref<10240x128xf32, #tpu.memory_space<vmem_shared>>
    tpu.wait_indirect_dma semaphore(%arg19 : memref<!tpu.dma_semaphore, #tpu.memory_space<semaphore_mem>>) src(%arg9 : memref<64x128xf32, #tpu.memory_space<vmem>>) dst(%dma_wait3A_362 : memref<10240x128xf32, #tpu.memory_space<vmem_shared>>)
    %dma_wait3A_363 = arith.constant 39 : i32
    %dma_wait3A_364 = arith.constant 0 : i32
    %dma_wait3A_365 = tpu.memref_slice %arg6[%dma_wait3A_363, %dma_wait3A_364] : memref<40x64xi32, #tpu.memory_space<vmem>> -> memref<1x64xi32, #tpu.memory_space<vmem>>
    %dma_wait3A_366 = tpu.memref_squeeze %dma_wait3A_365 : memref<1x64xi32, #tpu.memory_space<vmem>> -> memref<64xi32, #tpu.memory_space<vmem>>
    %dma_wait3A_367 = arith.constant 0 : i32
    %dma_wait3A_368 = arith.constant 0 : i32
    %dma_wait3A_369 = tpu.memref_slice %arg11[%dma_wait3A_367, %dma_wait3A_368] : memref<10240x128xf32, #tpu.memory_space<vmem_shared>> -> memref<10240x128xf32, #tpu.memory_space<vmem_shared>>
    tpu.wait_indirect_dma semaphore(%arg20 : memref<!tpu.dma_semaphore, #tpu.memory_space<semaphore_mem>>) src(%arg10 : memref<64x128xf32, #tpu.memory_space<vmem>>) dst(%dma_wait3A_369 : memref<10240x128xf32, #tpu.memory_space<vmem_shared>>)
    %barrier3A_370 = arith.constant 0 : index
    tpu.barrier barrier_id(%barrier3A_370)
    %mul3A_371 = arith.constant 640 : i32
    %mul3A_372 = arith.muli %arg1, %mul3A_371 : i32
    %lt3A = arith.constant 15 : i32
    %lt3A_373 = arith.cmpi slt, %arg1, %lt3A : i32
    %convert_element_type3A = arith.extui %lt3A_373 : i1 to i32
    %cond3A = arith.constant 0 : i32
    %cond3A_374 = arith.cmpi ne, %convert_element_type3A, %cond3A : i32
    scf.if %cond3A_374 {
      "tpu.region"() ({
        %run_scoped3A = tpu.sem_alloc : memref<!tpu.dma_semaphore, #tpu.memory_space<semaphore_mem>>
        %dma_start3A_379 = arith.constant 0 : i32
        %dma_start3A_380 = tpu.memref_slice %arg4[%arg0, %mul3A_372, %dma_start3A_379] : memref<2x10000x128xf32, #tpu.memory_space<hbm>> -> memref<1x640x128xf32, #tpu.memory_space<hbm>>
        %dma_start3A_381 = tpu.memref_squeeze %dma_start3A_380 : memref<1x640x128xf32, #tpu.memory_space<hbm>> -> memref<640x128xf32, #tpu.memory_space<hbm>>
        %dma_start3A_382 = arith.constant 0 : i32
        %dma_start3A_383 = tpu.memref_slice %arg11[%mul3A_372, %dma_start3A_382] : memref<10240x128xf32, #tpu.memory_space<vmem_shared>> -> memref<640x128xf32, #tpu.memory_space<vmem_shared>>
        tpu.enqueue_dma source(%dma_start3A_383 : memref<640x128xf32, #tpu.memory_space<vmem_shared>>) target(%dma_start3A_381 : memref<640x128xf32, #tpu.memory_space<hbm>>) target_semaphore(%run_scoped3A : memref<!tpu.dma_semaphore, #tpu.memory_space<semaphore_mem>>)
        %dma_wait3A_384 = arith.constant 0 : i32
        %dma_wait3A_385 = tpu.memref_slice %arg4[%arg0, %mul3A_372, %dma_wait3A_384] : memref<2x10000x128xf32, #tpu.memory_space<hbm>> -> memref<1x640x128xf32, #tpu.memory_space<hbm>>
        %dma_wait3A_386 = tpu.memref_squeeze %dma_wait3A_385 : memref<1x640x128xf32, #tpu.memory_space<hbm>> -> memref<640x128xf32, #tpu.memory_space<hbm>>
        %dma_wait3A_387 = arith.constant 0 : i32
        %dma_wait3A_388 = tpu.memref_slice %arg11[%mul3A_372, %dma_wait3A_387] : memref<10240x128xf32, #tpu.memory_space<vmem_shared>> -> memref<640x128xf32, #tpu.memory_space<vmem_shared>>
        tpu.wait_dma2 semaphore(%run_scoped3A : memref<!tpu.dma_semaphore, #tpu.memory_space<semaphore_mem>>) src(%dma_wait3A_388 : memref<640x128xf32, #tpu.memory_space<vmem_shared>>) dst(%dma_wait3A_386 : memref<640x128xf32, #tpu.memory_space<hbm>>)
        tpu.yield
      }) : () -> ()
    } else {
    }
    %eq3A = arith.constant 15 : i32
    %eq3A_375 = arith.cmpi eq, %arg1, %eq3A : i32
    %convert_element_type3A_376 = arith.extui %eq3A_375 : i1 to i32
    %cond3A_377 = arith.constant 0 : i32
    %cond3A_378 = arith.cmpi ne, %convert_element_type3A_376, %cond3A_377 : i32
    scf.if %cond3A_378 {
      "tpu.region"() ({
        %run_scoped3A = tpu.sem_alloc : memref<!tpu.dma_semaphore, #tpu.memory_space<semaphore_mem>>
        %dma_start3A_379 = arith.constant 0 : i32
        %dma_start3A_380 = tpu.memref_slice %arg4[%arg0, %mul3A_372, %dma_start3A_379] : memref<2x10000x128xf32, #tpu.memory_space<hbm>> -> memref<1x400x128xf32, #tpu.memory_space<hbm>>
        %dma_start3A_381 = tpu.memref_squeeze %dma_start3A_380 : memref<1x400x128xf32, #tpu.memory_space<hbm>> -> memref<400x128xf32, #tpu.memory_space<hbm>>
        %dma_start3A_382 = arith.constant 0 : i32
        %dma_start3A_383 = tpu.memref_slice %arg11[%mul3A_372, %dma_start3A_382] : memref<10240x128xf32, #tpu.memory_space<vmem_shared>> -> memref<400x128xf32, #tpu.memory_space<vmem_shared>>
        tpu.enqueue_dma source(%dma_start3A_383 : memref<400x128xf32, #tpu.memory_space<vmem_shared>>) target(%dma_start3A_381 : memref<400x128xf32, #tpu.memory_space<hbm>>) target_semaphore(%run_scoped3A : memref<!tpu.dma_semaphore, #tpu.memory_space<semaphore_mem>>)
        %dma_wait3A_384 = arith.constant 0 : i32
        %dma_wait3A_385 = tpu.memref_slice %arg4[%arg0, %mul3A_372, %dma_wait3A_384] : memref<2x10000x128xf32, #tpu.memory_space<hbm>> -> memref<1x400x128xf32, #tpu.memory_space<hbm>>
        %dma_wait3A_386 = tpu.memref_squeeze %dma_wait3A_385 : memref<1x400x128xf32, #tpu.memory_space<hbm>> -> memref<400x128xf32, #tpu.memory_space<hbm>>
        %dma_wait3A_387 = arith.constant 0 : i32
        %dma_wait3A_388 = tpu.memref_slice %arg11[%mul3A_372, %dma_wait3A_387] : memref<10240x128xf32, #tpu.memory_space<vmem_shared>> -> memref<400x128xf32, #tpu.memory_space<vmem_shared>>
        tpu.wait_dma2 semaphore(%run_scoped3A : memref<!tpu.dma_semaphore, #tpu.memory_space<semaphore_mem>>) src(%dma_wait3A_388 : memref<400x128xf32, #tpu.memory_space<vmem_shared>>) dst(%dma_wait3A_386 : memref<400x128xf32, #tpu.memory_space<hbm>>)
        tpu.yield
      }) : () -> ()
    } else {
    }
    return
  }
}

#map = affine_map<(d0, d1) -> (0, 0)>
#map1 = affine_map<(d0, d1) -> (0, 0, 0, 0)>
#map2 = affine_map<(d0, d1) -> (0, 0, 0)>
module attributes {stable_mosaic.version = 14 : i64} {
  func.func @k(%arg0: i32, %arg1: i32, %arg2: memref<10000x128xf32, #tpu.memory_space<hbm>>, %arg3: memref<2x32x160x64xi32, #tpu.memory_space<hbm>>, %arg4: memref<2x10000x128xf32, #tpu.memory_space<hbm>>, %arg5: memref<40x64xi32, #tpu.memory_space<vmem>>, %arg6: memref<40x64xi32, #tpu.memory_space<vmem>>, %arg7: memref<64x128xf32, #tpu.memory_space<vmem>>, %arg8: memref<64x128xf32, #tpu.memory_space<vmem>>, %arg9: memref<64x128xf32, #tpu.memory_space<vmem>>, %arg10: memref<64x128xf32, #tpu.memory_space<vmem>>, %arg11: memref<10240x128xf32, #tpu.memory_space<vmem_shared>>, %arg12: memref<!tpu.dma_semaphore, #tpu.memory_space<semaphore_mem>>, %arg13: memref<!tpu.dma_semaphore, #tpu.memory_space<semaphore_mem>>, %arg14: memref<!tpu.dma_semaphore, #tpu.memory_space<semaphore_mem>>, %arg15: memref<!tpu.dma_semaphore, #tpu.memory_space<semaphore_mem>>, %arg16: memref<!tpu.dma_semaphore, #tpu.memory_space<semaphore_mem>>, %arg17: memref<!tpu.dma_semaphore, #tpu.memory_space<semaphore_mem>>, %arg18: memref<!tpu.dma_semaphore, #tpu.memory_space<semaphore_mem>>, %arg19: memref<!tpu.dma_semaphore, #tpu.memory_space<semaphore_mem>>, %arg20: memref<!tpu.dma_semaphore, #tpu.memory_space<semaphore_mem>>) attributes {dimension_semantics = [#tpu.dimension_semantics<core_parallel>, #tpu.dimension_semantics<subcore_parallel>], iteration_bounds = array<i64: 2, 16>, scalar_prefetch = 0 : i64, scratch_operands = 16 : i64, tpu.core_type = #tpu.core_type<sc_vector_subcore>, window_params = [{transform_indices = #map}, {transform_indices = #map1}, {transform_indices = #map2}]} {
    %mul3A = arith.constant 2 : i32
    %mul3A_0 = arith.muli %arg1, %mul3A : i32
    %add3A = arith.addi %mul3A_0, %arg0 : i32
    %dma_start3A = arith.constant 0 : i32
    %dma_start3A_1 = arith.constant 0 : i32
    %dma_start3A_2 = arith.constant 0 : i32
    %dma_start3A_3 = tpu.memref_slice %arg3[%dma_start3A, %add3A, %dma_start3A_1, %dma_start3A_2] : memref<2x32x160x64xi32, #tpu.memory_space<hbm>> -> memref<1x1x40x64xi32, #tpu.memory_space<hbm>>
    %dma_start3A_4 = tpu.memref_squeeze %dma_start3A_3 : memref<1x1x40x64xi32, #tpu.memory_space<hbm>> -> memref<40x64xi32, #tpu.memory_space<hbm>>
    %dma_start3A_5 = arith.constant 0 : i32
    %dma_start3A_6 = arith.constant 0 : i32
    %dma_start3A_7 = tpu.memref_slice %arg3[%dma_start3A, %add3A, %dma_start3A_5, %dma_start3A_6] : memref<2x32x160x64xi32, #tpu.memory_space<hbm>> -> memref<1x1x40x64xi32, #tpu.memory_space<hbm>>
    %dma_start3A_8 = tpu.memref_squeeze %dma_start3A_7 : memref<1x1x40x64xi32, #tpu.memory_space<hbm>> -> memref<40x64xi32, #tpu.memory_space<hbm>>
    tpu.enqueue_dma source(%dma_start3A_8 : memref<40x64xi32, #tpu.memory_space<hbm>>) target(%arg5 : memref<40x64xi32, #tpu.memory_space<vmem>>) target_semaphore(%arg12 : memref<!tpu.dma_semaphore, #tpu.memory_space<semaphore_mem>>)
    %dma_start3A_9 = arith.constant 1 : i32
    %dma_start3A_10 = arith.constant 0 : i32
    %dma_start3A_11 = arith.constant 0 : i32
    %dma_start3A_12 = tpu.memref_slice %arg3[%dma_start3A_9, %add3A, %dma_start3A_10, %dma_start3A_11] : memref<2x32x160x64xi32, #tpu.memory_space<hbm>> -> memref<1x1x40x64xi32, #tpu.memory_space<hbm>>
    %dma_start3A_13 = tpu.memref_squeeze %dma_start3A_12 : memref<1x1x40x64xi32, #tpu.memory_space<hbm>> -> memref<40x64xi32, #tpu.memory_space<hbm>>
    %dma_start3A_14 = arith.constant 0 : i32
    %dma_start3A_15 = arith.constant 0 : i32
    %dma_start3A_16 = tpu.memref_slice %arg3[%dma_start3A_9, %add3A, %dma_start3A_14, %dma_start3A_15] : memref<2x32x160x64xi32, #tpu.memory_space<hbm>> -> memref<1x1x40x64xi32, #tpu.memory_space<hbm>>
    %dma_start3A_17 = tpu.memref_squeeze %dma_start3A_16 : memref<1x1x40x64xi32, #tpu.memory_space<hbm>> -> memref<40x64xi32, #tpu.memory_space<hbm>>
    tpu.enqueue_dma source(%dma_start3A_17 : memref<40x64xi32, #tpu.memory_space<hbm>>) target(%arg6 : memref<40x64xi32, #tpu.memory_space<vmem>>) target_semaphore(%arg12 : memref<!tpu.dma_semaphore, #tpu.memory_space<semaphore_mem>>)
    %scan3A = arith.constant 0 : i32
    %scan3A_18 = arith.constant 64 : i32
    %scan3A_19 = arith.addi %scan3A, %scan3A_18 : i32
    %scan3A_20 = arith.constant 1 : i32
    scf.for %scan3A_379 = %scan3A to %scan3A_19 step %scan3A_20  : i32 {
      %mul3A_380 = arith.constant 1 : i32
      %mul3A_381 = arith.muli %scan3A_379, %mul3A_380 : i32
      %add3A_382 = arith.constant 0 : i32
      %add3A_383 = arith.addi %add3A_382, %mul3A_381 : i32
      %scan3A_384 = arith.constant 0 : i32
      %scan3A_385 = arith.constant 8 : i32
      %scan3A_386 = arith.addi %scan3A_384, %scan3A_385 : i32
      %scan3A_387 = arith.constant 1 : i32
      scf.for %scan3A_389 = %scan3A_384 to %scan3A_386 step %scan3A_387  : i32 {
        %mul3A_390 = arith.constant 16 : i32
        %mul3A_391 = arith.muli %scan3A_389, %mul3A_390 : i32
        %add3A_392 = arith.constant 0 : i32
        %add3A_393 = arith.addi %add3A_392, %mul3A_391 : i32
        %broadcast_in_dim3A = arith.constant 0.000000e+00 : f32
        %broadcast_in_dim3A_394 = vector.broadcast %broadcast_in_dim3A : f32 to vector<16xf32>
        %swap3A = arith.index_cast %add3A_383 : i32 to index
        %swap3A_395 = arith.index_cast %add3A_393 : i32 to index
        %swap3A_396 = tpu.vector_load %arg7[%swap3A, %swap3A_395] {strides = array<i32>} : memref<64x128xf32, #tpu.memory_space<vmem>>, vector<1x16xf32>,
        %swap3A_397 = vector.shape_cast %swap3A_396 : vector<1x16xf32> to vector<16xf32>
        %swap3A_398 = vector.shape_cast %broadcast_in_dim3A_394 : vector<16xf32> to vector<1x16xf32>
        tpu.vector_store %arg7[%swap3A, %swap3A_395], %swap3A_398 {strides = array<i32>} : memref<64x128xf32, #tpu.memory_space<vmem>>, vector<1x16xf32>,
      }
      %scan3A_388 = arith.constant 8 : i32
    }
    %scan3A_21 = arith.constant 64 : i32
    %mul3A_22 = arith.constant 640 : i32
    %mul3A_23 = arith.muli %arg1, %mul3A_22 : i32
    %scan3A_24 = arith.constant 0 : i32
    %scan3A_25 = arith.constant 10 : i32
    %scan3A_26 = arith.addi %scan3A_24, %scan3A_25 : i32
    %scan3A_27 = arith.constant 1 : i32
    scf.for %scan3A_379 = %scan3A_24 to %scan3A_26 step %scan3A_27  : i32 {
      %mul3A_380 = arith.constant 1 : i32
      %mul3A_381 = arith.muli %scan3A_379, %mul3A_380 : i32
      %add3A_382 = arith.constant 0 : i32
      %add3A_383 = arith.addi %add3A_382, %mul3A_381 : i32
      %mul3A_384 = arith.constant 64 : i32
      %mul3A_385 = arith.muli %add3A_383, %mul3A_384 : i32
      %add3A_386 = arith.addi %mul3A_23, %mul3A_385 : i32
      "tpu.region"() ({
        %run_scoped3A = tpu.sem_alloc : memref<!tpu.dma_semaphore, #tpu.memory_space<semaphore_mem>>
        %dma_start3A_387 = arith.constant 0 : i32
        %dma_start3A_388 = tpu.memref_slice %arg11[%add3A_386, %dma_start3A_387] : memref<10240x128xf32, #tpu.memory_space<vmem_shared>> -> memref<64x128xf32, #tpu.memory_space<vmem_shared>>
        %dma_start3A_389 = arith.constant 0 : i32
        %dma_start3A_390 = tpu.memref_slice %arg11[%add3A_386, %dma_start3A_389] : memref<10240x128xf32, #tpu.memory_space<vmem_shared>> -> memref<64x128xf32, #tpu.memory_space<vmem_shared>>
        tpu.enqueue_dma source(%arg7 : memref<64x128xf32, #tpu.memory_space<vmem>>) target(%dma_start3A_390 : memref<64x128xf32, #tpu.memory_space<vmem_shared>>) target_semaphore(%run_scoped3A : memref<!tpu.dma_semaphore, #tpu.memory_space<semaphore_mem>>)
        %dma_wait3A_391 = arith.constant 0 : i32
        %dma_wait3A_392 = tpu.memref_slice %arg11[%add3A_386, %dma_wait3A_391] : memref<10240x128xf32, #tpu.memory_space<vmem_shared>> -> memref<64x128xf32, #tpu.memory_space<vmem_shared>>
        %dma_wait3A_393 = arith.constant 0 : i32
        %dma_wait3A_394 = tpu.memref_slice %arg11[%add3A_386, %dma_wait3A_393] : memref<10240x128xf32, #tpu.memory_space<vmem_shared>> -> memref<64x128xf32, #tpu.memory_space<vmem_shared>>
        tpu.wait_dma2 semaphore(%run_scoped3A : memref<!tpu.dma_semaphore, #tpu.memory_space<semaphore_mem>>) src(%arg7 : memref<64x128xf32, #tpu.memory_space<vmem>>) dst(%dma_wait3A_394 : memref<64x128xf32, #tpu.memory_space<vmem_shared>>)
        tpu.yield
      }) : () -> ()
    }
    %scan3A_28 = arith.constant 10 : i32
    %dma_wait3A = arith.constant 0 : i32
    %dma_wait3A_29 = arith.constant 0 : i32
    %dma_wait3A_30 = arith.constant 0 : i32
    %dma_wait3A_31 = tpu.memref_slice %arg3[%dma_wait3A, %add3A, %dma_wait3A_29, %dma_wait3A_30] : memref<2x32x160x64xi32, #tpu.memory_space<hbm>> -> memref<1x1x40x64xi32, #tpu.memory_space<hbm>>
    %dma_wait3A_32 = tpu.memref_squeeze %dma_wait3A_31 : memref<1x1x40x64xi32, #tpu.memory_space<hbm>> -> memref<40x64xi32, #tpu.memory_space<hbm>>
    %dma_wait3A_33 = arith.constant 0 : i32
    %dma_wait3A_34 = arith.constant 0 : i32
    %dma_wait3A_35 = tpu.memref_slice %arg3[%dma_wait3A, %add3A, %dma_wait3A_33, %dma_wait3A_34] : memref<2x32x160x64xi32, #tpu.memory_space<hbm>> -> memref<1x1x40x64xi32, #tpu.memory_space<hbm>>
    %dma_wait3A_36 = tpu.memref_squeeze %dma_wait3A_35 : memref<1x1x40x64xi32, #tpu.memory_space<hbm>> -> memref<40x64xi32, #tpu.memory_space<hbm>>
    tpu.wait_dma2 semaphore(%arg12 : memref<!tpu.dma_semaphore, #tpu.memory_space<semaphore_mem>>) src(%dma_wait3A_36 : memref<40x64xi32, #tpu.memory_space<hbm>>) dst(%arg5 : memref<40x64xi32, #tpu.memory_space<vmem>>)
    %dma_wait3A_37 = arith.constant 1 : i32
    %dma_wait3A_38 = arith.constant 0 : i32
    %dma_wait3A_39 = arith.constant 0 : i32
    %dma_wait3A_40 = tpu.memref_slice %arg3[%dma_wait3A_37, %add3A, %dma_wait3A_38, %dma_wait3A_39] : memref<2x32x160x64xi32, #tpu.memory_space<hbm>> -> memref<1x1x40x64xi32, #tpu.memory_space<hbm>>
    %dma_wait3A_41 = tpu.memref_squeeze %dma_wait3A_40 : memref<1x1x40x64xi32, #tpu.memory_space<hbm>> -> memref<40x64xi32, #tpu.memory_space<hbm>>
    %dma_wait3A_42 = arith.constant 0 : i32
    %dma_wait3A_43 = arith.constant 0 : i32
    %dma_wait3A_44 = tpu.memref_slice %arg3[%dma_wait3A_37, %add3A, %dma_wait3A_42, %dma_wait3A_43] : memref<2x32x160x64xi32, #tpu.memory_space<hbm>> -> memref<1x1x40x64xi32, #tpu.memory_space<hbm>>
    %dma_wait3A_45 = tpu.memref_squeeze %dma_wait3A_44 : memref<1x1x40x64xi32, #tpu.memory_space<hbm>> -> memref<40x64xi32, #tpu.memory_space<hbm>>
    tpu.wait_dma2 semaphore(%arg12 : memref<!tpu.dma_semaphore, #tpu.memory_space<semaphore_mem>>) src(%dma_wait3A_45 : memref<40x64xi32, #tpu.memory_space<hbm>>) dst(%arg6 : memref<40x64xi32, #tpu.memory_space<vmem>>)
    %barrier3A = arith.constant 0 : index
    tpu.barrier barrier_id(%barrier3A)
    %dma_start3A_46 = arith.constant 0 : i32
    %dma_start3A_47 = arith.constant 0 : i32
    %dma_start3A_48 = tpu.memref_slice %arg5[%dma_start3A_46, %dma_start3A_47] : memref<40x64xi32, #tpu.memory_space<vmem>> -> memref<1x64xi32, #tpu.memory_space<vmem>>
    %dma_start3A_49 = tpu.memref_squeeze %dma_start3A_48 : memref<1x64xi32, #tpu.memory_space<vmem>> -> memref<64xi32, #tpu.memory_space<vmem>>
    %dma_start3A_50 = arith.constant 0 : i32
    %dma_start3A_51 = arith.constant 0 : i32
    %dma_start3A_52 = tpu.memref_slice %arg2[%dma_start3A_50, %dma_start3A_51] : memref<10000x128xf32, #tpu.memory_space<hbm>> -> memref<10000x128xf32, #tpu.memory_space<hbm>>
    tpu.enqueue_indirect_dma source(%dma_start3A_52 : memref<10000x128xf32, #tpu.memory_space<hbm>>) target(%arg7 : memref<64x128xf32, #tpu.memory_space<vmem>>) offsets(%dma_start3A_49 : memref<64xi32, #tpu.memory_space<vmem>>) semaphore(%arg13 : memref<!tpu.dma_semaphore, #tpu.memory_space<semaphore_mem>>)
    %dma_start3A_53 = arith.constant 1 : i32
    %dma_start3A_54 = arith.constant 0 : i32
    %dma_start3A_55 = tpu.memref_slice %arg5[%dma_start3A_53, %dma_start3A_54] : memref<40x64xi32, #tpu.memory_space<vmem>> -> memref<1x64xi32, #tpu.memory_space<vmem>>
    %dma_start3A_56 = tpu.memref_squeeze %dma_start3A_55 : memref<1x64xi32, #tpu.memory_space<vmem>> -> memref<64xi32, #tpu.memory_space<vmem>>
    %dma_start3A_57 = arith.constant 0 : i32
    %dma_start3A_58 = arith.constant 0 : i32
    %dma_start3A_59 = tpu.memref_slice %arg2[%dma_start3A_57, %dma_start3A_58] : memref<10000x128xf32, #tpu.memory_space<hbm>> -> memref<10000x128xf32, #tpu.memory_space<hbm>>
    tpu.enqueue_indirect_dma source(%dma_start3A_59 : memref<10000x128xf32, #tpu.memory_space<hbm>>) target(%arg8 : memref<64x128xf32, #tpu.memory_space<vmem>>) offsets(%dma_start3A_56 : memref<64xi32, #tpu.memory_space<vmem>>) semaphore(%arg14 : memref<!tpu.dma_semaphore, #tpu.memory_space<semaphore_mem>>)
    %dma_start3A_60 = arith.constant 2 : i32
    %dma_start3A_61 = arith.constant 0 : i32
    %dma_start3A_62 = tpu.memref_slice %arg5[%dma_start3A_60, %dma_start3A_61] : memref<40x64xi32, #tpu.memory_space<vmem>> -> memref<1x64xi32, #tpu.memory_space<vmem>>
    %dma_start3A_63 = tpu.memref_squeeze %dma_start3A_62 : memref<1x64xi32, #tpu.memory_space<vmem>> -> memref<64xi32, #tpu.memory_space<vmem>>
    %dma_start3A_64 = arith.constant 0 : i32
    %dma_start3A_65 = arith.constant 0 : i32
    %dma_start3A_66 = tpu.memref_slice %arg2[%dma_start3A_64, %dma_start3A_65] : memref<10000x128xf32, #tpu.memory_space<hbm>> -> memref<10000x128xf32, #tpu.memory_space<hbm>>
    tpu.enqueue_indirect_dma source(%dma_start3A_66 : memref<10000x128xf32, #tpu.memory_space<hbm>>) target(%arg9 : memref<64x128xf32, #tpu.memory_space<vmem>>) offsets(%dma_start3A_63 : memref<64xi32, #tpu.memory_space<vmem>>) semaphore(%arg15 : memref<!tpu.dma_semaphore, #tpu.memory_space<semaphore_mem>>)
    %scan3A_67 = arith.constant 0 : i32
    %scan3A_68 = arith.constant 10 : i32
    %scan3A_69 = arith.addi %scan3A_67, %scan3A_68 : i32
    %scan3A_70 = arith.constant 1 : i32
    scf.for %scan3A_379 = %scan3A_67 to %scan3A_69 step %scan3A_70  : i32 {
      %mul3A_380 = arith.constant 4 : i32
      %mul3A_381 = arith.muli %scan3A_379, %mul3A_380 : i32
      %add3A_382 = arith.constant 0 : i32
      %add3A_383 = arith.addi %add3A_382, %mul3A_381 : i32
      %add3A_384 = arith.constant 0 : i32
      %add3A_385 = arith.addi %add3A_383, %add3A_384 : i32
      %dma_wait3A_386 = arith.constant 0 : i32
      %dma_wait3A_387 = tpu.memref_slice %arg5[%add3A_385, %dma_wait3A_386] : memref<40x64xi32, #tpu.memory_space<vmem>> -> memref<1x64xi32, #tpu.memory_space<vmem>>
      %dma_wait3A_388 = tpu.memref_squeeze %dma_wait3A_387 : memref<1x64xi32, #tpu.memory_space<vmem>> -> memref<64xi32, #tpu.memory_space<vmem>>
      %dma_wait3A_389 = arith.constant 0 : i32
      %dma_wait3A_390 = arith.constant 0 : i32
      %dma_wait3A_391 = tpu.memref_slice %arg2[%dma_wait3A_389, %dma_wait3A_390] : memref<10000x128xf32, #tpu.memory_space<hbm>> -> memref<10000x128xf32, #tpu.memory_space<hbm>>
      tpu.wait_indirect_dma semaphore(%arg13 : memref<!tpu.dma_semaphore, #tpu.memory_space<semaphore_mem>>) src(%dma_wait3A_391 : memref<10000x128xf32, #tpu.memory_space<hbm>>) dst(%arg7 : memref<64x128xf32, #tpu.memory_space<vmem>>)
      %dma_start3A_392 = arith.constant 0 : i32
      %dma_start3A_393 = tpu.memref_slice %arg6[%add3A_385, %dma_start3A_392] : memref<40x64xi32, #tpu.memory_space<vmem>> -> memref<1x64xi32, #tpu.memory_space<vmem>>
      %dma_start3A_394 = tpu.memref_squeeze %dma_start3A_393 : memref<1x64xi32, #tpu.memory_space<vmem>> -> memref<64xi32, #tpu.memory_space<vmem>>
      %dma_start3A_395 = arith.constant 0 : i32
      %dma_start3A_396 = arith.constant 0 : i32
      %dma_start3A_397 = tpu.memref_slice %arg11[%dma_start3A_395, %dma_start3A_396] : memref<10240x128xf32, #tpu.memory_space<vmem_shared>> -> memref<10240x128xf32, #tpu.memory_space<vmem_shared>>
      tpu.enqueue_indirect_dma source(%arg7 : memref<64x128xf32, #tpu.memory_space<vmem>>) target(%dma_start3A_397 : memref<10240x128xf32, #tpu.memory_space<vmem_shared>>) offsets(%dma_start3A_394 : memref<64xi32, #tpu.memory_space<vmem>>) semaphore(%arg17 : memref<!tpu.dma_semaphore, #tpu.memory_space<semaphore_mem>>) {add = true}
      %add3A_398 = arith.constant 4 : i32
      %add3A_399 = arith.addi %add3A_385, %add3A_398 : i32
      %sub3A = arith.constant 1 : i32
      %sub3A_400 = arith.subi %add3A_399, %sub3A : i32
      %lt3A_401 = arith.constant 40 : i32
      %lt3A_402 = arith.cmpi slt, %sub3A_400, %lt3A_401 : i32
      %convert_element_type3A_403 = arith.extui %lt3A_402 : i1 to i32
      %cond3A_404 = arith.constant 0 : i32
      %cond3A_405 = arith.cmpi ne, %convert_element_type3A_403, %cond3A_404 : i32
      scf.if %cond3A_405 {
        %sub3A_475 = arith.constant 1 : i32
        %sub3A_476 = arith.subi %add3A_385, %sub3A_475 : i32
        %ge3A = arith.constant 0 : i32
        %ge3A_477 = arith.cmpi sge, %sub3A_476, %ge3A : i32
        %convert_element_type3A_478 = arith.extui %ge3A_477 : i1 to i32
        %cond3A_479 = arith.constant 0 : i32
        %cond3A_480 = arith.cmpi ne, %convert_element_type3A_478, %cond3A_479 : i32
        scf.if %cond3A_480 {
          %sub3A_491 = arith.constant 1 : i32
          %sub3A_492 = arith.subi %add3A_385, %sub3A_491 : i32
          %dma_wait3A_493 = arith.constant 0 : i32
          %dma_wait3A_494 = tpu.memref_slice %arg6[%sub3A_492, %dma_wait3A_493] : memref<40x64xi32, #tpu.memory_space<vmem>> -> memref<1x64xi32, #tpu.memory_space<vmem>>
          %dma_wait3A_495 = tpu.memref_squeeze %dma_wait3A_494 : memref<1x64xi32, #tpu.memory_space<vmem>> -> memref<64xi32, #tpu.memory_space<vmem>>
          %dma_wait3A_496 = arith.constant 0 : i32
          %dma_wait3A_497 = arith.constant 0 : i32
          %dma_wait3A_498 = tpu.memref_slice %arg11[%dma_wait3A_496, %dma_wait3A_497] : memref<10240x128xf32, #tpu.memory_space<vmem_shared>> -> memref<10240x128xf32, #tpu.memory_space<vmem_shared>>
          tpu.wait_indirect_dma semaphore(%arg20 : memref<!tpu.dma_semaphore, #tpu.memory_space<semaphore_mem>>) src(%arg10 : memref<64x128xf32, #tpu.memory_space<vmem>>) dst(%dma_wait3A_498 : memref<10240x128xf32, #tpu.memory_space<vmem_shared>>)
        } else {
        }
        %add3A_481 = arith.constant 4 : i32
        %add3A_482 = arith.addi %add3A_385, %add3A_481 : i32
        %sub3A_483 = arith.constant 1 : i32
        %sub3A_484 = arith.subi %add3A_482, %sub3A_483 : i32
        %dma_start3A_485 = arith.constant 0 : i32
        %dma_start3A_486 = tpu.memref_slice %arg5[%sub3A_484, %dma_start3A_485] : memref<40x64xi32, #tpu.memory_space<vmem>> -> memref<1x64xi32, #tpu.memory_space<vmem>>
        %dma_start3A_487 = tpu.memref_squeeze %dma_start3A_486 : memref<1x64xi32, #tpu.memory_space<vmem>> -> memref<64xi32, #tpu.memory_space<vmem>>
        %dma_start3A_488 = arith.constant 0 : i32
        %dma_start3A_489 = arith.constant 0 : i32
        %dma_start3A_490 = tpu.memref_slice %arg2[%dma_start3A_488, %dma_start3A_489] : memref<10000x128xf32, #tpu.memory_space<hbm>> -> memref<10000x128xf32, #tpu.memory_space<hbm>>
        tpu.enqueue_indirect_dma source(%dma_start3A_490 : memref<10000x128xf32, #tpu.memory_space<hbm>>) target(%arg10 : memref<64x128xf32, #tpu.memory_space<vmem>>) offsets(%dma_start3A_487 : memref<64xi32, #tpu.memory_space<vmem>>) semaphore(%arg16 : memref<!tpu.dma_semaphore, #tpu.memory_space<semaphore_mem>>)
      } else {
      }
      %add3A_406 = arith.constant 1 : i32
      %add3A_407 = arith.addi %add3A_383, %add3A_406 : i32
      %dma_wait3A_408 = arith.constant 0 : i32
      %dma_wait3A_409 = tpu.memref_slice %arg5[%add3A_407, %dma_wait3A_408] : memref<40x64xi32, #tpu.memory_space<vmem>> -> memref<1x64xi32, #tpu.memory_space<vmem>>
      %dma_wait3A_410 = tpu.memref_squeeze %dma_wait3A_409 : memref<1x64xi32, #tpu.memory_space<vmem>> -> memref<64xi32, #tpu.memory_space<vmem>>
      %dma_wait3A_411 = arith.constant 0 : i32
      %dma_wait3A_412 = arith.constant 0 : i32
      %dma_wait3A_413 = tpu.memref_slice %arg2[%dma_wait3A_411, %dma_wait3A_412] : memref<10000x128xf32, #tpu.memory_space<hbm>> -> memref<10000x128xf32, #tpu.memory_space<hbm>>
      tpu.wait_indirect_dma semaphore(%arg14 : memref<!tpu.dma_semaphore, #tpu.memory_space<semaphore_mem>>) src(%dma_wait3A_413 : memref<10000x128xf32, #tpu.memory_space<hbm>>) dst(%arg8 : memref<64x128xf32, #tpu.memory_space<vmem>>)
      %dma_start3A_414 = arith.constant 0 : i32
      %dma_start3A_415 = tpu.memref_slice %arg6[%add3A_407, %dma_start3A_414] : memref<40x64xi32, #tpu.memory_space<vmem>> -> memref<1x64xi32, #tpu.memory_space<vmem>>
      %dma_start3A_416 = tpu.memref_squeeze %dma_start3A_415 : memref<1x64xi32, #tpu.memory_space<vmem>> -> memref<64xi32, #tpu.memory_space<vmem>>
      %dma_start3A_417 = arith.constant 0 : i32
      %dma_start3A_418 = arith.constant 0 : i32
      %dma_start3A_419 = tpu.memref_slice %arg11[%dma_start3A_417, %dma_start3A_418] : memref<10240x128xf32, #tpu.memory_space<vmem_shared>> -> memref<10240x128xf32, #tpu.memory_space<vmem_shared>>
      tpu.enqueue_indirect_dma source(%arg8 : memref<64x128xf32, #tpu.memory_space<vmem>>) target(%dma_start3A_419 : memref<10240x128xf32, #tpu.memory_space<vmem_shared>>) offsets(%dma_start3A_416 : memref<64xi32, #tpu.memory_space<vmem>>) semaphore(%arg18 : memref<!tpu.dma_semaphore, #tpu.memory_space<semaphore_mem>>) {add = true}
      %add3A_420 = arith.constant 4 : i32
      %add3A_421 = arith.addi %add3A_407, %add3A_420 : i32
      %sub3A_422 = arith.constant 1 : i32
      %sub3A_423 = arith.subi %add3A_421, %sub3A_422 : i32
      %lt3A_424 = arith.constant 40 : i32
      %lt3A_425 = arith.cmpi slt, %sub3A_423, %lt3A_424 : i32
      %convert_element_type3A_426 = arith.extui %lt3A_425 : i1 to i32
      %cond3A_427 = arith.constant 0 : i32
      %cond3A_428 = arith.cmpi ne, %convert_element_type3A_426, %cond3A_427 : i32
      scf.if %cond3A_428 {
        %sub3A_475 = arith.constant 1 : i32
        %sub3A_476 = arith.subi %add3A_407, %sub3A_475 : i32
        %ge3A = arith.constant 0 : i32
        %ge3A_477 = arith.cmpi sge, %sub3A_476, %ge3A : i32
        %convert_element_type3A_478 = arith.extui %ge3A_477 : i1 to i32
        %cond3A_479 = arith.constant 0 : i32
        %cond3A_480 = arith.cmpi ne, %convert_element_type3A_478, %cond3A_479 : i32
        scf.if %cond3A_480 {
          %sub3A_491 = arith.constant 1 : i32
          %sub3A_492 = arith.subi %add3A_407, %sub3A_491 : i32
          %dma_wait3A_493 = arith.constant 0 : i32
          %dma_wait3A_494 = tpu.memref_slice %arg6[%sub3A_492, %dma_wait3A_493] : memref<40x64xi32, #tpu.memory_space<vmem>> -> memref<1x64xi32, #tpu.memory_space<vmem>>
          %dma_wait3A_495 = tpu.memref_squeeze %dma_wait3A_494 : memref<1x64xi32, #tpu.memory_space<vmem>> -> memref<64xi32, #tpu.memory_space<vmem>>
          %dma_wait3A_496 = arith.constant 0 : i32
          %dma_wait3A_497 = arith.constant 0 : i32
          %dma_wait3A_498 = tpu.memref_slice %arg11[%dma_wait3A_496, %dma_wait3A_497] : memref<10240x128xf32, #tpu.memory_space<vmem_shared>> -> memref<10240x128xf32, #tpu.memory_space<vmem_shared>>
          tpu.wait_indirect_dma semaphore(%arg17 : memref<!tpu.dma_semaphore, #tpu.memory_space<semaphore_mem>>) src(%arg7 : memref<64x128xf32, #tpu.memory_space<vmem>>) dst(%dma_wait3A_498 : memref<10240x128xf32, #tpu.memory_space<vmem_shared>>)
        } else {
        }
        %add3A_481 = arith.constant 4 : i32
        %add3A_482 = arith.addi %add3A_407, %add3A_481 : i32
        %sub3A_483 = arith.constant 1 : i32
        %sub3A_484 = arith.subi %add3A_482, %sub3A_483 : i32
        %dma_start3A_485 = arith.constant 0 : i32
        %dma_start3A_486 = tpu.memref_slice %arg5[%sub3A_484, %dma_start3A_485] : memref<40x64xi32, #tpu.memory_space<vmem>> -> memref<1x64xi32, #tpu.memory_space<vmem>>
        %dma_start3A_487 = tpu.memref_squeeze %dma_start3A_486 : memref<1x64xi32, #tpu.memory_space<vmem>> -> memref<64xi32, #tpu.memory_space<vmem>>
        %dma_start3A_488 = arith.constant 0 : i32
        %dma_start3A_489 = arith.constant 0 : i32
        %dma_start3A_490 = tpu.memref_slice %arg2[%dma_start3A_488, %dma_start3A_489] : memref<10000x128xf32, #tpu.memory_space<hbm>> -> memref<10000x128xf32, #tpu.memory_space<hbm>>
        tpu.enqueue_indirect_dma source(%dma_start3A_490 : memref<10000x128xf32, #tpu.memory_space<hbm>>) target(%arg7 : memref<64x128xf32, #tpu.memory_space<vmem>>) offsets(%dma_start3A_487 : memref<64xi32, #tpu.memory_space<vmem>>) semaphore(%arg13 : memref<!tpu.dma_semaphore, #tpu.memory_space<semaphore_mem>>)
      } else {
      }
      %add3A_429 = arith.constant 2 : i32
      %add3A_430 = arith.addi %add3A_383, %add3A_429 : i32
      %dma_wait3A_431 = arith.constant 0 : i32
      %dma_wait3A_432 = tpu.memref_slice %arg5[%add3A_430, %dma_wait3A_431] : memref<40x64xi32, #tpu.memory_space<vmem>> -> memref<1x64xi32, #tpu.memory_space<vmem>>
      %dma_wait3A_433 = tpu.memref_squeeze %dma_wait3A_432 : memref<1x64xi32, #tpu.memory_space<vmem>> -> memref<64xi32, #tpu.memory_space<vmem>>
      %dma_wait3A_434 = arith.constant 0 : i32
      %dma_wait3A_435 = arith.constant 0 : i32
      %dma_wait3A_436 = tpu.memref_slice %arg2[%dma_wait3A_434, %dma_wait3A_435] : memref<10000x128xf32, #tpu.memory_space<hbm>> -> memref<10000x128xf32, #tpu.memory_space<hbm>>
      tpu.wait_indirect_dma semaphore(%arg15 : memref<!tpu.dma_semaphore, #tpu.memory_space<semaphore_mem>>) src(%dma_wait3A_436 : memref<10000x128xf32, #tpu.memory_space<hbm>>) dst(%arg9 : memref<64x128xf32, #tpu.memory_space<vmem>>)
      %dma_start3A_437 = arith.constant 0 : i32
      %dma_start3A_438 = tpu.memref_slice %arg6[%add3A_430, %dma_start3A_437] : memref<40x64xi32, #tpu.memory_space<vmem>> -> memref<1x64xi32, #tpu.memory_space<vmem>>
      %dma_start3A_439 = tpu.memref_squeeze %dma_start3A_438 : memref<1x64xi32, #tpu.memory_space<vmem>> -> memref<64xi32, #tpu.memory_space<vmem>>
      %dma_start3A_440 = arith.constant 0 : i32
      %dma_start3A_441 = arith.constant 0 : i32
      %dma_start3A_442 = tpu.memref_slice %arg11[%dma_start3A_440, %dma_start3A_441] : memref<10240x128xf32, #tpu.memory_space<vmem_shared>> -> memref<10240x128xf32, #tpu.memory_space<vmem_shared>>
      tpu.enqueue_indirect_dma source(%arg9 : memref<64x128xf32, #tpu.memory_space<vmem>>) target(%dma_start3A_442 : memref<10240x128xf32, #tpu.memory_space<vmem_shared>>) offsets(%dma_start3A_439 : memref<64xi32, #tpu.memory_space<vmem>>) semaphore(%arg19 : memref<!tpu.dma_semaphore, #tpu.memory_space<semaphore_mem>>) {add = true}
      %add3A_443 = arith.constant 4 : i32
      %add3A_444 = arith.addi %add3A_430, %add3A_443 : i32
      %sub3A_445 = arith.constant 1 : i32
      %sub3A_446 = arith.subi %add3A_444, %sub3A_445 : i32
      %lt3A_447 = arith.constant 40 : i32
      %lt3A_448 = arith.cmpi slt, %sub3A_446, %lt3A_447 : i32
      %convert_element_type3A_449 = arith.extui %lt3A_448 : i1 to i32
      %cond3A_450 = arith.constant 0 : i32
      %cond3A_451 = arith.cmpi ne, %convert_element_type3A_449, %cond3A_450 : i32
      scf.if %cond3A_451 {
        %sub3A_475 = arith.constant 1 : i32
        %sub3A_476 = arith.subi %add3A_430, %sub3A_475 : i32
        %ge3A = arith.constant 0 : i32
        %ge3A_477 = arith.cmpi sge, %sub3A_476, %ge3A : i32
        %convert_element_type3A_478 = arith.extui %ge3A_477 : i1 to i32
        %cond3A_479 = arith.constant 0 : i32
        %cond3A_480 = arith.cmpi ne, %convert_element_type3A_478, %cond3A_479 : i32
        scf.if %cond3A_480 {
          %sub3A_491 = arith.constant 1 : i32
          %sub3A_492 = arith.subi %add3A_430, %sub3A_491 : i32
          %dma_wait3A_493 = arith.constant 0 : i32
          %dma_wait3A_494 = tpu.memref_slice %arg6[%sub3A_492, %dma_wait3A_493] : memref<40x64xi32, #tpu.memory_space<vmem>> -> memref<1x64xi32, #tpu.memory_space<vmem>>
          %dma_wait3A_495 = tpu.memref_squeeze %dma_wait3A_494 : memref<1x64xi32, #tpu.memory_space<vmem>> -> memref<64xi32, #tpu.memory_space<vmem>>
          %dma_wait3A_496 = arith.constant 0 : i32
          %dma_wait3A_497 = arith.constant 0 : i32
          %dma_wait3A_498 = tpu.memref_slice %arg11[%dma_wait3A_496, %dma_wait3A_497] : memref<10240x128xf32, #tpu.memory_space<vmem_shared>> -> memref<10240x128xf32, #tpu.memory_space<vmem_shared>>
          tpu.wait_indirect_dma semaphore(%arg18 : memref<!tpu.dma_semaphore, #tpu.memory_space<semaphore_mem>>) src(%arg8 : memref<64x128xf32, #tpu.memory_space<vmem>>) dst(%dma_wait3A_498 : memref<10240x128xf32, #tpu.memory_space<vmem_shared>>)
        } else {
        }
        %add3A_481 = arith.constant 4 : i32
        %add3A_482 = arith.addi %add3A_430, %add3A_481 : i32
        %sub3A_483 = arith.constant 1 : i32
        %sub3A_484 = arith.subi %add3A_482, %sub3A_483 : i32
        %dma_start3A_485 = arith.constant 0 : i32
        %dma_start3A_486 = tpu.memref_slice %arg5[%sub3A_484, %dma_start3A_485] : memref<40x64xi32, #tpu.memory_space<vmem>> -> memref<1x64xi32, #tpu.memory_space<vmem>>
        %dma_start3A_487 = tpu.memref_squeeze %dma_start3A_486 : memref<1x64xi32, #tpu.memory_space<vmem>> -> memref<64xi32, #tpu.memory_space<vmem>>
        %dma_start3A_488 = arith.constant 0 : i32
        %dma_start3A_489 = arith.constant 0 : i32
        %dma_start3A_490 = tpu.memref_slice %arg2[%dma_start3A_488, %dma_start3A_489] : memref<10000x128xf32, #tpu.memory_space<hbm>> -> memref<10000x128xf32, #tpu.memory_space<hbm>>
        tpu.enqueue_indirect_dma source(%dma_start3A_490 : memref<10000x128xf32, #tpu.memory_space<hbm>>) target(%arg8 : memref<64x128xf32, #tpu.memory_space<vmem>>) offsets(%dma_start3A_487 : memref<64xi32, #tpu.memory_space<vmem>>) semaphore(%arg14 : memref<!tpu.dma_semaphore, #tpu.memory_space<semaphore_mem>>)
      } else {
      }
      %add3A_452 = arith.constant 3 : i32
      %add3A_453 = arith.addi %add3A_383, %add3A_452 : i32
      %dma_wait3A_454 = arith.constant 0 : i32
      %dma_wait3A_455 = tpu.memref_slice %arg5[%add3A_453, %dma_wait3A_454] : memref<40x64xi32, #tpu.memory_space<vmem>> -> memref<1x64xi32, #tpu.memory_space<vmem>>
      %dma_wait3A_456 = tpu.memref_squeeze %dma_wait3A_455 : memref<1x64xi32, #tpu.memory_space<vmem>> -> memref<64xi32, #tpu.memory_space<vmem>>
      %dma_wait3A_457 = arith.constant 0 : i32
      %dma_wait3A_458 = arith.constant 0 : i32
      %dma_wait3A_459 = tpu.memref_slice %arg2[%dma_wait3A_457, %dma_wait3A_458] : memref<10000x128xf32, #tpu.memory_space<hbm>> -> memref<10000x128xf32, #tpu.memory_space<hbm>>
      tpu.wait_indirect_dma semaphore(%arg16 : memref<!tpu.dma_semaphore, #tpu.memory_space<semaphore_mem>>) src(%dma_wait3A_459 : memref<10000x128xf32, #tpu.memory_space<hbm>>) dst(%arg10 : memref<64x128xf32, #tpu.memory_space<vmem>>)
      %dma_start3A_460 = arith.constant 0 : i32
      %dma_start3A_461 = tpu.memref_slice %arg6[%add3A_453, %dma_start3A_460] : memref<40x64xi32, #tpu.memory_space<vmem>> -> memref<1x64xi32, #tpu.memory_space<vmem>>
      %dma_start3A_462 = tpu.memref_squeeze %dma_start3A_461 : memref<1x64xi32, #tpu.memory_space<vmem>> -> memref<64xi32, #tpu.memory_space<vmem>>
      %dma_start3A_463 = arith.constant 0 : i32
      %dma_start3A_464 = arith.constant 0 : i32
      %dma_start3A_465 = tpu.memref_slice %arg11[%dma_start3A_463, %dma_start3A_464] : memref<10240x128xf32, #tpu.memory_space<vmem_shared>> -> memref<10240x128xf32, #tpu.memory_space<vmem_shared>>
      tpu.enqueue_indirect_dma source(%arg10 : memref<64x128xf32, #tpu.memory_space<vmem>>) target(%dma_start3A_465 : memref<10240x128xf32, #tpu.memory_space<vmem_shared>>) offsets(%dma_start3A_462 : memref<64xi32, #tpu.memory_space<vmem>>) semaphore(%arg20 : memref<!tpu.dma_semaphore, #tpu.memory_space<semaphore_mem>>) {add = true}
      %add3A_466 = arith.constant 4 : i32
      %add3A_467 = arith.addi %add3A_453, %add3A_466 : i32
      %sub3A_468 = arith.constant 1 : i32
      %sub3A_469 = arith.subi %add3A_467, %sub3A_468 : i32
      %lt3A_470 = arith.constant 40 : i32
      %lt3A_471 = arith.cmpi slt, %sub3A_469, %lt3A_470 : i32
      %convert_element_type3A_472 = arith.extui %lt3A_471 : i1 to i32
      %cond3A_473 = arith.constant 0 : i32
      %cond3A_474 = arith.cmpi ne, %convert_element_type3A_472, %cond3A_473 : i32
      scf.if %cond3A_474 {
        %sub3A_475 = arith.constant 1 : i32
        %sub3A_476 = arith.subi %add3A_453, %sub3A_475 : i32
        %ge3A = arith.constant 0 : i32
        %ge3A_477 = arith.cmpi sge, %sub3A_476, %ge3A : i32
        %convert_element_type3A_478 = arith.extui %ge3A_477 : i1 to i32
        %cond3A_479 = arith.constant 0 : i32
        %cond3A_480 = arith.cmpi ne, %convert_element_type3A_478, %cond3A_479 : i32
        scf.if %cond3A_480 {
          %sub3A_491 = arith.constant 1 : i32
          %sub3A_492 = arith.subi %add3A_453, %sub3A_491 : i32
          %dma_wait3A_493 = arith.constant 0 : i32
          %dma_wait3A_494 = tpu.memref_slice %arg6[%sub3A_492, %dma_wait3A_493] : memref<40x64xi32, #tpu.memory_space<vmem>> -> memref<1x64xi32, #tpu.memory_space<vmem>>
          %dma_wait3A_495 = tpu.memref_squeeze %dma_wait3A_494 : memref<1x64xi32, #tpu.memory_space<vmem>> -> memref<64xi32, #tpu.memory_space<vmem>>
          %dma_wait3A_496 = arith.constant 0 : i32
          %dma_wait3A_497 = arith.constant 0 : i32
          %dma_wait3A_498 = tpu.memref_slice %arg11[%dma_wait3A_496, %dma_wait3A_497] : memref<10240x128xf32, #tpu.memory_space<vmem_shared>> -> memref<10240x128xf32, #tpu.memory_space<vmem_shared>>
          tpu.wait_indirect_dma semaphore(%arg19 : memref<!tpu.dma_semaphore, #tpu.memory_space<semaphore_mem>>) src(%arg9 : memref<64x128xf32, #tpu.memory_space<vmem>>) dst(%dma_wait3A_498 : memref<10240x128xf32, #tpu.memory_space<vmem_shared>>)
        } else {
        }
        %add3A_481 = arith.constant 4 : i32
        %add3A_482 = arith.addi %add3A_453, %add3A_481 : i32
        %sub3A_483 = arith.constant 1 : i32
        %sub3A_484 = arith.subi %add3A_482, %sub3A_483 : i32
        %dma_start3A_485 = arith.constant 0 : i32
        %dma_start3A_486 = tpu.memref_slice %arg5[%sub3A_484, %dma_start3A_485] : memref<40x64xi32, #tpu.memory_space<vmem>> -> memref<1x64xi32, #tpu.memory_space<vmem>>
        %dma_start3A_487 = tpu.memref_squeeze %dma_start3A_486 : memref<1x64xi32, #tpu.memory_space<vmem>> -> memref<64xi32, #tpu.memory_space<vmem>>
        %dma_start3A_488 = arith.constant 0 : i32
        %dma_start3A_489 = arith.constant 0 : i32
        %dma_start3A_490 = tpu.memref_slice %arg2[%dma_start3A_488, %dma_start3A_489] : memref<10000x128xf32, #tpu.memory_space<hbm>> -> memref<10000x128xf32, #tpu.memory_space<hbm>>
        tpu.enqueue_indirect_dma source(%dma_start3A_490 : memref<10000x128xf32, #tpu.memory_space<hbm>>) target(%arg9 : memref<64x128xf32, #tpu.memory_space<vmem>>) offsets(%dma_start3A_487 : memref<64xi32, #tpu.memory_space<vmem>>) semaphore(%arg15 : memref<!tpu.dma_semaphore, #tpu.memory_space<semaphore_mem>>)
      } else {
      }
    }
    %scan3A_71 = arith.constant 10 : i32
    %dma_wait3A_72 = arith.constant 36 : i32
    %dma_wait3A_73 = arith.constant 0 : i32
    %dma_wait3A_74 = tpu.memref_slice %arg6[%dma_wait3A_72, %dma_wait3A_73] : memref<40x64xi32, #tpu.memory_space<vmem>> -> memref<1x64xi32, #tpu.memory_space<vmem>>
    %dma_wait3A_75 = tpu.memref_squeeze %dma_wait3A_74 : memref<1x64xi32, #tpu.memory_space<vmem>> -> memref<64xi32, #tpu.memory_space<vmem>>
    %dma_wait3A_76 = arith.constant 0 : i32
    %dma_wait3A_77 = arith.constant 0 : i32
    %dma_wait3A_78 = tpu.memref_slice %arg11[%dma_wait3A_76, %dma_wait3A_77] : memref<10240x128xf32, #tpu.memory_space<vmem_shared>> -> memref<10240x128xf32, #tpu.memory_space<vmem_shared>>
    tpu.wait_indirect_dma semaphore(%arg17 : memref<!tpu.dma_semaphore, #tpu.memory_space<semaphore_mem>>) src(%arg7 : memref<64x128xf32, #tpu.memory_space<vmem>>) dst(%dma_wait3A_78 : memref<10240x128xf32, #tpu.memory_space<vmem_shared>>)
    %dma_wait3A_79 = arith.constant 37 : i32
    %dma_wait3A_80 = arith.constant 0 : i32
    %dma_wait3A_81 = tpu.memref_slice %arg6[%dma_wait3A_79, %dma_wait3A_80] : memref<40x64xi32, #tpu.memory_space<vmem>> -> memref<1x64xi32, #tpu.memory_space<vmem>>
    %dma_wait3A_82 = tpu.memref_squeeze %dma_wait3A_81 : memref<1x64xi32, #tpu.memory_space<vmem>> -> memref<64xi32, #tpu.memory_space<vmem>>
    %dma_wait3A_83 = arith.constant 0 : i32
    %dma_wait3A_84 = arith.constant 0 : i32
    %dma_wait3A_85 = tpu.memref_slice %arg11[%dma_wait3A_83, %dma_wait3A_84] : memref<10240x128xf32, #tpu.memory_space<vmem_shared>> -> memref<10240x128xf32, #tpu.memory_space<vmem_shared>>
    tpu.wait_indirect_dma semaphore(%arg18 : memref<!tpu.dma_semaphore, #tpu.memory_space<semaphore_mem>>) src(%arg8 : memref<64x128xf32, #tpu.memory_space<vmem>>) dst(%dma_wait3A_85 : memref<10240x128xf32, #tpu.memory_space<vmem_shared>>)
    %dma_wait3A_86 = arith.constant 38 : i32
    %dma_wait3A_87 = arith.constant 0 : i32
    %dma_wait3A_88 = tpu.memref_slice %arg6[%dma_wait3A_86, %dma_wait3A_87] : memref<40x64xi32, #tpu.memory_space<vmem>> -> memref<1x64xi32, #tpu.memory_space<vmem>>
    %dma_wait3A_89 = tpu.memref_squeeze %dma_wait3A_88 : memref<1x64xi32, #tpu.memory_space<vmem>> -> memref<64xi32, #tpu.memory_space<vmem>>
    %dma_wait3A_90 = arith.constant 0 : i32
    %dma_wait3A_91 = arith.constant 0 : i32
    %dma_wait3A_92 = tpu.memref_slice %arg11[%dma_wait3A_90, %dma_wait3A_91] : memref<10240x128xf32, #tpu.memory_space<vmem_shared>> -> memref<10240x128xf32, #tpu.memory_space<vmem_shared>>
    tpu.wait_indirect_dma semaphore(%arg19 : memref<!tpu.dma_semaphore, #tpu.memory_space<semaphore_mem>>) src(%arg9 : memref<64x128xf32, #tpu.memory_space<vmem>>) dst(%dma_wait3A_92 : memref<10240x128xf32, #tpu.memory_space<vmem_shared>>)
    %dma_wait3A_93 = arith.constant 39 : i32
    %dma_wait3A_94 = arith.constant 0 : i32
    %dma_wait3A_95 = tpu.memref_slice %arg6[%dma_wait3A_93, %dma_wait3A_94] : memref<40x64xi32, #tpu.memory_space<vmem>> -> memref<1x64xi32, #tpu.memory_space<vmem>>
    %dma_wait3A_96 = tpu.memref_squeeze %dma_wait3A_95 : memref<1x64xi32, #tpu.memory_space<vmem>> -> memref<64xi32, #tpu.memory_space<vmem>>
    %dma_wait3A_97 = arith.constant 0 : i32
    %dma_wait3A_98 = arith.constant 0 : i32
    %dma_wait3A_99 = tpu.memref_slice %arg11[%dma_wait3A_97, %dma_wait3A_98] : memref<10240x128xf32, #tpu.memory_space<vmem_shared>> -> memref<10240x128xf32, #tpu.memory_space<vmem_shared>>
    tpu.wait_indirect_dma semaphore(%arg20 : memref<!tpu.dma_semaphore, #tpu.memory_space<semaphore_mem>>) src(%arg10 : memref<64x128xf32, #tpu.memory_space<vmem>>) dst(%dma_wait3A_99 : memref<10240x128xf32, #tpu.memory_space<vmem_shared>>)
    %dma_start3A_100 = arith.constant 0 : i32
    %dma_start3A_101 = arith.constant 40 : i32
    %dma_start3A_102 = arith.constant 0 : i32
    %dma_start3A_103 = tpu.memref_slice %arg3[%dma_start3A_100, %add3A, %dma_start3A_101, %dma_start3A_102] : memref<2x32x160x64xi32, #tpu.memory_space<hbm>> -> memref<1x1x40x64xi32, #tpu.memory_space<hbm>>
    %dma_start3A_104 = tpu.memref_squeeze %dma_start3A_103 : memref<1x1x40x64xi32, #tpu.memory_space<hbm>> -> memref<40x64xi32, #tpu.memory_space<hbm>>
    %dma_start3A_105 = arith.constant 40 : i32
    %dma_start3A_106 = arith.constant 0 : i32
    %dma_start3A_107 = tpu.memref_slice %arg3[%dma_start3A_100, %add3A, %dma_start3A_105, %dma_start3A_106] : memref<2x32x160x64xi32, #tpu.memory_space<hbm>> -> memref<1x1x40x64xi32, #tpu.memory_space<hbm>>
    %dma_start3A_108 = tpu.memref_squeeze %dma_start3A_107 : memref<1x1x40x64xi32, #tpu.memory_space<hbm>> -> memref<40x64xi32, #tpu.memory_space<hbm>>
    tpu.enqueue_dma source(%dma_start3A_108 : memref<40x64xi32, #tpu.memory_space<hbm>>) target(%arg5 : memref<40x64xi32, #tpu.memory_space<vmem>>) target_semaphore(%arg12 : memref<!tpu.dma_semaphore, #tpu.memory_space<semaphore_mem>>)
    %dma_start3A_109 = arith.constant 1 : i32
    %dma_start3A_110 = arith.constant 40 : i32
    %dma_start3A_111 = arith.constant 0 : i32
    %dma_start3A_112 = tpu.memref_slice %arg3[%dma_start3A_109, %add3A, %dma_start3A_110, %dma_start3A_111] : memref<2x32x160x64xi32, #tpu.memory_space<hbm>> -> memref<1x1x40x64xi32, #tpu.memory_space<hbm>>
    %dma_start3A_113 = tpu.memref_squeeze %dma_start3A_112 : memref<1x1x40x64xi32, #tpu.memory_space<hbm>> -> memref<40x64xi32, #tpu.memory_space<hbm>>
    %dma_start3A_114 = arith.constant 40 : i32
    %dma_start3A_115 = arith.constant 0 : i32
    %dma_start3A_116 = tpu.memref_slice %arg3[%dma_start3A_109, %add3A, %dma_start3A_114, %dma_start3A_115] : memref<2x32x160x64xi32, #tpu.memory_space<hbm>> -> memref<1x1x40x64xi32, #tpu.memory_space<hbm>>
    %dma_start3A_117 = tpu.memref_squeeze %dma_start3A_116 : memref<1x1x40x64xi32, #tpu.memory_space<hbm>> -> memref<40x64xi32, #tpu.memory_space<hbm>>
    tpu.enqueue_dma source(%dma_start3A_117 : memref<40x64xi32, #tpu.memory_space<hbm>>) target(%arg6 : memref<40x64xi32, #tpu.memory_space<vmem>>) target_semaphore(%arg12 : memref<!tpu.dma_semaphore, #tpu.memory_space<semaphore_mem>>)
    %dma_wait3A_118 = arith.constant 0 : i32
    %dma_wait3A_119 = arith.constant 40 : i32
    %dma_wait3A_120 = arith.constant 0 : i32
    %dma_wait3A_121 = tpu.memref_slice %arg3[%dma_wait3A_118, %add3A, %dma_wait3A_119, %dma_wait3A_120] : memref<2x32x160x64xi32, #tpu.memory_space<hbm>> -> memref<1x1x40x64xi32, #tpu.memory_space<hbm>>
    %dma_wait3A_122 = tpu.memref_squeeze %dma_wait3A_121 : memref<1x1x40x64xi32, #tpu.memory_space<hbm>> -> memref<40x64xi32, #tpu.memory_space<hbm>>
    %dma_wait3A_123 = arith.constant 40 : i32
    %dma_wait3A_124 = arith.constant 0 : i32
    %dma_wait3A_125 = tpu.memref_slice %arg3[%dma_wait3A_118, %add3A, %dma_wait3A_123, %dma_wait3A_124] : memref<2x32x160x64xi32, #tpu.memory_space<hbm>> -> memref<1x1x40x64xi32, #tpu.memory_space<hbm>>
    %dma_wait3A_126 = tpu.memref_squeeze %dma_wait3A_125 : memref<1x1x40x64xi32, #tpu.memory_space<hbm>> -> memref<40x64xi32, #tpu.memory_space<hbm>>
    tpu.wait_dma2 semaphore(%arg12 : memref<!tpu.dma_semaphore, #tpu.memory_space<semaphore_mem>>) src(%dma_wait3A_126 : memref<40x64xi32, #tpu.memory_space<hbm>>) dst(%arg5 : memref<40x64xi32, #tpu.memory_space<vmem>>)
    %dma_wait3A_127 = arith.constant 1 : i32
    %dma_wait3A_128 = arith.constant 40 : i32
    %dma_wait3A_129 = arith.constant 0 : i32
    %dma_wait3A_130 = tpu.memref_slice %arg3[%dma_wait3A_127, %add3A, %dma_wait3A_128, %dma_wait3A_129] : memref<2x32x160x64xi32, #tpu.memory_space<hbm>> -> memref<1x1x40x64xi32, #tpu.memory_space<hbm>>
    %dma_wait3A_131 = tpu.memref_squeeze %dma_wait3A_130 : memref<1x1x40x64xi32, #tpu.memory_space<hbm>> -> memref<40x64xi32, #tpu.memory_space<hbm>>
    %dma_wait3A_132 = arith.constant 40 : i32
    %dma_wait3A_133 = arith.constant 0 : i32
    %dma_wait3A_134 = tpu.memref_slice %arg3[%dma_wait3A_127, %add3A, %dma_wait3A_132, %dma_wait3A_133] : memref<2x32x160x64xi32, #tpu.memory_space<hbm>> -> memref<1x1x40x64xi32, #tpu.memory_space<hbm>>
    %dma_wait3A_135 = tpu.memref_squeeze %dma_wait3A_134 : memref<1x1x40x64xi32, #tpu.memory_space<hbm>> -> memref<40x64xi32, #tpu.memory_space<hbm>>
    tpu.wait_dma2 semaphore(%arg12 : memref<!tpu.dma_semaphore, #tpu.memory_space<semaphore_mem>>) src(%dma_wait3A_135 : memref<40x64xi32, #tpu.memory_space<hbm>>) dst(%arg6 : memref<40x64xi32, #tpu.memory_space<vmem>>)
    %dma_start3A_136 = arith.constant 0 : i32
    %dma_start3A_137 = arith.constant 0 : i32
    %dma_start3A_138 = tpu.memref_slice %arg5[%dma_start3A_136, %dma_start3A_137] : memref<40x64xi32, #tpu.memory_space<vmem>> -> memref<1x64xi32, #tpu.memory_space<vmem>>
    %dma_start3A_139 = tpu.memref_squeeze %dma_start3A_138 : memref<1x64xi32, #tpu.memory_space<vmem>> -> memref<64xi32, #tpu.memory_space<vmem>>
    %dma_start3A_140 = arith.constant 0 : i32
    %dma_start3A_141 = arith.constant 0 : i32
    %dma_start3A_142 = tpu.memref_slice %arg2[%dma_start3A_140, %dma_start3A_141] : memref<10000x128xf32, #tpu.memory_space<hbm>> -> memref<10000x128xf32, #tpu.memory_space<hbm>>
    tpu.enqueue_indirect_dma source(%dma_start3A_142 : memref<10000x128xf32, #tpu.memory_space<hbm>>) target(%arg7 : memref<64x128xf32, #tpu.memory_space<vmem>>) offsets(%dma_start3A_139 : memref<64xi32, #tpu.memory_space<vmem>>) semaphore(%arg13 : memref<!tpu.dma_semaphore, #tpu.memory_space<semaphore_mem>>)
    %dma_start3A_143 = arith.constant 1 : i32
    %dma_start3A_144 = arith.constant 0 : i32
    %dma_start3A_145 = tpu.memref_slice %arg5[%dma_start3A_143, %dma_start3A_144] : memref<40x64xi32, #tpu.memory_space<vmem>> -> memref<1x64xi32, #tpu.memory_space<vmem>>
    %dma_start3A_146 = tpu.memref_squeeze %dma_start3A_145 : memref<1x64xi32, #tpu.memory_space<vmem>> -> memref<64xi32, #tpu.memory_space<vmem>>
    %dma_start3A_147 = arith.constant 0 : i32
    %dma_start3A_148 = arith.constant 0 : i32
    %dma_start3A_149 = tpu.memref_slice %arg2[%dma_start3A_147, %dma_start3A_148] : memref<10000x128xf32, #tpu.memory_space<hbm>> -> memref<10000x128xf32, #tpu.memory_space<hbm>>
    tpu.enqueue_indirect_dma source(%dma_start3A_149 : memref<10000x128xf32, #tpu.memory_space<hbm>>) target(%arg8 : memref<64x128xf32, #tpu.memory_space<vmem>>) offsets(%dma_start3A_146 : memref<64xi32, #tpu.memory_space<vmem>>) semaphore(%arg14 : memref<!tpu.dma_semaphore, #tpu.memory_space<semaphore_mem>>)
    %dma_start3A_150 = arith.constant 2 : i32
    %dma_start3A_151 = arith.constant 0 : i32
    %dma_start3A_152 = tpu.memref_slice %arg5[%dma_start3A_150, %dma_start3A_151] : memref<40x64xi32, #tpu.memory_space<vmem>> -> memref<1x64xi32, #tpu.memory_space<vmem>>
    %dma_start3A_153 = tpu.memref_squeeze %dma_start3A_152 : memref<1x64xi32, #tpu.memory_space<vmem>> -> memref<64xi32, #tpu.memory_space<vmem>>
    %dma_start3A_154 = arith.constant 0 : i32
    %dma_start3A_155 = arith.constant 0 : i32
    %dma_start3A_156 = tpu.memref_slice %arg2[%dma_start3A_154, %dma_start3A_155] : memref<10000x128xf32, #tpu.memory_space<hbm>> -> memref<10000x128xf32, #tpu.memory_space<hbm>>
    tpu.enqueue_indirect_dma source(%dma_start3A_156 : memref<10000x128xf32, #tpu.memory_space<hbm>>) target(%arg9 : memref<64x128xf32, #tpu.memory_space<vmem>>) offsets(%dma_start3A_153 : memref<64xi32, #tpu.memory_space<vmem>>) semaphore(%arg15 : memref<!tpu.dma_semaphore, #tpu.memory_space<semaphore_mem>>)
    %scan3A_157 = arith.constant 0 : i32
    %scan3A_158 = arith.constant 10 : i32
    %scan3A_159 = arith.addi %scan3A_157, %scan3A_158 : i32
    %scan3A_160 = arith.constant 1 : i32
    scf.for %scan3A_379 = %scan3A_157 to %scan3A_159 step %scan3A_160  : i32 {
      %mul3A_380 = arith.constant 4 : i32
      %mul3A_381 = arith.muli %scan3A_379, %mul3A_380 : i32
      %add3A_382 = arith.constant 0 : i32
      %add3A_383 = arith.addi %add3A_382, %mul3A_381 : i32
      %add3A_384 = arith.constant 0 : i32
      %add3A_385 = arith.addi %add3A_383, %add3A_384 : i32
      %dma_wait3A_386 = arith.constant 0 : i32
      %dma_wait3A_387 = tpu.memref_slice %arg5[%add3A_385, %dma_wait3A_386] : memref<40x64xi32, #tpu.memory_space<vmem>> -> memref<1x64xi32, #tpu.memory_space<vmem>>
      %dma_wait3A_388 = tpu.memref_squeeze %dma_wait3A_387 : memref<1x64xi32, #tpu.memory_space<vmem>> -> memref<64xi32, #tpu.memory_space<vmem>>
      %dma_wait3A_389 = arith.constant 0 : i32
      %dma_wait3A_390 = arith.constant 0 : i32
      %dma_wait3A_391 = tpu.memref_slice %arg2[%dma_wait3A_389, %dma_wait3A_390] : memref<10000x128xf32, #tpu.memory_space<hbm>> -> memref<10000x128xf32, #tpu.memory_space<hbm>>
      tpu.wait_indirect_dma semaphore(%arg13 : memref<!tpu.dma_semaphore, #tpu.memory_space<semaphore_mem>>) src(%dma_wait3A_391 : memref<10000x128xf32, #tpu.memory_space<hbm>>) dst(%arg7 : memref<64x128xf32, #tpu.memory_space<vmem>>)
      %dma_start3A_392 = arith.constant 0 : i32
      %dma_start3A_393 = tpu.memref_slice %arg6[%add3A_385, %dma_start3A_392] : memref<40x64xi32, #tpu.memory_space<vmem>> -> memref<1x64xi32, #tpu.memory_space<vmem>>
      %dma_start3A_394 = tpu.memref_squeeze %dma_start3A_393 : memref<1x64xi32, #tpu.memory_space<vmem>> -> memref<64xi32, #tpu.memory_space<vmem>>
      %dma_start3A_395 = arith.constant 0 : i32
      %dma_start3A_396 = arith.constant 0 : i32
      %dma_start3A_397 = tpu.memref_slice %arg11[%dma_start3A_395, %dma_start3A_396] : memref<10240x128xf32, #tpu.memory_space<vmem_shared>> -> memref<10240x128xf32, #tpu.memory_space<vmem_shared>>
      tpu.enqueue_indirect_dma source(%arg7 : memref<64x128xf32, #tpu.memory_space<vmem>>) target(%dma_start3A_397 : memref<10240x128xf32, #tpu.memory_space<vmem_shared>>) offsets(%dma_start3A_394 : memref<64xi32, #tpu.memory_space<vmem>>) semaphore(%arg17 : memref<!tpu.dma_semaphore, #tpu.memory_space<semaphore_mem>>) {add = true}
      %add3A_398 = arith.constant 4 : i32
      %add3A_399 = arith.addi %add3A_385, %add3A_398 : i32
      %sub3A = arith.constant 1 : i32
      %sub3A_400 = arith.subi %add3A_399, %sub3A : i32
      %lt3A_401 = arith.constant 40 : i32
      %lt3A_402 = arith.cmpi slt, %sub3A_400, %lt3A_401 : i32
      %convert_element_type3A_403 = arith.extui %lt3A_402 : i1 to i32
      %cond3A_404 = arith.constant 0 : i32
      %cond3A_405 = arith.cmpi ne, %convert_element_type3A_403, %cond3A_404 : i32
      scf.if %cond3A_405 {
        %sub3A_475 = arith.constant 1 : i32
        %sub3A_476 = arith.subi %add3A_385, %sub3A_475 : i32
        %ge3A = arith.constant 0 : i32
        %ge3A_477 = arith.cmpi sge, %sub3A_476, %ge3A : i32
        %convert_element_type3A_478 = arith.extui %ge3A_477 : i1 to i32
        %cond3A_479 = arith.constant 0 : i32
        %cond3A_480 = arith.cmpi ne, %convert_element_type3A_478, %cond3A_479 : i32
        scf.if %cond3A_480 {
          %sub3A_491 = arith.constant 1 : i32
          %sub3A_492 = arith.subi %add3A_385, %sub3A_491 : i32
          %dma_wait3A_493 = arith.constant 0 : i32
          %dma_wait3A_494 = tpu.memref_slice %arg6[%sub3A_492, %dma_wait3A_493] : memref<40x64xi32, #tpu.memory_space<vmem>> -> memref<1x64xi32, #tpu.memory_space<vmem>>
          %dma_wait3A_495 = tpu.memref_squeeze %dma_wait3A_494 : memref<1x64xi32, #tpu.memory_space<vmem>> -> memref<64xi32, #tpu.memory_space<vmem>>
          %dma_wait3A_496 = arith.constant 0 : i32
          %dma_wait3A_497 = arith.constant 0 : i32
          %dma_wait3A_498 = tpu.memref_slice %arg11[%dma_wait3A_496, %dma_wait3A_497] : memref<10240x128xf32, #tpu.memory_space<vmem_shared>> -> memref<10240x128xf32, #tpu.memory_space<vmem_shared>>
          tpu.wait_indirect_dma semaphore(%arg20 : memref<!tpu.dma_semaphore, #tpu.memory_space<semaphore_mem>>) src(%arg10 : memref<64x128xf32, #tpu.memory_space<vmem>>) dst(%dma_wait3A_498 : memref<10240x128xf32, #tpu.memory_space<vmem_shared>>)
        } else {
        }
        %add3A_481 = arith.constant 4 : i32
        %add3A_482 = arith.addi %add3A_385, %add3A_481 : i32
        %sub3A_483 = arith.constant 1 : i32
        %sub3A_484 = arith.subi %add3A_482, %sub3A_483 : i32
        %dma_start3A_485 = arith.constant 0 : i32
        %dma_start3A_486 = tpu.memref_slice %arg5[%sub3A_484, %dma_start3A_485] : memref<40x64xi32, #tpu.memory_space<vmem>> -> memref<1x64xi32, #tpu.memory_space<vmem>>
        %dma_start3A_487 = tpu.memref_squeeze %dma_start3A_486 : memref<1x64xi32, #tpu.memory_space<vmem>> -> memref<64xi32, #tpu.memory_space<vmem>>
        %dma_start3A_488 = arith.constant 0 : i32
        %dma_start3A_489 = arith.constant 0 : i32
        %dma_start3A_490 = tpu.memref_slice %arg2[%dma_start3A_488, %dma_start3A_489] : memref<10000x128xf32, #tpu.memory_space<hbm>> -> memref<10000x128xf32, #tpu.memory_space<hbm>>
        tpu.enqueue_indirect_dma source(%dma_start3A_490 : memref<10000x128xf32, #tpu.memory_space<hbm>>) target(%arg10 : memref<64x128xf32, #tpu.memory_space<vmem>>) offsets(%dma_start3A_487 : memref<64xi32, #tpu.memory_space<vmem>>) semaphore(%arg16 : memref<!tpu.dma_semaphore, #tpu.memory_space<semaphore_mem>>)
      } else {
      }
      %add3A_406 = arith.constant 1 : i32
      %add3A_407 = arith.addi %add3A_383, %add3A_406 : i32
      %dma_wait3A_408 = arith.constant 0 : i32
      %dma_wait3A_409 = tpu.memref_slice %arg5[%add3A_407, %dma_wait3A_408] : memref<40x64xi32, #tpu.memory_space<vmem>> -> memref<1x64xi32, #tpu.memory_space<vmem>>
      %dma_wait3A_410 = tpu.memref_squeeze %dma_wait3A_409 : memref<1x64xi32, #tpu.memory_space<vmem>> -> memref<64xi32, #tpu.memory_space<vmem>>
      %dma_wait3A_411 = arith.constant 0 : i32
      %dma_wait3A_412 = arith.constant 0 : i32
      %dma_wait3A_413 = tpu.memref_slice %arg2[%dma_wait3A_411, %dma_wait3A_412] : memref<10000x128xf32, #tpu.memory_space<hbm>> -> memref<10000x128xf32, #tpu.memory_space<hbm>>
      tpu.wait_indirect_dma semaphore(%arg14 : memref<!tpu.dma_semaphore, #tpu.memory_space<semaphore_mem>>) src(%dma_wait3A_413 : memref<10000x128xf32, #tpu.memory_space<hbm>>) dst(%arg8 : memref<64x128xf32, #tpu.memory_space<vmem>>)
      %dma_start3A_414 = arith.constant 0 : i32
      %dma_start3A_415 = tpu.memref_slice %arg6[%add3A_407, %dma_start3A_414] : memref<40x64xi32, #tpu.memory_space<vmem>> -> memref<1x64xi32, #tpu.memory_space<vmem>>
      %dma_start3A_416 = tpu.memref_squeeze %dma_start3A_415 : memref<1x64xi32, #tpu.memory_space<vmem>> -> memref<64xi32, #tpu.memory_space<vmem>>
      %dma_start3A_417 = arith.constant 0 : i32
      %dma_start3A_418 = arith.constant 0 : i32
      %dma_start3A_419 = tpu.memref_slice %arg11[%dma_start3A_417, %dma_start3A_418] : memref<10240x128xf32, #tpu.memory_space<vmem_shared>> -> memref<10240x128xf32, #tpu.memory_space<vmem_shared>>
      tpu.enqueue_indirect_dma source(%arg8 : memref<64x128xf32, #tpu.memory_space<vmem>>) target(%dma_start3A_419 : memref<10240x128xf32, #tpu.memory_space<vmem_shared>>) offsets(%dma_start3A_416 : memref<64xi32, #tpu.memory_space<vmem>>) semaphore(%arg18 : memref<!tpu.dma_semaphore, #tpu.memory_space<semaphore_mem>>) {add = true}
      %add3A_420 = arith.constant 4 : i32
      %add3A_421 = arith.addi %add3A_407, %add3A_420 : i32
      %sub3A_422 = arith.constant 1 : i32
      %sub3A_423 = arith.subi %add3A_421, %sub3A_422 : i32
      %lt3A_424 = arith.constant 40 : i32
      %lt3A_425 = arith.cmpi slt, %sub3A_423, %lt3A_424 : i32
      %convert_element_type3A_426 = arith.extui %lt3A_425 : i1 to i32
      %cond3A_427 = arith.constant 0 : i32
      %cond3A_428 = arith.cmpi ne, %convert_element_type3A_426, %cond3A_427 : i32
      scf.if %cond3A_428 {
        %sub3A_475 = arith.constant 1 : i32
        %sub3A_476 = arith.subi %add3A_407, %sub3A_475 : i32
        %ge3A = arith.constant 0 : i32
        %ge3A_477 = arith.cmpi sge, %sub3A_476, %ge3A : i32
        %convert_element_type3A_478 = arith.extui %ge3A_477 : i1 to i32
        %cond3A_479 = arith.constant 0 : i32
        %cond3A_480 = arith.cmpi ne, %convert_element_type3A_478, %cond3A_479 : i32
        scf.if %cond3A_480 {
          %sub3A_491 = arith.constant 1 : i32
          %sub3A_492 = arith.subi %add3A_407, %sub3A_491 : i32
          %dma_wait3A_493 = arith.constant 0 : i32
          %dma_wait3A_494 = tpu.memref_slice %arg6[%sub3A_492, %dma_wait3A_493] : memref<40x64xi32, #tpu.memory_space<vmem>> -> memref<1x64xi32, #tpu.memory_space<vmem>>
          %dma_wait3A_495 = tpu.memref_squeeze %dma_wait3A_494 : memref<1x64xi32, #tpu.memory_space<vmem>> -> memref<64xi32, #tpu.memory_space<vmem>>
          %dma_wait3A_496 = arith.constant 0 : i32
          %dma_wait3A_497 = arith.constant 0 : i32
          %dma_wait3A_498 = tpu.memref_slice %arg11[%dma_wait3A_496, %dma_wait3A_497] : memref<10240x128xf32, #tpu.memory_space<vmem_shared>> -> memref<10240x128xf32, #tpu.memory_space<vmem_shared>>
          tpu.wait_indirect_dma semaphore(%arg17 : memref<!tpu.dma_semaphore, #tpu.memory_space<semaphore_mem>>) src(%arg7 : memref<64x128xf32, #tpu.memory_space<vmem>>) dst(%dma_wait3A_498 : memref<10240x128xf32, #tpu.memory_space<vmem_shared>>)
        } else {
        }
        %add3A_481 = arith.constant 4 : i32
        %add3A_482 = arith.addi %add3A_407, %add3A_481 : i32
        %sub3A_483 = arith.constant 1 : i32
        %sub3A_484 = arith.subi %add3A_482, %sub3A_483 : i32
        %dma_start3A_485 = arith.constant 0 : i32
        %dma_start3A_486 = tpu.memref_slice %arg5[%sub3A_484, %dma_start3A_485] : memref<40x64xi32, #tpu.memory_space<vmem>> -> memref<1x64xi32, #tpu.memory_space<vmem>>
        %dma_start3A_487 = tpu.memref_squeeze %dma_start3A_486 : memref<1x64xi32, #tpu.memory_space<vmem>> -> memref<64xi32, #tpu.memory_space<vmem>>
        %dma_start3A_488 = arith.constant 0 : i32
        %dma_start3A_489 = arith.constant 0 : i32
        %dma_start3A_490 = tpu.memref_slice %arg2[%dma_start3A_488, %dma_start3A_489] : memref<10000x128xf32, #tpu.memory_space<hbm>> -> memref<10000x128xf32, #tpu.memory_space<hbm>>
        tpu.enqueue_indirect_dma source(%dma_start3A_490 : memref<10000x128xf32, #tpu.memory_space<hbm>>) target(%arg7 : memref<64x128xf32, #tpu.memory_space<vmem>>) offsets(%dma_start3A_487 : memref<64xi32, #tpu.memory_space<vmem>>) semaphore(%arg13 : memref<!tpu.dma_semaphore, #tpu.memory_space<semaphore_mem>>)
      } else {
      }
      %add3A_429 = arith.constant 2 : i32
      %add3A_430 = arith.addi %add3A_383, %add3A_429 : i32
      %dma_wait3A_431 = arith.constant 0 : i32
      %dma_wait3A_432 = tpu.memref_slice %arg5[%add3A_430, %dma_wait3A_431] : memref<40x64xi32, #tpu.memory_space<vmem>> -> memref<1x64xi32, #tpu.memory_space<vmem>>
      %dma_wait3A_433 = tpu.memref_squeeze %dma_wait3A_432 : memref<1x64xi32, #tpu.memory_space<vmem>> -> memref<64xi32, #tpu.memory_space<vmem>>
      %dma_wait3A_434 = arith.constant 0 : i32
      %dma_wait3A_435 = arith.constant 0 : i32
      %dma_wait3A_436 = tpu.memref_slice %arg2[%dma_wait3A_434, %dma_wait3A_435] : memref<10000x128xf32, #tpu.memory_space<hbm>> -> memref<10000x128xf32, #tpu.memory_space<hbm>>
      tpu.wait_indirect_dma semaphore(%arg15 : memref<!tpu.dma_semaphore, #tpu.memory_space<semaphore_mem>>) src(%dma_wait3A_436 : memref<10000x128xf32, #tpu.memory_space<hbm>>) dst(%arg9 : memref<64x128xf32, #tpu.memory_space<vmem>>)
      %dma_start3A_437 = arith.constant 0 : i32
      %dma_start3A_438 = tpu.memref_slice %arg6[%add3A_430, %dma_start3A_437] : memref<40x64xi32, #tpu.memory_space<vmem>> -> memref<1x64xi32, #tpu.memory_space<vmem>>
      %dma_start3A_439 = tpu.memref_squeeze %dma_start3A_438 : memref<1x64xi32, #tpu.memory_space<vmem>> -> memref<64xi32, #tpu.memory_space<vmem>>
      %dma_start3A_440 = arith.constant 0 : i32
      %dma_start3A_441 = arith.constant 0 : i32
      %dma_start3A_442 = tpu.memref_slice %arg11[%dma_start3A_440, %dma_start3A_441] : memref<10240x128xf32, #tpu.memory_space<vmem_shared>> -> memref<10240x128xf32, #tpu.memory_space<vmem_shared>>
      tpu.enqueue_indirect_dma source(%arg9 : memref<64x128xf32, #tpu.memory_space<vmem>>) target(%dma_start3A_442 : memref<10240x128xf32, #tpu.memory_space<vmem_shared>>) offsets(%dma_start3A_439 : memref<64xi32, #tpu.memory_space<vmem>>) semaphore(%arg19 : memref<!tpu.dma_semaphore, #tpu.memory_space<semaphore_mem>>) {add = true}
      %add3A_443 = arith.constant 4 : i32
      %add3A_444 = arith.addi %add3A_430, %add3A_443 : i32
      %sub3A_445 = arith.constant 1 : i32
      %sub3A_446 = arith.subi %add3A_444, %sub3A_445 : i32
      %lt3A_447 = arith.constant 40 : i32
      %lt3A_448 = arith.cmpi slt, %sub3A_446, %lt3A_447 : i32
      %convert_element_type3A_449 = arith.extui %lt3A_448 : i1 to i32
      %cond3A_450 = arith.constant 0 : i32
      %cond3A_451 = arith.cmpi ne, %convert_element_type3A_449, %cond3A_450 : i32
      scf.if %cond3A_451 {
        %sub3A_475 = arith.constant 1 : i32
        %sub3A_476 = arith.subi %add3A_430, %sub3A_475 : i32
        %ge3A = arith.constant 0 : i32
        %ge3A_477 = arith.cmpi sge, %sub3A_476, %ge3A : i32
        %convert_element_type3A_478 = arith.extui %ge3A_477 : i1 to i32
        %cond3A_479 = arith.constant 0 : i32
        %cond3A_480 = arith.cmpi ne, %convert_element_type3A_478, %cond3A_479 : i32
        scf.if %cond3A_480 {
          %sub3A_491 = arith.constant 1 : i32
          %sub3A_492 = arith.subi %add3A_430, %sub3A_491 : i32
          %dma_wait3A_493 = arith.constant 0 : i32
          %dma_wait3A_494 = tpu.memref_slice %arg6[%sub3A_492, %dma_wait3A_493] : memref<40x64xi32, #tpu.memory_space<vmem>> -> memref<1x64xi32, #tpu.memory_space<vmem>>
          %dma_wait3A_495 = tpu.memref_squeeze %dma_wait3A_494 : memref<1x64xi32, #tpu.memory_space<vmem>> -> memref<64xi32, #tpu.memory_space<vmem>>
          %dma_wait3A_496 = arith.constant 0 : i32
          %dma_wait3A_497 = arith.constant 0 : i32
          %dma_wait3A_498 = tpu.memref_slice %arg11[%dma_wait3A_496, %dma_wait3A_497] : memref<10240x128xf32, #tpu.memory_space<vmem_shared>> -> memref<10240x128xf32, #tpu.memory_space<vmem_shared>>
          tpu.wait_indirect_dma semaphore(%arg18 : memref<!tpu.dma_semaphore, #tpu.memory_space<semaphore_mem>>) src(%arg8 : memref<64x128xf32, #tpu.memory_space<vmem>>) dst(%dma_wait3A_498 : memref<10240x128xf32, #tpu.memory_space<vmem_shared>>)
        } else {
        }
        %add3A_481 = arith.constant 4 : i32
        %add3A_482 = arith.addi %add3A_430, %add3A_481 : i32
        %sub3A_483 = arith.constant 1 : i32
        %sub3A_484 = arith.subi %add3A_482, %sub3A_483 : i32
        %dma_start3A_485 = arith.constant 0 : i32
        %dma_start3A_486 = tpu.memref_slice %arg5[%sub3A_484, %dma_start3A_485] : memref<40x64xi32, #tpu.memory_space<vmem>> -> memref<1x64xi32, #tpu.memory_space<vmem>>
        %dma_start3A_487 = tpu.memref_squeeze %dma_start3A_486 : memref<1x64xi32, #tpu.memory_space<vmem>> -> memref<64xi32, #tpu.memory_space<vmem>>
        %dma_start3A_488 = arith.constant 0 : i32
        %dma_start3A_489 = arith.constant 0 : i32
        %dma_start3A_490 = tpu.memref_slice %arg2[%dma_start3A_488, %dma_start3A_489] : memref<10000x128xf32, #tpu.memory_space<hbm>> -> memref<10000x128xf32, #tpu.memory_space<hbm>>
        tpu.enqueue_indirect_dma source(%dma_start3A_490 : memref<10000x128xf32, #tpu.memory_space<hbm>>) target(%arg8 : memref<64x128xf32, #tpu.memory_space<vmem>>) offsets(%dma_start3A_487 : memref<64xi32, #tpu.memory_space<vmem>>) semaphore(%arg14 : memref<!tpu.dma_semaphore, #tpu.memory_space<semaphore_mem>>)
      } else {
      }
      %add3A_452 = arith.constant 3 : i32
      %add3A_453 = arith.addi %add3A_383, %add3A_452 : i32
      %dma_wait3A_454 = arith.constant 0 : i32
      %dma_wait3A_455 = tpu.memref_slice %arg5[%add3A_453, %dma_wait3A_454] : memref<40x64xi32, #tpu.memory_space<vmem>> -> memref<1x64xi32, #tpu.memory_space<vmem>>
      %dma_wait3A_456 = tpu.memref_squeeze %dma_wait3A_455 : memref<1x64xi32, #tpu.memory_space<vmem>> -> memref<64xi32, #tpu.memory_space<vmem>>
      %dma_wait3A_457 = arith.constant 0 : i32
      %dma_wait3A_458 = arith.constant 0 : i32
      %dma_wait3A_459 = tpu.memref_slice %arg2[%dma_wait3A_457, %dma_wait3A_458] : memref<10000x128xf32, #tpu.memory_space<hbm>> -> memref<10000x128xf32, #tpu.memory_space<hbm>>
      tpu.wait_indirect_dma semaphore(%arg16 : memref<!tpu.dma_semaphore, #tpu.memory_space<semaphore_mem>>) src(%dma_wait3A_459 : memref<10000x128xf32, #tpu.memory_space<hbm>>) dst(%arg10 : memref<64x128xf32, #tpu.memory_space<vmem>>)
      %dma_start3A_460 = arith.constant 0 : i32
      %dma_start3A_461 = tpu.memref_slice %arg6[%add3A_453, %dma_start3A_460] : memref<40x64xi32, #tpu.memory_space<vmem>> -> memref<1x64xi32, #tpu.memory_space<vmem>>
      %dma_start3A_462 = tpu.memref_squeeze %dma_start3A_461 : memref<1x64xi32, #tpu.memory_space<vmem>> -> memref<64xi32, #tpu.memory_space<vmem>>
      %dma_start3A_463 = arith.constant 0 : i32
      %dma_start3A_464 = arith.constant 0 : i32
      %dma_start3A_465 = tpu.memref_slice %arg11[%dma_start3A_463, %dma_start3A_464] : memref<10240x128xf32, #tpu.memory_space<vmem_shared>> -> memref<10240x128xf32, #tpu.memory_space<vmem_shared>>
      tpu.enqueue_indirect_dma source(%arg10 : memref<64x128xf32, #tpu.memory_space<vmem>>) target(%dma_start3A_465 : memref<10240x128xf32, #tpu.memory_space<vmem_shared>>) offsets(%dma_start3A_462 : memref<64xi32, #tpu.memory_space<vmem>>) semaphore(%arg20 : memref<!tpu.dma_semaphore, #tpu.memory_space<semaphore_mem>>) {add = true}
      %add3A_466 = arith.constant 4 : i32
      %add3A_467 = arith.addi %add3A_453, %add3A_466 : i32
      %sub3A_468 = arith.constant 1 : i32
      %sub3A_469 = arith.subi %add3A_467, %sub3A_468 : i32
      %lt3A_470 = arith.constant 40 : i32
      %lt3A_471 = arith.cmpi slt, %sub3A_469, %lt3A_470 : i32
      %convert_element_type3A_472 = arith.extui %lt3A_471 : i1 to i32
      %cond3A_473 = arith.constant 0 : i32
      %cond3A_474 = arith.cmpi ne, %convert_element_type3A_472, %cond3A_473 : i32
      scf.if %cond3A_474 {
        %sub3A_475 = arith.constant 1 : i32
        %sub3A_476 = arith.subi %add3A_453, %sub3A_475 : i32
        %ge3A = arith.constant 0 : i32
        %ge3A_477 = arith.cmpi sge, %sub3A_476, %ge3A : i32
        %convert_element_type3A_478 = arith.extui %ge3A_477 : i1 to i32
        %cond3A_479 = arith.constant 0 : i32
        %cond3A_480 = arith.cmpi ne, %convert_element_type3A_478, %cond3A_479 : i32
        scf.if %cond3A_480 {
          %sub3A_491 = arith.constant 1 : i32
          %sub3A_492 = arith.subi %add3A_453, %sub3A_491 : i32
          %dma_wait3A_493 = arith.constant 0 : i32
          %dma_wait3A_494 = tpu.memref_slice %arg6[%sub3A_492, %dma_wait3A_493] : memref<40x64xi32, #tpu.memory_space<vmem>> -> memref<1x64xi32, #tpu.memory_space<vmem>>
          %dma_wait3A_495 = tpu.memref_squeeze %dma_wait3A_494 : memref<1x64xi32, #tpu.memory_space<vmem>> -> memref<64xi32, #tpu.memory_space<vmem>>
          %dma_wait3A_496 = arith.constant 0 : i32
          %dma_wait3A_497 = arith.constant 0 : i32
          %dma_wait3A_498 = tpu.memref_slice %arg11[%dma_wait3A_496, %dma_wait3A_497] : memref<10240x128xf32, #tpu.memory_space<vmem_shared>> -> memref<10240x128xf32, #tpu.memory_space<vmem_shared>>
          tpu.wait_indirect_dma semaphore(%arg19 : memref<!tpu.dma_semaphore, #tpu.memory_space<semaphore_mem>>) src(%arg9 : memref<64x128xf32, #tpu.memory_space<vmem>>) dst(%dma_wait3A_498 : memref<10240x128xf32, #tpu.memory_space<vmem_shared>>)
        } else {
        }
        %add3A_481 = arith.constant 4 : i32
        %add3A_482 = arith.addi %add3A_453, %add3A_481 : i32
        %sub3A_483 = arith.constant 1 : i32
        %sub3A_484 = arith.subi %add3A_482, %sub3A_483 : i32
        %dma_start3A_485 = arith.constant 0 : i32
        %dma_start3A_486 = tpu.memref_slice %arg5[%sub3A_484, %dma_start3A_485] : memref<40x64xi32, #tpu.memory_space<vmem>> -> memref<1x64xi32, #tpu.memory_space<vmem>>
        %dma_start3A_487 = tpu.memref_squeeze %dma_start3A_486 : memref<1x64xi32, #tpu.memory_space<vmem>> -> memref<64xi32, #tpu.memory_space<vmem>>
        %dma_start3A_488 = arith.constant 0 : i32
        %dma_start3A_489 = arith.constant 0 : i32
        %dma_start3A_490 = tpu.memref_slice %arg2[%dma_start3A_488, %dma_start3A_489] : memref<10000x128xf32, #tpu.memory_space<hbm>> -> memref<10000x128xf32, #tpu.memory_space<hbm>>
        tpu.enqueue_indirect_dma source(%dma_start3A_490 : memref<10000x128xf32, #tpu.memory_space<hbm>>) target(%arg9 : memref<64x128xf32, #tpu.memory_space<vmem>>) offsets(%dma_start3A_487 : memref<64xi32, #tpu.memory_space<vmem>>) semaphore(%arg15 : memref<!tpu.dma_semaphore, #tpu.memory_space<semaphore_mem>>)
      } else {
      }
    }
    %scan3A_161 = arith.constant 10 : i32
    %dma_wait3A_162 = arith.constant 36 : i32
    %dma_wait3A_163 = arith.constant 0 : i32
    %dma_wait3A_164 = tpu.memref_slice %arg6[%dma_wait3A_162, %dma_wait3A_163] : memref<40x64xi32, #tpu.memory_space<vmem>> -> memref<1x64xi32, #tpu.memory_space<vmem>>
    %dma_wait3A_165 = tpu.memref_squeeze %dma_wait3A_164 : memref<1x64xi32, #tpu.memory_space<vmem>> -> memref<64xi32, #tpu.memory_space<vmem>>
    %dma_wait3A_166 = arith.constant 0 : i32
    %dma_wait3A_167 = arith.constant 0 : i32
    %dma_wait3A_168 = tpu.memref_slice %arg11[%dma_wait3A_166, %dma_wait3A_167] : memref<10240x128xf32, #tpu.memory_space<vmem_shared>> -> memref<10240x128xf32, #tpu.memory_space<vmem_shared>>
    tpu.wait_indirect_dma semaphore(%arg17 : memref<!tpu.dma_semaphore, #tpu.memory_space<semaphore_mem>>) src(%arg7 : memref<64x128xf32, #tpu.memory_space<vmem>>) dst(%dma_wait3A_168 : memref<10240x128xf32, #tpu.memory_space<vmem_shared>>)
    %dma_wait3A_169 = arith.constant 37 : i32
    %dma_wait3A_170 = arith.constant 0 : i32
    %dma_wait3A_171 = tpu.memref_slice %arg6[%dma_wait3A_169, %dma_wait3A_170] : memref<40x64xi32, #tpu.memory_space<vmem>> -> memref<1x64xi32, #tpu.memory_space<vmem>>
    %dma_wait3A_172 = tpu.memref_squeeze %dma_wait3A_171 : memref<1x64xi32, #tpu.memory_space<vmem>> -> memref<64xi32, #tpu.memory_space<vmem>>
    %dma_wait3A_173 = arith.constant 0 : i32
    %dma_wait3A_174 = arith.constant 0 : i32
    %dma_wait3A_175 = tpu.memref_slice %arg11[%dma_wait3A_173, %dma_wait3A_174] : memref<10240x128xf32, #tpu.memory_space<vmem_shared>> -> memref<10240x128xf32, #tpu.memory_space<vmem_shared>>
    tpu.wait_indirect_dma semaphore(%arg18 : memref<!tpu.dma_semaphore, #tpu.memory_space<semaphore_mem>>) src(%arg8 : memref<64x128xf32, #tpu.memory_space<vmem>>) dst(%dma_wait3A_175 : memref<10240x128xf32, #tpu.memory_space<vmem_shared>>)
    %dma_wait3A_176 = arith.constant 38 : i32
    %dma_wait3A_177 = arith.constant 0 : i32
    %dma_wait3A_178 = tpu.memref_slice %arg6[%dma_wait3A_176, %dma_wait3A_177] : memref<40x64xi32, #tpu.memory_space<vmem>> -> memref<1x64xi32, #tpu.memory_space<vmem>>
    %dma_wait3A_179 = tpu.memref_squeeze %dma_wait3A_178 : memref<1x64xi32, #tpu.memory_space<vmem>> -> memref<64xi32, #tpu.memory_space<vmem>>
    %dma_wait3A_180 = arith.constant 0 : i32
    %dma_wait3A_181 = arith.constant 0 : i32
    %dma_wait3A_182 = tpu.memref_slice %arg11[%dma_wait3A_180, %dma_wait3A_181] : memref<10240x128xf32, #tpu.memory_space<vmem_shared>> -> memref<10240x128xf32, #tpu.memory_space<vmem_shared>>
    tpu.wait_indirect_dma semaphore(%arg19 : memref<!tpu.dma_semaphore, #tpu.memory_space<semaphore_mem>>) src(%arg9 : memref<64x128xf32, #tpu.memory_space<vmem>>) dst(%dma_wait3A_182 : memref<10240x128xf32, #tpu.memory_space<vmem_shared>>)
    %dma_wait3A_183 = arith.constant 39 : i32
    %dma_wait3A_184 = arith.constant 0 : i32
    %dma_wait3A_185 = tpu.memref_slice %arg6[%dma_wait3A_183, %dma_wait3A_184] : memref<40x64xi32, #tpu.memory_space<vmem>> -> memref<1x64xi32, #tpu.memory_space<vmem>>
    %dma_wait3A_186 = tpu.memref_squeeze %dma_wait3A_185 : memref<1x64xi32, #tpu.memory_space<vmem>> -> memref<64xi32, #tpu.memory_space<vmem>>
    %dma_wait3A_187 = arith.constant 0 : i32
    %dma_wait3A_188 = arith.constant 0 : i32
    %dma_wait3A_189 = tpu.memref_slice %arg11[%dma_wait3A_187, %dma_wait3A_188] : memref<10240x128xf32, #tpu.memory_space<vmem_shared>> -> memref<10240x128xf32, #tpu.memory_space<vmem_shared>>
    tpu.wait_indirect_dma semaphore(%arg20 : memref<!tpu.dma_semaphore, #tpu.memory_space<semaphore_mem>>) src(%arg10 : memref<64x128xf32, #tpu.memory_space<vmem>>) dst(%dma_wait3A_189 : memref<10240x128xf32, #tpu.memory_space<vmem_shared>>)
    %dma_start3A_190 = arith.constant 0 : i32
    %dma_start3A_191 = arith.constant 80 : i32
    %dma_start3A_192 = arith.constant 0 : i32
    %dma_start3A_193 = tpu.memref_slice %arg3[%dma_start3A_190, %add3A, %dma_start3A_191, %dma_start3A_192] : memref<2x32x160x64xi32, #tpu.memory_space<hbm>> -> memref<1x1x40x64xi32, #tpu.memory_space<hbm>>
    %dma_start3A_194 = tpu.memref_squeeze %dma_start3A_193 : memref<1x1x40x64xi32, #tpu.memory_space<hbm>> -> memref<40x64xi32, #tpu.memory_space<hbm>>
    %dma_start3A_195 = arith.constant 80 : i32
    %dma_start3A_196 = arith.constant 0 : i32
    %dma_start3A_197 = tpu.memref_slice %arg3[%dma_start3A_190, %add3A, %dma_start3A_195, %dma_start3A_196] : memref<2x32x160x64xi32, #tpu.memory_space<hbm>> -> memref<1x1x40x64xi32, #tpu.memory_space<hbm>>
    %dma_start3A_198 = tpu.memref_squeeze %dma_start3A_197 : memref<1x1x40x64xi32, #tpu.memory_space<hbm>> -> memref<40x64xi32, #tpu.memory_space<hbm>>
    tpu.enqueue_dma source(%dma_start3A_198 : memref<40x64xi32, #tpu.memory_space<hbm>>) target(%arg5 : memref<40x64xi32, #tpu.memory_space<vmem>>) target_semaphore(%arg12 : memref<!tpu.dma_semaphore, #tpu.memory_space<semaphore_mem>>)
    %dma_start3A_199 = arith.constant 1 : i32
    %dma_start3A_200 = arith.constant 80 : i32
    %dma_start3A_201 = arith.constant 0 : i32
    %dma_start3A_202 = tpu.memref_slice %arg3[%dma_start3A_199, %add3A, %dma_start3A_200, %dma_start3A_201] : memref<2x32x160x64xi32, #tpu.memory_space<hbm>> -> memref<1x1x40x64xi32, #tpu.memory_space<hbm>>
    %dma_start3A_203 = tpu.memref_squeeze %dma_start3A_202 : memref<1x1x40x64xi32, #tpu.memory_space<hbm>> -> memref<40x64xi32, #tpu.memory_space<hbm>>
    %dma_start3A_204 = arith.constant 80 : i32
    %dma_start3A_205 = arith.constant 0 : i32
    %dma_start3A_206 = tpu.memref_slice %arg3[%dma_start3A_199, %add3A, %dma_start3A_204, %dma_start3A_205] : memref<2x32x160x64xi32, #tpu.memory_space<hbm>> -> memref<1x1x40x64xi32, #tpu.memory_space<hbm>>
    %dma_start3A_207 = tpu.memref_squeeze %dma_start3A_206 : memref<1x1x40x64xi32, #tpu.memory_space<hbm>> -> memref<40x64xi32, #tpu.memory_space<hbm>>
    tpu.enqueue_dma source(%dma_start3A_207 : memref<40x64xi32, #tpu.memory_space<hbm>>) target(%arg6 : memref<40x64xi32, #tpu.memory_space<vmem>>) target_semaphore(%arg12 : memref<!tpu.dma_semaphore, #tpu.memory_space<semaphore_mem>>)
    %dma_wait3A_208 = arith.constant 0 : i32
    %dma_wait3A_209 = arith.constant 80 : i32
    %dma_wait3A_210 = arith.constant 0 : i32
    %dma_wait3A_211 = tpu.memref_slice %arg3[%dma_wait3A_208, %add3A, %dma_wait3A_209, %dma_wait3A_210] : memref<2x32x160x64xi32, #tpu.memory_space<hbm>> -> memref<1x1x40x64xi32, #tpu.memory_space<hbm>>
    %dma_wait3A_212 = tpu.memref_squeeze %dma_wait3A_211 : memref<1x1x40x64xi32, #tpu.memory_space<hbm>> -> memref<40x64xi32, #tpu.memory_space<hbm>>
    %dma_wait3A_213 = arith.constant 80 : i32
    %dma_wait3A_214 = arith.constant 0 : i32
    %dma_wait3A_215 = tpu.memref_slice %arg3[%dma_wait3A_208, %add3A, %dma_wait3A_213, %dma_wait3A_214] : memref<2x32x160x64xi32, #tpu.memory_space<hbm>> -> memref<1x1x40x64xi32, #tpu.memory_space<hbm>>
    %dma_wait3A_216 = tpu.memref_squeeze %dma_wait3A_215 : memref<1x1x40x64xi32, #tpu.memory_space<hbm>> -> memref<40x64xi32, #tpu.memory_space<hbm>>
    tpu.wait_dma2 semaphore(%arg12 : memref<!tpu.dma_semaphore, #tpu.memory_space<semaphore_mem>>) src(%dma_wait3A_216 : memref<40x64xi32, #tpu.memory_space<hbm>>) dst(%arg5 : memref<40x64xi32, #tpu.memory_space<vmem>>)
    %dma_wait3A_217 = arith.constant 1 : i32
    %dma_wait3A_218 = arith.constant 80 : i32
    %dma_wait3A_219 = arith.constant 0 : i32
    %dma_wait3A_220 = tpu.memref_slice %arg3[%dma_wait3A_217, %add3A, %dma_wait3A_218, %dma_wait3A_219] : memref<2x32x160x64xi32, #tpu.memory_space<hbm>> -> memref<1x1x40x64xi32, #tpu.memory_space<hbm>>
    %dma_wait3A_221 = tpu.memref_squeeze %dma_wait3A_220 : memref<1x1x40x64xi32, #tpu.memory_space<hbm>> -> memref<40x64xi32, #tpu.memory_space<hbm>>
    %dma_wait3A_222 = arith.constant 80 : i32
    %dma_wait3A_223 = arith.constant 0 : i32
    %dma_wait3A_224 = tpu.memref_slice %arg3[%dma_wait3A_217, %add3A, %dma_wait3A_222, %dma_wait3A_223] : memref<2x32x160x64xi32, #tpu.memory_space<hbm>> -> memref<1x1x40x64xi32, #tpu.memory_space<hbm>>
    %dma_wait3A_225 = tpu.memref_squeeze %dma_wait3A_224 : memref<1x1x40x64xi32, #tpu.memory_space<hbm>> -> memref<40x64xi32, #tpu.memory_space<hbm>>
    tpu.wait_dma2 semaphore(%arg12 : memref<!tpu.dma_semaphore, #tpu.memory_space<semaphore_mem>>) src(%dma_wait3A_225 : memref<40x64xi32, #tpu.memory_space<hbm>>) dst(%arg6 : memref<40x64xi32, #tpu.memory_space<vmem>>)
    %dma_start3A_226 = arith.constant 0 : i32
    %dma_start3A_227 = arith.constant 0 : i32
    %dma_start3A_228 = tpu.memref_slice %arg5[%dma_start3A_226, %dma_start3A_227] : memref<40x64xi32, #tpu.memory_space<vmem>> -> memref<1x64xi32, #tpu.memory_space<vmem>>
    %dma_start3A_229 = tpu.memref_squeeze %dma_start3A_228 : memref<1x64xi32, #tpu.memory_space<vmem>> -> memref<64xi32, #tpu.memory_space<vmem>>
    %dma_start3A_230 = arith.constant 0 : i32
    %dma_start3A_231 = arith.constant 0 : i32
    %dma_start3A_232 = tpu.memref_slice %arg2[%dma_start3A_230, %dma_start3A_231] : memref<10000x128xf32, #tpu.memory_space<hbm>> -> memref<10000x128xf32, #tpu.memory_space<hbm>>
    tpu.enqueue_indirect_dma source(%dma_start3A_232 : memref<10000x128xf32, #tpu.memory_space<hbm>>) target(%arg7 : memref<64x128xf32, #tpu.memory_space<vmem>>) offsets(%dma_start3A_229 : memref<64xi32, #tpu.memory_space<vmem>>) semaphore(%arg13 : memref<!tpu.dma_semaphore, #tpu.memory_space<semaphore_mem>>)
    %dma_start3A_233 = arith.constant 1 : i32
    %dma_start3A_234 = arith.constant 0 : i32
    %dma_start3A_235 = tpu.memref_slice %arg5[%dma_start3A_233, %dma_start3A_234] : memref<40x64xi32, #tpu.memory_space<vmem>> -> memref<1x64xi32, #tpu.memory_space<vmem>>
    %dma_start3A_236 = tpu.memref_squeeze %dma_start3A_235 : memref<1x64xi32, #tpu.memory_space<vmem>> -> memref<64xi32, #tpu.memory_space<vmem>>
    %dma_start3A_237 = arith.constant 0 : i32
    %dma_start3A_238 = arith.constant 0 : i32
    %dma_start3A_239 = tpu.memref_slice %arg2[%dma_start3A_237, %dma_start3A_238] : memref<10000x128xf32, #tpu.memory_space<hbm>> -> memref<10000x128xf32, #tpu.memory_space<hbm>>
    tpu.enqueue_indirect_dma source(%dma_start3A_239 : memref<10000x128xf32, #tpu.memory_space<hbm>>) target(%arg8 : memref<64x128xf32, #tpu.memory_space<vmem>>) offsets(%dma_start3A_236 : memref<64xi32, #tpu.memory_space<vmem>>) semaphore(%arg14 : memref<!tpu.dma_semaphore, #tpu.memory_space<semaphore_mem>>)
    %dma_start3A_240 = arith.constant 2 : i32
    %dma_start3A_241 = arith.constant 0 : i32
    %dma_start3A_242 = tpu.memref_slice %arg5[%dma_start3A_240, %dma_start3A_241] : memref<40x64xi32, #tpu.memory_space<vmem>> -> memref<1x64xi32, #tpu.memory_space<vmem>>
    %dma_start3A_243 = tpu.memref_squeeze %dma_start3A_242 : memref<1x64xi32, #tpu.memory_space<vmem>> -> memref<64xi32, #tpu.memory_space<vmem>>
    %dma_start3A_244 = arith.constant 0 : i32
    %dma_start3A_245 = arith.constant 0 : i32
    %dma_start3A_246 = tpu.memref_slice %arg2[%dma_start3A_244, %dma_start3A_245] : memref<10000x128xf32, #tpu.memory_space<hbm>> -> memref<10000x128xf32, #tpu.memory_space<hbm>>
    tpu.enqueue_indirect_dma source(%dma_start3A_246 : memref<10000x128xf32, #tpu.memory_space<hbm>>) target(%arg9 : memref<64x128xf32, #tpu.memory_space<vmem>>) offsets(%dma_start3A_243 : memref<64xi32, #tpu.memory_space<vmem>>) semaphore(%arg15 : memref<!tpu.dma_semaphore, #tpu.memory_space<semaphore_mem>>)
    %scan3A_247 = arith.constant 0 : i32
    %scan3A_248 = arith.constant 10 : i32
    %scan3A_249 = arith.addi %scan3A_247, %scan3A_248 : i32
    %scan3A_250 = arith.constant 1 : i32
    scf.for %scan3A_379 = %scan3A_247 to %scan3A_249 step %scan3A_250  : i32 {
      %mul3A_380 = arith.constant 4 : i32
      %mul3A_381 = arith.muli %scan3A_379, %mul3A_380 : i32
      %add3A_382 = arith.constant 0 : i32
      %add3A_383 = arith.addi %add3A_382, %mul3A_381 : i32
      %add3A_384 = arith.constant 0 : i32
      %add3A_385 = arith.addi %add3A_383, %add3A_384 : i32
      %dma_wait3A_386 = arith.constant 0 : i32
      %dma_wait3A_387 = tpu.memref_slice %arg5[%add3A_385, %dma_wait3A_386] : memref<40x64xi32, #tpu.memory_space<vmem>> -> memref<1x64xi32, #tpu.memory_space<vmem>>
      %dma_wait3A_388 = tpu.memref_squeeze %dma_wait3A_387 : memref<1x64xi32, #tpu.memory_space<vmem>> -> memref<64xi32, #tpu.memory_space<vmem>>
      %dma_wait3A_389 = arith.constant 0 : i32
      %dma_wait3A_390 = arith.constant 0 : i32
      %dma_wait3A_391 = tpu.memref_slice %arg2[%dma_wait3A_389, %dma_wait3A_390] : memref<10000x128xf32, #tpu.memory_space<hbm>> -> memref<10000x128xf32, #tpu.memory_space<hbm>>
      tpu.wait_indirect_dma semaphore(%arg13 : memref<!tpu.dma_semaphore, #tpu.memory_space<semaphore_mem>>) src(%dma_wait3A_391 : memref<10000x128xf32, #tpu.memory_space<hbm>>) dst(%arg7 : memref<64x128xf32, #tpu.memory_space<vmem>>)
      %dma_start3A_392 = arith.constant 0 : i32
      %dma_start3A_393 = tpu.memref_slice %arg6[%add3A_385, %dma_start3A_392] : memref<40x64xi32, #tpu.memory_space<vmem>> -> memref<1x64xi32, #tpu.memory_space<vmem>>
      %dma_start3A_394 = tpu.memref_squeeze %dma_start3A_393 : memref<1x64xi32, #tpu.memory_space<vmem>> -> memref<64xi32, #tpu.memory_space<vmem>>
      %dma_start3A_395 = arith.constant 0 : i32
      %dma_start3A_396 = arith.constant 0 : i32
      %dma_start3A_397 = tpu.memref_slice %arg11[%dma_start3A_395, %dma_start3A_396] : memref<10240x128xf32, #tpu.memory_space<vmem_shared>> -> memref<10240x128xf32, #tpu.memory_space<vmem_shared>>
      tpu.enqueue_indirect_dma source(%arg7 : memref<64x128xf32, #tpu.memory_space<vmem>>) target(%dma_start3A_397 : memref<10240x128xf32, #tpu.memory_space<vmem_shared>>) offsets(%dma_start3A_394 : memref<64xi32, #tpu.memory_space<vmem>>) semaphore(%arg17 : memref<!tpu.dma_semaphore, #tpu.memory_space<semaphore_mem>>) {add = true}
      %add3A_398 = arith.constant 4 : i32
      %add3A_399 = arith.addi %add3A_385, %add3A_398 : i32
      %sub3A = arith.constant 1 : i32
      %sub3A_400 = arith.subi %add3A_399, %sub3A : i32
      %lt3A_401 = arith.constant 40 : i32
      %lt3A_402 = arith.cmpi slt, %sub3A_400, %lt3A_401 : i32
      %convert_element_type3A_403 = arith.extui %lt3A_402 : i1 to i32
      %cond3A_404 = arith.constant 0 : i32
      %cond3A_405 = arith.cmpi ne, %convert_element_type3A_403, %cond3A_404 : i32
      scf.if %cond3A_405 {
        %sub3A_475 = arith.constant 1 : i32
        %sub3A_476 = arith.subi %add3A_385, %sub3A_475 : i32
        %ge3A = arith.constant 0 : i32
        %ge3A_477 = arith.cmpi sge, %sub3A_476, %ge3A : i32
        %convert_element_type3A_478 = arith.extui %ge3A_477 : i1 to i32
        %cond3A_479 = arith.constant 0 : i32
        %cond3A_480 = arith.cmpi ne, %convert_element_type3A_478, %cond3A_479 : i32
        scf.if %cond3A_480 {
          %sub3A_491 = arith.constant 1 : i32
          %sub3A_492 = arith.subi %add3A_385, %sub3A_491 : i32
          %dma_wait3A_493 = arith.constant 0 : i32
          %dma_wait3A_494 = tpu.memref_slice %arg6[%sub3A_492, %dma_wait3A_493] : memref<40x64xi32, #tpu.memory_space<vmem>> -> memref<1x64xi32, #tpu.memory_space<vmem>>
          %dma_wait3A_495 = tpu.memref_squeeze %dma_wait3A_494 : memref<1x64xi32, #tpu.memory_space<vmem>> -> memref<64xi32, #tpu.memory_space<vmem>>
          %dma_wait3A_496 = arith.constant 0 : i32
          %dma_wait3A_497 = arith.constant 0 : i32
          %dma_wait3A_498 = tpu.memref_slice %arg11[%dma_wait3A_496, %dma_wait3A_497] : memref<10240x128xf32, #tpu.memory_space<vmem_shared>> -> memref<10240x128xf32, #tpu.memory_space<vmem_shared>>
          tpu.wait_indirect_dma semaphore(%arg20 : memref<!tpu.dma_semaphore, #tpu.memory_space<semaphore_mem>>) src(%arg10 : memref<64x128xf32, #tpu.memory_space<vmem>>) dst(%dma_wait3A_498 : memref<10240x128xf32, #tpu.memory_space<vmem_shared>>)
        } else {
        }
        %add3A_481 = arith.constant 4 : i32
        %add3A_482 = arith.addi %add3A_385, %add3A_481 : i32
        %sub3A_483 = arith.constant 1 : i32
        %sub3A_484 = arith.subi %add3A_482, %sub3A_483 : i32
        %dma_start3A_485 = arith.constant 0 : i32
        %dma_start3A_486 = tpu.memref_slice %arg5[%sub3A_484, %dma_start3A_485] : memref<40x64xi32, #tpu.memory_space<vmem>> -> memref<1x64xi32, #tpu.memory_space<vmem>>
        %dma_start3A_487 = tpu.memref_squeeze %dma_start3A_486 : memref<1x64xi32, #tpu.memory_space<vmem>> -> memref<64xi32, #tpu.memory_space<vmem>>
        %dma_start3A_488 = arith.constant 0 : i32
        %dma_start3A_489 = arith.constant 0 : i32
        %dma_start3A_490 = tpu.memref_slice %arg2[%dma_start3A_488, %dma_start3A_489] : memref<10000x128xf32, #tpu.memory_space<hbm>> -> memref<10000x128xf32, #tpu.memory_space<hbm>>
        tpu.enqueue_indirect_dma source(%dma_start3A_490 : memref<10000x128xf32, #tpu.memory_space<hbm>>) target(%arg10 : memref<64x128xf32, #tpu.memory_space<vmem>>) offsets(%dma_start3A_487 : memref<64xi32, #tpu.memory_space<vmem>>) semaphore(%arg16 : memref<!tpu.dma_semaphore, #tpu.memory_space<semaphore_mem>>)
      } else {
      }
      %add3A_406 = arith.constant 1 : i32
      %add3A_407 = arith.addi %add3A_383, %add3A_406 : i32
      %dma_wait3A_408 = arith.constant 0 : i32
      %dma_wait3A_409 = tpu.memref_slice %arg5[%add3A_407, %dma_wait3A_408] : memref<40x64xi32, #tpu.memory_space<vmem>> -> memref<1x64xi32, #tpu.memory_space<vmem>>
      %dma_wait3A_410 = tpu.memref_squeeze %dma_wait3A_409 : memref<1x64xi32, #tpu.memory_space<vmem>> -> memref<64xi32, #tpu.memory_space<vmem>>
      %dma_wait3A_411 = arith.constant 0 : i32
      %dma_wait3A_412 = arith.constant 0 : i32
      %dma_wait3A_413 = tpu.memref_slice %arg2[%dma_wait3A_411, %dma_wait3A_412] : memref<10000x128xf32, #tpu.memory_space<hbm>> -> memref<10000x128xf32, #tpu.memory_space<hbm>>
      tpu.wait_indirect_dma semaphore(%arg14 : memref<!tpu.dma_semaphore, #tpu.memory_space<semaphore_mem>>) src(%dma_wait3A_413 : memref<10000x128xf32, #tpu.memory_space<hbm>>) dst(%arg8 : memref<64x128xf32, #tpu.memory_space<vmem>>)
      %dma_start3A_414 = arith.constant 0 : i32
      %dma_start3A_415 = tpu.memref_slice %arg6[%add3A_407, %dma_start3A_414] : memref<40x64xi32, #tpu.memory_space<vmem>> -> memref<1x64xi32, #tpu.memory_space<vmem>>
      %dma_start3A_416 = tpu.memref_squeeze %dma_start3A_415 : memref<1x64xi32, #tpu.memory_space<vmem>> -> memref<64xi32, #tpu.memory_space<vmem>>
      %dma_start3A_417 = arith.constant 0 : i32
      %dma_start3A_418 = arith.constant 0 : i32
      %dma_start3A_419 = tpu.memref_slice %arg11[%dma_start3A_417, %dma_start3A_418] : memref<10240x128xf32, #tpu.memory_space<vmem_shared>> -> memref<10240x128xf32, #tpu.memory_space<vmem_shared>>
      tpu.enqueue_indirect_dma source(%arg8 : memref<64x128xf32, #tpu.memory_space<vmem>>) target(%dma_start3A_419 : memref<10240x128xf32, #tpu.memory_space<vmem_shared>>) offsets(%dma_start3A_416 : memref<64xi32, #tpu.memory_space<vmem>>) semaphore(%arg18 : memref<!tpu.dma_semaphore, #tpu.memory_space<semaphore_mem>>) {add = true}
      %add3A_420 = arith.constant 4 : i32
      %add3A_421 = arith.addi %add3A_407, %add3A_420 : i32
      %sub3A_422 = arith.constant 1 : i32
      %sub3A_423 = arith.subi %add3A_421, %sub3A_422 : i32
      %lt3A_424 = arith.constant 40 : i32
      %lt3A_425 = arith.cmpi slt, %sub3A_423, %lt3A_424 : i32
      %convert_element_type3A_426 = arith.extui %lt3A_425 : i1 to i32
      %cond3A_427 = arith.constant 0 : i32
      %cond3A_428 = arith.cmpi ne, %convert_element_type3A_426, %cond3A_427 : i32
      scf.if %cond3A_428 {
        %sub3A_475 = arith.constant 1 : i32
        %sub3A_476 = arith.subi %add3A_407, %sub3A_475 : i32
        %ge3A = arith.constant 0 : i32
        %ge3A_477 = arith.cmpi sge, %sub3A_476, %ge3A : i32
        %convert_element_type3A_478 = arith.extui %ge3A_477 : i1 to i32
        %cond3A_479 = arith.constant 0 : i32
        %cond3A_480 = arith.cmpi ne, %convert_element_type3A_478, %cond3A_479 : i32
        scf.if %cond3A_480 {
          %sub3A_491 = arith.constant 1 : i32
          %sub3A_492 = arith.subi %add3A_407, %sub3A_491 : i32
          %dma_wait3A_493 = arith.constant 0 : i32
          %dma_wait3A_494 = tpu.memref_slice %arg6[%sub3A_492, %dma_wait3A_493] : memref<40x64xi32, #tpu.memory_space<vmem>> -> memref<1x64xi32, #tpu.memory_space<vmem>>
          %dma_wait3A_495 = tpu.memref_squeeze %dma_wait3A_494 : memref<1x64xi32, #tpu.memory_space<vmem>> -> memref<64xi32, #tpu.memory_space<vmem>>
          %dma_wait3A_496 = arith.constant 0 : i32
          %dma_wait3A_497 = arith.constant 0 : i32
          %dma_wait3A_498 = tpu.memref_slice %arg11[%dma_wait3A_496, %dma_wait3A_497] : memref<10240x128xf32, #tpu.memory_space<vmem_shared>> -> memref<10240x128xf32, #tpu.memory_space<vmem_shared>>
          tpu.wait_indirect_dma semaphore(%arg17 : memref<!tpu.dma_semaphore, #tpu.memory_space<semaphore_mem>>) src(%arg7 : memref<64x128xf32, #tpu.memory_space<vmem>>) dst(%dma_wait3A_498 : memref<10240x128xf32, #tpu.memory_space<vmem_shared>>)
        } else {
        }
        %add3A_481 = arith.constant 4 : i32
        %add3A_482 = arith.addi %add3A_407, %add3A_481 : i32
        %sub3A_483 = arith.constant 1 : i32
        %sub3A_484 = arith.subi %add3A_482, %sub3A_483 : i32
        %dma_start3A_485 = arith.constant 0 : i32
        %dma_start3A_486 = tpu.memref_slice %arg5[%sub3A_484, %dma_start3A_485] : memref<40x64xi32, #tpu.memory_space<vmem>> -> memref<1x64xi32, #tpu.memory_space<vmem>>
        %dma_start3A_487 = tpu.memref_squeeze %dma_start3A_486 : memref<1x64xi32, #tpu.memory_space<vmem>> -> memref<64xi32, #tpu.memory_space<vmem>>
        %dma_start3A_488 = arith.constant 0 : i32
        %dma_start3A_489 = arith.constant 0 : i32
        %dma_start3A_490 = tpu.memref_slice %arg2[%dma_start3A_488, %dma_start3A_489] : memref<10000x128xf32, #tpu.memory_space<hbm>> -> memref<10000x128xf32, #tpu.memory_space<hbm>>
        tpu.enqueue_indirect_dma source(%dma_start3A_490 : memref<10000x128xf32, #tpu.memory_space<hbm>>) target(%arg7 : memref<64x128xf32, #tpu.memory_space<vmem>>) offsets(%dma_start3A_487 : memref<64xi32, #tpu.memory_space<vmem>>) semaphore(%arg13 : memref<!tpu.dma_semaphore, #tpu.memory_space<semaphore_mem>>)
      } else {
      }
      %add3A_429 = arith.constant 2 : i32
      %add3A_430 = arith.addi %add3A_383, %add3A_429 : i32
      %dma_wait3A_431 = arith.constant 0 : i32
      %dma_wait3A_432 = tpu.memref_slice %arg5[%add3A_430, %dma_wait3A_431] : memref<40x64xi32, #tpu.memory_space<vmem>> -> memref<1x64xi32, #tpu.memory_space<vmem>>
      %dma_wait3A_433 = tpu.memref_squeeze %dma_wait3A_432 : memref<1x64xi32, #tpu.memory_space<vmem>> -> memref<64xi32, #tpu.memory_space<vmem>>
      %dma_wait3A_434 = arith.constant 0 : i32
      %dma_wait3A_435 = arith.constant 0 : i32
      %dma_wait3A_436 = tpu.memref_slice %arg2[%dma_wait3A_434, %dma_wait3A_435] : memref<10000x128xf32, #tpu.memory_space<hbm>> -> memref<10000x128xf32, #tpu.memory_space<hbm>>
      tpu.wait_indirect_dma semaphore(%arg15 : memref<!tpu.dma_semaphore, #tpu.memory_space<semaphore_mem>>) src(%dma_wait3A_436 : memref<10000x128xf32, #tpu.memory_space<hbm>>) dst(%arg9 : memref<64x128xf32, #tpu.memory_space<vmem>>)
      %dma_start3A_437 = arith.constant 0 : i32
      %dma_start3A_438 = tpu.memref_slice %arg6[%add3A_430, %dma_start3A_437] : memref<40x64xi32, #tpu.memory_space<vmem>> -> memref<1x64xi32, #tpu.memory_space<vmem>>
      %dma_start3A_439 = tpu.memref_squeeze %dma_start3A_438 : memref<1x64xi32, #tpu.memory_space<vmem>> -> memref<64xi32, #tpu.memory_space<vmem>>
      %dma_start3A_440 = arith.constant 0 : i32
      %dma_start3A_441 = arith.constant 0 : i32
      %dma_start3A_442 = tpu.memref_slice %arg11[%dma_start3A_440, %dma_start3A_441] : memref<10240x128xf32, #tpu.memory_space<vmem_shared>> -> memref<10240x128xf32, #tpu.memory_space<vmem_shared>>
      tpu.enqueue_indirect_dma source(%arg9 : memref<64x128xf32, #tpu.memory_space<vmem>>) target(%dma_start3A_442 : memref<10240x128xf32, #tpu.memory_space<vmem_shared>>) offsets(%dma_start3A_439 : memref<64xi32, #tpu.memory_space<vmem>>) semaphore(%arg19 : memref<!tpu.dma_semaphore, #tpu.memory_space<semaphore_mem>>) {add = true}
      %add3A_443 = arith.constant 4 : i32
      %add3A_444 = arith.addi %add3A_430, %add3A_443 : i32
      %sub3A_445 = arith.constant 1 : i32
      %sub3A_446 = arith.subi %add3A_444, %sub3A_445 : i32
      %lt3A_447 = arith.constant 40 : i32
      %lt3A_448 = arith.cmpi slt, %sub3A_446, %lt3A_447 : i32
      %convert_element_type3A_449 = arith.extui %lt3A_448 : i1 to i32
      %cond3A_450 = arith.constant 0 : i32
      %cond3A_451 = arith.cmpi ne, %convert_element_type3A_449, %cond3A_450 : i32
      scf.if %cond3A_451 {
        %sub3A_475 = arith.constant 1 : i32
        %sub3A_476 = arith.subi %add3A_430, %sub3A_475 : i32
        %ge3A = arith.constant 0 : i32
        %ge3A_477 = arith.cmpi sge, %sub3A_476, %ge3A : i32
        %convert_element_type3A_478 = arith.extui %ge3A_477 : i1 to i32
        %cond3A_479 = arith.constant 0 : i32
        %cond3A_480 = arith.cmpi ne, %convert_element_type3A_478, %cond3A_479 : i32
        scf.if %cond3A_480 {
          %sub3A_491 = arith.constant 1 : i32
          %sub3A_492 = arith.subi %add3A_430, %sub3A_491 : i32
          %dma_wait3A_493 = arith.constant 0 : i32
          %dma_wait3A_494 = tpu.memref_slice %arg6[%sub3A_492, %dma_wait3A_493] : memref<40x64xi32, #tpu.memory_space<vmem>> -> memref<1x64xi32, #tpu.memory_space<vmem>>
          %dma_wait3A_495 = tpu.memref_squeeze %dma_wait3A_494 : memref<1x64xi32, #tpu.memory_space<vmem>> -> memref<64xi32, #tpu.memory_space<vmem>>
          %dma_wait3A_496 = arith.constant 0 : i32
          %dma_wait3A_497 = arith.constant 0 : i32
          %dma_wait3A_498 = tpu.memref_slice %arg11[%dma_wait3A_496, %dma_wait3A_497] : memref<10240x128xf32, #tpu.memory_space<vmem_shared>> -> memref<10240x128xf32, #tpu.memory_space<vmem_shared>>
          tpu.wait_indirect_dma semaphore(%arg18 : memref<!tpu.dma_semaphore, #tpu.memory_space<semaphore_mem>>) src(%arg8 : memref<64x128xf32, #tpu.memory_space<vmem>>) dst(%dma_wait3A_498 : memref<10240x128xf32, #tpu.memory_space<vmem_shared>>)
        } else {
        }
        %add3A_481 = arith.constant 4 : i32
        %add3A_482 = arith.addi %add3A_430, %add3A_481 : i32
        %sub3A_483 = arith.constant 1 : i32
        %sub3A_484 = arith.subi %add3A_482, %sub3A_483 : i32
        %dma_start3A_485 = arith.constant 0 : i32
        %dma_start3A_486 = tpu.memref_slice %arg5[%sub3A_484, %dma_start3A_485] : memref<40x64xi32, #tpu.memory_space<vmem>> -> memref<1x64xi32, #tpu.memory_space<vmem>>
        %dma_start3A_487 = tpu.memref_squeeze %dma_start3A_486 : memref<1x64xi32, #tpu.memory_space<vmem>> -> memref<64xi32, #tpu.memory_space<vmem>>
        %dma_start3A_488 = arith.constant 0 : i32
        %dma_start3A_489 = arith.constant 0 : i32
        %dma_start3A_490 = tpu.memref_slice %arg2[%dma_start3A_488, %dma_start3A_489] : memref<10000x128xf32, #tpu.memory_space<hbm>> -> memref<10000x128xf32, #tpu.memory_space<hbm>>
        tpu.enqueue_indirect_dma source(%dma_start3A_490 : memref<10000x128xf32, #tpu.memory_space<hbm>>) target(%arg8 : memref<64x128xf32, #tpu.memory_space<vmem>>) offsets(%dma_start3A_487 : memref<64xi32, #tpu.memory_space<vmem>>) semaphore(%arg14 : memref<!tpu.dma_semaphore, #tpu.memory_space<semaphore_mem>>)
      } else {
      }
      %add3A_452 = arith.constant 3 : i32
      %add3A_453 = arith.addi %add3A_383, %add3A_452 : i32
      %dma_wait3A_454 = arith.constant 0 : i32
      %dma_wait3A_455 = tpu.memref_slice %arg5[%add3A_453, %dma_wait3A_454] : memref<40x64xi32, #tpu.memory_space<vmem>> -> memref<1x64xi32, #tpu.memory_space<vmem>>
      %dma_wait3A_456 = tpu.memref_squeeze %dma_wait3A_455 : memref<1x64xi32, #tpu.memory_space<vmem>> -> memref<64xi32, #tpu.memory_space<vmem>>
      %dma_wait3A_457 = arith.constant 0 : i32
      %dma_wait3A_458 = arith.constant 0 : i32
      %dma_wait3A_459 = tpu.memref_slice %arg2[%dma_wait3A_457, %dma_wait3A_458] : memref<10000x128xf32, #tpu.memory_space<hbm>> -> memref<10000x128xf32, #tpu.memory_space<hbm>>
      tpu.wait_indirect_dma semaphore(%arg16 : memref<!tpu.dma_semaphore, #tpu.memory_space<semaphore_mem>>) src(%dma_wait3A_459 : memref<10000x128xf32, #tpu.memory_space<hbm>>) dst(%arg10 : memref<64x128xf32, #tpu.memory_space<vmem>>)
      %dma_start3A_460 = arith.constant 0 : i32
      %dma_start3A_461 = tpu.memref_slice %arg6[%add3A_453, %dma_start3A_460] : memref<40x64xi32, #tpu.memory_space<vmem>> -> memref<1x64xi32, #tpu.memory_space<vmem>>
      %dma_start3A_462 = tpu.memref_squeeze %dma_start3A_461 : memref<1x64xi32, #tpu.memory_space<vmem>> -> memref<64xi32, #tpu.memory_space<vmem>>
      %dma_start3A_463 = arith.constant 0 : i32
      %dma_start3A_464 = arith.constant 0 : i32
      %dma_start3A_465 = tpu.memref_slice %arg11[%dma_start3A_463, %dma_start3A_464] : memref<10240x128xf32, #tpu.memory_space<vmem_shared>> -> memref<10240x128xf32, #tpu.memory_space<vmem_shared>>
      tpu.enqueue_indirect_dma source(%arg10 : memref<64x128xf32, #tpu.memory_space<vmem>>) target(%dma_start3A_465 : memref<10240x128xf32, #tpu.memory_space<vmem_shared>>) offsets(%dma_start3A_462 : memref<64xi32, #tpu.memory_space<vmem>>) semaphore(%arg20 : memref<!tpu.dma_semaphore, #tpu.memory_space<semaphore_mem>>) {add = true}
      %add3A_466 = arith.constant 4 : i32
      %add3A_467 = arith.addi %add3A_453, %add3A_466 : i32
      %sub3A_468 = arith.constant 1 : i32
      %sub3A_469 = arith.subi %add3A_467, %sub3A_468 : i32
      %lt3A_470 = arith.constant 40 : i32
      %lt3A_471 = arith.cmpi slt, %sub3A_469, %lt3A_470 : i32
      %convert_element_type3A_472 = arith.extui %lt3A_471 : i1 to i32
      %cond3A_473 = arith.constant 0 : i32
      %cond3A_474 = arith.cmpi ne, %convert_element_type3A_472, %cond3A_473 : i32
      scf.if %cond3A_474 {
        %sub3A_475 = arith.constant 1 : i32
        %sub3A_476 = arith.subi %add3A_453, %sub3A_475 : i32
        %ge3A = arith.constant 0 : i32
        %ge3A_477 = arith.cmpi sge, %sub3A_476, %ge3A : i32
        %convert_element_type3A_478 = arith.extui %ge3A_477 : i1 to i32
        %cond3A_479 = arith.constant 0 : i32
        %cond3A_480 = arith.cmpi ne, %convert_element_type3A_478, %cond3A_479 : i32
        scf.if %cond3A_480 {
          %sub3A_491 = arith.constant 1 : i32
          %sub3A_492 = arith.subi %add3A_453, %sub3A_491 : i32
          %dma_wait3A_493 = arith.constant 0 : i32
          %dma_wait3A_494 = tpu.memref_slice %arg6[%sub3A_492, %dma_wait3A_493] : memref<40x64xi32, #tpu.memory_space<vmem>> -> memref<1x64xi32, #tpu.memory_space<vmem>>
          %dma_wait3A_495 = tpu.memref_squeeze %dma_wait3A_494 : memref<1x64xi32, #tpu.memory_space<vmem>> -> memref<64xi32, #tpu.memory_space<vmem>>
          %dma_wait3A_496 = arith.constant 0 : i32
          %dma_wait3A_497 = arith.constant 0 : i32
          %dma_wait3A_498 = tpu.memref_slice %arg11[%dma_wait3A_496, %dma_wait3A_497] : memref<10240x128xf32, #tpu.memory_space<vmem_shared>> -> memref<10240x128xf32, #tpu.memory_space<vmem_shared>>
          tpu.wait_indirect_dma semaphore(%arg19 : memref<!tpu.dma_semaphore, #tpu.memory_space<semaphore_mem>>) src(%arg9 : memref<64x128xf32, #tpu.memory_space<vmem>>) dst(%dma_wait3A_498 : memref<10240x128xf32, #tpu.memory_space<vmem_shared>>)
        } else {
        }
        %add3A_481 = arith.constant 4 : i32
        %add3A_482 = arith.addi %add3A_453, %add3A_481 : i32
        %sub3A_483 = arith.constant 1 : i32
        %sub3A_484 = arith.subi %add3A_482, %sub3A_483 : i32
        %dma_start3A_485 = arith.constant 0 : i32
        %dma_start3A_486 = tpu.memref_slice %arg5[%sub3A_484, %dma_start3A_485] : memref<40x64xi32, #tpu.memory_space<vmem>> -> memref<1x64xi32, #tpu.memory_space<vmem>>
        %dma_start3A_487 = tpu.memref_squeeze %dma_start3A_486 : memref<1x64xi32, #tpu.memory_space<vmem>> -> memref<64xi32, #tpu.memory_space<vmem>>
        %dma_start3A_488 = arith.constant 0 : i32
        %dma_start3A_489 = arith.constant 0 : i32
        %dma_start3A_490 = tpu.memref_slice %arg2[%dma_start3A_488, %dma_start3A_489] : memref<10000x128xf32, #tpu.memory_space<hbm>> -> memref<10000x128xf32, #tpu.memory_space<hbm>>
        tpu.enqueue_indirect_dma source(%dma_start3A_490 : memref<10000x128xf32, #tpu.memory_space<hbm>>) target(%arg9 : memref<64x128xf32, #tpu.memory_space<vmem>>) offsets(%dma_start3A_487 : memref<64xi32, #tpu.memory_space<vmem>>) semaphore(%arg15 : memref<!tpu.dma_semaphore, #tpu.memory_space<semaphore_mem>>)
      } else {
      }
    }
    %scan3A_251 = arith.constant 10 : i32
    %dma_wait3A_252 = arith.constant 36 : i32
    %dma_wait3A_253 = arith.constant 0 : i32
    %dma_wait3A_254 = tpu.memref_slice %arg6[%dma_wait3A_252, %dma_wait3A_253] : memref<40x64xi32, #tpu.memory_space<vmem>> -> memref<1x64xi32, #tpu.memory_space<vmem>>
    %dma_wait3A_255 = tpu.memref_squeeze %dma_wait3A_254 : memref<1x64xi32, #tpu.memory_space<vmem>> -> memref<64xi32, #tpu.memory_space<vmem>>
    %dma_wait3A_256 = arith.constant 0 : i32
    %dma_wait3A_257 = arith.constant 0 : i32
    %dma_wait3A_258 = tpu.memref_slice %arg11[%dma_wait3A_256, %dma_wait3A_257] : memref<10240x128xf32, #tpu.memory_space<vmem_shared>> -> memref<10240x128xf32, #tpu.memory_space<vmem_shared>>
    tpu.wait_indirect_dma semaphore(%arg17 : memref<!tpu.dma_semaphore, #tpu.memory_space<semaphore_mem>>) src(%arg7 : memref<64x128xf32, #tpu.memory_space<vmem>>) dst(%dma_wait3A_258 : memref<10240x128xf32, #tpu.memory_space<vmem_shared>>)
    %dma_wait3A_259 = arith.constant 37 : i32
    %dma_wait3A_260 = arith.constant 0 : i32
    %dma_wait3A_261 = tpu.memref_slice %arg6[%dma_wait3A_259, %dma_wait3A_260] : memref<40x64xi32, #tpu.memory_space<vmem>> -> memref<1x64xi32, #tpu.memory_space<vmem>>
    %dma_wait3A_262 = tpu.memref_squeeze %dma_wait3A_261 : memref<1x64xi32, #tpu.memory_space<vmem>> -> memref<64xi32, #tpu.memory_space<vmem>>
    %dma_wait3A_263 = arith.constant 0 : i32
    %dma_wait3A_264 = arith.constant 0 : i32
    %dma_wait3A_265 = tpu.memref_slice %arg11[%dma_wait3A_263, %dma_wait3A_264] : memref<10240x128xf32, #tpu.memory_space<vmem_shared>> -> memref<10240x128xf32, #tpu.memory_space<vmem_shared>>
    tpu.wait_indirect_dma semaphore(%arg18 : memref<!tpu.dma_semaphore, #tpu.memory_space<semaphore_mem>>) src(%arg8 : memref<64x128xf32, #tpu.memory_space<vmem>>) dst(%dma_wait3A_265 : memref<10240x128xf32, #tpu.memory_space<vmem_shared>>)
    %dma_wait3A_266 = arith.constant 38 : i32
    %dma_wait3A_267 = arith.constant 0 : i32
    %dma_wait3A_268 = tpu.memref_slice %arg6[%dma_wait3A_266, %dma_wait3A_267] : memref<40x64xi32, #tpu.memory_space<vmem>> -> memref<1x64xi32, #tpu.memory_space<vmem>>
    %dma_wait3A_269 = tpu.memref_squeeze %dma_wait3A_268 : memref<1x64xi32, #tpu.memory_space<vmem>> -> memref<64xi32, #tpu.memory_space<vmem>>
    %dma_wait3A_270 = arith.constant 0 : i32
    %dma_wait3A_271 = arith.constant 0 : i32
    %dma_wait3A_272 = tpu.memref_slice %arg11[%dma_wait3A_270, %dma_wait3A_271] : memref<10240x128xf32, #tpu.memory_space<vmem_shared>> -> memref<10240x128xf32, #tpu.memory_space<vmem_shared>>
    tpu.wait_indirect_dma semaphore(%arg19 : memref<!tpu.dma_semaphore, #tpu.memory_space<semaphore_mem>>) src(%arg9 : memref<64x128xf32, #tpu.memory_space<vmem>>) dst(%dma_wait3A_272 : memref<10240x128xf32, #tpu.memory_space<vmem_shared>>)
    %dma_wait3A_273 = arith.constant 39 : i32
    %dma_wait3A_274 = arith.constant 0 : i32
    %dma_wait3A_275 = tpu.memref_slice %arg6[%dma_wait3A_273, %dma_wait3A_274] : memref<40x64xi32, #tpu.memory_space<vmem>> -> memref<1x64xi32, #tpu.memory_space<vmem>>
    %dma_wait3A_276 = tpu.memref_squeeze %dma_wait3A_275 : memref<1x64xi32, #tpu.memory_space<vmem>> -> memref<64xi32, #tpu.memory_space<vmem>>
    %dma_wait3A_277 = arith.constant 0 : i32
    %dma_wait3A_278 = arith.constant 0 : i32
    %dma_wait3A_279 = tpu.memref_slice %arg11[%dma_wait3A_277, %dma_wait3A_278] : memref<10240x128xf32, #tpu.memory_space<vmem_shared>> -> memref<10240x128xf32, #tpu.memory_space<vmem_shared>>
    tpu.wait_indirect_dma semaphore(%arg20 : memref<!tpu.dma_semaphore, #tpu.memory_space<semaphore_mem>>) src(%arg10 : memref<64x128xf32, #tpu.memory_space<vmem>>) dst(%dma_wait3A_279 : memref<10240x128xf32, #tpu.memory_space<vmem_shared>>)
    %dma_start3A_280 = arith.constant 0 : i32
    %dma_start3A_281 = arith.constant 120 : i32
    %dma_start3A_282 = arith.constant 0 : i32
    %dma_start3A_283 = tpu.memref_slice %arg3[%dma_start3A_280, %add3A, %dma_start3A_281, %dma_start3A_282] : memref<2x32x160x64xi32, #tpu.memory_space<hbm>> -> memref<1x1x40x64xi32, #tpu.memory_space<hbm>>
    %dma_start3A_284 = tpu.memref_squeeze %dma_start3A_283 : memref<1x1x40x64xi32, #tpu.memory_space<hbm>> -> memref<40x64xi32, #tpu.memory_space<hbm>>
    %dma_start3A_285 = arith.constant 120 : i32
    %dma_start3A_286 = arith.constant 0 : i32
    %dma_start3A_287 = tpu.memref_slice %arg3[%dma_start3A_280, %add3A, %dma_start3A_285, %dma_start3A_286] : memref<2x32x160x64xi32, #tpu.memory_space<hbm>> -> memref<1x1x40x64xi32, #tpu.memory_space<hbm>>
    %dma_start3A_288 = tpu.memref_squeeze %dma_start3A_287 : memref<1x1x40x64xi32, #tpu.memory_space<hbm>> -> memref<40x64xi32, #tpu.memory_space<hbm>>
    tpu.enqueue_dma source(%dma_start3A_288 : memref<40x64xi32, #tpu.memory_space<hbm>>) target(%arg5 : memref<40x64xi32, #tpu.memory_space<vmem>>) target_semaphore(%arg12 : memref<!tpu.dma_semaphore, #tpu.memory_space<semaphore_mem>>)
    %dma_start3A_289 = arith.constant 1 : i32
    %dma_start3A_290 = arith.constant 120 : i32
    %dma_start3A_291 = arith.constant 0 : i32
    %dma_start3A_292 = tpu.memref_slice %arg3[%dma_start3A_289, %add3A, %dma_start3A_290, %dma_start3A_291] : memref<2x32x160x64xi32, #tpu.memory_space<hbm>> -> memref<1x1x40x64xi32, #tpu.memory_space<hbm>>
    %dma_start3A_293 = tpu.memref_squeeze %dma_start3A_292 : memref<1x1x40x64xi32, #tpu.memory_space<hbm>> -> memref<40x64xi32, #tpu.memory_space<hbm>>
    %dma_start3A_294 = arith.constant 120 : i32
    %dma_start3A_295 = arith.constant 0 : i32
    %dma_start3A_296 = tpu.memref_slice %arg3[%dma_start3A_289, %add3A, %dma_start3A_294, %dma_start3A_295] : memref<2x32x160x64xi32, #tpu.memory_space<hbm>> -> memref<1x1x40x64xi32, #tpu.memory_space<hbm>>
    %dma_start3A_297 = tpu.memref_squeeze %dma_start3A_296 : memref<1x1x40x64xi32, #tpu.memory_space<hbm>> -> memref<40x64xi32, #tpu.memory_space<hbm>>
    tpu.enqueue_dma source(%dma_start3A_297 : memref<40x64xi32, #tpu.memory_space<hbm>>) target(%arg6 : memref<40x64xi32, #tpu.memory_space<vmem>>) target_semaphore(%arg12 : memref<!tpu.dma_semaphore, #tpu.memory_space<semaphore_mem>>)
    %dma_wait3A_298 = arith.constant 0 : i32
    %dma_wait3A_299 = arith.constant 120 : i32
    %dma_wait3A_300 = arith.constant 0 : i32
    %dma_wait3A_301 = tpu.memref_slice %arg3[%dma_wait3A_298, %add3A, %dma_wait3A_299, %dma_wait3A_300] : memref<2x32x160x64xi32, #tpu.memory_space<hbm>> -> memref<1x1x40x64xi32, #tpu.memory_space<hbm>>
    %dma_wait3A_302 = tpu.memref_squeeze %dma_wait3A_301 : memref<1x1x40x64xi32, #tpu.memory_space<hbm>> -> memref<40x64xi32, #tpu.memory_space<hbm>>
    %dma_wait3A_303 = arith.constant 120 : i32
    %dma_wait3A_304 = arith.constant 0 : i32
    %dma_wait3A_305 = tpu.memref_slice %arg3[%dma_wait3A_298, %add3A, %dma_wait3A_303, %dma_wait3A_304] : memref<2x32x160x64xi32, #tpu.memory_space<hbm>> -> memref<1x1x40x64xi32, #tpu.memory_space<hbm>>
    %dma_wait3A_306 = tpu.memref_squeeze %dma_wait3A_305 : memref<1x1x40x64xi32, #tpu.memory_space<hbm>> -> memref<40x64xi32, #tpu.memory_space<hbm>>
    tpu.wait_dma2 semaphore(%arg12 : memref<!tpu.dma_semaphore, #tpu.memory_space<semaphore_mem>>) src(%dma_wait3A_306 : memref<40x64xi32, #tpu.memory_space<hbm>>) dst(%arg5 : memref<40x64xi32, #tpu.memory_space<vmem>>)
    %dma_wait3A_307 = arith.constant 1 : i32
    %dma_wait3A_308 = arith.constant 120 : i32
    %dma_wait3A_309 = arith.constant 0 : i32
    %dma_wait3A_310 = tpu.memref_slice %arg3[%dma_wait3A_307, %add3A, %dma_wait3A_308, %dma_wait3A_309] : memref<2x32x160x64xi32, #tpu.memory_space<hbm>> -> memref<1x1x40x64xi32, #tpu.memory_space<hbm>>
    %dma_wait3A_311 = tpu.memref_squeeze %dma_wait3A_310 : memref<1x1x40x64xi32, #tpu.memory_space<hbm>> -> memref<40x64xi32, #tpu.memory_space<hbm>>
    %dma_wait3A_312 = arith.constant 120 : i32
    %dma_wait3A_313 = arith.constant 0 : i32
    %dma_wait3A_314 = tpu.memref_slice %arg3[%dma_wait3A_307, %add3A, %dma_wait3A_312, %dma_wait3A_313] : memref<2x32x160x64xi32, #tpu.memory_space<hbm>> -> memref<1x1x40x64xi32, #tpu.memory_space<hbm>>
    %dma_wait3A_315 = tpu.memref_squeeze %dma_wait3A_314 : memref<1x1x40x64xi32, #tpu.memory_space<hbm>> -> memref<40x64xi32, #tpu.memory_space<hbm>>
    tpu.wait_dma2 semaphore(%arg12 : memref<!tpu.dma_semaphore, #tpu.memory_space<semaphore_mem>>) src(%dma_wait3A_315 : memref<40x64xi32, #tpu.memory_space<hbm>>) dst(%arg6 : memref<40x64xi32, #tpu.memory_space<vmem>>)
    %dma_start3A_316 = arith.constant 0 : i32
    %dma_start3A_317 = arith.constant 0 : i32
    %dma_start3A_318 = tpu.memref_slice %arg5[%dma_start3A_316, %dma_start3A_317] : memref<40x64xi32, #tpu.memory_space<vmem>> -> memref<1x64xi32, #tpu.memory_space<vmem>>
    %dma_start3A_319 = tpu.memref_squeeze %dma_start3A_318 : memref<1x64xi32, #tpu.memory_space<vmem>> -> memref<64xi32, #tpu.memory_space<vmem>>
    %dma_start3A_320 = arith.constant 0 : i32
    %dma_start3A_321 = arith.constant 0 : i32
    %dma_start3A_322 = tpu.memref_slice %arg2[%dma_start3A_320, %dma_start3A_321] : memref<10000x128xf32, #tpu.memory_space<hbm>> -> memref<10000x128xf32, #tpu.memory_space<hbm>>
    tpu.enqueue_indirect_dma source(%dma_start3A_322 : memref<10000x128xf32, #tpu.memory_space<hbm>>) target(%arg7 : memref<64x128xf32, #tpu.memory_space<vmem>>) offsets(%dma_start3A_319 : memref<64xi32, #tpu.memory_space<vmem>>) semaphore(%arg13 : memref<!tpu.dma_semaphore, #tpu.memory_space<semaphore_mem>>)
    %dma_start3A_323 = arith.constant 1 : i32
    %dma_start3A_324 = arith.constant 0 : i32
    %dma_start3A_325 = tpu.memref_slice %arg5[%dma_start3A_323, %dma_start3A_324] : memref<40x64xi32, #tpu.memory_space<vmem>> -> memref<1x64xi32, #tpu.memory_space<vmem>>
    %dma_start3A_326 = tpu.memref_squeeze %dma_start3A_325 : memref<1x64xi32, #tpu.memory_space<vmem>> -> memref<64xi32, #tpu.memory_space<vmem>>
    %dma_start3A_327 = arith.constant 0 : i32
    %dma_start3A_328 = arith.constant 0 : i32
    %dma_start3A_329 = tpu.memref_slice %arg2[%dma_start3A_327, %dma_start3A_328] : memref<10000x128xf32, #tpu.memory_space<hbm>> -> memref<10000x128xf32, #tpu.memory_space<hbm>>
    tpu.enqueue_indirect_dma source(%dma_start3A_329 : memref<10000x128xf32, #tpu.memory_space<hbm>>) target(%arg8 : memref<64x128xf32, #tpu.memory_space<vmem>>) offsets(%dma_start3A_326 : memref<64xi32, #tpu.memory_space<vmem>>) semaphore(%arg14 : memref<!tpu.dma_semaphore, #tpu.memory_space<semaphore_mem>>)
    %dma_start3A_330 = arith.constant 2 : i32
    %dma_start3A_331 = arith.constant 0 : i32
    %dma_start3A_332 = tpu.memref_slice %arg5[%dma_start3A_330, %dma_start3A_331] : memref<40x64xi32, #tpu.memory_space<vmem>> -> memref<1x64xi32, #tpu.memory_space<vmem>>
    %dma_start3A_333 = tpu.memref_squeeze %dma_start3A_332 : memref<1x64xi32, #tpu.memory_space<vmem>> -> memref<64xi32, #tpu.memory_space<vmem>>
    %dma_start3A_334 = arith.constant 0 : i32
    %dma_start3A_335 = arith.constant 0 : i32
    %dma_start3A_336 = tpu.memref_slice %arg2[%dma_start3A_334, %dma_start3A_335] : memref<10000x128xf32, #tpu.memory_space<hbm>> -> memref<10000x128xf32, #tpu.memory_space<hbm>>
    tpu.enqueue_indirect_dma source(%dma_start3A_336 : memref<10000x128xf32, #tpu.memory_space<hbm>>) target(%arg9 : memref<64x128xf32, #tpu.memory_space<vmem>>) offsets(%dma_start3A_333 : memref<64xi32, #tpu.memory_space<vmem>>) semaphore(%arg15 : memref<!tpu.dma_semaphore, #tpu.memory_space<semaphore_mem>>)
    %scan3A_337 = arith.constant 0 : i32
    %scan3A_338 = arith.constant 10 : i32
    %scan3A_339 = arith.addi %scan3A_337, %scan3A_338 : i32
    %scan3A_340 = arith.constant 1 : i32
    scf.for %scan3A_379 = %scan3A_337 to %scan3A_339 step %scan3A_340  : i32 {
      %mul3A_380 = arith.constant 4 : i32
      %mul3A_381 = arith.muli %scan3A_379, %mul3A_380 : i32
      %add3A_382 = arith.constant 0 : i32
      %add3A_383 = arith.addi %add3A_382, %mul3A_381 : i32
      %add3A_384 = arith.constant 0 : i32
      %add3A_385 = arith.addi %add3A_383, %add3A_384 : i32
      %dma_wait3A_386 = arith.constant 0 : i32
      %dma_wait3A_387 = tpu.memref_slice %arg5[%add3A_385, %dma_wait3A_386] : memref<40x64xi32, #tpu.memory_space<vmem>> -> memref<1x64xi32, #tpu.memory_space<vmem>>
      %dma_wait3A_388 = tpu.memref_squeeze %dma_wait3A_387 : memref<1x64xi32, #tpu.memory_space<vmem>> -> memref<64xi32, #tpu.memory_space<vmem>>
      %dma_wait3A_389 = arith.constant 0 : i32
      %dma_wait3A_390 = arith.constant 0 : i32
      %dma_wait3A_391 = tpu.memref_slice %arg2[%dma_wait3A_389, %dma_wait3A_390] : memref<10000x128xf32, #tpu.memory_space<hbm>> -> memref<10000x128xf32, #tpu.memory_space<hbm>>
      tpu.wait_indirect_dma semaphore(%arg13 : memref<!tpu.dma_semaphore, #tpu.memory_space<semaphore_mem>>) src(%dma_wait3A_391 : memref<10000x128xf32, #tpu.memory_space<hbm>>) dst(%arg7 : memref<64x128xf32, #tpu.memory_space<vmem>>)
      %dma_start3A_392 = arith.constant 0 : i32
      %dma_start3A_393 = tpu.memref_slice %arg6[%add3A_385, %dma_start3A_392] : memref<40x64xi32, #tpu.memory_space<vmem>> -> memref<1x64xi32, #tpu.memory_space<vmem>>
      %dma_start3A_394 = tpu.memref_squeeze %dma_start3A_393 : memref<1x64xi32, #tpu.memory_space<vmem>> -> memref<64xi32, #tpu.memory_space<vmem>>
      %dma_start3A_395 = arith.constant 0 : i32
      %dma_start3A_396 = arith.constant 0 : i32
      %dma_start3A_397 = tpu.memref_slice %arg11[%dma_start3A_395, %dma_start3A_396] : memref<10240x128xf32, #tpu.memory_space<vmem_shared>> -> memref<10240x128xf32, #tpu.memory_space<vmem_shared>>
      tpu.enqueue_indirect_dma source(%arg7 : memref<64x128xf32, #tpu.memory_space<vmem>>) target(%dma_start3A_397 : memref<10240x128xf32, #tpu.memory_space<vmem_shared>>) offsets(%dma_start3A_394 : memref<64xi32, #tpu.memory_space<vmem>>) semaphore(%arg17 : memref<!tpu.dma_semaphore, #tpu.memory_space<semaphore_mem>>) {add = true}
      %add3A_398 = arith.constant 4 : i32
      %add3A_399 = arith.addi %add3A_385, %add3A_398 : i32
      %sub3A = arith.constant 1 : i32
      %sub3A_400 = arith.subi %add3A_399, %sub3A : i32
      %lt3A_401 = arith.constant 40 : i32
      %lt3A_402 = arith.cmpi slt, %sub3A_400, %lt3A_401 : i32
      %convert_element_type3A_403 = arith.extui %lt3A_402 : i1 to i32
      %cond3A_404 = arith.constant 0 : i32
      %cond3A_405 = arith.cmpi ne, %convert_element_type3A_403, %cond3A_404 : i32
      scf.if %cond3A_405 {
        %sub3A_475 = arith.constant 1 : i32
        %sub3A_476 = arith.subi %add3A_385, %sub3A_475 : i32
        %ge3A = arith.constant 0 : i32
        %ge3A_477 = arith.cmpi sge, %sub3A_476, %ge3A : i32
        %convert_element_type3A_478 = arith.extui %ge3A_477 : i1 to i32
        %cond3A_479 = arith.constant 0 : i32
        %cond3A_480 = arith.cmpi ne, %convert_element_type3A_478, %cond3A_479 : i32
        scf.if %cond3A_480 {
          %sub3A_491 = arith.constant 1 : i32
          %sub3A_492 = arith.subi %add3A_385, %sub3A_491 : i32
          %dma_wait3A_493 = arith.constant 0 : i32
          %dma_wait3A_494 = tpu.memref_slice %arg6[%sub3A_492, %dma_wait3A_493] : memref<40x64xi32, #tpu.memory_space<vmem>> -> memref<1x64xi32, #tpu.memory_space<vmem>>
          %dma_wait3A_495 = tpu.memref_squeeze %dma_wait3A_494 : memref<1x64xi32, #tpu.memory_space<vmem>> -> memref<64xi32, #tpu.memory_space<vmem>>
          %dma_wait3A_496 = arith.constant 0 : i32
          %dma_wait3A_497 = arith.constant 0 : i32
          %dma_wait3A_498 = tpu.memref_slice %arg11[%dma_wait3A_496, %dma_wait3A_497] : memref<10240x128xf32, #tpu.memory_space<vmem_shared>> -> memref<10240x128xf32, #tpu.memory_space<vmem_shared>>
          tpu.wait_indirect_dma semaphore(%arg20 : memref<!tpu.dma_semaphore, #tpu.memory_space<semaphore_mem>>) src(%arg10 : memref<64x128xf32, #tpu.memory_space<vmem>>) dst(%dma_wait3A_498 : memref<10240x128xf32, #tpu.memory_space<vmem_shared>>)
        } else {
        }
        %add3A_481 = arith.constant 4 : i32
        %add3A_482 = arith.addi %add3A_385, %add3A_481 : i32
        %sub3A_483 = arith.constant 1 : i32
        %sub3A_484 = arith.subi %add3A_482, %sub3A_483 : i32
        %dma_start3A_485 = arith.constant 0 : i32
        %dma_start3A_486 = tpu.memref_slice %arg5[%sub3A_484, %dma_start3A_485] : memref<40x64xi32, #tpu.memory_space<vmem>> -> memref<1x64xi32, #tpu.memory_space<vmem>>
        %dma_start3A_487 = tpu.memref_squeeze %dma_start3A_486 : memref<1x64xi32, #tpu.memory_space<vmem>> -> memref<64xi32, #tpu.memory_space<vmem>>
        %dma_start3A_488 = arith.constant 0 : i32
        %dma_start3A_489 = arith.constant 0 : i32
        %dma_start3A_490 = tpu.memref_slice %arg2[%dma_start3A_488, %dma_start3A_489] : memref<10000x128xf32, #tpu.memory_space<hbm>> -> memref<10000x128xf32, #tpu.memory_space<hbm>>
        tpu.enqueue_indirect_dma source(%dma_start3A_490 : memref<10000x128xf32, #tpu.memory_space<hbm>>) target(%arg10 : memref<64x128xf32, #tpu.memory_space<vmem>>) offsets(%dma_start3A_487 : memref<64xi32, #tpu.memory_space<vmem>>) semaphore(%arg16 : memref<!tpu.dma_semaphore, #tpu.memory_space<semaphore_mem>>)
      } else {
      }
      %add3A_406 = arith.constant 1 : i32
      %add3A_407 = arith.addi %add3A_383, %add3A_406 : i32
      %dma_wait3A_408 = arith.constant 0 : i32
      %dma_wait3A_409 = tpu.memref_slice %arg5[%add3A_407, %dma_wait3A_408] : memref<40x64xi32, #tpu.memory_space<vmem>> -> memref<1x64xi32, #tpu.memory_space<vmem>>
      %dma_wait3A_410 = tpu.memref_squeeze %dma_wait3A_409 : memref<1x64xi32, #tpu.memory_space<vmem>> -> memref<64xi32, #tpu.memory_space<vmem>>
      %dma_wait3A_411 = arith.constant 0 : i32
      %dma_wait3A_412 = arith.constant 0 : i32
      %dma_wait3A_413 = tpu.memref_slice %arg2[%dma_wait3A_411, %dma_wait3A_412] : memref<10000x128xf32, #tpu.memory_space<hbm>> -> memref<10000x128xf32, #tpu.memory_space<hbm>>
      tpu.wait_indirect_dma semaphore(%arg14 : memref<!tpu.dma_semaphore, #tpu.memory_space<semaphore_mem>>) src(%dma_wait3A_413 : memref<10000x128xf32, #tpu.memory_space<hbm>>) dst(%arg8 : memref<64x128xf32, #tpu.memory_space<vmem>>)
      %dma_start3A_414 = arith.constant 0 : i32
      %dma_start3A_415 = tpu.memref_slice %arg6[%add3A_407, %dma_start3A_414] : memref<40x64xi32, #tpu.memory_space<vmem>> -> memref<1x64xi32, #tpu.memory_space<vmem>>
      %dma_start3A_416 = tpu.memref_squeeze %dma_start3A_415 : memref<1x64xi32, #tpu.memory_space<vmem>> -> memref<64xi32, #tpu.memory_space<vmem>>
      %dma_start3A_417 = arith.constant 0 : i32
      %dma_start3A_418 = arith.constant 0 : i32
      %dma_start3A_419 = tpu.memref_slice %arg11[%dma_start3A_417, %dma_start3A_418] : memref<10240x128xf32, #tpu.memory_space<vmem_shared>> -> memref<10240x128xf32, #tpu.memory_space<vmem_shared>>
      tpu.enqueue_indirect_dma source(%arg8 : memref<64x128xf32, #tpu.memory_space<vmem>>) target(%dma_start3A_419 : memref<10240x128xf32, #tpu.memory_space<vmem_shared>>) offsets(%dma_start3A_416 : memref<64xi32, #tpu.memory_space<vmem>>) semaphore(%arg18 : memref<!tpu.dma_semaphore, #tpu.memory_space<semaphore_mem>>) {add = true}
      %add3A_420 = arith.constant 4 : i32
      %add3A_421 = arith.addi %add3A_407, %add3A_420 : i32
      %sub3A_422 = arith.constant 1 : i32
      %sub3A_423 = arith.subi %add3A_421, %sub3A_422 : i32
      %lt3A_424 = arith.constant 40 : i32
      %lt3A_425 = arith.cmpi slt, %sub3A_423, %lt3A_424 : i32
      %convert_element_type3A_426 = arith.extui %lt3A_425 : i1 to i32
      %cond3A_427 = arith.constant 0 : i32
      %cond3A_428 = arith.cmpi ne, %convert_element_type3A_426, %cond3A_427 : i32
      scf.if %cond3A_428 {
        %sub3A_475 = arith.constant 1 : i32
        %sub3A_476 = arith.subi %add3A_407, %sub3A_475 : i32
        %ge3A = arith.constant 0 : i32
        %ge3A_477 = arith.cmpi sge, %sub3A_476, %ge3A : i32
        %convert_element_type3A_478 = arith.extui %ge3A_477 : i1 to i32
        %cond3A_479 = arith.constant 0 : i32
        %cond3A_480 = arith.cmpi ne, %convert_element_type3A_478, %cond3A_479 : i32
        scf.if %cond3A_480 {
          %sub3A_491 = arith.constant 1 : i32
          %sub3A_492 = arith.subi %add3A_407, %sub3A_491 : i32
          %dma_wait3A_493 = arith.constant 0 : i32
          %dma_wait3A_494 = tpu.memref_slice %arg6[%sub3A_492, %dma_wait3A_493] : memref<40x64xi32, #tpu.memory_space<vmem>> -> memref<1x64xi32, #tpu.memory_space<vmem>>
          %dma_wait3A_495 = tpu.memref_squeeze %dma_wait3A_494 : memref<1x64xi32, #tpu.memory_space<vmem>> -> memref<64xi32, #tpu.memory_space<vmem>>
          %dma_wait3A_496 = arith.constant 0 : i32
          %dma_wait3A_497 = arith.constant 0 : i32
          %dma_wait3A_498 = tpu.memref_slice %arg11[%dma_wait3A_496, %dma_wait3A_497] : memref<10240x128xf32, #tpu.memory_space<vmem_shared>> -> memref<10240x128xf32, #tpu.memory_space<vmem_shared>>
          tpu.wait_indirect_dma semaphore(%arg17 : memref<!tpu.dma_semaphore, #tpu.memory_space<semaphore_mem>>) src(%arg7 : memref<64x128xf32, #tpu.memory_space<vmem>>) dst(%dma_wait3A_498 : memref<10240x128xf32, #tpu.memory_space<vmem_shared>>)
        } else {
        }
        %add3A_481 = arith.constant 4 : i32
        %add3A_482 = arith.addi %add3A_407, %add3A_481 : i32
        %sub3A_483 = arith.constant 1 : i32
        %sub3A_484 = arith.subi %add3A_482, %sub3A_483 : i32
        %dma_start3A_485 = arith.constant 0 : i32
        %dma_start3A_486 = tpu.memref_slice %arg5[%sub3A_484, %dma_start3A_485] : memref<40x64xi32, #tpu.memory_space<vmem>> -> memref<1x64xi32, #tpu.memory_space<vmem>>
        %dma_start3A_487 = tpu.memref_squeeze %dma_start3A_486 : memref<1x64xi32, #tpu.memory_space<vmem>> -> memref<64xi32, #tpu.memory_space<vmem>>
        %dma_start3A_488 = arith.constant 0 : i32
        %dma_start3A_489 = arith.constant 0 : i32
        %dma_start3A_490 = tpu.memref_slice %arg2[%dma_start3A_488, %dma_start3A_489] : memref<10000x128xf32, #tpu.memory_space<hbm>> -> memref<10000x128xf32, #tpu.memory_space<hbm>>
        tpu.enqueue_indirect_dma source(%dma_start3A_490 : memref<10000x128xf32, #tpu.memory_space<hbm>>) target(%arg7 : memref<64x128xf32, #tpu.memory_space<vmem>>) offsets(%dma_start3A_487 : memref<64xi32, #tpu.memory_space<vmem>>) semaphore(%arg13 : memref<!tpu.dma_semaphore, #tpu.memory_space<semaphore_mem>>)
      } else {
      }
      %add3A_429 = arith.constant 2 : i32
      %add3A_430 = arith.addi %add3A_383, %add3A_429 : i32
      %dma_wait3A_431 = arith.constant 0 : i32
      %dma_wait3A_432 = tpu.memref_slice %arg5[%add3A_430, %dma_wait3A_431] : memref<40x64xi32, #tpu.memory_space<vmem>> -> memref<1x64xi32, #tpu.memory_space<vmem>>
      %dma_wait3A_433 = tpu.memref_squeeze %dma_wait3A_432 : memref<1x64xi32, #tpu.memory_space<vmem>> -> memref<64xi32, #tpu.memory_space<vmem>>
      %dma_wait3A_434 = arith.constant 0 : i32
      %dma_wait3A_435 = arith.constant 0 : i32
      %dma_wait3A_436 = tpu.memref_slice %arg2[%dma_wait3A_434, %dma_wait3A_435] : memref<10000x128xf32, #tpu.memory_space<hbm>> -> memref<10000x128xf32, #tpu.memory_space<hbm>>
      tpu.wait_indirect_dma semaphore(%arg15 : memref<!tpu.dma_semaphore, #tpu.memory_space<semaphore_mem>>) src(%dma_wait3A_436 : memref<10000x128xf32, #tpu.memory_space<hbm>>) dst(%arg9 : memref<64x128xf32, #tpu.memory_space<vmem>>)
      %dma_start3A_437 = arith.constant 0 : i32
      %dma_start3A_438 = tpu.memref_slice %arg6[%add3A_430, %dma_start3A_437] : memref<40x64xi32, #tpu.memory_space<vmem>> -> memref<1x64xi32, #tpu.memory_space<vmem>>
      %dma_start3A_439 = tpu.memref_squeeze %dma_start3A_438 : memref<1x64xi32, #tpu.memory_space<vmem>> -> memref<64xi32, #tpu.memory_space<vmem>>
      %dma_start3A_440 = arith.constant 0 : i32
      %dma_start3A_441 = arith.constant 0 : i32
      %dma_start3A_442 = tpu.memref_slice %arg11[%dma_start3A_440, %dma_start3A_441] : memref<10240x128xf32, #tpu.memory_space<vmem_shared>> -> memref<10240x128xf32, #tpu.memory_space<vmem_shared>>
      tpu.enqueue_indirect_dma source(%arg9 : memref<64x128xf32, #tpu.memory_space<vmem>>) target(%dma_start3A_442 : memref<10240x128xf32, #tpu.memory_space<vmem_shared>>) offsets(%dma_start3A_439 : memref<64xi32, #tpu.memory_space<vmem>>) semaphore(%arg19 : memref<!tpu.dma_semaphore, #tpu.memory_space<semaphore_mem>>) {add = true}
      %add3A_443 = arith.constant 4 : i32
      %add3A_444 = arith.addi %add3A_430, %add3A_443 : i32
      %sub3A_445 = arith.constant 1 : i32
      %sub3A_446 = arith.subi %add3A_444, %sub3A_445 : i32
      %lt3A_447 = arith.constant 40 : i32
      %lt3A_448 = arith.cmpi slt, %sub3A_446, %lt3A_447 : i32
      %convert_element_type3A_449 = arith.extui %lt3A_448 : i1 to i32
      %cond3A_450 = arith.constant 0 : i32
      %cond3A_451 = arith.cmpi ne, %convert_element_type3A_449, %cond3A_450 : i32
      scf.if %cond3A_451 {
        %sub3A_475 = arith.constant 1 : i32
        %sub3A_476 = arith.subi %add3A_430, %sub3A_475 : i32
        %ge3A = arith.constant 0 : i32
        %ge3A_477 = arith.cmpi sge, %sub3A_476, %ge3A : i32
        %convert_element_type3A_478 = arith.extui %ge3A_477 : i1 to i32
        %cond3A_479 = arith.constant 0 : i32
        %cond3A_480 = arith.cmpi ne, %convert_element_type3A_478, %cond3A_479 : i32
        scf.if %cond3A_480 {
          %sub3A_491 = arith.constant 1 : i32
          %sub3A_492 = arith.subi %add3A_430, %sub3A_491 : i32
          %dma_wait3A_493 = arith.constant 0 : i32
          %dma_wait3A_494 = tpu.memref_slice %arg6[%sub3A_492, %dma_wait3A_493] : memref<40x64xi32, #tpu.memory_space<vmem>> -> memref<1x64xi32, #tpu.memory_space<vmem>>
          %dma_wait3A_495 = tpu.memref_squeeze %dma_wait3A_494 : memref<1x64xi32, #tpu.memory_space<vmem>> -> memref<64xi32, #tpu.memory_space<vmem>>
          %dma_wait3A_496 = arith.constant 0 : i32
          %dma_wait3A_497 = arith.constant 0 : i32
          %dma_wait3A_498 = tpu.memref_slice %arg11[%dma_wait3A_496, %dma_wait3A_497] : memref<10240x128xf32, #tpu.memory_space<vmem_shared>> -> memref<10240x128xf32, #tpu.memory_space<vmem_shared>>
          tpu.wait_indirect_dma semaphore(%arg18 : memref<!tpu.dma_semaphore, #tpu.memory_space<semaphore_mem>>) src(%arg8 : memref<64x128xf32, #tpu.memory_space<vmem>>) dst(%dma_wait3A_498 : memref<10240x128xf32, #tpu.memory_space<vmem_shared>>)
        } else {
        }
        %add3A_481 = arith.constant 4 : i32
        %add3A_482 = arith.addi %add3A_430, %add3A_481 : i32
        %sub3A_483 = arith.constant 1 : i32
        %sub3A_484 = arith.subi %add3A_482, %sub3A_483 : i32
        %dma_start3A_485 = arith.constant 0 : i32
        %dma_start3A_486 = tpu.memref_slice %arg5[%sub3A_484, %dma_start3A_485] : memref<40x64xi32, #tpu.memory_space<vmem>> -> memref<1x64xi32, #tpu.memory_space<vmem>>
        %dma_start3A_487 = tpu.memref_squeeze %dma_start3A_486 : memref<1x64xi32, #tpu.memory_space<vmem>> -> memref<64xi32, #tpu.memory_space<vmem>>
        %dma_start3A_488 = arith.constant 0 : i32
        %dma_start3A_489 = arith.constant 0 : i32
        %dma_start3A_490 = tpu.memref_slice %arg2[%dma_start3A_488, %dma_start3A_489] : memref<10000x128xf32, #tpu.memory_space<hbm>> -> memref<10000x128xf32, #tpu.memory_space<hbm>>
        tpu.enqueue_indirect_dma source(%dma_start3A_490 : memref<10000x128xf32, #tpu.memory_space<hbm>>) target(%arg8 : memref<64x128xf32, #tpu.memory_space<vmem>>) offsets(%dma_start3A_487 : memref<64xi32, #tpu.memory_space<vmem>>) semaphore(%arg14 : memref<!tpu.dma_semaphore, #tpu.memory_space<semaphore_mem>>)
      } else {
      }
      %add3A_452 = arith.constant 3 : i32
      %add3A_453 = arith.addi %add3A_383, %add3A_452 : i32
      %dma_wait3A_454 = arith.constant 0 : i32
      %dma_wait3A_455 = tpu.memref_slice %arg5[%add3A_453, %dma_wait3A_454] : memref<40x64xi32, #tpu.memory_space<vmem>> -> memref<1x64xi32, #tpu.memory_space<vmem>>
      %dma_wait3A_456 = tpu.memref_squeeze %dma_wait3A_455 : memref<1x64xi32, #tpu.memory_space<vmem>> -> memref<64xi32, #tpu.memory_space<vmem>>
      %dma_wait3A_457 = arith.constant 0 : i32
      %dma_wait3A_458 = arith.constant 0 : i32
      %dma_wait3A_459 = tpu.memref_slice %arg2[%dma_wait3A_457, %dma_wait3A_458] : memref<10000x128xf32, #tpu.memory_space<hbm>> -> memref<10000x128xf32, #tpu.memory_space<hbm>>
      tpu.wait_indirect_dma semaphore(%arg16 : memref<!tpu.dma_semaphore, #tpu.memory_space<semaphore_mem>>) src(%dma_wait3A_459 : memref<10000x128xf32, #tpu.memory_space<hbm>>) dst(%arg10 : memref<64x128xf32, #tpu.memory_space<vmem>>)
      %dma_start3A_460 = arith.constant 0 : i32
      %dma_start3A_461 = tpu.memref_slice %arg6[%add3A_453, %dma_start3A_460] : memref<40x64xi32, #tpu.memory_space<vmem>> -> memref<1x64xi32, #tpu.memory_space<vmem>>
      %dma_start3A_462 = tpu.memref_squeeze %dma_start3A_461 : memref<1x64xi32, #tpu.memory_space<vmem>> -> memref<64xi32, #tpu.memory_space<vmem>>
      %dma_start3A_463 = arith.constant 0 : i32
      %dma_start3A_464 = arith.constant 0 : i32
      %dma_start3A_465 = tpu.memref_slice %arg11[%dma_start3A_463, %dma_start3A_464] : memref<10240x128xf32, #tpu.memory_space<vmem_shared>> -> memref<10240x128xf32, #tpu.memory_space<vmem_shared>>
      tpu.enqueue_indirect_dma source(%arg10 : memref<64x128xf32, #tpu.memory_space<vmem>>) target(%dma_start3A_465 : memref<10240x128xf32, #tpu.memory_space<vmem_shared>>) offsets(%dma_start3A_462 : memref<64xi32, #tpu.memory_space<vmem>>) semaphore(%arg20 : memref<!tpu.dma_semaphore, #tpu.memory_space<semaphore_mem>>) {add = true}
      %add3A_466 = arith.constant 4 : i32
      %add3A_467 = arith.addi %add3A_453, %add3A_466 : i32
      %sub3A_468 = arith.constant 1 : i32
      %sub3A_469 = arith.subi %add3A_467, %sub3A_468 : i32
      %lt3A_470 = arith.constant 40 : i32
      %lt3A_471 = arith.cmpi slt, %sub3A_469, %lt3A_470 : i32
      %convert_element_type3A_472 = arith.extui %lt3A_471 : i1 to i32
      %cond3A_473 = arith.constant 0 : i32
      %cond3A_474 = arith.cmpi ne, %convert_element_type3A_472, %cond3A_473 : i32
      scf.if %cond3A_474 {
        %sub3A_475 = arith.constant 1 : i32
        %sub3A_476 = arith.subi %add3A_453, %sub3A_475 : i32
        %ge3A = arith.constant 0 : i32
        %ge3A_477 = arith.cmpi sge, %sub3A_476, %ge3A : i32
        %convert_element_type3A_478 = arith.extui %ge3A_477 : i1 to i32
        %cond3A_479 = arith.constant 0 : i32
        %cond3A_480 = arith.cmpi ne, %convert_element_type3A_478, %cond3A_479 : i32
        scf.if %cond3A_480 {
          %sub3A_491 = arith.constant 1 : i32
          %sub3A_492 = arith.subi %add3A_453, %sub3A_491 : i32
          %dma_wait3A_493 = arith.constant 0 : i32
          %dma_wait3A_494 = tpu.memref_slice %arg6[%sub3A_492, %dma_wait3A_493] : memref<40x64xi32, #tpu.memory_space<vmem>> -> memref<1x64xi32, #tpu.memory_space<vmem>>
          %dma_wait3A_495 = tpu.memref_squeeze %dma_wait3A_494 : memref<1x64xi32, #tpu.memory_space<vmem>> -> memref<64xi32, #tpu.memory_space<vmem>>
          %dma_wait3A_496 = arith.constant 0 : i32
          %dma_wait3A_497 = arith.constant 0 : i32
          %dma_wait3A_498 = tpu.memref_slice %arg11[%dma_wait3A_496, %dma_wait3A_497] : memref<10240x128xf32, #tpu.memory_space<vmem_shared>> -> memref<10240x128xf32, #tpu.memory_space<vmem_shared>>
          tpu.wait_indirect_dma semaphore(%arg19 : memref<!tpu.dma_semaphore, #tpu.memory_space<semaphore_mem>>) src(%arg9 : memref<64x128xf32, #tpu.memory_space<vmem>>) dst(%dma_wait3A_498 : memref<10240x128xf32, #tpu.memory_space<vmem_shared>>)
        } else {
        }
        %add3A_481 = arith.constant 4 : i32
        %add3A_482 = arith.addi %add3A_453, %add3A_481 : i32
        %sub3A_483 = arith.constant 1 : i32
        %sub3A_484 = arith.subi %add3A_482, %sub3A_483 : i32
        %dma_start3A_485 = arith.constant 0 : i32
        %dma_start3A_486 = tpu.memref_slice %arg5[%sub3A_484, %dma_start3A_485] : memref<40x64xi32, #tpu.memory_space<vmem>> -> memref<1x64xi32, #tpu.memory_space<vmem>>
        %dma_start3A_487 = tpu.memref_squeeze %dma_start3A_486 : memref<1x64xi32, #tpu.memory_space<vmem>> -> memref<64xi32, #tpu.memory_space<vmem>>
        %dma_start3A_488 = arith.constant 0 : i32
        %dma_start3A_489 = arith.constant 0 : i32
        %dma_start3A_490 = tpu.memref_slice %arg2[%dma_start3A_488, %dma_start3A_489] : memref<10000x128xf32, #tpu.memory_space<hbm>> -> memref<10000x128xf32, #tpu.memory_space<hbm>>
        tpu.enqueue_indirect_dma source(%dma_start3A_490 : memref<10000x128xf32, #tpu.memory_space<hbm>>) target(%arg9 : memref<64x128xf32, #tpu.memory_space<vmem>>) offsets(%dma_start3A_487 : memref<64xi32, #tpu.memory_space<vmem>>) semaphore(%arg15 : memref<!tpu.dma_semaphore, #tpu.memory_space<semaphore_mem>>)
      } else {
      }
    }
    %scan3A_341 = arith.constant 10 : i32
    %dma_wait3A_342 = arith.constant 36 : i32
    %dma_wait3A_343 = arith.constant 0 : i32
    %dma_wait3A_344 = tpu.memref_slice %arg6[%dma_wait3A_342, %dma_wait3A_343] : memref<40x64xi32, #tpu.memory_space<vmem>> -> memref<1x64xi32, #tpu.memory_space<vmem>>
    %dma_wait3A_345 = tpu.memref_squeeze %dma_wait3A_344 : memref<1x64xi32, #tpu.memory_space<vmem>> -> memref<64xi32, #tpu.memory_space<vmem>>
    %dma_wait3A_346 = arith.constant 0 : i32
    %dma_wait3A_347 = arith.constant 0 : i32
    %dma_wait3A_348 = tpu.memref_slice %arg11[%dma_wait3A_346, %dma_wait3A_347] : memref<10240x128xf32, #tpu.memory_space<vmem_shared>> -> memref<10240x128xf32, #tpu.memory_space<vmem_shared>>
    tpu.wait_indirect_dma semaphore(%arg17 : memref<!tpu.dma_semaphore, #tpu.memory_space<semaphore_mem>>) src(%arg7 : memref<64x128xf32, #tpu.memory_space<vmem>>) dst(%dma_wait3A_348 : memref<10240x128xf32, #tpu.memory_space<vmem_shared>>)
    %dma_wait3A_349 = arith.constant 37 : i32
    %dma_wait3A_350 = arith.constant 0 : i32
    %dma_wait3A_351 = tpu.memref_slice %arg6[%dma_wait3A_349, %dma_wait3A_350] : memref<40x64xi32, #tpu.memory_space<vmem>> -> memref<1x64xi32, #tpu.memory_space<vmem>>
    %dma_wait3A_352 = tpu.memref_squeeze %dma_wait3A_351 : memref<1x64xi32, #tpu.memory_space<vmem>> -> memref<64xi32, #tpu.memory_space<vmem>>
    %dma_wait3A_353 = arith.constant 0 : i32
    %dma_wait3A_354 = arith.constant 0 : i32
    %dma_wait3A_355 = tpu.memref_slice %arg11[%dma_wait3A_353, %dma_wait3A_354] : memref<10240x128xf32, #tpu.memory_space<vmem_shared>> -> memref<10240x128xf32, #tpu.memory_space<vmem_shared>>
    tpu.wait_indirect_dma semaphore(%arg18 : memref<!tpu.dma_semaphore, #tpu.memory_space<semaphore_mem>>) src(%arg8 : memref<64x128xf32, #tpu.memory_space<vmem>>) dst(%dma_wait3A_355 : memref<10240x128xf32, #tpu.memory_space<vmem_shared>>)
    %dma_wait3A_356 = arith.constant 38 : i32
    %dma_wait3A_357 = arith.constant 0 : i32
    %dma_wait3A_358 = tpu.memref_slice %arg6[%dma_wait3A_356, %dma_wait3A_357] : memref<40x64xi32, #tpu.memory_space<vmem>> -> memref<1x64xi32, #tpu.memory_space<vmem>>
    %dma_wait3A_359 = tpu.memref_squeeze %dma_wait3A_358 : memref<1x64xi32, #tpu.memory_space<vmem>> -> memref<64xi32, #tpu.memory_space<vmem>>
    %dma_wait3A_360 = arith.constant 0 : i32
    %dma_wait3A_361 = arith.constant 0 : i32
    %dma_wait3A_362 = tpu.memref_slice %arg11[%dma_wait3A_360, %dma_wait3A_361] : memref<10240x128xf32, #tpu.memory_space<vmem_shared>> -> memref<10240x128xf32, #tpu.memory_space<vmem_shared>>
    tpu.wait_indirect_dma semaphore(%arg19 : memref<!tpu.dma_semaphore, #tpu.memory_space<semaphore_mem>>) src(%arg9 : memref<64x128xf32, #tpu.memory_space<vmem>>) dst(%dma_wait3A_362 : memref<10240x128xf32, #tpu.memory_space<vmem_shared>>)
    %dma_wait3A_363 = arith.constant 39 : i32
    %dma_wait3A_364 = arith.constant 0 : i32
    %dma_wait3A_365 = tpu.memref_slice %arg6[%dma_wait3A_363, %dma_wait3A_364] : memref<40x64xi32, #tpu.memory_space<vmem>> -> memref<1x64xi32, #tpu.memory_space<vmem>>
    %dma_wait3A_366 = tpu.memref_squeeze %dma_wait3A_365 : memref<1x64xi32, #tpu.memory_space<vmem>> -> memref<64xi32, #tpu.memory_space<vmem>>
    %dma_wait3A_367 = arith.constant 0 : i32
    %dma_wait3A_368 = arith.constant 0 : i32
    %dma_wait3A_369 = tpu.memref_slice %arg11[%dma_wait3A_367, %dma_wait3A_368] : memref<10240x128xf32, #tpu.memory_space<vmem_shared>> -> memref<10240x128xf32, #tpu.memory_space<vmem_shared>>
    tpu.wait_indirect_dma semaphore(%arg20 : memref<!tpu.dma_semaphore, #tpu.memory_space<semaphore_mem>>) src(%arg10 : memref<64x128xf32, #tpu.memory_space<vmem>>) dst(%dma_wait3A_369 : memref<10240x128xf32, #tpu.memory_space<vmem_shared>>)
    %barrier3A_370 = arith.constant 0 : index
    tpu.barrier barrier_id(%barrier3A_370)
    %mul3A_371 = arith.constant 640 : i32
    %mul3A_372 = arith.muli %arg1, %mul3A_371 : i32
    %lt3A = arith.constant 15 : i32
    %lt3A_373 = arith.cmpi slt, %arg1, %lt3A : i32
    %convert_element_type3A = arith.extui %lt3A_373 : i1 to i32
    %cond3A = arith.constant 0 : i32
    %cond3A_374 = arith.cmpi ne, %convert_element_type3A, %cond3A : i32
    scf.if %cond3A_374 {
      "tpu.region"() ({
        %run_scoped3A = tpu.sem_alloc : memref<!tpu.dma_semaphore, #tpu.memory_space<semaphore_mem>>
        %dma_start3A_379 = arith.constant 0 : i32
        %dma_start3A_380 = tpu.memref_slice %arg4[%arg0, %mul3A_372, %dma_start3A_379] : memref<2x10000x128xf32, #tpu.memory_space<hbm>> -> memref<1x640x128xf32, #tpu.memory_space<hbm>>
        %dma_start3A_381 = tpu.memref_squeeze %dma_start3A_380 : memref<1x640x128xf32, #tpu.memory_space<hbm>> -> memref<640x128xf32, #tpu.memory_space<hbm>>
        %dma_start3A_382 = arith.constant 0 : i32
        %dma_start3A_383 = tpu.memref_slice %arg11[%mul3A_372, %dma_start3A_382] : memref<10240x128xf32, #tpu.memory_space<vmem_shared>> -> memref<640x128xf32, #tpu.memory_space<vmem_shared>>
        tpu.enqueue_dma source(%dma_start3A_383 : memref<640x128xf32, #tpu.memory_space<vmem_shared>>) target(%dma_start3A_381 : memref<640x128xf32, #tpu.memory_space<hbm>>) target_semaphore(%run_scoped3A : memref<!tpu.dma_semaphore, #tpu.memory_space<semaphore_mem>>)
        %dma_wait3A_384 = arith.constant 0 : i32
        %dma_wait3A_385 = tpu.memref_slice %arg4[%arg0, %mul3A_372, %dma_wait3A_384] : memref<2x10000x128xf32, #tpu.memory_space<hbm>> -> memref<1x640x128xf32, #tpu.memory_space<hbm>>
        %dma_wait3A_386 = tpu.memref_squeeze %dma_wait3A_385 : memref<1x640x128xf32, #tpu.memory_space<hbm>> -> memref<640x128xf32, #tpu.memory_space<hbm>>
        %dma_wait3A_387 = arith.constant 0 : i32
        %dma_wait3A_388 = tpu.memref_slice %arg11[%mul3A_372, %dma_wait3A_387] : memref<10240x128xf32, #tpu.memory_space<vmem_shared>> -> memref<640x128xf32, #tpu.memory_space<vmem_shared>>
        tpu.wait_dma2 semaphore(%run_scoped3A : memref<!tpu.dma_semaphore, #tpu.memory_space<semaphore_mem>>) src(%dma_wait3A_388 : memref<640x128xf32, #tpu.memory_space<vmem_shared>>) dst(%dma_wait3A_386 : memref<640x128xf32, #tpu.memory_space<hbm>>)
        tpu.yield
      }) : () -> ()
    } else {
    }
    %eq3A = arith.constant 15 : i32
    %eq3A_375 = arith.cmpi eq, %arg1, %eq3A : i32
    %convert_element_type3A_376 = arith.extui %eq3A_375 : i1 to i32
    %cond3A_377 = arith.constant 0 : i32
    %cond3A_378 = arith.cmpi ne, %convert_element_type3A_376, %cond3A_377 : i32
    scf.if %cond3A_378 {
      "tpu.region"() ({
        %run_scoped3A = tpu.sem_alloc : memref<!tpu.dma_semaphore, #tpu.memory_space<semaphore_mem>>
        %dma_start3A_379 = arith.constant 0 : i32
        %dma_start3A_380 = tpu.memref_slice %arg4[%arg0, %mul3A_372, %dma_start3A_379] : memref<2x10000x128xf32, #tpu.memory_space<hbm>> -> memref<1x400x128xf32, #tpu.memory_space<hbm>>
        %dma_start3A_381 = tpu.memref_squeeze %dma_start3A_380 : memref<1x400x128xf32, #tpu.memory_space<hbm>> -> memref<400x128xf32, #tpu.memory_space<hbm>>
        %dma_start3A_382 = arith.constant 0 : i32
        %dma_start3A_383 = tpu.memref_slice %arg11[%mul3A_372, %dma_start3A_382] : memref<10240x128xf32, #tpu.memory_space<vmem_shared>> -> memref<400x128xf32, #tpu.memory_space<vmem_shared>>
        tpu.enqueue_dma source(%dma_start3A_383 : memref<400x128xf32, #tpu.memory_space<vmem_shared>>) target(%dma_start3A_381 : memref<400x128xf32, #tpu.memory_space<hbm>>) target_semaphore(%run_scoped3A : memref<!tpu.dma_semaphore, #tpu.memory_space<semaphore_mem>>)
        %dma_wait3A_384 = arith.constant 0 : i32
        %dma_wait3A_385 = tpu.memref_slice %arg4[%arg0, %mul3A_372, %dma_wait3A_384] : memref<2x10000x128xf32, #tpu.memory_space<hbm>> -> memref<1x400x128xf32, #tpu.memory_space<hbm>>
        %dma_wait3A_386 = tpu.memref_squeeze %dma_wait3A_385 : memref<1x400x128xf32, #tpu.memory_space<hbm>> -> memref<400x128xf32, #tpu.memory_space<hbm>>
        %dma_wait3A_387 = arith.constant 0 : i32
        %dma_wait3A_388 = tpu.memref_slice %arg11[%mul3A_372, %dma_wait3A_387] : memref<10240x128xf32, #tpu.memory_space<vmem_shared>> -> memref<400x128xf32, #tpu.memory_space<vmem_shared>>
        tpu.wait_dma2 semaphore(%run_scoped3A : memref<!tpu.dma_semaphore, #tpu.memory_space<semaphore_mem>>) src(%dma_wait3A_388 : memref<400x128xf32, #tpu.memory_space<vmem_shared>>) dst(%dma_wait3A_386 : memref<400x128xf32, #tpu.memory_space<hbm>>)
        tpu.yield
      }) : () -> ()
    } else {
    }
    return
  }
}

module attributes {stable_mosaic.version = 14 : i64} {
  func.func @_layer0_body(%arg0: i32, %arg1: i32, %arg2: memref<1x1xf32, #tpu.memory_space<smem>>, %arg3: memref<5000x128xf32, #tpu.memory_space<vmem>>, %arg4: memref<1x5000x128xf32, #tpu.memory_space<vmem>>, %arg5: memref<1x5000x128xf32, #tpu.memory_space<vmem>>, %arg6: memref<128x128xf32, #tpu.memory_space<vmem>>, %arg7: memref<1x128xf32, #tpu.memory_space<vmem>>, %arg8: memref<1x128xf32, #tpu.memory_space<vmem>>, %arg9: memref<1x128xf32, #tpu.memory_space<vmem>>, %arg10: memref<128x128xf32, #tpu.memory_space<vmem>>, %arg11: memref<1x128xf32, #tpu.memory_space<vmem>>, %arg12: memref<1x128xf32, #tpu.memory_space<vmem>>, %arg13: memref<1x128xf32, #tpu.memory_space<vmem>>, %arg14: memref<5000x128xf32, #tpu.memory_space<vmem>>, %arg15: memref<10000x128xf32, #tpu.memory_space<vmem>>, %arg16: memref<10000x128xf32, #tpu.memory_space<vmem>>, %arg17: memref<8x128xf32, #tpu.memory_space<vmem>>) attributes {dimension_semantics = [#tpu.dimension_semantics<arbitrary>, #tpu.dimension_semantics<arbitrary>], iteration_bounds = array<i64: 3, 2>, scalar_prefetch = 0 : i64, scratch_operands = 3 : i64, tpu.core_type = #tpu.core_type<tc>, window_params = [{transform_indices = @transform_0, window_bounds = array<i64: 1, 1>}, {transform_indices = @transform_1, window_bounds = array<i64: 5000, 128>}, {transform_indices = @transform_2, window_bounds = array<i64: 1, 5000, 128>}, {transform_indices = @transform_3, window_bounds = array<i64: 1, 5000, 128>}, {pipeline_mode = #tpu.pipeline_mode<synchronous>, transform_indices = @transform_4, window_bounds = array<i64: 128, 128>}, {pipeline_mode = #tpu.pipeline_mode<synchronous>, transform_indices = @transform_5, window_bounds = array<i64: 1, 128>}, {pipeline_mode = #tpu.pipeline_mode<synchronous>, transform_indices = @transform_6, window_bounds = array<i64: 1, 128>}, {pipeline_mode = #tpu.pipeline_mode<synchronous>, transform_indices = @transform_7, window_bounds = array<i64: 1, 128>}, {pipeline_mode = #tpu.pipeline_mode<synchronous>, transform_indices = @transform_8, window_bounds = array<i64: 128, 128>}, {pipeline_mode = #tpu.pipeline_mode<synchronous>, transform_indices = @transform_9, window_bounds = array<i64: 1, 128>}, {pipeline_mode = #tpu.pipeline_mode<synchronous>, transform_indices = @transform_10, window_bounds = array<i64: 1, 128>}, {pipeline_mode = #tpu.pipeline_mode<synchronous>, transform_indices = @transform_11, window_bounds = array<i64: 1, 128>}, {transform_indices = @transform_12, window_bounds = array<i64: 5000, 128>}]} {
    %eq3A = arith.constant 0 : i32
    %eq3A_0 = arith.cmpi eq, %arg0, %eq3A : i32
    %eq3A_1 = arith.constant 0 : i32
    %eq3A_2 = arith.cmpi eq, %arg1, %eq3A_1 : i32
    %and3A = arith.andi %eq3A_0, %eq3A_2 : i1
    %convert_element_type3A = arith.extui %and3A : i1 to i32
    %cond3A = arith.constant 0 : i32
    %cond3A_3 = arith.cmpi ne, %convert_element_type3A, %cond3A : i32
    scf.if %cond3A_3 {
      %broadcast_in_dim3A = arith.constant 0.000000e+00 : f32
      %broadcast_in_dim3A_19 = vector.broadcast %broadcast_in_dim3A : f32 to vector<8x128xf32>
      %swap3A = arith.constant 0 : index
      %swap3A_20 = arith.constant 0 : index
      %swap3A_21 = vector.load %arg17[%swap3A, %swap3A_20] : memref<8x128xf32, #tpu.memory_space<vmem>>, vector<8x128xf32>
      tpu.vector_store %arg17[%swap3A, %swap3A_20], %broadcast_in_dim3A_19 {strides = array<i32>} : memref<8x128xf32, #tpu.memory_space<vmem>>, vector<8x128xf32>,
    } else {
    }
    %eq3A_4 = arith.constant 0 : i32
    %eq3A_5 = arith.cmpi eq, %arg0, %eq3A_4 : i32
    %convert_element_type3A_6 = arith.extui %eq3A_5 : i1 to i32
    %cond3A_7 = arith.constant 0 : i32
    %cond3A_8 = arith.cmpi ne, %convert_element_type3A_6, %cond3A_7 : i32
    scf.if %cond3A_8 {
      %get3A = arith.constant 0 : index
      %get3A_19 = arith.constant 0 : index
      %get3A_20 = memref.load %arg2[%get3A, %get3A_19] : memref<1x1xf32, #tpu.memory_space<smem>>
      %add3A = arith.constant 1.000000e+00 : f32
      %add3A_21 = arith.addf %add3A, %get3A_20 : f32
      %get3A_22 = arith.constant 0 : index
      %get3A_23 = arith.constant 0 : index
      %get3A_24 = vector.load %arg3[%get3A_22, %get3A_23] : memref<5000x128xf32, #tpu.memory_space<vmem>>, vector<5000x128xf32>
      %mul3A = vector.broadcast %add3A_21 : f32 to vector<5000x128xf32>
      %mul3A_25 = arith.mulf %mul3A, %get3A_24 : vector<5000x128xf32>
      %get3A_26 = arith.constant 0 : index
      %get3A_27 = arith.constant 0 : index
      %get3A_28 = arith.constant 0 : index
      %get3A_29 = vector.load %arg4[%get3A_26, %get3A_27, %get3A_28] : memref<1x5000x128xf32, #tpu.memory_space<vmem>>, vector<1x5000x128xf32>
      %get3A_30 = vector.shape_cast %get3A_29 : vector<1x5000x128xf32> to vector<5000x128xf32>
      %add3A_31 = arith.addf %mul3A_25, %get3A_30 : vector<5000x128xf32>
      %get3A_32 = arith.constant 0 : index
      %get3A_33 = arith.constant 0 : index
      %get3A_34 = arith.constant 0 : index
      %get3A_35 = vector.load %arg5[%get3A_32, %get3A_33, %get3A_34] : memref<1x5000x128xf32, #tpu.memory_space<vmem>>, vector<1x5000x128xf32>
      %get3A_36 = vector.shape_cast %get3A_35 : vector<1x5000x128xf32> to vector<5000x128xf32>
      %add3A_37 = arith.addf %add3A_31, %get3A_36 : vector<5000x128xf32>
      %get3A_38 = arith.constant 0 : index
      %get3A_39 = arith.constant 0 : index
      %get3A_40 = vector.load %arg6[%get3A_38, %get3A_39] : memref<128x128xf32, #tpu.memory_space<vmem>>, vector<128x128xf32>
      %dot_general3A = arith.constant dense<0.000000e+00> : vector<5000x128xf32>
      %dot_general3A_41 = tpu.matmul %add3A_37, %get3A_40, %dot_general3A {dimension_numbers = #tpu.dot_dimension_numbers<[1], [0], [0], [1], [0, 0, 1, 1], [], []>, transpose_lhs_hint = false} : vector<5000x128xf32>, vector<128x128xf32>, vector<5000x128xf32> -> vector<5000x128xf32>
      %get3A_42 = arith.constant 0 : index
      %get3A_43 = arith.constant 0 : index
      %get3A_44 = vector.load %arg7[%get3A_42, %get3A_43] : memref<1x128xf32, #tpu.memory_space<vmem>>, vector<1x128xf32>
      %add3A_45 = vector.broadcast %get3A_44 : vector<1x128xf32> to vector<5000x128xf32>
      %add3A_46 = arith.addf %dot_general3A_41, %add3A_45 : vector<5000x128xf32>
      %mul3A_47 = arith.constant 5000 : i32
      %mul3A_48 = arith.muli %arg1, %mul3A_47 : i32
      %swap3A = arith.index_cast %mul3A_48 : i32 to index
      %swap3A_49 = arith.constant 0 : index
      %swap3A_50 = vector.load %arg15[%swap3A, %swap3A_49] : memref<10000x128xf32, #tpu.memory_space<vmem>>, vector<5000x128xf32>
      tpu.vector_store %arg15[%swap3A, %swap3A_49], %add3A_46 {strides = array<i32>} : memref<10000x128xf32, #tpu.memory_space<vmem>>, vector<5000x128xf32>,
      %get3A_51 = arith.constant 0 : index
      %get3A_52 = arith.constant 0 : index
      %get3A_53 = vector.load %arg17[%get3A_51, %get3A_52] : memref<8x128xf32, #tpu.memory_space<vmem>>, vector<1x128xf32>
      %reduce_sum3A = arith.constant dense<0.000000e+00> : vector<128xf32>
      %reduce_sum3A_54 = vector.multi_reduction <add>, %add3A_46, %reduce_sum3A [0] : vector<5000x128xf32> to vector<128xf32>
      %broadcast_in_dim3A = vector.shape_cast %reduce_sum3A_54 : vector<128xf32> to vector<1x128xf32>
      %add3A_55 = arith.addf %get3A_53, %broadcast_in_dim3A : vector<1x128xf32>
      %swap3A_56 = arith.constant 0 : index
      %swap3A_57 = arith.constant 0 : index
      %swap3A_58 = vector.load %arg17[%swap3A_56, %swap3A_57] : memref<8x128xf32, #tpu.memory_space<vmem>>, vector<1x128xf32>
      tpu.vector_store %arg17[%swap3A_56, %swap3A_57], %add3A_55 {strides = array<i32>} : memref<8x128xf32, #tpu.memory_space<vmem>>, vector<1x128xf32>,
      %get3A_59 = arith.constant 1 : index
      %get3A_60 = arith.constant 0 : index
      %get3A_61 = vector.load %arg17[%get3A_59, %get3A_60] : memref<8x128xf32, #tpu.memory_space<vmem>>, vector<1x128xf32>
      %mul3A_62 = arith.mulf %add3A_46, %add3A_46 : vector<5000x128xf32>
      %reduce_sum3A_63 = arith.constant dense<0.000000e+00> : vector<128xf32>
      %reduce_sum3A_64 = vector.multi_reduction <add>, %mul3A_62, %reduce_sum3A_63 [0] : vector<5000x128xf32> to vector<128xf32>
      %broadcast_in_dim3A_65 = vector.shape_cast %reduce_sum3A_64 : vector<128xf32> to vector<1x128xf32>
      %add3A_66 = arith.addf %get3A_61, %broadcast_in_dim3A_65 : vector<1x128xf32>
      %swap3A_67 = arith.constant 1 : index
      %swap3A_68 = arith.constant 0 : index
      %swap3A_69 = vector.load %arg17[%swap3A_67, %swap3A_68] : memref<8x128xf32, #tpu.memory_space<vmem>>, vector<1x128xf32>
      tpu.vector_store %arg17[%swap3A_67, %swap3A_68], %add3A_66 {strides = array<i32>} : memref<8x128xf32, #tpu.memory_space<vmem>>, vector<1x128xf32>,
    } else {
    }
    %eq3A_9 = arith.constant 1 : i32
    %eq3A_10 = arith.cmpi eq, %arg0, %eq3A_9 : i32
    %convert_element_type3A_11 = arith.extui %eq3A_10 : i1 to i32
    %cond3A_12 = arith.constant 0 : i32
    %cond3A_13 = arith.cmpi ne, %convert_element_type3A_11, %cond3A_12 : i32
    scf.if %cond3A_13 {
      %get3A = arith.constant 0 : index
      %get3A_19 = arith.constant 0 : index
      %get3A_20 = vector.load %arg17[%get3A, %get3A_19] : memref<8x128xf32, #tpu.memory_space<vmem>>, vector<1x128xf32>
      %mul3A = arith.constant 9.99999974E-5 : f32
      %mul3A_21 = vector.broadcast %mul3A : f32 to vector<1x128xf32>
      %mul3A_22 = arith.mulf %get3A_20, %mul3A_21 : vector<1x128xf32>
      %get3A_23 = arith.constant 1 : index
      %get3A_24 = arith.constant 0 : index
      %get3A_25 = vector.load %arg17[%get3A_23, %get3A_24] : memref<8x128xf32, #tpu.memory_space<vmem>>, vector<1x128xf32>
      %mul3A_26 = arith.constant 9.99999974E-5 : f32
      %mul3A_27 = vector.broadcast %mul3A_26 : f32 to vector<1x128xf32>
      %mul3A_28 = arith.mulf %get3A_25, %mul3A_27 : vector<1x128xf32>
      %mul3A_29 = arith.mulf %mul3A_22, %mul3A_22 : vector<1x128xf32>
      %sub3A = arith.subf %mul3A_28, %mul3A_29 : vector<1x128xf32>
      %add3A = arith.constant 9.99999974E-6 : f32
      %add3A_30 = vector.broadcast %add3A : f32 to vector<1x128xf32>
      %add3A_31 = arith.addf %sub3A, %add3A_30 : vector<1x128xf32>
      %rsqrt3A = math.rsqrt %add3A_31 : vector<1x128xf32>
      %mul3A_32 = arith.constant 5000 : i32
      %mul3A_33 = arith.muli %arg1, %mul3A_32 : i32
      %get3A_34 = arith.index_cast %mul3A_33 : i32 to index
      %get3A_35 = arith.constant 0 : index
      %get3A_36 = vector.load %arg15[%get3A_34, %get3A_35] : memref<10000x128xf32, #tpu.memory_space<vmem>>, vector<5000x128xf32>
      %sub3A_37 = vector.broadcast %mul3A_22 : vector<1x128xf32> to vector<5000x128xf32>
      %sub3A_38 = arith.subf %get3A_36, %sub3A_37 : vector<5000x128xf32>
      %get3A_39 = arith.constant 0 : index
      %get3A_40 = arith.constant 0 : index
      %get3A_41 = vector.load %arg8[%get3A_39, %get3A_40] : memref<1x128xf32, #tpu.memory_space<vmem>>, vector<1x128xf32>
      %mul3A_42 = arith.mulf %rsqrt3A, %get3A_41 : vector<1x128xf32>
      %mul3A_43 = vector.broadcast %mul3A_42 : vector<1x128xf32> to vector<5000x128xf32>
      %mul3A_44 = arith.mulf %sub3A_38, %mul3A_43 : vector<5000x128xf32>
      %get3A_45 = arith.constant 0 : index
      %get3A_46 = arith.constant 0 : index
      %get3A_47 = vector.load %arg9[%get3A_45, %get3A_46] : memref<1x128xf32, #tpu.memory_space<vmem>>, vector<1x128xf32>
      %add3A_48 = vector.broadcast %get3A_47 : vector<1x128xf32> to vector<5000x128xf32>
      %add3A_49 = arith.addf %mul3A_44, %add3A_48 : vector<5000x128xf32>
      %max3A = arith.constant 0.000000e+00 : f32
      %max3A_50 = vector.broadcast %max3A : f32 to vector<5000x128xf32>
      %max3A_51 = arith.maximumf %add3A_49, %max3A_50 : vector<5000x128xf32>
      %get3A_52 = arith.constant 0 : index
      %get3A_53 = arith.constant 0 : index
      %get3A_54 = vector.load %arg10[%get3A_52, %get3A_53] : memref<128x128xf32, #tpu.memory_space<vmem>>, vector<128x128xf32>
      %dot_general3A = arith.constant dense<0.000000e+00> : vector<5000x128xf32>
      %dot_general3A_55 = tpu.matmul %max3A_51, %get3A_54, %dot_general3A {dimension_numbers = #tpu.dot_dimension_numbers<[1], [0], [0], [1], [0, 0, 1, 1], [], []>, transpose_lhs_hint = false} : vector<5000x128xf32>, vector<128x128xf32>, vector<5000x128xf32> -> vector<5000x128xf32>
      %get3A_56 = arith.constant 0 : index
      %get3A_57 = arith.constant 0 : index
      %get3A_58 = vector.load %arg11[%get3A_56, %get3A_57] : memref<1x128xf32, #tpu.memory_space<vmem>>, vector<1x128xf32>
      %add3A_59 = vector.broadcast %get3A_58 : vector<1x128xf32> to vector<5000x128xf32>
      %add3A_60 = arith.addf %dot_general3A_55, %add3A_59 : vector<5000x128xf32>
      %mul3A_61 = arith.constant 5000 : i32
      %mul3A_62 = arith.muli %arg1, %mul3A_61 : i32
      %swap3A = arith.index_cast %mul3A_62 : i32 to index
      %swap3A_63 = arith.constant 0 : index
      %swap3A_64 = vector.load %arg16[%swap3A, %swap3A_63] : memref<10000x128xf32, #tpu.memory_space<vmem>>, vector<5000x128xf32>
      tpu.vector_store %arg16[%swap3A, %swap3A_63], %add3A_60 {strides = array<i32>} : memref<10000x128xf32, #tpu.memory_space<vmem>>, vector<5000x128xf32>,
      %get3A_65 = arith.constant 2 : index
      %get3A_66 = arith.constant 0 : index
      %get3A_67 = vector.load %arg17[%get3A_65, %get3A_66] : memref<8x128xf32, #tpu.memory_space<vmem>>, vector<1x128xf32>
      %reduce_sum3A = arith.constant dense<0.000000e+00> : vector<128xf32>
      %reduce_sum3A_68 = vector.multi_reduction <add>, %add3A_60, %reduce_sum3A [0] : vector<5000x128xf32> to vector<128xf32>
      %broadcast_in_dim3A = vector.shape_cast %reduce_sum3A_68 : vector<128xf32> to vector<1x128xf32>
      %add3A_69 = arith.addf %get3A_67, %broadcast_in_dim3A : vector<1x128xf32>
      %swap3A_70 = arith.constant 2 : index
      %swap3A_71 = arith.constant 0 : index
      %swap3A_72 = vector.load %arg17[%swap3A_70, %swap3A_71] : memref<8x128xf32, #tpu.memory_space<vmem>>, vector<1x128xf32>
      tpu.vector_store %arg17[%swap3A_70, %swap3A_71], %add3A_69 {strides = array<i32>} : memref<8x128xf32, #tpu.memory_space<vmem>>, vector<1x128xf32>,
      %get3A_73 = arith.constant 3 : index
      %get3A_74 = arith.constant 0 : index
      %get3A_75 = vector.load %arg17[%get3A_73, %get3A_74] : memref<8x128xf32, #tpu.memory_space<vmem>>, vector<1x128xf32>
      %mul3A_76 = arith.mulf %add3A_60, %add3A_60 : vector<5000x128xf32>
      %reduce_sum3A_77 = arith.constant dense<0.000000e+00> : vector<128xf32>
      %reduce_sum3A_78 = vector.multi_reduction <add>, %mul3A_76, %reduce_sum3A_77 [0] : vector<5000x128xf32> to vector<128xf32>
      %broadcast_in_dim3A_79 = vector.shape_cast %reduce_sum3A_78 : vector<128xf32> to vector<1x128xf32>
      %add3A_80 = arith.addf %get3A_75, %broadcast_in_dim3A_79 : vector<1x128xf32>
      %swap3A_81 = arith.constant 3 : index
      %swap3A_82 = arith.constant 0 : index
      %swap3A_83 = vector.load %arg17[%swap3A_81, %swap3A_82] : memref<8x128xf32, #tpu.memory_space<vmem>>, vector<1x128xf32>
      tpu.vector_store %arg17[%swap3A_81, %swap3A_82], %add3A_80 {strides = array<i32>} : memref<8x128xf32, #tpu.memory_space<vmem>>, vector<1x128xf32>,
    } else {
    }
    %eq3A_14 = arith.constant 2 : i32
    %eq3A_15 = arith.cmpi eq, %arg0, %eq3A_14 : i32
    %convert_element_type3A_16 = arith.extui %eq3A_15 : i1 to i32
    %cond3A_17 = arith.constant 0 : i32
    %cond3A_18 = arith.cmpi ne, %convert_element_type3A_16, %cond3A_17 : i32
    scf.if %cond3A_18 {
      %mul3A = arith.constant 5000 : i32
      %mul3A_19 = arith.muli %arg1, %mul3A : i32
      %get3A = arith.index_cast %mul3A_19 : i32 to index
      %get3A_20 = arith.constant 0 : index
      %get3A_21 = vector.load %arg16[%get3A, %get3A_20] : memref<10000x128xf32, #tpu.memory_space<vmem>>, vector<5000x128xf32>
      %get3A_22 = arith.constant 2 : index
      %get3A_23 = arith.constant 0 : index
      %get3A_24 = vector.load %arg17[%get3A_22, %get3A_23] : memref<8x128xf32, #tpu.memory_space<vmem>>, vector<1x128xf32>
      %mul3A_25 = arith.constant 9.99999974E-5 : f32
      %mul3A_26 = vector.broadcast %mul3A_25 : f32 to vector<1x128xf32>
      %mul3A_27 = arith.mulf %get3A_24, %mul3A_26 : vector<1x128xf32>
      %get3A_28 = arith.constant 3 : index
      %get3A_29 = arith.constant 0 : index
      %get3A_30 = vector.load %arg17[%get3A_28, %get3A_29] : memref<8x128xf32, #tpu.memory_space<vmem>>, vector<1x128xf32>
      %mul3A_31 = arith.constant 9.99999974E-5 : f32
      %mul3A_32 = vector.broadcast %mul3A_31 : f32 to vector<1x128xf32>
      %mul3A_33 = arith.mulf %get3A_30, %mul3A_32 : vector<1x128xf32>
      %mul3A_34 = arith.mulf %mul3A_27, %mul3A_27 : vector<1x128xf32>
      %sub3A = arith.subf %mul3A_33, %mul3A_34 : vector<1x128xf32>
      %add3A = arith.constant 9.99999974E-6 : f32
      %add3A_35 = vector.broadcast %add3A : f32 to vector<1x128xf32>
      %add3A_36 = arith.addf %sub3A, %add3A_35 : vector<1x128xf32>
      %rsqrt3A = math.rsqrt %add3A_36 : vector<1x128xf32>
      %sub3A_37 = vector.broadcast %mul3A_27 : vector<1x128xf32> to vector<5000x128xf32>
      %sub3A_38 = arith.subf %get3A_21, %sub3A_37 : vector<5000x128xf32>
      %get3A_39 = arith.constant 0 : index
      %get3A_40 = arith.constant 0 : index
      %get3A_41 = vector.load %arg12[%get3A_39, %get3A_40] : memref<1x128xf32, #tpu.memory_space<vmem>>, vector<1x128xf32>
      %mul3A_42 = arith.mulf %rsqrt3A, %get3A_41 : vector<1x128xf32>
      %mul3A_43 = vector.broadcast %mul3A_42 : vector<1x128xf32> to vector<5000x128xf32>
      %mul3A_44 = arith.mulf %sub3A_38, %mul3A_43 : vector<5000x128xf32>
      %get3A_45 = arith.constant 0 : index
      %get3A_46 = arith.constant 0 : index
      %get3A_47 = vector.load %arg13[%get3A_45, %get3A_46] : memref<1x128xf32, #tpu.memory_space<vmem>>, vector<1x128xf32>
      %add3A_48 = vector.broadcast %get3A_47 : vector<1x128xf32> to vector<5000x128xf32>
      %add3A_49 = arith.addf %mul3A_44, %add3A_48 : vector<5000x128xf32>
      %max3A = arith.constant 0.000000e+00 : f32
      %max3A_50 = vector.broadcast %max3A : f32 to vector<5000x128xf32>
      %max3A_51 = arith.maximumf %add3A_49, %max3A_50 : vector<5000x128xf32>
      %swap3A = arith.constant 0 : index
      %swap3A_52 = arith.constant 0 : index
      %swap3A_53 = vector.load %arg14[%swap3A, %swap3A_52] : memref<5000x128xf32, #tpu.memory_space<vmem>>, vector<5000x128xf32>
      tpu.vector_store %arg14[%swap3A, %swap3A_52], %max3A_51 {strides = array<i32>} : memref<5000x128xf32, #tpu.memory_space<vmem>>, vector<5000x128xf32>,
    } else {
    }
    return
  }
  func.func @transform_0(%arg0: i32, %arg1: i32) -> (i32, i32) {
    %c0_i32 = arith.constant 0 : i32
    %c0_i32_0 = arith.constant 0 : i32
    %c0_i32_1 = arith.constant 0 : i32
    return %c0_i32, %c0_i32_0 : i32, i32
  }
  func.func @transform_1(%arg0: i32, %arg1: i32) -> (i32, i32) {
    %eq3A = arith.constant 0 : i32
    %eq3A_0 = arith.cmpi eq, %arg0, %eq3A : i32
    %jit3A = arith.constant 0 : i32
    %select_n3A = arith.select %eq3A_0, %arg1, %jit3A : i32
    %c0_i32 = arith.constant 0 : i32
    %c0_i32_1 = arith.constant 0 : i32
    return %select_n3A, %c0_i32 : i32, i32
  }
  func.func @transform_2(%arg0: i32, %arg1: i32) -> (i32, i32, i32) {
    %eq3A = arith.constant 0 : i32
    %eq3A_0 = arith.cmpi eq, %arg0, %eq3A : i32
    %jit3A = arith.constant 0 : i32
    %select_n3A = arith.select %eq3A_0, %arg1, %jit3A : i32
    %c0_i32 = arith.constant 0 : i32
    %c0_i32_1 = arith.constant 0 : i32
    %c0_i32_2 = arith.constant 0 : i32
    return %c0_i32, %select_n3A, %c0_i32_1 : i32, i32, i32
  }
  func.func @transform_3(%arg0: i32, %arg1: i32) -> (i32, i32, i32) {
    %eq3A = arith.constant 0 : i32
    %eq3A_0 = arith.cmpi eq, %arg0, %eq3A : i32
    %jit3A = arith.constant 0 : i32
    %select_n3A = arith.select %eq3A_0, %arg1, %jit3A : i32
    %c1_i32 = arith.constant 1 : i32
    %c0_i32 = arith.constant 0 : i32
    %c0_i32_1 = arith.constant 0 : i32
    return %c1_i32, %select_n3A, %c0_i32 : i32, i32, i32
  }
  func.func @transform_4(%arg0: i32, %arg1: i32) -> (i32, i32) {
    %c0_i32 = arith.constant 0 : i32
    %c0_i32_0 = arith.constant 0 : i32
    %c0_i32_1 = arith.constant 0 : i32
    return %c0_i32, %c0_i32_0 : i32, i32
  }
  func.func @transform_5(%arg0: i32, %arg1: i32) -> (i32, i32) {
    %c0_i32 = arith.constant 0 : i32
    %c0_i32_0 = arith.constant 0 : i32
    %c0_i32_1 = arith.constant 0 : i32
    return %c0_i32, %c0_i32_0 : i32, i32
  }
  func.func @transform_6(%arg0: i32, %arg1: i32) -> (i32, i32) {
    %c0_i32 = arith.constant 0 : i32
    %c0_i32_0 = arith.constant 0 : i32
    %c0_i32_1 = arith.constant 0 : i32
    return %c0_i32, %c0_i32_0 : i32, i32
  }
  func.func @transform_7(%arg0: i32, %arg1: i32) -> (i32, i32) {
    %c0_i32 = arith.constant 0 : i32
    %c0_i32_0 = arith.constant 0 : i32
    %c0_i32_1 = arith.constant 0 : i32
    return %c0_i32, %c0_i32_0 : i32, i32
  }
  func.func @transform_8(%arg0: i32, %arg1: i32) -> (i32, i32) {
    %c0_i32 = arith.constant 0 : i32
    %c0_i32_0 = arith.constant 0 : i32
    %c0_i32_1 = arith.constant 0 : i32
    return %c0_i32, %c0_i32_0 : i32, i32
  }
  func.func @transform_9(%arg0: i32, %arg1: i32) -> (i32, i32) {
    %c0_i32 = arith.constant 0 : i32
    %c0_i32_0 = arith.constant 0 : i32
    %c0_i32_1 = arith.constant 0 : i32
    return %c0_i32, %c0_i32_0 : i32, i32
  }
  func.func @transform_10(%arg0: i32, %arg1: i32) -> (i32, i32) {
    %c0_i32 = arith.constant 0 : i32
    %c0_i32_0 = arith.constant 0 : i32
    %c0_i32_1 = arith.constant 0 : i32
    return %c0_i32, %c0_i32_0 : i32, i32
  }
  func.func @transform_11(%arg0: i32, %arg1: i32) -> (i32, i32) {
    %c0_i32 = arith.constant 0 : i32
    %c0_i32_0 = arith.constant 0 : i32
    %c0_i32_1 = arith.constant 0 : i32
    return %c0_i32, %c0_i32_0 : i32, i32
  }
  func.func @transform_12(%arg0: i32, %arg1: i32) -> (i32, i32) {
    %eq3A = arith.constant 2 : i32
    %eq3A_0 = arith.cmpi eq, %arg0, %eq3A : i32
    %jit3A = arith.constant 0 : i32
    %select_n3A = arith.select %eq3A_0, %arg1, %jit3A : i32
    %c0_i32 = arith.constant 0 : i32
    %c0_i32_1 = arith.constant 0 : i32
    return %select_n3A, %c0_i32 : i32, i32
  }
}

module attributes {stable_mosaic.version = 14 : i64} {
  func.func @_concat01_body(%arg0: i32, %arg1: i32, %arg2: memref<5000x128xf32, #tpu.memory_space<vmem>>, %arg3: memref<5000x128xf32, #tpu.memory_space<vmem>>, %arg4: memref<5000x128xf32, #tpu.memory_space<vmem>>) attributes {dimension_semantics = [#tpu.dimension_semantics<arbitrary>, #tpu.dimension_semantics<arbitrary>], iteration_bounds = array<i64: 2, 2>, scalar_prefetch = 0 : i64, scratch_operands = 0 : i64, tpu.core_type = #tpu.core_type<tc>, window_params = [{transform_indices = @transform_0, window_bounds = array<i64: 5000, 128>}, {transform_indices = @transform_1, window_bounds = array<i64: 5000, 128>}, {transform_indices = @transform_2, window_bounds = array<i64: 5000, 128>}]} {
    %eq3A = arith.constant 0 : i32
    %eq3A_0 = arith.cmpi eq, %arg0, %eq3A : i32
    %convert_element_type3A = arith.extui %eq3A_0 : i1 to i32
    %cond3A = arith.constant 0 : i32
    %cond3A_1 = arith.cmpi ne, %convert_element_type3A, %cond3A : i32
    scf.if %cond3A_1 {
      %get3A = arith.constant 0 : index
      %get3A_7 = arith.constant 0 : index
      %get3A_8 = vector.load %arg2[%get3A, %get3A_7] : memref<5000x128xf32, #tpu.memory_space<vmem>>, vector<5000x128xf32>
      %swap3A = arith.constant 0 : index
      %swap3A_9 = arith.constant 0 : index
      %swap3A_10 = vector.load %arg4[%swap3A, %swap3A_9] : memref<5000x128xf32, #tpu.memory_space<vmem>>, vector<5000x128xf32>
      tpu.vector_store %arg4[%swap3A, %swap3A_9], %get3A_8 {strides = array<i32>} : memref<5000x128xf32, #tpu.memory_space<vmem>>, vector<5000x128xf32>,
    } else {
    }
    %eq3A_2 = arith.constant 1 : i32
    %eq3A_3 = arith.cmpi eq, %arg0, %eq3A_2 : i32
    %convert_element_type3A_4 = arith.extui %eq3A_3 : i1 to i32
    %cond3A_5 = arith.constant 0 : i32
    %cond3A_6 = arith.cmpi ne, %convert_element_type3A_4, %cond3A_5 : i32
    scf.if %cond3A_6 {
      %get3A = arith.constant 0 : index
      %get3A_7 = arith.constant 0 : index
      %get3A_8 = vector.load %arg3[%get3A, %get3A_7] : memref<5000x128xf32, #tpu.memory_space<vmem>>, vector<5000x128xf32>
      %swap3A = arith.constant 0 : index
      %swap3A_9 = arith.constant 0 : index
      %swap3A_10 = vector.load %arg4[%swap3A, %swap3A_9] : memref<5000x128xf32, #tpu.memory_space<vmem>>, vector<5000x128xf32>
      tpu.vector_store %arg4[%swap3A, %swap3A_9], %get3A_8 {strides = array<i32>} : memref<5000x128xf32, #tpu.memory_space<vmem>>, vector<5000x128xf32>,
    } else {
    }
    return
  }
  func.func @transform_0(%arg0: i32, %arg1: i32) -> (i32, i32) {
    %eq3A = arith.constant 0 : i32
    %eq3A_0 = arith.cmpi eq, %arg0, %eq3A : i32
    %jit3A = arith.constant 0 : i32
    %select_n3A = arith.select %eq3A_0, %arg1, %jit3A : i32
    %c0_i32 = arith.constant 0 : i32
    %c0_i32_1 = arith.constant 0 : i32
    return %select_n3A, %c0_i32 : i32, i32
  }
  func.func @transform_1(%arg0: i32, %arg1: i32) -> (i32, i32) {
    %eq3A = arith.constant 1 : i32
    %eq3A_0 = arith.cmpi eq, %arg0, %eq3A : i32
    %jit3A = arith.constant 0 : i32
    %select_n3A = arith.select %eq3A_0, %arg1, %jit3A : i32
    %c0_i32 = arith.constant 0 : i32
    %c0_i32_1 = arith.constant 0 : i32
    return %select_n3A, %c0_i32 : i32, i32
  }
  func.func @transform_2(%arg0: i32, %arg1: i32) -> (i32, i32) {
    %c0_i32 = arith.constant 0 : i32
    return %arg1, %arg0 : i32, i32
  }
}

module attributes {stable_mosaic.version = 14 : i64} {
  func.func @_layer1_body(%arg0: i32, %arg1: i32, %arg2: memref<1x1xf32, #tpu.memory_space<smem>>, %arg3: memref<8x128xf32, #tpu.memory_space<vmem>>, %arg4: memref<5000x128xf32, #tpu.memory_space<vmem>>, %arg5: memref<1x5000x128xf32, #tpu.memory_space<vmem>>, %arg6: memref<1x5000x128xf32, #tpu.memory_space<vmem>>, %arg7: memref<128x128xf32, #tpu.memory_space<vmem>>, %arg8: memref<1x128xf32, #tpu.memory_space<vmem>>, %arg9: memref<1x128xf32, #tpu.memory_space<vmem>>, %arg10: memref<1x128xf32, #tpu.memory_space<vmem>>, %arg11: memref<128x128xf32, #tpu.memory_space<vmem>>, %arg12: memref<1x128xf32, #tpu.memory_space<vmem>>, %arg13: memref<1x128xf32, #tpu.memory_space<vmem>>, %arg14: memref<1x128xf32, #tpu.memory_space<vmem>>, %arg15: memref<5000x128xf32, #tpu.memory_space<vmem>>, %arg16: memref<10000x128xf32, #tpu.memory_space<vmem>>, %arg17: memref<10000x128xf32, #tpu.memory_space<vmem>>, %arg18: memref<8x128xf32, #tpu.memory_space<vmem>>) attributes {dimension_semantics = [#tpu.dimension_semantics<arbitrary>, #tpu.dimension_semantics<arbitrary>], iteration_bounds = array<i64: 3, 2>, scalar_prefetch = 0 : i64, scratch_operands = 3 : i64, tpu.core_type = #tpu.core_type<tc>, window_params = [{transform_indices = @transform_0, window_bounds = array<i64: 1, 1>}, {transform_indices = @transform_1, window_bounds = array<i64: 8, 128>}, {transform_indices = @transform_2, window_bounds = array<i64: 5000, 128>}, {transform_indices = @transform_3, window_bounds = array<i64: 1, 5000, 128>}, {transform_indices = @transform_4, window_bounds = array<i64: 1, 5000, 128>}, {pipeline_mode = #tpu.pipeline_mode<synchronous>, transform_indices = @transform_5, window_bounds = array<i64: 128, 128>}, {pipeline_mode = #tpu.pipeline_mode<synchronous>, transform_indices = @transform_6, window_bounds = array<i64: 1, 128>}, {pipeline_mode = #tpu.pipeline_mode<synchronous>, transform_indices = @transform_7, window_bounds = array<i64: 1, 128>}, {pipeline_mode = #tpu.pipeline_mode<synchronous>, transform_indices = @transform_8, window_bounds = array<i64: 1, 128>}, {pipeline_mode = #tpu.pipeline_mode<synchronous>, transform_indices = @transform_9, window_bounds = array<i64: 128, 128>}, {pipeline_mode = #tpu.pipeline_mode<synchronous>, transform_indices = @transform_10, window_bounds = array<i64: 1, 128>}, {pipeline_mode = #tpu.pipeline_mode<synchronous>, transform_indices = @transform_11, window_bounds = array<i64: 1, 128>}, {pipeline_mode = #tpu.pipeline_mode<synchronous>, transform_indices = @transform_12, window_bounds = array<i64: 1, 128>}, {transform_indices = @transform_13, window_bounds = array<i64: 5000, 128>}]} {
    %eq3A = arith.constant 0 : i32
    %eq3A_0 = arith.cmpi eq, %arg0, %eq3A : i32
    %eq3A_1 = arith.constant 0 : i32
    %eq3A_2 = arith.cmpi eq, %arg1, %eq3A_1 : i32
    %and3A = arith.andi %eq3A_0, %eq3A_2 : i1
    %convert_element_type3A = arith.extui %and3A : i1 to i32
    %cond3A = arith.constant 0 : i32
    %cond3A_3 = arith.cmpi ne, %convert_element_type3A, %cond3A : i32
    scf.if %cond3A_3 {
      %broadcast_in_dim3A = arith.constant 0.000000e+00 : f32
      %broadcast_in_dim3A_19 = vector.broadcast %broadcast_in_dim3A : f32 to vector<8x128xf32>
      %swap3A = arith.constant 0 : index
      %swap3A_20 = arith.constant 0 : index
      %swap3A_21 = vector.load %arg18[%swap3A, %swap3A_20] : memref<8x128xf32, #tpu.memory_space<vmem>>, vector<8x128xf32>
      tpu.vector_store %arg18[%swap3A, %swap3A_20], %broadcast_in_dim3A_19 {strides = array<i32>} : memref<8x128xf32, #tpu.memory_space<vmem>>, vector<8x128xf32>,
    } else {
    }
    %eq3A_4 = arith.constant 0 : i32
    %eq3A_5 = arith.cmpi eq, %arg0, %eq3A_4 : i32
    %convert_element_type3A_6 = arith.extui %eq3A_5 : i1 to i32
    %cond3A_7 = arith.constant 0 : i32
    %cond3A_8 = arith.cmpi ne, %convert_element_type3A_6, %cond3A_7 : i32
    scf.if %cond3A_8 {
      %get3A = arith.constant 0 : index
      %get3A_19 = arith.constant 0 : index
      %get3A_20 = memref.load %arg2[%get3A, %get3A_19] : memref<1x1xf32, #tpu.memory_space<smem>>
      %add3A = arith.constant 1.000000e+00 : f32
      %add3A_21 = arith.addf %add3A, %get3A_20 : f32
      %get3A_22 = arith.constant 0 : index
      %get3A_23 = arith.constant 0 : index
      %get3A_24 = vector.load %arg4[%get3A_22, %get3A_23] : memref<5000x128xf32, #tpu.memory_space<vmem>>, vector<5000x128xf32>
      %mul3A = vector.broadcast %add3A_21 : f32 to vector<5000x128xf32>
      %mul3A_25 = arith.mulf %mul3A, %get3A_24 : vector<5000x128xf32>
      %get3A_26 = arith.constant 0 : index
      %get3A_27 = arith.constant 0 : index
      %get3A_28 = arith.constant 0 : index
      %get3A_29 = vector.load %arg5[%get3A_26, %get3A_27, %get3A_28] : memref<1x5000x128xf32, #tpu.memory_space<vmem>>, vector<1x5000x128xf32>
      %get3A_30 = vector.shape_cast %get3A_29 : vector<1x5000x128xf32> to vector<5000x128xf32>
      %add3A_31 = arith.addf %mul3A_25, %get3A_30 : vector<5000x128xf32>
      %get3A_32 = arith.constant 0 : index
      %get3A_33 = arith.constant 0 : index
      %get3A_34 = arith.constant 0 : index
      %get3A_35 = vector.load %arg6[%get3A_32, %get3A_33, %get3A_34] : memref<1x5000x128xf32, #tpu.memory_space<vmem>>, vector<1x5000x128xf32>
      %get3A_36 = vector.shape_cast %get3A_35 : vector<1x5000x128xf32> to vector<5000x128xf32>
      %add3A_37 = arith.addf %add3A_31, %get3A_36 : vector<5000x128xf32>
      %get3A_38 = arith.constant 0 : index
      %get3A_39 = arith.constant 0 : index
      %get3A_40 = vector.load %arg7[%get3A_38, %get3A_39] : memref<128x128xf32, #tpu.memory_space<vmem>>, vector<128x128xf32>
      %dot_general3A = arith.constant dense<0.000000e+00> : vector<5000x128xf32>
      %dot_general3A_41 = tpu.matmul %add3A_37, %get3A_40, %dot_general3A {dimension_numbers = #tpu.dot_dimension_numbers<[1], [0], [0], [1], [0, 0, 1, 1], [], []>, transpose_lhs_hint = false} : vector<5000x128xf32>, vector<128x128xf32>, vector<5000x128xf32> -> vector<5000x128xf32>
      %get3A_42 = arith.constant 0 : index
      %get3A_43 = arith.constant 0 : index
      %get3A_44 = vector.load %arg8[%get3A_42, %get3A_43] : memref<1x128xf32, #tpu.memory_space<vmem>>, vector<1x128xf32>
      %add3A_45 = vector.broadcast %get3A_44 : vector<1x128xf32> to vector<5000x128xf32>
      %add3A_46 = arith.addf %dot_general3A_41, %add3A_45 : vector<5000x128xf32>
      %mul3A_47 = arith.constant 5000 : i32
      %mul3A_48 = arith.muli %arg1, %mul3A_47 : i32
      %swap3A = arith.index_cast %mul3A_48 : i32 to index
      %swap3A_49 = arith.constant 0 : index
      %swap3A_50 = vector.load %arg16[%swap3A, %swap3A_49] : memref<10000x128xf32, #tpu.memory_space<vmem>>, vector<5000x128xf32>
      tpu.vector_store %arg16[%swap3A, %swap3A_49], %add3A_46 {strides = array<i32>} : memref<10000x128xf32, #tpu.memory_space<vmem>>, vector<5000x128xf32>,
      %get3A_51 = arith.constant 0 : index
      %get3A_52 = arith.constant 0 : index
      %get3A_53 = vector.load %arg18[%get3A_51, %get3A_52] : memref<8x128xf32, #tpu.memory_space<vmem>>, vector<1x128xf32>
      %reduce_sum3A = arith.constant dense<0.000000e+00> : vector<128xf32>
      %reduce_sum3A_54 = vector.multi_reduction <add>, %add3A_46, %reduce_sum3A [0] : vector<5000x128xf32> to vector<128xf32>
      %broadcast_in_dim3A = vector.shape_cast %reduce_sum3A_54 : vector<128xf32> to vector<1x128xf32>
      %add3A_55 = arith.addf %get3A_53, %broadcast_in_dim3A : vector<1x128xf32>
      %swap3A_56 = arith.constant 0 : index
      %swap3A_57 = arith.constant 0 : index
      %swap3A_58 = vector.load %arg18[%swap3A_56, %swap3A_57] : memref<8x128xf32, #tpu.memory_space<vmem>>, vector<1x128xf32>
      tpu.vector_store %arg18[%swap3A_56, %swap3A_57], %add3A_55 {strides = array<i32>} : memref<8x128xf32, #tpu.memory_space<vmem>>, vector<1x128xf32>,
      %get3A_59 = arith.constant 1 : index
      %get3A_60 = arith.constant 0 : index
      %get3A_61 = vector.load %arg18[%get3A_59, %get3A_60] : memref<8x128xf32, #tpu.memory_space<vmem>>, vector<1x128xf32>
      %mul3A_62 = arith.mulf %add3A_46, %add3A_46 : vector<5000x128xf32>
      %reduce_sum3A_63 = arith.constant dense<0.000000e+00> : vector<128xf32>
      %reduce_sum3A_64 = vector.multi_reduction <add>, %mul3A_62, %reduce_sum3A_63 [0] : vector<5000x128xf32> to vector<128xf32>
      %broadcast_in_dim3A_65 = vector.shape_cast %reduce_sum3A_64 : vector<128xf32> to vector<1x128xf32>
      %add3A_66 = arith.addf %get3A_61, %broadcast_in_dim3A_65 : vector<1x128xf32>
      %swap3A_67 = arith.constant 1 : index
      %swap3A_68 = arith.constant 0 : index
      %swap3A_69 = vector.load %arg18[%swap3A_67, %swap3A_68] : memref<8x128xf32, #tpu.memory_space<vmem>>, vector<1x128xf32>
      tpu.vector_store %arg18[%swap3A_67, %swap3A_68], %add3A_66 {strides = array<i32>} : memref<8x128xf32, #tpu.memory_space<vmem>>, vector<1x128xf32>,
    } else {
    }
    %eq3A_9 = arith.constant 1 : i32
    %eq3A_10 = arith.cmpi eq, %arg0, %eq3A_9 : i32
    %convert_element_type3A_11 = arith.extui %eq3A_10 : i1 to i32
    %cond3A_12 = arith.constant 0 : i32
    %cond3A_13 = arith.cmpi ne, %convert_element_type3A_11, %cond3A_12 : i32
    scf.if %cond3A_13 {
      %get3A = arith.constant 0 : index
      %get3A_19 = arith.constant 0 : index
      %get3A_20 = vector.load %arg18[%get3A, %get3A_19] : memref<8x128xf32, #tpu.memory_space<vmem>>, vector<1x128xf32>
      %mul3A = arith.constant 9.99999974E-5 : f32
      %mul3A_21 = vector.broadcast %mul3A : f32 to vector<1x128xf32>
      %mul3A_22 = arith.mulf %get3A_20, %mul3A_21 : vector<1x128xf32>
      %get3A_23 = arith.constant 1 : index
      %get3A_24 = arith.constant 0 : index
      %get3A_25 = vector.load %arg18[%get3A_23, %get3A_24] : memref<8x128xf32, #tpu.memory_space<vmem>>, vector<1x128xf32>
      %mul3A_26 = arith.constant 9.99999974E-5 : f32
      %mul3A_27 = vector.broadcast %mul3A_26 : f32 to vector<1x128xf32>
      %mul3A_28 = arith.mulf %get3A_25, %mul3A_27 : vector<1x128xf32>
      %mul3A_29 = arith.mulf %mul3A_22, %mul3A_22 : vector<1x128xf32>
      %sub3A = arith.subf %mul3A_28, %mul3A_29 : vector<1x128xf32>
      %add3A = arith.constant 9.99999974E-6 : f32
      %add3A_30 = vector.broadcast %add3A : f32 to vector<1x128xf32>
      %add3A_31 = arith.addf %sub3A, %add3A_30 : vector<1x128xf32>
      %rsqrt3A = math.rsqrt %add3A_31 : vector<1x128xf32>
      %mul3A_32 = arith.constant 5000 : i32
      %mul3A_33 = arith.muli %arg1, %mul3A_32 : i32
      %get3A_34 = arith.index_cast %mul3A_33 : i32 to index
      %get3A_35 = arith.constant 0 : index
      %get3A_36 = vector.load %arg16[%get3A_34, %get3A_35] : memref<10000x128xf32, #tpu.memory_space<vmem>>, vector<5000x128xf32>
      %sub3A_37 = vector.broadcast %mul3A_22 : vector<1x128xf32> to vector<5000x128xf32>
      %sub3A_38 = arith.subf %get3A_36, %sub3A_37 : vector<5000x128xf32>
      %get3A_39 = arith.constant 0 : index
      %get3A_40 = arith.constant 0 : index
      %get3A_41 = vector.load %arg9[%get3A_39, %get3A_40] : memref<1x128xf32, #tpu.memory_space<vmem>>, vector<1x128xf32>
      %mul3A_42 = arith.mulf %rsqrt3A, %get3A_41 : vector<1x128xf32>
      %mul3A_43 = vector.broadcast %mul3A_42 : vector<1x128xf32> to vector<5000x128xf32>
      %mul3A_44 = arith.mulf %sub3A_38, %mul3A_43 : vector<5000x128xf32>
      %get3A_45 = arith.constant 0 : index
      %get3A_46 = arith.constant 0 : index
      %get3A_47 = vector.load %arg10[%get3A_45, %get3A_46] : memref<1x128xf32, #tpu.memory_space<vmem>>, vector<1x128xf32>
      %add3A_48 = vector.broadcast %get3A_47 : vector<1x128xf32> to vector<5000x128xf32>
      %add3A_49 = arith.addf %mul3A_44, %add3A_48 : vector<5000x128xf32>
      %max3A = arith.constant 0.000000e+00 : f32
      %max3A_50 = vector.broadcast %max3A : f32 to vector<5000x128xf32>
      %max3A_51 = arith.maximumf %add3A_49, %max3A_50 : vector<5000x128xf32>
      %get3A_52 = arith.constant 0 : index
      %get3A_53 = arith.constant 0 : index
      %get3A_54 = vector.load %arg11[%get3A_52, %get3A_53] : memref<128x128xf32, #tpu.memory_space<vmem>>, vector<128x128xf32>
      %dot_general3A = arith.constant dense<0.000000e+00> : vector<5000x128xf32>
      %dot_general3A_55 = tpu.matmul %max3A_51, %get3A_54, %dot_general3A {dimension_numbers = #tpu.dot_dimension_numbers<[1], [0], [0], [1], [0, 0, 1, 1], [], []>, transpose_lhs_hint = false} : vector<5000x128xf32>, vector<128x128xf32>, vector<5000x128xf32> -> vector<5000x128xf32>
      %get3A_56 = arith.constant 0 : index
      %get3A_57 = arith.constant 0 : index
      %get3A_58 = vector.load %arg12[%get3A_56, %get3A_57] : memref<1x128xf32, #tpu.memory_space<vmem>>, vector<1x128xf32>
      %add3A_59 = vector.broadcast %get3A_58 : vector<1x128xf32> to vector<5000x128xf32>
      %add3A_60 = arith.addf %dot_general3A_55, %add3A_59 : vector<5000x128xf32>
      %mul3A_61 = arith.constant 5000 : i32
      %mul3A_62 = arith.muli %arg1, %mul3A_61 : i32
      %swap3A = arith.index_cast %mul3A_62 : i32 to index
      %swap3A_63 = arith.constant 0 : index
      %swap3A_64 = vector.load %arg17[%swap3A, %swap3A_63] : memref<10000x128xf32, #tpu.memory_space<vmem>>, vector<5000x128xf32>
      tpu.vector_store %arg17[%swap3A, %swap3A_63], %add3A_60 {strides = array<i32>} : memref<10000x128xf32, #tpu.memory_space<vmem>>, vector<5000x128xf32>,
      %get3A_65 = arith.constant 2 : index
      %get3A_66 = arith.constant 0 : index
      %get3A_67 = vector.load %arg18[%get3A_65, %get3A_66] : memref<8x128xf32, #tpu.memory_space<vmem>>, vector<1x128xf32>
      %reduce_sum3A = arith.constant dense<0.000000e+00> : vector<128xf32>
      %reduce_sum3A_68 = vector.multi_reduction <add>, %add3A_60, %reduce_sum3A [0] : vector<5000x128xf32> to vector<128xf32>
      %broadcast_in_dim3A = vector.shape_cast %reduce_sum3A_68 : vector<128xf32> to vector<1x128xf32>
      %add3A_69 = arith.addf %get3A_67, %broadcast_in_dim3A : vector<1x128xf32>
      %swap3A_70 = arith.constant 2 : index
      %swap3A_71 = arith.constant 0 : index
      %swap3A_72 = vector.load %arg18[%swap3A_70, %swap3A_71] : memref<8x128xf32, #tpu.memory_space<vmem>>, vector<1x128xf32>
      tpu.vector_store %arg18[%swap3A_70, %swap3A_71], %add3A_69 {strides = array<i32>} : memref<8x128xf32, #tpu.memory_space<vmem>>, vector<1x128xf32>,
      %get3A_73 = arith.constant 3 : index
      %get3A_74 = arith.constant 0 : index
      %get3A_75 = vector.load %arg18[%get3A_73, %get3A_74] : memref<8x128xf32, #tpu.memory_space<vmem>>, vector<1x128xf32>
      %mul3A_76 = arith.mulf %add3A_60, %add3A_60 : vector<5000x128xf32>
      %reduce_sum3A_77 = arith.constant dense<0.000000e+00> : vector<128xf32>
      %reduce_sum3A_78 = vector.multi_reduction <add>, %mul3A_76, %reduce_sum3A_77 [0] : vector<5000x128xf32> to vector<128xf32>
      %broadcast_in_dim3A_79 = vector.shape_cast %reduce_sum3A_78 : vector<128xf32> to vector<1x128xf32>
      %add3A_80 = arith.addf %get3A_75, %broadcast_in_dim3A_79 : vector<1x128xf32>
      %swap3A_81 = arith.constant 3 : index
      %swap3A_82 = arith.constant 0 : index
      %swap3A_83 = vector.load %arg18[%swap3A_81, %swap3A_82] : memref<8x128xf32, #tpu.memory_space<vmem>>, vector<1x128xf32>
      tpu.vector_store %arg18[%swap3A_81, %swap3A_82], %add3A_80 {strides = array<i32>} : memref<8x128xf32, #tpu.memory_space<vmem>>, vector<1x128xf32>,
    } else {
    }
    %eq3A_14 = arith.constant 2 : i32
    %eq3A_15 = arith.cmpi eq, %arg0, %eq3A_14 : i32
    %convert_element_type3A_16 = arith.extui %eq3A_15 : i1 to i32
    %cond3A_17 = arith.constant 0 : i32
    %cond3A_18 = arith.cmpi ne, %convert_element_type3A_16, %cond3A_17 : i32
    scf.if %cond3A_18 {
      %mul3A = arith.constant 5000 : i32
      %mul3A_19 = arith.muli %arg1, %mul3A : i32
      %get3A = arith.index_cast %mul3A_19 : i32 to index
      %get3A_20 = arith.constant 0 : index
      %get3A_21 = vector.load %arg17[%get3A, %get3A_20] : memref<10000x128xf32, #tpu.memory_space<vmem>>, vector<5000x128xf32>
      %get3A_22 = arith.constant 2 : index
      %get3A_23 = arith.constant 0 : index
      %get3A_24 = vector.load %arg18[%get3A_22, %get3A_23] : memref<8x128xf32, #tpu.memory_space<vmem>>, vector<1x128xf32>
      %mul3A_25 = arith.constant 9.99999974E-5 : f32
      %mul3A_26 = vector.broadcast %mul3A_25 : f32 to vector<1x128xf32>
      %mul3A_27 = arith.mulf %get3A_24, %mul3A_26 : vector<1x128xf32>
      %get3A_28 = arith.constant 3 : index
      %get3A_29 = arith.constant 0 : index
      %get3A_30 = vector.load %arg18[%get3A_28, %get3A_29] : memref<8x128xf32, #tpu.memory_space<vmem>>, vector<1x128xf32>
      %mul3A_31 = arith.constant 9.99999974E-5 : f32
      %mul3A_32 = vector.broadcast %mul3A_31 : f32 to vector<1x128xf32>
      %mul3A_33 = arith.mulf %get3A_30, %mul3A_32 : vector<1x128xf32>
      %mul3A_34 = arith.mulf %mul3A_27, %mul3A_27 : vector<1x128xf32>
      %sub3A = arith.subf %mul3A_33, %mul3A_34 : vector<1x128xf32>
      %add3A = arith.constant 9.99999974E-6 : f32
      %add3A_35 = vector.broadcast %add3A : f32 to vector<1x128xf32>
      %add3A_36 = arith.addf %sub3A, %add3A_35 : vector<1x128xf32>
      %rsqrt3A = math.rsqrt %add3A_36 : vector<1x128xf32>
      %sub3A_37 = vector.broadcast %mul3A_27 : vector<1x128xf32> to vector<5000x128xf32>
      %sub3A_38 = arith.subf %get3A_21, %sub3A_37 : vector<5000x128xf32>
      %get3A_39 = arith.constant 0 : index
      %get3A_40 = arith.constant 0 : index
      %get3A_41 = vector.load %arg13[%get3A_39, %get3A_40] : memref<1x128xf32, #tpu.memory_space<vmem>>, vector<1x128xf32>
      %mul3A_42 = arith.mulf %rsqrt3A, %get3A_41 : vector<1x128xf32>
      %mul3A_43 = vector.broadcast %mul3A_42 : vector<1x128xf32> to vector<5000x128xf32>
      %mul3A_44 = arith.mulf %sub3A_38, %mul3A_43 : vector<5000x128xf32>
      %get3A_45 = arith.constant 0 : index
      %get3A_46 = arith.constant 0 : index
      %get3A_47 = vector.load %arg14[%get3A_45, %get3A_46] : memref<1x128xf32, #tpu.memory_space<vmem>>, vector<1x128xf32>
      %add3A_48 = vector.broadcast %get3A_47 : vector<1x128xf32> to vector<5000x128xf32>
      %add3A_49 = arith.addf %mul3A_44, %add3A_48 : vector<5000x128xf32>
      %max3A = arith.constant 0.000000e+00 : f32
      %max3A_50 = vector.broadcast %max3A : f32 to vector<5000x128xf32>
      %max3A_51 = arith.maximumf %add3A_49, %max3A_50 : vector<5000x128xf32>
      %swap3A = arith.constant 0 : index
      %swap3A_52 = arith.constant 0 : index
      %swap3A_53 = vector.load %arg15[%swap3A, %swap3A_52] : memref<5000x128xf32, #tpu.memory_space<vmem>>, vector<5000x128xf32>
      tpu.vector_store %arg15[%swap3A, %swap3A_52], %max3A_51 {strides = array<i32>} : memref<5000x128xf32, #tpu.memory_space<vmem>>, vector<5000x128xf32>,
    } else {
    }
    return
  }
  func.func @transform_0(%arg0: i32, %arg1: i32) -> (i32, i32) {
    %c0_i32 = arith.constant 0 : i32
    %c0_i32_0 = arith.constant 0 : i32
    %c0_i32_1 = arith.constant 0 : i32
    return %c0_i32, %c0_i32_0 : i32, i32
  }
  func.func @transform_1(%arg0: i32, %arg1: i32) -> (i32, i32) {
    %c0_i32 = arith.constant 0 : i32
    %c0_i32_0 = arith.constant 0 : i32
    %c0_i32_1 = arith.constant 0 : i32
    return %c0_i32, %c0_i32_0 : i32, i32
  }
  func.func @transform_2(%arg0: i32, %arg1: i32) -> (i32, i32) {
    %eq3A = arith.constant 0 : i32
    %eq3A_0 = arith.cmpi eq, %arg0, %eq3A : i32
    %jit3A = arith.constant 0 : i32
    %select_n3A = arith.select %eq3A_0, %arg1, %jit3A : i32
    %c0_i32 = arith.constant 0 : i32
    %c0_i32_1 = arith.constant 0 : i32
    return %select_n3A, %c0_i32 : i32, i32
  }
  func.func @transform_3(%arg0: i32, %arg1: i32) -> (i32, i32, i32) {
    %eq3A = arith.constant 0 : i32
    %eq3A_0 = arith.cmpi eq, %arg0, %eq3A : i32
    %jit3A = arith.constant 0 : i32
    %select_n3A = arith.select %eq3A_0, %arg1, %jit3A : i32
    %c0_i32 = arith.constant 0 : i32
    %c0_i32_1 = arith.constant 0 : i32
    %c0_i32_2 = arith.constant 0 : i32
    return %c0_i32, %select_n3A, %c0_i32_1 : i32, i32, i32
  }
  func.func @transform_4(%arg0: i32, %arg1: i32) -> (i32, i32, i32) {
    %eq3A = arith.constant 0 : i32
    %eq3A_0 = arith.cmpi eq, %arg0, %eq3A : i32
    %jit3A = arith.constant 0 : i32
    %select_n3A = arith.select %eq3A_0, %arg1, %jit3A : i32
    %c1_i32 = arith.constant 1 : i32
    %c0_i32 = arith.constant 0 : i32
    %c0_i32_1 = arith.constant 0 : i32
    return %c1_i32, %select_n3A, %c0_i32 : i32, i32, i32
  }
  func.func @transform_5(%arg0: i32, %arg1: i32) -> (i32, i32) {
    %c0_i32 = arith.constant 0 : i32
    %c0_i32_0 = arith.constant 0 : i32
    %c0_i32_1 = arith.constant 0 : i32
    return %c0_i32, %c0_i32_0 : i32, i32
  }
  func.func @transform_6(%arg0: i32, %arg1: i32) -> (i32, i32) {
    %c0_i32 = arith.constant 0 : i32
    %c0_i32_0 = arith.constant 0 : i32
    %c0_i32_1 = arith.constant 0 : i32
    return %c0_i32, %c0_i32_0 : i32, i32
  }
  func.func @transform_7(%arg0: i32, %arg1: i32) -> (i32, i32) {
    %c0_i32 = arith.constant 0 : i32
    %c0_i32_0 = arith.constant 0 : i32
    %c0_i32_1 = arith.constant 0 : i32
    return %c0_i32, %c0_i32_0 : i32, i32
  }
  func.func @transform_8(%arg0: i32, %arg1: i32) -> (i32, i32) {
    %c0_i32 = arith.constant 0 : i32
    %c0_i32_0 = arith.constant 0 : i32
    %c0_i32_1 = arith.constant 0 : i32
    return %c0_i32, %c0_i32_0 : i32, i32
  }
  func.func @transform_9(%arg0: i32, %arg1: i32) -> (i32, i32) {
    %c0_i32 = arith.constant 0 : i32
    %c0_i32_0 = arith.constant 0 : i32
    %c0_i32_1 = arith.constant 0 : i32
    return %c0_i32, %c0_i32_0 : i32, i32
  }
  func.func @transform_10(%arg0: i32, %arg1: i32) -> (i32, i32) {
    %c0_i32 = arith.constant 0 : i32
    %c0_i32_0 = arith.constant 0 : i32
    %c0_i32_1 = arith.constant 0 : i32
    return %c0_i32, %c0_i32_0 : i32, i32
  }
  func.func @transform_11(%arg0: i32, %arg1: i32) -> (i32, i32) {
    %c0_i32 = arith.constant 0 : i32
    %c0_i32_0 = arith.constant 0 : i32
    %c0_i32_1 = arith.constant 0 : i32
    return %c0_i32, %c0_i32_0 : i32, i32
  }
  func.func @transform_12(%arg0: i32, %arg1: i32) -> (i32, i32) {
    %c0_i32 = arith.constant 0 : i32
    %c0_i32_0 = arith.constant 0 : i32
    %c0_i32_1 = arith.constant 0 : i32
    return %c0_i32, %c0_i32_0 : i32, i32
  }
  func.func @transform_13(%arg0: i32, %arg1: i32) -> (i32, i32) {
    %eq3A = arith.constant 2 : i32
    %eq3A_0 = arith.cmpi eq, %arg0, %eq3A : i32
    %jit3A = arith.constant 0 : i32
    %select_n3A = arith.select %eq3A_0, %arg1, %jit3A : i32
    %c2_i32 = arith.constant 2 : i32
    %c0_i32 = arith.constant 0 : i32
    return %select_n3A, %c2_i32 : i32, i32
  }
}

</mosaic_0001>

<sc_bundles>
// kernel: kernel.10.cloned.1.call-start
scs
__scs_entry_jumppad:
0x0: {  	(pc) =	sbr.rel $0x88, $3  }
0x1: {  	(tag) =	ssettag $0x0;
	lr =	simm.s32 $0x1  }
0x2: {  	[smem:$0x3F8D] =	sst lr;
	_ =	strace $0xD0000000  }
0x3: {  	_ = 	snop  }
0x4: {  	_ = 	snop  }
0x5: {  	_ = 	snop  }
0x6: {  	_ = 	snop  }
0x7: {  	_ = 	snop  }
__scs_overlays_trampoline_lowered:
0x8: {  	[smem:$0x3F9C] =	sst s0  }
0x9: {  	[smem:$0x3F9D] =	sst s1  }
0xa: {  	[smem:$0x3F9E] =	sst s2  }
0xb: {  	[smem:$0x3F9F] =	sst s3  }
0xc: {  	[smem:$0x3FA0] =	sst s4  }
0xd: {  	[smem:$0x3FA1] =	sst s5  }
0xe: {  	[smem:$0x3FA2] =	sst s6  }
0xf: {  	[smem:$0x3FA3] =	sst s7  }
0x10: {  	[smem:$0x3FA4] =	sst s8  }
0x11: {  	[smem:$0x3FA5] =	sst s9;
	s0 =	simm.s32 @!p0 $0x0  }
0x12: {  	s1 =	sld [smem:$0x3F8B];
	s0 =	simm.s32 @p0 $0x1  }
0x13: {  	[smem:$0x3FA6] =	sst s0;
	s0 =	simm.s32 @!p1 $0x0  }
0x14: {  	s2 =	sld [smem:$0x3F8A];
	s0 =	simm.s32 @p1 $0x1  }
0x15: {  	[smem:$0x3FA7] =	sst s0;
	s0 =	simm.s32 @!p2 $0x0  }
0x16: {  	s3 =	sld [smem:$0x3FDB];
	s0 =	simm.s32 @p2 $0x1  }
0x17: {  	s4 =	simm.s32 $0x1BF5;
	[smem:$0x3FA9] =	sst s0  }
0x18: {  	s0 =	sld [smem:$0x3F8C];
	_ =	swait.ge [sflag:s4], $0x0  }
0x19: {  	s7 =	sld [smem:$0x3F8D]  }
0x1a: {  	s8 =	sadd.s32 $0xFFFFE003, lr  }
0x1b: {  	s9 =	sadd.s32 $0xFFFFFEF7, lr;
	s5 =	simm.s32 $0xFFFFFFFF;
	p2 =	slt.u32 s8, $0xFFFFF086  }
0x1c: {  	p1 =	slt.u32 s9, $0xF7A;
	s5 =	simm.s32 @!p2 $0x0  }
0x1d: {  	s5 =	simm.s32 @p1 $0x1;
	p0 =	seq.s32 s7, s2  }
0x1e: {  	s7 =	smul.u32 @!p0 $0xF7A, s2;
	p2 =	seq.s32 @!p0 s5, $0x0  }
0x1f: {  	s9 =	smul.u32 $0xF7A, s1;
	s8 =	simm.s32 @!p0 $0x1BF5;
	p2 =	por !p2, p0  }
0x20: {  	[sflag:s8] =	ssyncset.s32 @!p0 $0xFFFFF086;
	s6 =	sadd.s32 @!p0 s3, s7;
	s7 =	simm.s32 @!p0 $0x108  }
0x21: {  	s3 =	sadd.s32 s3, s9;
	s6 =	sadd.s32 @!p0 $0x88, s6;
	s7 =	simm.s32 @p2 $0x1082  }
0x22: {  	[simem:s7], [sflag:s8] =	dma.local @!p0 [hbm:s6], $0xF7A  }
0x23: {  	s9 =	sor.u32 $0xD0000000, s2;
	s6 =	simm.s32 $0x108;
	_ =	swait.ge @!p0 [sflag:s8], $0x0  }
0x24: {  	s3 =	sadd.s32 $0x88, s3;
	s6 =	simm.s32 @!p1 $0x1082;
	[sflag:s4] =	ssyncset.s32 $0xFFFFF086  }
0x25: {  	[simem:s6], [sflag:s4] =	dma.local [hbm:s3], $0xF7A  }
0x26: {  	[smem:$0x3F8D] =	sst s1;
	(tag) =	ssettag s2;
	_ =	strace s9  }
0x27: {  	s1 =	sld [smem:$0x3F9D]  }
0x28: {  	s2 =	sld [smem:$0x3F9E]  }
0x29: {  	s4 =	sld [smem:$0x3FA0]  }
0x2a: {  	p0 =	seq.s32 s5, $0x0;
	s5 =	sld [smem:$0x3FA1]  }
0x2b: {  	s6 =	sld [smem:$0x3FA2]  }
0x2c: {  	s7 =	sld [smem:$0x3FA3]  }
0x2d: {  	s3 =	simm.s32 $0x108;
	s8 =	sld [smem:$0x3FA4]  }
0x2e: {  	s3 =	simm.s32 @!p0 $0x1082;
	s9 =	sld [smem:$0x3FA5]  }
0x2f: {  	lr =	sadd.s32 s0, s3;
	s0 =	sld [smem:$0x3F9C]  }
0x30: {  	s3 =	sld [smem:$0x3F9F]  }
0x31: {  	[smem:$0x3FA8] =	sst s10  }
0x32: {  	s10 =	sld [smem:$0x3FA6];
	_ =	sdelay $0x3  }
0x33: {  	p0 =	seq.s32 s10, $0x1;
	s10 =	sld [smem:$0x3FA8];
	_ =	sdelay $0x3  }
0x34: {  	[smem:$0x3FA8] =	sst s10  }
0x35: {  	s10 =	sld [smem:$0x3FA7];
	_ =	sdelay $0x3  }
0x36: {  	p1 =	seq.s32 s10, $0x1;
	s10 =	sld [smem:$0x3FA8];
	_ =	sdelay $0x3  }
0x37: {  	[smem:$0x3FA8] =	sst s10  }
0x38: {  	s10 =	sld [smem:$0x3FA9]  }
0x39: {  	_ = 	snop;
	(pc) =	sbr.ind lr, $3  }
0x3a: {  	_ = 	snop  }
0x3b: {  	_ = 	snop  }
0x3c: {  	p2 =	seq.s32 s10, $0x1;
	s10 =	sld [smem:$0x3FA8]  }
0x3d: {  	_ =	shalt  }
0x3e: {  	_ =	shalt  }
0x3f: {  	_ =	shalt  }
0x40: {  	_ =	shalt  }
0x41: {  	_ =	shalt  }
0x42: {  	_ =	shalt  }
0x43: {  	_ =	shalt  }
0x44: {  	_ =	shalt  }
0x45: {  	_ =	shalt  }
0x46: {  	_ =	shalt  }
0x47: {  	_ =	shalt  }
0x48: {  	_ =	shalt  }
0x49: {  	_ =	shalt  }
0x4a: {  	_ =	shalt  }
0x4b: {  	_ =	shalt  }
0x4c: {  	_ =	shalt  }
0x4d: {  	_ =	shalt  }
0x4e: {  	_ =	shalt  }
0x4f: {  	_ =	shalt  }
0x50: {  	_ =	shalt  }
0x51: {  	_ =	shalt  }
0x52: {  	_ =	shalt  }
0x53: {  	_ =	shalt  }
0x54: {  	_ =	shalt  }
0x55: {  	_ =	shalt  }
0x56: {  	_ =	shalt  }
0x57: {  	_ =	shalt  }
0x58: {  	_ =	shalt  }
0x59: {  	_ =	shalt  }
0x5a: {  	_ =	shalt  }
0x5b: {  	_ =	shalt  }
0x5c: {  	_ =	shalt  }
0x5d: {  	_ =	shalt  }
0x5e: {  	_ =	shalt  }
0x5f: {  	_ =	shalt  }
0x60: {  	_ =	shalt  }
0x61: {  	_ =	shalt  }
0x62: {  	_ =	shalt  }
0x63: {  	_ =	shalt  }
0x64: {  	_ =	shalt  }
0x65: {  	_ =	shalt  }
0x66: {  	_ =	shalt  }
0x67: {  	_ =	shalt  }
0x68: {  	_ =	shalt  }
0x69: {  	_ =	shalt  }
0x6a: {  	_ =	shalt  }
0x6b: {  	_ =	shalt  }
0x6c: {  	_ =	shalt  }
0x6d: {  	_ =	shalt  }
0x6e: {  	_ =	shalt  }
0x6f: {  	_ =	shalt  }
0x70: {  	_ =	shalt  }
0x71: {  	_ =	shalt  }
0x72: {  	_ =	shalt  }
0x73: {  	_ =	shalt  }
0x74: {  	_ =	shalt  }
0x75: {  	_ =	shalt  }
0x76: {  	_ =	shalt  }
0x77: {  	_ =	shalt  }
0x78: {  	_ =	shalt  }
0x79: {  	_ =	shalt  }
0x7a: {  	_ =	shalt  }
0x7b: {  	_ =	shalt  }
0x7c: {  	_ =	shalt  }
0x7d: {  	_ =	shalt  }
0x7e: {  	_ =	shalt  }
0x7f: {  	_ =	shalt  }
0x80: {  	_ =	shalt  }
0x81: {  	_ =	shalt  }
0x82: {  	_ =	shalt  }
0x83: {  	_ =	shalt  }
0x84: {  	_ =	shalt  }
0x85: {  	_ =	shalt  }
0x86: {  	_ =	shalt  }
0x87: {  	_ =	shalt  }
.Lfunc_end0:
.L_simem_size_0:
called_computation.1_lowered:
.L_overlay_start_0:
0x88: {  	s2 =	sld [smem:$0x3FD9]  }
0x89: {  	s3 =	sld [smem:$0x3FFE];
	_ =	sdelay $0x1  }
0x8a: {  	s1 =	srdreg.scid  }
0x8b: {  	s0 =	sand.u32 $0x1, s1  }
0x8c: {  	s16 =	sshll.u32 s0, $0xA;
	s2 =	sadd.s32 s3, s2  }
0x8d: {  	s2 =	sadd.s32 s2, s16  }
0x8e: {  	[smem:$0x3FB4] =	sst s2  }
0x8f: {  	_ = 	snop  }
0x90: {  	(tm) =	ssettm $0x1  }
0x91: {  	s17 =	sld [smem:$0x3FFB];
	_ =	sdelay $0x3  }
0x92: {  	_ =	strace s17  }
0x93: {  	s2 =	sld [smem:$0x3FFC];
	_ =	sdelay $0x3  }
0x94: {  	_ =	strace s2  }
0x95: {  	s2 =	sld [smem:$0x3FFD];
	_ =	sdelay $0x3  }
0x96: {  	_ =	strace s2  }
0x97: {  	_ =	strace $0x8FFFFFFF  }
0x98: {  	s18 =	sld [smem:$0x3FDB];
	_ =	sdelay $0x1  }
0x99: {  	s19 =	simm.s32 $_scs_section_size  }
0x9a: {  	s4 =	simm.s32 $_size__tile_overlayer_lowered;
	s5 =	simm.s32 $_tile_overlayer_lowered  }
0x9b: {  	s22 =	simm.s32 $0x1BFF;
	s21 =	sshll.u32 s5, $0x1;
	s2 =	sadd.s32 s19, s18  }
0x9c: {  	s6 =	simm.s32 $0x0;
	s20 =	sshll.u32 s4, $0x1;
	s4 =	sadd.s32 s21, s2  }
0x9d: {  	[timem:s6], [sflag:s22] =	dma.local [hbm:s4], s20  }
0x9e: {  	_ =	swait.ge [sflag:s22], s20  }
0x9f: {  	s3 =	ssub.s32 $0x0, s20;
	[sflag:s22] =	ssyncset.done $0x0  }
0xa0: {  	[sflag:s22] =	ssyncadd.s32 s3;
	_ =	sdelay $0x1  }
0xa1: {  	s23 =	simm.s32 $0x1B8B  }
0xa2: {  	_ =	swait.ge [sflag:s23], $0x1  }
0xa3: {  	[sflag:s23] =	ssyncset.done $0x0  }
0xa4: {  	s25 =	simm.s32 $0x1B8E;
	s24 =	sld [smem:$0x3FFE];
	[sflag:s23] =	ssyncadd.s32 $0xFFFFFFFF  }
0xa5: {  	s26 =	simm.s32 $execute0_lowered;
	[smem:$0x3FD2] =	sst s25  }
0xa6: {  	s4 =	sshll.u32 s26, $0x1;
	_ =	strace $0x80000049;
	[dreg:$0x1] =	wrdreg $0xFFFFFFFF  }
0xa7: {  	s28 =	simm.s32 $_size_execute0_lowered;
	s2 =	sadd.s32 s2, s4;
	[dreg:$0x0] =	wrdreg $0x0  }
0xa8: {  	s4 =	sshll.u32 s28, $0x1;
	[dreg:$0x2] =	wrdreg s2  }
0xa9: {  	[dreg:$0x3] =	wrdreg s4  }
0xaa: {  	[dreg:$0x4] =	wrdreg $0xC0  }
0xab: {  	_ =	task [dreg:s6], $0x5FFFF  }
0xac: {  	[dreg:$0x1] =	wrdreg $0xFFFFFFFF  }
0xad: {  	[dreg:$0x0] =	wrdreg $0x60  }
0xae: {  	[dreg:$0x2] =	wrdreg s24  }
0xaf: {  	[dreg:$0x3] =	wrdreg $0xA8000  }
0xb0: {  	[dreg:$0x4] =	wrdreg $0x9  }
0xb1: {  	_ =	task.clear_ibuf [dreg:s6], $0x5FFFF;
	_ =	strace $0x90000049  }
0xb2: {  	s29 =	simm.s32 $0x9;
	_ =	strace $0x8000004B  }
0xb3: {  	_ =	swait.ge [sflag:s29], $0x1  }
0xb4: {  	[sflag:s29] =	ssyncadd.s32 $0xFFFFFFFF  }
0xb5: {  	_ =	strace $0x9000004B  }
0xb6: {  	_ =	sfence  }
0xb7: {  	s30 =	sld [smem:$0x0];
	_ =	sdelay $0x2  }
0xb8: {  	s31 =	sshll.u32 s1, $0xD;
	s1 =	sshrl.u32 s1, $0x2  }
0xb9: {  	s3 =	sand.u32 $0x4000, s31;
	s1 =	sadd.s32 s1, s30  }
0xba: {  	s0 =	sor.u32 s3, s0;
	s1 =	sshll.u32 s1, $0x11  }
0xbb: {  	s0 =	sor.u32 s1, s0  }
0xbc: {  	s0 =	sadd.s32 $0x8F2B, s0  }
0xbd: {  	[sflag:s0] =	ssyncadd.remote.s32 $0x1  }
0xbe: {  	_ =	sfence.sel $0xFFFF  }
0xbf: {  	[dreg:$0x0] =	wrdreg $0xFFFFFFFF;
	(pc) =	sbr.abs _section_cstart, $3  }
0xc0: {  	[dreg:$0x1] =	wrdreg $0xFFFFFFFF  }
0xc1: {  	_ =	task.clear_ibuf [dreg:s6], $0x2FFFF;
	_ =	strace $0x9FFFFFFF  }
0xc2: {  	(tm) =	ssettm $0x7FFFFFFF  }
0xc3: {  	_ =	shalt  }
tec
execute0_lowered:
.L_overlay_start_1:
0x0: {  	(tag) =	ssettag $0x1  }
0x1: {  	s0 =	rddreg [dreg:$0x0];
	s1 =	srdreg.scid  }
0x2: {  	s8 =	stileid.u32;
	s2 =	rddreg [dreg:$0x1]  }
0x3: {  	s4 =	simm.s32 $0x0;
	s28 =	simm.s32 $0x1400;
	s29 =	simm.s32 $0x2800  }
0x4: {  	s30 =	simm.s32 $0xA;
	s31 =	simm.s32 $0x1;
	s1 =	sand.u32 $0x1, s1  }
0x5: {  	s3 =	sshll.u32 s8, $0x1;
	[smem:$0x7FF] =	sst s4;
	s7 =	smul.u32 $0x50000, s8  }
0x6: {  	s4 =	sadd.s32 $0x2B800, s0;
	s11 =	smul.u32 $0x14000, s8;
	s5 =	ssub.s32 $0x2, s1  }
0x7: {  	p0 =	seq.s32 s8, $0xF;
	s8 =	simm.s32 $0x2;
	s6 =	sshrl.u32 s5, $0x1  }
0x8: {  	s3 =	sor.u32 s1, s3;
	s9 =	sshrl.u32 s7, $0x2;
	s5 =	ssub.s32 s5, s6  }
0x9: {  	_ =	strace $0x8000004A;
	s7 =	sadd.s32 s9, s2;
	s17 =	smax.u32 s5, $0x1  }
0xa: {  	s1 =	smul.u32 $0x138800, s1;
	s18 =	sadd.s32 $0x2000, s7;
	[dreg:$0xd] =	wrdreg s17  }
0xb: {  	s3 =	smul.u32 $0x5000, s3;
	s19 =	sadd.s32 $0x4000, s7;
	[dreg:$0xe] =	wrdreg s18  }
0xc: {  	s6 =	sadd.s32 s11, s1;
	s20 =	sadd.s32 $0x6000, s7;
	[dreg:$0xf] =	wrdreg s19  }
0xd: {  	s1 =	sshrl.u32 s1, $0x3;
	s21 =	sadd.s32 $0x8000, s7;
	[dreg:$0x10] =	wrdreg s20  }
0xe: {  	s11 =	simm.s32 $0x3;
	s22 =	sadd.s32 $0xA000, s7;
	[dreg:$0x11] =	wrdreg s21  }
0xf: {  	s3 =	sshrl.u32 s3, $0x3;
	s23 =	sadd.s32 $0xC000, s7;
	[dreg:$0x12] =	wrdreg s22  }
0x10: {  	s6 =	sshrl.u32 s6, $0x3;
	s24 =	sadd.s32 $0xE000, s7;
	[dreg:$0x13] =	wrdreg s23  }
0x11: {  	s25 =	sadd.s32 $0x10000, s7;
	s3 =	sadd.s32 s3, s0;
	[dreg:$0x14] =	wrdreg s24  }
0x12: {  	s0 =	sadd.s32 $0x52A00, s0;
	[dreg:$0x15] =	wrdreg s25;
	s26 =	sadd.s32 $0x3800, s3  }
0x13: {  	s17 =	simm.s32 $0x7;
	s10 =	sadd.s32 $0x17800, s3;
	[dreg:$0x3] =	wrdreg s26  }
0x14: {  	s18 =	simm.s32 $0x280;
	s9 =	sadd.s32 $0x3A80, s3;
	[dreg:$0x4] =	wrdreg s10  }
0x15: {  	s19 =	simm.s32 $0x5;
	s12 =	sadd.s32 $0x17A80, s3;
	[dreg:$0x5] =	wrdreg s9  }
0x16: {  	s20 =	simm.s32 $0x1580;
	s13 =	sadd.s32 $0x3D00, s3;
	[dreg:$0x6] =	wrdreg s12  }
0x17: {  	s21 =	simm.s32 $0x8;
	s14 =	sadd.s32 $0x17D00, s3;
	[dreg:$0x7] =	wrdreg s13  }
0x18: {  	s22 =	simm.s32 $0x300;
	s15 =	sadd.s32 $0x3F80, s3;
	[dreg:$0x8] =	wrdreg s14  }
0x19: {  	s23 =	simm.s32 $0x9;
	s3 =	sadd.s32 $0x17F80, s3;
	[dreg:$0x9] =	wrdreg s15  }
0x1a: {  	s1 =	sadd.s32 s0, s1;
	s0 =	sadd.s32 s0, s6;
	[dreg:$0xa] =	wrdreg s3  }
0x1b: {  	s24 =	simm.s32 $0x0;
	s6 =	simm.s32 $0x6800;
	[dreg:$0xb] =	wrdreg s0  }
.Ltmp0:
0x1c: {  	s16 =	sadd.s32 $0x25800, s1;
	s0 =	sadd.s32 $0x12C000, s2;
	(pc) =	sbr.rel .LBB2_1-.Ltmp0, $4  }
0x1d: {  	s26 =	sadd.s32 $0x12000, s7;
	s1 =	simm.s32 $0x40;
	s3 =	simm.s32 $0x4800  }
0x1e: {  	s10 =	simm.s32 $0x8800;
	s13 =	simm.s32 $0x6;
	[dreg:$0xc] =	wrdreg s16  }
0x1f: {  	s14 =	simm.s32 $0x200;
	s0 =	sshrl.u32 @p0 s0, $0x3;
	[dreg:$0x17] =	wrdreg s26  }
0x20: {  	v0 =	vimm.f32 $0.0e+00;
	s15 =	simm.s32 $0x4;
	s16 =	simm.s32 $0x1500;
	[dreg:$0x16] =	wrdreg s0  }
.LBB2_15:
0x21: {  	_ =	swait.ge [sflag:s13], $0x2000  }
0x22: {  	[sflag:s13] =	ssyncset.done $0x0  }
0x23: {  	[sflag:s13] =	ssyncadd.s32 $0xFFFFE000  }
0x24: {  	_ =	swait.ge [sflag:s17], $0x2000  }
0x25: {  	[sflag:s17] =	ssyncset.done $0x0  }
0x26: {  	[sflag:s17] =	ssyncadd.s32 $0xFFFFE000  }
0x27: {  	_ =	swait.ge [sflag:s21], $0x2000  }
0x28: {  	[sflag:s21] =	ssyncset.done $0x0  }
0x29: {  	[sflag:s21] =	ssyncadd.s32 $0xFFFFE000  }
0x2a: {  	_ =	swait.ge [sflag:s23], $0x2000  }
0x2b: {  	[sflag:s23] =	ssyncset.done $0x0  }
0x2c: {  	[sflag:s23] =	ssyncadd.s32 $0xFFFFE000  }
0x2d: {  	[bflag:$0x0] =	sbarrier.arrive $0xFFFF  }
0x2e: {  	s5 =	rddreg [dreg:$0xc]  }
0x2f: {  	s0 =	simm.s32 @p0 $0x1FCA;
	s9 =	rddreg [dreg:$0x16]  }
0x30: {  	[hbm:s5], [sflag:s0] =	dma.local @p0 [spmem:s9], $0x1900  }
0x31: {  	s0 =	simm.s32 @p0 $0xA  }
0x32: {  	s5 =	stileid.u32;
	_ =	swait.ge @p0 [sflag:s0], $0x1900  }
0x33: {  	s5 =	sshll.u32 @!p0 s5, $0x6;
	[sflag:s0] =	ssyncset.done @p0 $0x0;
	s9 =	rddreg [dreg:$0xb]  }
0x34: {  	[sflag:s0] =	ssyncadd.s32 @p0 $0xFFFFE700;
	s0 =	sor.u32 @!p0 $0x1C0A, s5;
	s5 =	sshrl.u32 @!p0 s7, $0x3  }
0x35: {  	[hbm:s9], [sflag:s0] =	dma.local @!p0 [spmem:s5], $0x2800  }
0x36: {  	s0 =	simm.s32 @!p0 $0xA  }
0x37: {  	_ =	swait.ge @!p0 [sflag:s0], $0x2800  }
0x38: {  	s24 =	sadd.s32 $0x1, s24;
	s26 =	rddreg [dreg:$0xd]  }
0x39: {  	p1 =	sne.s32 s24, s26  }
.Ltmp1:
0x3a: {  	_ = 	snop;
	(pc) =	sbr.rel @!p1 .LBB2_16-.Ltmp1, $3  }
0x3b: {  	_ =	sdelay $0x1  }
0x3c: {  	[sflag:s0] =	ssyncset.done @!p0 $0x0  }
0x3d: {  	[sflag:s0] =	ssyncadd.s32 @!p0 $0xFFFFD800  }
.LBB2_1:
0x3e: {  	s0 =	simm.s32 $0x0;
	s5 =	rddreg [dreg:$0x3]  }
0x3f: {  	[tilespmem:s0], [sflag:$0x1] =	stream.linear.gather [hbm4b:s5+s0], $0x1400, $0x38;
	[tilespmem:$0x1E800] =	vst v63  }
0x40: {  	s26 =	rddreg [dreg:$0x4]  }
0x41: {  	[tilespmem:s28], [sflag:$0x1] =	stream.linear.gather [hbm4b:s26+s0], $0x1400, $0x38;
	[tilespmem:$0x1E800] =	vst v63  }
0x42: {  	s25 =	simm.s32 $0x0;
	s26 =	simm.s32 $0x200  }
.LBB2_2:
0x43: {  	p1 =	sne.s32 s26, $0x7E00;
	[tilespmem:s25+$0x2870] =	vst v0  }
0x44: {  	[tilespmem:s25+$0x2800] =	vst v0  }
0x45: {  	[tilespmem:s25+$0x2810] =	vst v0  }
.Ltmp2:
0x46: {  	[tilespmem:s25+$0x2820] =	vst v0;
	(pc) =	sbr.rel @p1 .LBB2_2-.Ltmp2, $4  }
0x47: {  	[tilespmem:s25+$0x2830] =	vst v0  }
0x48: {  	[tilespmem:s25+$0x2840] =	vst v0  }
0x49: {  	[tilespmem:s25+$0x2850] =	vst v0  }
0x4a: {  	[tilespmem:s25+$0x2860] =	vst v0;
	s25 =	sshra.s32 s26, $0x2;
	s26 =	sadd.s32 $0x200, s26  }
0x4b: {  	[tilespmem:s25+$0x2870] =	vst v0  }
0x4c: {  	[tilespmem:s25+$0x2800] =	vst v0  }
0x4d: {  	[tilespmem:s25+$0x2810] =	vst v0  }
0x4e: {  	[tilespmem:s25+$0x2820] =	vst v0  }
0x4f: {  	[tilespmem:s25+$0x2830] =	vst v0  }
0x50: {  	[tilespmem:s25+$0x2840] =	vst v0  }
0x51: {  	[tilespmem:s25+$0x2850] =	vst v0  }
0x52: {  	[tilespmem:s25+$0x2860] =	vst v0  }
0x53: {  	[spmem:s7] =	stream.linear.scatter [tilespmem:s29], [sflag:$0xA], $0x2000, $0x38;
	[tilespmem:$0x1E800] =	vst v63  }
0x54: {  	_ =	swait.ge [sflag:s30], $0x2000  }
0x55: {  	[sflag:s30] =	ssyncset.done $0x0  }
0x56: {  	s0 =	rddreg [dreg:$0xe];
	[sflag:s30] =	ssyncadd.s32 $0xFFFFE000  }
0x57: {  	[spmem:s0] =	stream.linear.scatter [tilespmem:s29], [sflag:$0xA], $0x2000, $0x38;
	[tilespmem:$0x1E800] =	vst v63  }
0x58: {  	_ =	swait.ge [sflag:s30], $0x2000  }
0x59: {  	[sflag:s30] =	ssyncset.done $0x0  }
0x5a: {  	s12 =	rddreg [dreg:$0xf];
	[sflag:s30] =	ssyncadd.s32 $0xFFFFE000  }
0x5b: {  	[spmem:s12] =	stream.linear.scatter [tilespmem:s29], [sflag:$0xA], $0x2000, $0x38;
	[tilespmem:$0x1E800] =	vst v63  }
0x5c: {  	_ =	swait.ge [sflag:s30], $0x2000  }
0x5d: {  	[sflag:s30] =	ssyncset.done $0x0  }
0x5e: {  	s25 =	rddreg [dreg:$0x10];
	[sflag:s30] =	ssyncadd.s32 $0xFFFFE000  }
0x5f: {  	[spmem:s25] =	stream.linear.scatter [tilespmem:s29], [sflag:$0xA], $0x2000, $0x38;
	[tilespmem:$0x1E800] =	vst v63  }
0x60: {  	_ =	swait.ge [sflag:s30], $0x2000  }
0x61: {  	[sflag:s30] =	ssyncset.done $0x0  }
0x62: {  	s26 =	rddreg [dreg:$0x11];
	[sflag:s30] =	ssyncadd.s32 $0xFFFFE000  }
0x63: {  	[spmem:s26] =	stream.linear.scatter [tilespmem:s29], [sflag:$0xA], $0x2000, $0x38;
	[tilespmem:$0x1E800] =	vst v63  }
0x64: {  	_ =	swait.ge [sflag:s30], $0x2000  }
0x65: {  	[sflag:s30] =	ssyncset.done $0x0  }
0x66: {  	s5 =	rddreg [dreg:$0x12];
	[sflag:s30] =	ssyncadd.s32 $0xFFFFE000  }
0x67: {  	[spmem:s5] =	stream.linear.scatter [tilespmem:s29], [sflag:$0xA], $0x2000, $0x38;
	[tilespmem:$0x1E800] =	vst v63  }
0x68: {  	_ =	swait.ge [sflag:s30], $0x2000  }
0x69: {  	[sflag:s30] =	ssyncset.done $0x0  }
0x6a: {  	s9 =	rddreg [dreg:$0x13];
	[sflag:s30] =	ssyncadd.s32 $0xFFFFE000  }
0x6b: {  	[spmem:s9] =	stream.linear.scatter [tilespmem:s29], [sflag:$0xA], $0x2000, $0x38;
	[tilespmem:$0x1E800] =	vst v63  }
0x6c: {  	_ =	swait.ge [sflag:s30], $0x2000  }
0x6d: {  	[sflag:s30] =	ssyncset.done $0x0  }
0x6e: {  	s12 =	rddreg [dreg:$0x14];
	[sflag:s30] =	ssyncadd.s32 $0xFFFFE000  }
0x6f: {  	[spmem:s12] =	stream.linear.scatter [tilespmem:s29], [sflag:$0xA], $0x2000, $0x38;
	[tilespmem:$0x1E800] =	vst v63  }
0x70: {  	_ =	swait.ge [sflag:s30], $0x2000  }
0x71: {  	[sflag:s30] =	ssyncset.done $0x0  }
0x72: {  	s25 =	rddreg [dreg:$0x15];
	[sflag:s30] =	ssyncadd.s32 $0xFFFFE000  }
0x73: {  	[spmem:s25] =	stream.linear.scatter [tilespmem:s29], [sflag:$0xA], $0x2000, $0x38;
	[tilespmem:$0x1E800] =	vst v63  }
0x74: {  	_ =	swait.ge [sflag:s30], $0x2000  }
0x75: {  	[sflag:s30] =	ssyncset.done $0x0  }
0x76: {  	s26 =	rddreg [dreg:$0x17];
	[sflag:s30] =	ssyncadd.s32 $0xFFFFE000  }
0x77: {  	[spmem:s26] =	stream.linear.scatter [tilespmem:s29], [sflag:$0xA], $0x2000, $0x38;
	[tilespmem:$0x1E800] =	vst v63  }
0x78: {  	_ =	swait.ge [sflag:s30], $0x2000  }
0x79: {  	[sflag:s30] =	ssyncset.done $0x0  }
0x7a: {  	[sflag:s30] =	ssyncadd.s32 $0xFFFFE000  }
0x7b: {  	_ =	swait.ge [sflag:s31], $0x1400  }
0x7c: {  	[sflag:s31] =	ssyncset.done $0x0  }
0x7d: {  	[sflag:s31] =	ssyncadd.s32 $0xFFFFEC00  }
0x7e: {  	_ =	swait.ge [sflag:s31], $0x1400  }
0x7f: {  	[sflag:s31] =	ssyncset.done $0x0  }
0x80: {  	[sflag:s31] =	ssyncadd.s32 $0xFFFFEC00  }
0x81: {  	s25 =	simm.s32 $0x0;
	[bflag:$0x0] =	sbarrier.arrive $0xFFFF  }
0x82: {  	[tilespmem:s29], [sflag:$0x2] =	stream.indirect.gather [hbm4b:s4+s1], $0x80, s25, s1, $0xb8;
	[tilespmem:$0x1E800] =	vst v63  }
0x83: {  	s5 =	simm.s32 $0x80  }
0x84: {  	[tilespmem:s3], [sflag:$0x3] =	stream.indirect.gather [hbm4b:s4+s1], $0x80, s5, s1, $0xb8;
	[tilespmem:$0x1E800] =	vst v63  }
0x85: {  	s9 =	simm.s32 $0x100  }
0x86: {  	[tilespmem:s6], [sflag:$0x4] =	stream.indirect.gather [hbm4b:s4+s1], $0x80, s9, s1, $0xb8;
	[tilespmem:$0x1E800] =	vst v63  }
0x87: {  	_ =	swait.ge [sflag:s8], $0x2000  }
0x88: {  	[sflag:s8] =	ssyncset.done $0x0  }
0x89: {  	[sflag:s8] =	ssyncadd.s32 $0xFFFFE000  }
0x8a: {  	[spmem:s2] =	stream.indirect.scatter.add.f32 [tilespmem:s29], [sflag:$0x6], $0x80, s28, s1, $0xb8;
	[tilespmem:$0x1E800] =	vst v63  }
0x8b: {  	s12 =	simm.s32 $0x180  }
0x8c: {  	[tilespmem:s10], [sflag:$0x5] =	stream.indirect.gather [hbm4b:s4+s1], $0x80, s12, s1, $0xb8;
	[tilespmem:$0x1E800] =	vst v63  }
0x8d: {  	_ =	swait.ge [sflag:s11], $0x2000  }
0x8e: {  	[sflag:s11] =	ssyncset.done $0x0  }
0x8f: {  	s26 =	simm.s32 $0x1480;
	[sflag:s11] =	ssyncadd.s32 $0xFFFFE000  }
0x90: {  	[spmem:s2] =	stream.indirect.scatter.add.f32 [tilespmem:s3], [sflag:$0x7], $0x80, s26, s1, $0xb8;
	[tilespmem:$0x1E800] =	vst v63  }
0x91: {  	_ =	swait.ge [sflag:s13], $0x2000  }
0x92: {  	[sflag:s13] =	ssyncset.done $0x0  }
0x93: {  	[sflag:s13] =	ssyncadd.s32 $0xFFFFE000  }
0x94: {  	[tilespmem:s29], [sflag:$0x2] =	stream.indirect.gather [hbm4b:s4+s1], $0x80, s14, s1, $0xb8;
	[tilespmem:$0x1E800] =	vst v63  }
0x95: {  	_ =	swait.ge [sflag:s15], $0x2000  }
0x96: {  	[sflag:s15] =	ssyncset.done $0x0  }
0x97: {  	[sflag:s15] =	ssyncadd.s32 $0xFFFFE000  }
0x98: {  	[spmem:s2] =	stream.indirect.scatter.add.f32 [tilespmem:s6], [sflag:$0x8], $0x80, s16, s1, $0xb8;
	[tilespmem:$0x1E800] =	vst v63  }
0x99: {  	_ =	swait.ge [sflag:s17], $0x2000  }
0x9a: {  	[sflag:s17] =	ssyncset.done $0x0  }
0x9b: {  	[sflag:s17] =	ssyncadd.s32 $0xFFFFE000  }
0x9c: {  	[tilespmem:s3], [sflag:$0x3] =	stream.indirect.gather [hbm4b:s4+s1], $0x80, s18, s1, $0xb8;
	[tilespmem:$0x1E800] =	vst v63  }
0x9d: {  	_ =	swait.ge [sflag:s19], $0x2000  }
0x9e: {  	[sflag:s19] =	ssyncset.done $0x0  }
0x9f: {  	[sflag:s19] =	ssyncadd.s32 $0xFFFFE000  }
0xa0: {  	[spmem:s2] =	stream.indirect.scatter.add.f32 [tilespmem:s10], [sflag:$0x9], $0x80, s20, s1, $0xb8;
	[tilespmem:$0x1E800] =	vst v63  }
0xa1: {  	_ =	swait.ge [sflag:s21], $0x2000  }
0xa2: {  	[sflag:s21] =	ssyncset.done $0x0  }
0xa3: {  	[sflag:s21] =	ssyncadd.s32 $0xFFFFE000  }
0xa4: {  	[tilespmem:s6], [sflag:$0x4] =	stream.indirect.gather [hbm4b:s4+s1], $0x80, s22, s1, $0xb8;
	[tilespmem:$0x1E800] =	vst v63  }
.LBB2_4:
0xa5: {  	_ =	swait.ge [sflag:s8], $0x2000  }
0xa6: {  	s26 =	sshra.s32 s25, $0x2;
	[sflag:s8] =	ssyncset.done $0x0  }
0xa7: {  	s0 =	sadd.s32 $0x1600, s26;
	[sflag:s8] =	ssyncadd.s32 $0xFFFFE000  }
0xa8: {  	[spmem:s2] =	stream.indirect.scatter.add.f32 [tilespmem:s29], [sflag:$0x6], $0x80, s0, s1, $0xb8;
	[tilespmem:$0x1E800] =	vst v63  }
0xa9: {  	_ =	swait.ge [sflag:s23], $0x2000  }
0xaa: {  	[sflag:s23] =	ssyncset.done $0x0  }
0xab: {  	s5 =	sadd.s32 $0x380, s26;
	[sflag:s23] =	ssyncadd.s32 $0xFFFFE000  }
0xac: {  	[tilespmem:s10], [sflag:$0x5] =	stream.indirect.gather [hbm4b:s4+s1], $0x80, s5, s1, $0xb8;
	[tilespmem:$0x1E800] =	vst v63  }
0xad: {  	_ =	swait.ge [sflag:s11], $0x2000  }
0xae: {  	p1 =	seq.s32 s25, $0x4000;
	[sflag:s11] =	ssyncset.done $0x0  }
0xaf: {  	s9 =	sadd.s32 $0x1680, s26;
	s0 =	simm.s32 @p1 $0x4;
	[sflag:s11] =	ssyncadd.s32 $0xFFFFE000  }
0xb0: {  	[spmem:s2] =	stream.indirect.scatter.add.f32 [tilespmem:s3], [sflag:$0x7], $0x80, s9, s1, $0xb8;
	[tilespmem:$0x1E800] =	vst v63  }
0xb1: {  	_ =	swait.ge @p1 [sflag:s0], $0x2000  }
0xb2: {  	[sflag:s0] =	ssyncset.done @p1 $0x0  }
0xb3: {  	[sflag:s0] =	ssyncadd.s32 @p1 $0xFFFFE000;
	s0 =	sshra.s32 @p1 s25, $0x2  }
0xb4: {  	s5 =	simm.s32 @p1 $0x40;
	s9 =	simm.s32 @p1 $0x6800;
	s0 =	sadd.s32 @p1 $0x1700, s0  }
0xb5: {  	[spmem:s2] =	stream.indirect.scatter.add.f32 @p1 [tilespmem:s9], [sflag:$0x8], $0x80, s0, s5, $0xb8;
	[tilespmem:$0x1E800] =	vst v63  }
0xb6: {  	s0 =	simm.s32 @!p1 $0x6  }
0xb7: {  	_ =	swait.ge @!p1 [sflag:s0], $0x2000  }
0xb8: {  	[sflag:s0] =	ssyncset.done @!p1 $0x0  }
0xb9: {  	[sflag:s0] =	ssyncadd.s32 @!p1 $0xFFFFE000;
	s0 =	sshra.s32 @!p1 s25, $0x2  }
0xba: {  	s12 =	simm.s32 @!p1 $0x2800;
	s9 =	simm.s32 @!p1 $0x40;
	s5 =	sadd.s32 @!p1 $0x400, s0  }
0xbb: {  	[tilespmem:s12], [sflag:$0x2] =	stream.indirect.gather @!p1 [hbm4b:s4+s9], $0x80, s5, s9, $0xb8;
	[tilespmem:$0x1E800] =	vst v63  }
0xbc: {  	s5 =	simm.s32 @!p1 $0x4  }
0xbd: {  	_ =	swait.ge @!p1 [sflag:s5], $0x2000  }
0xbe: {  	[sflag:s5] =	ssyncset.done @!p1 $0x0  }
0xbf: {  	s12 =	simm.s32 @!p1 $0x6800;
	[sflag:s5] =	ssyncadd.s32 @!p1 $0xFFFFE000;
	s5 =	sadd.s32 @!p1 $0x1700, s0  }
0xc0: {  	[spmem:s2] =	stream.indirect.scatter.add.f32 @!p1 [tilespmem:s12], [sflag:$0x8], $0x80, s5, s9, $0xb8;
	[tilespmem:$0x1E800] =	vst v63  }
0xc1: {  	s5 =	simm.s32 @!p1 $0x7  }
0xc2: {  	_ =	swait.ge @!p1 [sflag:s5], $0x2000  }
0xc3: {  	[sflag:s5] =	ssyncset.done @!p1 $0x0  }
0xc4: {  	s0 =	sadd.s32 @!p1 $0x480, s0;
	[sflag:s5] =	ssyncadd.s32 @!p1 $0xFFFFE000;
	s5 =	simm.s32 @!p1 $0x4800  }
0xc5: {  	[tilespmem:s5], [sflag:$0x3] =	stream.indirect.gather @!p1 [hbm4b:s4+s9], $0x80, s0, s9, $0xb8;
	[tilespmem:$0x1E800] =	vst v63  }
.Ltmp3:
0xc6: {  	_ = 	snop;
	(pc) =	sbr.rel @p1 .LBB2_6-.Ltmp3, $4  }
0xc7: {  	_ =	swait.ge [sflag:s19], $0x2000  }
0xc8: {  	[sflag:s19] =	ssyncset.done $0x0  }
0xc9: {  	s12 =	sadd.s32 $0x1780, s26;
	[sflag:s19] =	ssyncadd.s32 $0xFFFFE000  }
0xca: {  	[spmem:s2] =	stream.indirect.scatter.add.f32 [tilespmem:s10], [sflag:$0x9], $0x80, s12, s1, $0xb8;
	[tilespmem:$0x1E800] =	vst v63  }
.Ltmp4:
0xcb: {  	(pc) =	sbr.rel .LBB2_4-.Ltmp4, $4  }
0xcc: {  	_ =	swait.ge [sflag:s21], $0x2000  }
0xcd: {  	[sflag:s21] =	ssyncset.done $0x0  }
0xce: {  	s0 =	sadd.s32 $0x500, s26;
	s25 =	sadd.s32 $0x800, s25;
	[sflag:s21] =	ssyncadd.s32 $0xFFFFE000  }
0xcf: {  	[tilespmem:s6], [sflag:$0x4] =	stream.indirect.gather [hbm4b:s4+s1], $0x80, s0, s1, $0xb8;
	[tilespmem:$0x1E800] =	vst v63  }
.LBB2_6:
0xd0: {  	_ =	swait.ge [sflag:s13], $0x2000  }
0xd1: {  	[sflag:s13] =	ssyncset.done $0x0  }
0xd2: {  	[sflag:s13] =	ssyncadd.s32 $0xFFFFE000  }
0xd3: {  	_ =	swait.ge [sflag:s17], $0x2000  }
0xd4: {  	[sflag:s17] =	ssyncset.done $0x0  }
0xd5: {  	[sflag:s17] =	ssyncadd.s32 $0xFFFFE000  }
0xd6: {  	_ =	swait.ge [sflag:s21], $0x2000  }
0xd7: {  	[sflag:s21] =	ssyncset.done $0x0  }
0xd8: {  	[sflag:s21] =	ssyncadd.s32 $0xFFFFE000  }
0xd9: {  	_ =	swait.ge [sflag:s23], $0x2000  }
0xda: {  	[sflag:s23] =	ssyncset.done $0x0  }
0xdb: {  	s25 =	simm.s32 $0x0;
	s0 =	rddreg [dreg:$0x5];
	[sflag:s23] =	ssyncadd.s32 $0xFFFFE000  }
0xdc: {  	[tilespmem:s25], [sflag:$0x1] =	stream.linear.gather [hbm4b:s0+s25], $0x1400, $0x38;
	[tilespmem:$0x1E800] =	vst v63  }
0xdd: {  	s26 =	rddreg [dreg:$0x6]  }
0xde: {  	[tilespmem:s28], [sflag:$0x1] =	stream.linear.gather [hbm4b:s26+s25], $0x1400, $0x38;
	[tilespmem:$0x1E800] =	vst v63  }
0xdf: {  	_ =	swait.ge [sflag:s31], $0x1400  }
0xe0: {  	[sflag:s31] =	ssyncset.done $0x0  }
0xe1: {  	[sflag:s31] =	ssyncadd.s32 $0xFFFFEC00  }
0xe2: {  	_ =	swait.ge [sflag:s31], $0x1400  }
0xe3: {  	[sflag:s31] =	ssyncset.done $0x0  }
0xe4: {  	[sflag:s31] =	ssyncadd.s32 $0xFFFFEC00  }
0xe5: {  	[tilespmem:s29], [sflag:$0x2] =	stream.indirect.gather [hbm4b:s4+s1], $0x80, s25, s1, $0xb8;
	[tilespmem:$0x1E800] =	vst v63  }
0xe6: {  	s5 =	simm.s32 $0x80  }
0xe7: {  	[tilespmem:s3], [sflag:$0x3] =	stream.indirect.gather [hbm4b:s4+s1], $0x80, s5, s1, $0xb8;
	[tilespmem:$0x1E800] =	vst v63  }
0xe8: {  	s9 =	simm.s32 $0x100  }
0xe9: {  	[tilespmem:s6], [sflag:$0x4] =	stream.indirect.gather [hbm4b:s4+s1], $0x80, s9, s1, $0xb8;
	[tilespmem:$0x1E800] =	vst v63  }
0xea: {  	_ =	swait.ge [sflag:s8], $0x2000  }
0xeb: {  	[sflag:s8] =	ssyncset.done $0x0  }
0xec: {  	[sflag:s8] =	ssyncadd.s32 $0xFFFFE000  }
0xed: {  	[spmem:s2] =	stream.indirect.scatter.add.f32 [tilespmem:s29], [sflag:$0x6], $0x80, s28, s1, $0xb8;
	[tilespmem:$0x1E800] =	vst v63  }
0xee: {  	s12 =	simm.s32 $0x180  }
0xef: {  	[tilespmem:s10], [sflag:$0x5] =	stream.indirect.gather [hbm4b:s4+s1], $0x80, s12, s1, $0xb8;
	[tilespmem:$0x1E800] =	vst v63  }
0xf0: {  	_ =	swait.ge [sflag:s11], $0x2000  }
0xf1: {  	[sflag:s11] =	ssyncset.done $0x0  }
0xf2: {  	s26 =	simm.s32 $0x1480;
	[sflag:s11] =	ssyncadd.s32 $0xFFFFE000  }
0xf3: {  	[spmem:s2] =	stream.indirect.scatter.add.f32 [tilespmem:s3], [sflag:$0x7], $0x80, s26, s1, $0xb8;
	[tilespmem:$0x1E800] =	vst v63  }
0xf4: {  	_ =	swait.ge [sflag:s13], $0x2000  }
0xf5: {  	[sflag:s13] =	ssyncset.done $0x0  }
0xf6: {  	[sflag:s13] =	ssyncadd.s32 $0xFFFFE000  }
0xf7: {  	[tilespmem:s29], [sflag:$0x2] =	stream.indirect.gather [hbm4b:s4+s1], $0x80, s14, s1, $0xb8;
	[tilespmem:$0x1E800] =	vst v63  }
0xf8: {  	_ =	swait.ge [sflag:s15], $0x2000  }
0xf9: {  	[sflag:s15] =	ssyncset.done $0x0  }
0xfa: {  	[sflag:s15] =	ssyncadd.s32 $0xFFFFE000  }
0xfb: {  	[spmem:s2] =	stream.indirect.scatter.add.f32 [tilespmem:s6], [sflag:$0x8], $0x80, s16, s1, $0xb8;
	[tilespmem:$0x1E800] =	vst v63  }
0xfc: {  	_ =	swait.ge [sflag:s17], $0x2000  }
0xfd: {  	[sflag:s17] =	ssyncset.done $0x0  }
0xfe: {  	[sflag:s17] =	ssyncadd.s32 $0xFFFFE000  }
0xff: {  	[tilespmem:s3], [sflag:$0x3] =	stream.indirect.gather [hbm4b:s4+s1], $0x80, s18, s1, $0xb8;
	[tilespmem:$0x1E800] =	vst v63  }
0x100: {  	_ =	swait.ge [sflag:s19], $0x2000  }
0x101: {  	[sflag:s19] =	ssyncset.done $0x0  }
0x102: {  	[sflag:s19] =	ssyncadd.s32 $0xFFFFE000  }
0x103: {  	[spmem:s2] =	stream.indirect.scatter.add.f32 [tilespmem:s10], [sflag:$0x9], $0x80, s20, s1, $0xb8;
	[tilespmem:$0x1E800] =	vst v63  }
0x104: {  	_ =	swait.ge [sflag:s21], $0x2000  }
0x105: {  	[sflag:s21] =	ssyncset.done $0x0  }
0x106: {  	[sflag:s21] =	ssyncadd.s32 $0xFFFFE000  }
0x107: {  	[tilespmem:s6], [sflag:$0x4] =	stream.indirect.gather [hbm4b:s4+s1], $0x80, s22, s1, $0xb8;
	[tilespmem:$0x1E800] =	vst v63  }
.LBB2_7:
0x108: {  	_ =	swait.ge [sflag:s8], $0x2000  }
0x109: {  	s26 =	sshra.s32 s25, $0x2;
	[sflag:s8] =	ssyncset.done $0x0  }
0x10a: {  	s0 =	sadd.s32 $0x1600, s26;
	[sflag:s8] =	ssyncadd.s32 $0xFFFFE000  }
0x10b: {  	[spmem:s2] =	stream.indirect.scatter.add.f32 [tilespmem:s29], [sflag:$0x6], $0x80, s0, s1, $0xb8;
	[tilespmem:$0x1E800] =	vst v63  }
0x10c: {  	_ =	swait.ge [sflag:s23], $0x2000  }
0x10d: {  	[sflag:s23] =	ssyncset.done $0x0  }
0x10e: {  	s5 =	sadd.s32 $0x380, s26;
	[sflag:s23] =	ssyncadd.s32 $0xFFFFE000  }
0x10f: {  	[tilespmem:s10], [sflag:$0x5] =	stream.indirect.gather [hbm4b:s4+s1], $0x80, s5, s1, $0xb8;
	[tilespmem:$0x1E800] =	vst v63  }
0x110: {  	_ =	swait.ge [sflag:s11], $0x2000  }
0x111: {  	p1 =	seq.s32 s25, $0x4000;
	[sflag:s11] =	ssyncset.done $0x0  }
0x112: {  	s9 =	sadd.s32 $0x1680, s26;
	s0 =	simm.s32 @p1 $0x4;
	[sflag:s11] =	ssyncadd.s32 $0xFFFFE000  }
0x113: {  	[spmem:s2] =	stream.indirect.scatter.add.f32 [tilespmem:s3], [sflag:$0x7], $0x80, s9, s1, $0xb8;
	[tilespmem:$0x1E800] =	vst v63  }
0x114: {  	_ =	swait.ge @p1 [sflag:s0], $0x2000  }
0x115: {  	[sflag:s0] =	ssyncset.done @p1 $0x0  }
0x116: {  	[sflag:s0] =	ssyncadd.s32 @p1 $0xFFFFE000;
	s0 =	sshra.s32 @p1 s25, $0x2  }
0x117: {  	s5 =	simm.s32 @p1 $0x40;
	s9 =	simm.s32 @p1 $0x6800;
	s0 =	sadd.s32 @p1 $0x1700, s0  }
0x118: {  	[spmem:s2] =	stream.indirect.scatter.add.f32 @p1 [tilespmem:s9], [sflag:$0x8], $0x80, s0, s5, $0xb8;
	[tilespmem:$0x1E800] =	vst v63  }
0x119: {  	s0 =	simm.s32 @!p1 $0x6  }
0x11a: {  	_ =	swait.ge @!p1 [sflag:s0], $0x2000  }
0x11b: {  	[sflag:s0] =	ssyncset.done @!p1 $0x0  }
0x11c: {  	[sflag:s0] =	ssyncadd.s32 @!p1 $0xFFFFE000;
	s0 =	sshra.s32 @!p1 s25, $0x2  }
0x11d: {  	s12 =	simm.s32 @!p1 $0x2800;
	s9 =	simm.s32 @!p1 $0x40;
	s5 =	sadd.s32 @!p1 $0x400, s0  }
0x11e: {  	[tilespmem:s12], [sflag:$0x2] =	stream.indirect.gather @!p1 [hbm4b:s4+s9], $0x80, s5, s9, $0xb8;
	[tilespmem:$0x1E800] =	vst v63  }
0x11f: {  	s5 =	simm.s32 @!p1 $0x4  }
0x120: {  	_ =	swait.ge @!p1 [sflag:s5], $0x2000  }
0x121: {  	[sflag:s5] =	ssyncset.done @!p1 $0x0  }
0x122: {  	s12 =	simm.s32 @!p1 $0x6800;
	[sflag:s5] =	ssyncadd.s32 @!p1 $0xFFFFE000;
	s5 =	sadd.s32 @!p1 $0x1700, s0  }
0x123: {  	[spmem:s2] =	stream.indirect.scatter.add.f32 @!p1 [tilespmem:s12], [sflag:$0x8], $0x80, s5, s9, $0xb8;
	[tilespmem:$0x1E800] =	vst v63  }
0x124: {  	s5 =	simm.s32 @!p1 $0x7  }
0x125: {  	_ =	swait.ge @!p1 [sflag:s5], $0x2000  }
0x126: {  	[sflag:s5] =	ssyncset.done @!p1 $0x0  }
0x127: {  	s0 =	sadd.s32 @!p1 $0x480, s0;
	[sflag:s5] =	ssyncadd.s32 @!p1 $0xFFFFE000;
	s5 =	simm.s32 @!p1 $0x4800  }
0x128: {  	[tilespmem:s5], [sflag:$0x3] =	stream.indirect.gather @!p1 [hbm4b:s4+s9], $0x80, s0, s9, $0xb8;
	[tilespmem:$0x1E800] =	vst v63  }
.Ltmp5:
0x129: {  	_ = 	snop;
	(pc) =	sbr.rel @p1 .LBB2_9-.Ltmp5, $4  }
0x12a: {  	_ =	swait.ge [sflag:s19], $0x2000  }
0x12b: {  	[sflag:s19] =	ssyncset.done $0x0  }
0x12c: {  	s12 =	sadd.s32 $0x1780, s26;
	[sflag:s19] =	ssyncadd.s32 $0xFFFFE000  }
0x12d: {  	[spmem:s2] =	stream.indirect.scatter.add.f32 [tilespmem:s10], [sflag:$0x9], $0x80, s12, s1, $0xb8;
	[tilespmem:$0x1E800] =	vst v63  }
.Ltmp6:
0x12e: {  	(pc) =	sbr.rel .LBB2_7-.Ltmp6, $4  }
0x12f: {  	_ =	swait.ge [sflag:s21], $0x2000  }
0x130: {  	[sflag:s21] =	ssyncset.done $0x0  }
0x131: {  	s0 =	sadd.s32 $0x500, s26;
	s25 =	sadd.s32 $0x800, s25;
	[sflag:s21] =	ssyncadd.s32 $0xFFFFE000  }
0x132: {  	[tilespmem:s6], [sflag:$0x4] =	stream.indirect.gather [hbm4b:s4+s1], $0x80, s0, s1, $0xb8;
	[tilespmem:$0x1E800] =	vst v63  }
.LBB2_9:
0x133: {  	_ =	swait.ge [sflag:s13], $0x2000  }
0x134: {  	[sflag:s13] =	ssyncset.done $0x0  }
0x135: {  	[sflag:s13] =	ssyncadd.s32 $0xFFFFE000  }
0x136: {  	_ =	swait.ge [sflag:s17], $0x2000  }
0x137: {  	[sflag:s17] =	ssyncset.done $0x0  }
0x138: {  	[sflag:s17] =	ssyncadd.s32 $0xFFFFE000  }
0x139: {  	_ =	swait.ge [sflag:s21], $0x2000  }
0x13a: {  	[sflag:s21] =	ssyncset.done $0x0  }
0x13b: {  	[sflag:s21] =	ssyncadd.s32 $0xFFFFE000  }
0x13c: {  	_ =	swait.ge [sflag:s23], $0x2000  }
0x13d: {  	[sflag:s23] =	ssyncset.done $0x0  }
0x13e: {  	s25 =	simm.s32 $0x0;
	s0 =	rddreg [dreg:$0x7];
	[sflag:s23] =	ssyncadd.s32 $0xFFFFE000  }
0x13f: {  	[tilespmem:s25], [sflag:$0x1] =	stream.linear.gather [hbm4b:s0+s25], $0x1400, $0x38;
	[tilespmem:$0x1E800] =	vst v63  }
0x140: {  	s26 =	rddreg [dreg:$0x8]  }
0x141: {  	[tilespmem:s28], [sflag:$0x1] =	stream.linear.gather [hbm4b:s26+s25], $0x1400, $0x38;
	[tilespmem:$0x1E800] =	vst v63  }
0x142: {  	_ =	swait.ge [sflag:s31], $0x1400  }
0x143: {  	[sflag:s31] =	ssyncset.done $0x0  }
0x144: {  	[sflag:s31] =	ssyncadd.s32 $0xFFFFEC00  }
0x145: {  	_ =	swait.ge [sflag:s31], $0x1400  }
0x146: {  	[sflag:s31] =	ssyncset.done $0x0  }
0x147: {  	[sflag:s31] =	ssyncadd.s32 $0xFFFFEC00  }
0x148: {  	[tilespmem:s29], [sflag:$0x2] =	stream.indirect.gather [hbm4b:s4+s1], $0x80, s25, s1, $0xb8;
	[tilespmem:$0x1E800] =	vst v63  }
0x149: {  	s5 =	simm.s32 $0x80  }
0x14a: {  	[tilespmem:s3], [sflag:$0x3] =	stream.indirect.gather [hbm4b:s4+s1], $0x80, s5, s1, $0xb8;
	[tilespmem:$0x1E800] =	vst v63  }
0x14b: {  	s9 =	simm.s32 $0x100  }
0x14c: {  	[tilespmem:s6], [sflag:$0x4] =	stream.indirect.gather [hbm4b:s4+s1], $0x80, s9, s1, $0xb8;
	[tilespmem:$0x1E800] =	vst v63  }
0x14d: {  	_ =	swait.ge [sflag:s8], $0x2000  }
0x14e: {  	[sflag:s8] =	ssyncset.done $0x0  }
0x14f: {  	[sflag:s8] =	ssyncadd.s32 $0xFFFFE000  }
0x150: {  	[spmem:s2] =	stream.indirect.scatter.add.f32 [tilespmem:s29], [sflag:$0x6], $0x80, s28, s1, $0xb8;
	[tilespmem:$0x1E800] =	vst v63  }
0x151: {  	s12 =	simm.s32 $0x180  }
0x152: {  	[tilespmem:s10], [sflag:$0x5] =	stream.indirect.gather [hbm4b:s4+s1], $0x80, s12, s1, $0xb8;
	[tilespmem:$0x1E800] =	vst v63  }
0x153: {  	_ =	swait.ge [sflag:s11], $0x2000  }
0x154: {  	[sflag:s11] =	ssyncset.done $0x0  }
0x155: {  	s26 =	simm.s32 $0x1480;
	[sflag:s11] =	ssyncadd.s32 $0xFFFFE000  }
0x156: {  	[spmem:s2] =	stream.indirect.scatter.add.f32 [tilespmem:s3], [sflag:$0x7], $0x80, s26, s1, $0xb8;
	[tilespmem:$0x1E800] =	vst v63  }
0x157: {  	_ =	swait.ge [sflag:s13], $0x2000  }
0x158: {  	[sflag:s13] =	ssyncset.done $0x0  }
0x159: {  	[sflag:s13] =	ssyncadd.s32 $0xFFFFE000  }
0x15a: {  	[tilespmem:s29], [sflag:$0x2] =	stream.indirect.gather [hbm4b:s4+s1], $0x80, s14, s1, $0xb8;
	[tilespmem:$0x1E800] =	vst v63  }
0x15b: {  	_ =	swait.ge [sflag:s15], $0x2000  }
0x15c: {  	[sflag:s15] =	ssyncset.done $0x0  }
0x15d: {  	[sflag:s15] =	ssyncadd.s32 $0xFFFFE000  }
0x15e: {  	[spmem:s2] =	stream.indirect.scatter.add.f32 [tilespmem:s6], [sflag:$0x8], $0x80, s16, s1, $0xb8;
	[tilespmem:$0x1E800] =	vst v63  }
0x15f: {  	_ =	swait.ge [sflag:s17], $0x2000  }
0x160: {  	[sflag:s17] =	ssyncset.done $0x0  }
0x161: {  	[sflag:s17] =	ssyncadd.s32 $0xFFFFE000  }
0x162: {  	[tilespmem:s3], [sflag:$0x3] =	stream.indirect.gather [hbm4b:s4+s1], $0x80, s18, s1, $0xb8;
	[tilespmem:$0x1E800] =	vst v63  }
0x163: {  	_ =	swait.ge [sflag:s19], $0x2000  }
0x164: {  	[sflag:s19] =	ssyncset.done $0x0  }
0x165: {  	[sflag:s19] =	ssyncadd.s32 $0xFFFFE000  }
0x166: {  	[spmem:s2] =	stream.indirect.scatter.add.f32 [tilespmem:s10], [sflag:$0x9], $0x80, s20, s1, $0xb8;
	[tilespmem:$0x1E800] =	vst v63  }
0x167: {  	_ =	swait.ge [sflag:s21], $0x2000  }
0x168: {  	[sflag:s21] =	ssyncset.done $0x0  }
0x169: {  	[sflag:s21] =	ssyncadd.s32 $0xFFFFE000  }
0x16a: {  	[tilespmem:s6], [sflag:$0x4] =	stream.indirect.gather [hbm4b:s4+s1], $0x80, s22, s1, $0xb8;
	[tilespmem:$0x1E800] =	vst v63  }
.LBB2_10:
0x16b: {  	_ =	swait.ge [sflag:s8], $0x2000  }
0x16c: {  	s26 =	sshra.s32 s25, $0x2;
	[sflag:s8] =	ssyncset.done $0x0  }
0x16d: {  	s0 =	sadd.s32 $0x1600, s26;
	[sflag:s8] =	ssyncadd.s32 $0xFFFFE000  }
0x16e: {  	[spmem:s2] =	stream.indirect.scatter.add.f32 [tilespmem:s29], [sflag:$0x6], $0x80, s0, s1, $0xb8;
	[tilespmem:$0x1E800] =	vst v63  }
0x16f: {  	_ =	swait.ge [sflag:s23], $0x2000  }
0x170: {  	[sflag:s23] =	ssyncset.done $0x0  }
0x171: {  	s5 =	sadd.s32 $0x380, s26;
	[sflag:s23] =	ssyncadd.s32 $0xFFFFE000  }
0x172: {  	[tilespmem:s10], [sflag:$0x5] =	stream.indirect.gather [hbm4b:s4+s1], $0x80, s5, s1, $0xb8;
	[tilespmem:$0x1E800] =	vst v63  }
0x173: {  	_ =	swait.ge [sflag:s11], $0x2000  }
0x174: {  	p1 =	seq.s32 s25, $0x4000;
	[sflag:s11] =	ssyncset.done $0x0  }
0x175: {  	s9 =	sadd.s32 $0x1680, s26;
	s0 =	simm.s32 @p1 $0x4;
	[sflag:s11] =	ssyncadd.s32 $0xFFFFE000  }
0x176: {  	[spmem:s2] =	stream.indirect.scatter.add.f32 [tilespmem:s3], [sflag:$0x7], $0x80, s9, s1, $0xb8;
	[tilespmem:$0x1E800] =	vst v63  }
0x177: {  	_ =	swait.ge @p1 [sflag:s0], $0x2000  }
0x178: {  	[sflag:s0] =	ssyncset.done @p1 $0x0  }
0x179: {  	[sflag:s0] =	ssyncadd.s32 @p1 $0xFFFFE000;
	s0 =	sshra.s32 @p1 s25, $0x2  }
0x17a: {  	s5 =	simm.s32 @p1 $0x40;
	s9 =	simm.s32 @p1 $0x6800;
	s0 =	sadd.s32 @p1 $0x1700, s0  }
0x17b: {  	[spmem:s2] =	stream.indirect.scatter.add.f32 @p1 [tilespmem:s9], [sflag:$0x8], $0x80, s0, s5, $0xb8;
	[tilespmem:$0x1E800] =	vst v63  }
0x17c: {  	s0 =	simm.s32 @!p1 $0x6  }
0x17d: {  	_ =	swait.ge @!p1 [sflag:s0], $0x2000  }
0x17e: {  	[sflag:s0] =	ssyncset.done @!p1 $0x0  }
0x17f: {  	[sflag:s0] =	ssyncadd.s32 @!p1 $0xFFFFE000;
	s0 =	sshra.s32 @!p1 s25, $0x2  }
0x180: {  	s12 =	simm.s32 @!p1 $0x2800;
	s9 =	simm.s32 @!p1 $0x40;
	s5 =	sadd.s32 @!p1 $0x400, s0  }
0x181: {  	[tilespmem:s12], [sflag:$0x2] =	stream.indirect.gather @!p1 [hbm4b:s4+s9], $0x80, s5, s9, $0xb8;
	[tilespmem:$0x1E800] =	vst v63  }
0x182: {  	s5 =	simm.s32 @!p1 $0x4  }
0x183: {  	_ =	swait.ge @!p1 [sflag:s5], $0x2000  }
0x184: {  	[sflag:s5] =	ssyncset.done @!p1 $0x0  }
0x185: {  	s12 =	simm.s32 @!p1 $0x6800;
	[sflag:s5] =	ssyncadd.s32 @!p1 $0xFFFFE000;
	s5 =	sadd.s32 @!p1 $0x1700, s0  }
0x186: {  	[spmem:s2] =	stream.indirect.scatter.add.f32 @!p1 [tilespmem:s12], [sflag:$0x8], $0x80, s5, s9, $0xb8;
	[tilespmem:$0x1E800] =	vst v63  }
0x187: {  	s5 =	simm.s32 @!p1 $0x7  }
0x188: {  	_ =	swait.ge @!p1 [sflag:s5], $0x2000  }
0x189: {  	[sflag:s5] =	ssyncset.done @!p1 $0x0  }
0x18a: {  	s0 =	sadd.s32 @!p1 $0x480, s0;
	[sflag:s5] =	ssyncadd.s32 @!p1 $0xFFFFE000;
	s5 =	simm.s32 @!p1 $0x4800  }
0x18b: {  	[tilespmem:s5], [sflag:$0x3] =	stream.indirect.gather @!p1 [hbm4b:s4+s9], $0x80, s0, s9, $0xb8;
	[tilespmem:$0x1E800] =	vst v63  }
.Ltmp7:
0x18c: {  	_ = 	snop;
	(pc) =	sbr.rel @p1 .LBB2_12-.Ltmp7, $4  }
0x18d: {  	_ =	swait.ge [sflag:s19], $0x2000  }
0x18e: {  	[sflag:s19] =	ssyncset.done $0x0  }
0x18f: {  	s12 =	sadd.s32 $0x1780, s26;
	[sflag:s19] =	ssyncadd.s32 $0xFFFFE000  }
0x190: {  	[spmem:s2] =	stream.indirect.scatter.add.f32 [tilespmem:s10], [sflag:$0x9], $0x80, s12, s1, $0xb8;
	[tilespmem:$0x1E800] =	vst v63  }
.Ltmp8:
0x191: {  	(pc) =	sbr.rel .LBB2_10-.Ltmp8, $4  }
0x192: {  	_ =	swait.ge [sflag:s21], $0x2000  }
0x193: {  	[sflag:s21] =	ssyncset.done $0x0  }
0x194: {  	s0 =	sadd.s32 $0x500, s26;
	s25 =	sadd.s32 $0x800, s25;
	[sflag:s21] =	ssyncadd.s32 $0xFFFFE000  }
0x195: {  	[tilespmem:s6], [sflag:$0x4] =	stream.indirect.gather [hbm4b:s4+s1], $0x80, s0, s1, $0xb8;
	[tilespmem:$0x1E800] =	vst v63  }
.LBB2_12:
0x196: {  	_ =	swait.ge [sflag:s13], $0x2000  }
0x197: {  	[sflag:s13] =	ssyncset.done $0x0  }
0x198: {  	[sflag:s13] =	ssyncadd.s32 $0xFFFFE000  }
0x199: {  	_ =	swait.ge [sflag:s17], $0x2000  }
0x19a: {  	[sflag:s17] =	ssyncset.done $0x0  }
0x19b: {  	[sflag:s17] =	ssyncadd.s32 $0xFFFFE000  }
0x19c: {  	_ =	swait.ge [sflag:s21], $0x2000  }
0x19d: {  	[sflag:s21] =	ssyncset.done $0x0  }
0x19e: {  	[sflag:s21] =	ssyncadd.s32 $0xFFFFE000  }
0x19f: {  	_ =	swait.ge [sflag:s23], $0x2000  }
0x1a0: {  	[sflag:s23] =	ssyncset.done $0x0  }
0x1a1: {  	s25 =	simm.s32 $0x0;
	s0 =	rddreg [dreg:$0x9];
	[sflag:s23] =	ssyncadd.s32 $0xFFFFE000  }
0x1a2: {  	[tilespmem:s25], [sflag:$0x1] =	stream.linear.gather [hbm4b:s0+s25], $0x1400, $0x38;
	[tilespmem:$0x1E800] =	vst v63  }
0x1a3: {  	s26 =	rddreg [dreg:$0xa]  }
0x1a4: {  	[tilespmem:s28], [sflag:$0x1] =	stream.linear.gather [hbm4b:s26+s25], $0x1400, $0x38;
	[tilespmem:$0x1E800] =	vst v63  }
0x1a5: {  	_ =	swait.ge [sflag:s31], $0x1400  }
0x1a6: {  	[sflag:s31] =	ssyncset.done $0x0  }
0x1a7: {  	[sflag:s31] =	ssyncadd.s32 $0xFFFFEC00  }
0x1a8: {  	_ =	swait.ge [sflag:s31], $0x1400  }
0x1a9: {  	[sflag:s31] =	ssyncset.done $0x0  }
0x1aa: {  	[sflag:s31] =	ssyncadd.s32 $0xFFFFEC00  }
0x1ab: {  	[tilespmem:s29], [sflag:$0x2] =	stream.indirect.gather [hbm4b:s4+s1], $0x80, s25, s1, $0xb8;
	[tilespmem:$0x1E800] =	vst v63  }
0x1ac: {  	s5 =	simm.s32 $0x80  }
0x1ad: {  	[tilespmem:s3], [sflag:$0x3] =	stream.indirect.gather [hbm4b:s4+s1], $0x80, s5, s1, $0xb8;
	[tilespmem:$0x1E800] =	vst v63  }
0x1ae: {  	s9 =	simm.s32 $0x100  }
0x1af: {  	[tilespmem:s6], [sflag:$0x4] =	stream.indirect.gather [hbm4b:s4+s1], $0x80, s9, s1, $0xb8;
	[tilespmem:$0x1E800] =	vst v63  }
0x1b0: {  	_ =	swait.ge [sflag:s8], $0x2000  }
0x1b1: {  	[sflag:s8] =	ssyncset.done $0x0  }
0x1b2: {  	[sflag:s8] =	ssyncadd.s32 $0xFFFFE000  }
0x1b3: {  	[spmem:s2] =	stream.indirect.scatter.add.f32 [tilespmem:s29], [sflag:$0x6], $0x80, s28, s1, $0xb8;
	[tilespmem:$0x1E800] =	vst v63  }
0x1b4: {  	s12 =	simm.s32 $0x180  }
0x1b5: {  	[tilespmem:s10], [sflag:$0x5] =	stream.indirect.gather [hbm4b:s4+s1], $0x80, s12, s1, $0xb8;
	[tilespmem:$0x1E800] =	vst v63  }
0x1b6: {  	_ =	swait.ge [sflag:s11], $0x2000  }
0x1b7: {  	[sflag:s11] =	ssyncset.done $0x0  }
0x1b8: {  	s26 =	simm.s32 $0x1480;
	[sflag:s11] =	ssyncadd.s32 $0xFFFFE000  }
0x1b9: {  	[spmem:s2] =	stream.indirect.scatter.add.f32 [tilespmem:s3], [sflag:$0x7], $0x80, s26, s1, $0xb8;
	[tilespmem:$0x1E800] =	vst v63  }
0x1ba: {  	_ =	swait.ge [sflag:s13], $0x2000  }
0x1bb: {  	[sflag:s13] =	ssyncset.done $0x0  }
0x1bc: {  	[sflag:s13] =	ssyncadd.s32 $0xFFFFE000  }
0x1bd: {  	[tilespmem:s29], [sflag:$0x2] =	stream.indirect.gather [hbm4b:s4+s1], $0x80, s14, s1, $0xb8;
	[tilespmem:$0x1E800] =	vst v63  }
0x1be: {  	_ =	swait.ge [sflag:s15], $0x2000  }
0x1bf: {  	[sflag:s15] =	ssyncset.done $0x0  }
0x1c0: {  	[sflag:s15] =	ssyncadd.s32 $0xFFFFE000  }
0x1c1: {  	[spmem:s2] =	stream.indirect.scatter.add.f32 [tilespmem:s6], [sflag:$0x8], $0x80, s16, s1, $0xb8;
	[tilespmem:$0x1E800] =	vst v63  }
0x1c2: {  	_ =	swait.ge [sflag:s17], $0x2000  }
0x1c3: {  	[sflag:s17] =	ssyncset.done $0x0  }
0x1c4: {  	[sflag:s17] =	ssyncadd.s32 $0xFFFFE000  }
0x1c5: {  	[tilespmem:s3], [sflag:$0x3] =	stream.indirect.gather [hbm4b:s4+s1], $0x80, s18, s1, $0xb8;
	[tilespmem:$0x1E800] =	vst v63  }
0x1c6: {  	_ =	swait.ge [sflag:s19], $0x2000  }
0x1c7: {  	[sflag:s19] =	ssyncset.done $0x0  }
0x1c8: {  	[sflag:s19] =	ssyncadd.s32 $0xFFFFE000  }
0x1c9: {  	[spmem:s2] =	stream.indirect.scatter.add.f32 [tilespmem:s10], [sflag:$0x9], $0x80, s20, s1, $0xb8;
	[tilespmem:$0x1E800] =	vst v63  }
0x1ca: {  	_ =	swait.ge [sflag:s21], $0x2000  }
0x1cb: {  	[sflag:s21] =	ssyncset.done $0x0  }
0x1cc: {  	[sflag:s21] =	ssyncadd.s32 $0xFFFFE000  }
0x1cd: {  	[tilespmem:s6], [sflag:$0x4] =	stream.indirect.gather [hbm4b:s4+s1], $0x80, s22, s1, $0xb8;
	[tilespmem:$0x1E800] =	vst v63  }
.LBB2_13:
0x1ce: {  	_ =	swait.ge [sflag:s8], $0x2000  }
0x1cf: {  	s26 =	sshra.s32 s25, $0x2;
	[sflag:s8] =	ssyncset.done $0x0  }
0x1d0: {  	s0 =	sadd.s32 $0x1600, s26;
	[sflag:s8] =	ssyncadd.s32 $0xFFFFE000  }
0x1d1: {  	[spmem:s2] =	stream.indirect.scatter.add.f32 [tilespmem:s29], [sflag:$0x6], $0x80, s0, s1, $0xb8;
	[tilespmem:$0x1E800] =	vst v63  }
0x1d2: {  	_ =	swait.ge [sflag:s23], $0x2000  }
0x1d3: {  	[sflag:s23] =	ssyncset.done $0x0  }
0x1d4: {  	s5 =	sadd.s32 $0x380, s26;
	[sflag:s23] =	ssyncadd.s32 $0xFFFFE000  }
0x1d5: {  	[tilespmem:s10], [sflag:$0x5] =	stream.indirect.gather [hbm4b:s4+s1], $0x80, s5, s1, $0xb8;
	[tilespmem:$0x1E800] =	vst v63  }
0x1d6: {  	_ =	swait.ge [sflag:s11], $0x2000  }
0x1d7: {  	p1 =	seq.s32 s25, $0x4000;
	[sflag:s11] =	ssyncset.done $0x0  }
0x1d8: {  	s9 =	sadd.s32 $0x1680, s26;
	s0 =	simm.s32 @p1 $0x4;
	[sflag:s11] =	ssyncadd.s32 $0xFFFFE000  }
0x1d9: {  	[spmem:s2] =	stream.indirect.scatter.add.f32 [tilespmem:s3], [sflag:$0x7], $0x80, s9, s1, $0xb8;
	[tilespmem:$0x1E800] =	vst v63  }
0x1da: {  	_ =	swait.ge @p1 [sflag:s0], $0x2000  }
0x1db: {  	[sflag:s0] =	ssyncset.done @p1 $0x0  }
0x1dc: {  	[sflag:s0] =	ssyncadd.s32 @p1 $0xFFFFE000;
	s0 =	sshra.s32 @p1 s25, $0x2  }
0x1dd: {  	s5 =	simm.s32 @p1 $0x40;
	s9 =	simm.s32 @p1 $0x6800;
	s0 =	sadd.s32 @p1 $0x1700, s0  }
0x1de: {  	[spmem:s2] =	stream.indirect.scatter.add.f32 @p1 [tilespmem:s9], [sflag:$0x8], $0x80, s0, s5, $0xb8;
	[tilespmem:$0x1E800] =	vst v63  }
0x1df: {  	s0 =	simm.s32 @!p1 $0x6  }
0x1e0: {  	_ =	swait.ge @!p1 [sflag:s0], $0x2000  }
0x1e1: {  	[sflag:s0] =	ssyncset.done @!p1 $0x0  }
0x1e2: {  	[sflag:s0] =	ssyncadd.s32 @!p1 $0xFFFFE000;
	s0 =	sshra.s32 @!p1 s25, $0x2  }
0x1e3: {  	s12 =	simm.s32 @!p1 $0x2800;
	s9 =	simm.s32 @!p1 $0x40;
	s5 =	sadd.s32 @!p1 $0x400, s0  }
0x1e4: {  	[tilespmem:s12], [sflag:$0x2] =	stream.indirect.gather @!p1 [hbm4b:s4+s9], $0x80, s5, s9, $0xb8;
	[tilespmem:$0x1E800] =	vst v63  }
0x1e5: {  	s5 =	simm.s32 @!p1 $0x4  }
0x1e6: {  	_ =	swait.ge @!p1 [sflag:s5], $0x2000  }
0x1e7: {  	[sflag:s5] =	ssyncset.done @!p1 $0x0  }
0x1e8: {  	s12 =	simm.s32 @!p1 $0x6800;
	[sflag:s5] =	ssyncadd.s32 @!p1 $0xFFFFE000;
	s5 =	sadd.s32 @!p1 $0x1700, s0  }
0x1e9: {  	[spmem:s2] =	stream.indirect.scatter.add.f32 @!p1 [tilespmem:s12], [sflag:$0x8], $0x80, s5, s9, $0xb8;
	[tilespmem:$0x1E800] =	vst v63  }
0x1ea: {  	s5 =	simm.s32 @!p1 $0x7  }
0x1eb: {  	_ =	swait.ge @!p1 [sflag:s5], $0x2000  }
0x1ec: {  	[sflag:s5] =	ssyncset.done @!p1 $0x0  }
0x1ed: {  	s0 =	sadd.s32 @!p1 $0x480, s0;
	[sflag:s5] =	ssyncadd.s32 @!p1 $0xFFFFE000;
	s5 =	simm.s32 @!p1 $0x4800  }
0x1ee: {  	[tilespmem:s5], [sflag:$0x3] =	stream.indirect.gather @!p1 [hbm4b:s4+s9], $0x80, s0, s9, $0xb8;
	[tilespmem:$0x1E800] =	vst v63  }
.Ltmp9:
0x1ef: {  	_ = 	snop;
	(pc) =	sbr.rel @p1 .LBB2_15-.Ltmp9, $4  }
0x1f0: {  	_ =	swait.ge [sflag:s19], $0x2000  }
0x1f1: {  	[sflag:s19] =	ssyncset.done $0x0  }
0x1f2: {  	s12 =	sadd.s32 $0x1780, s26;
	[sflag:s19] =	ssyncadd.s32 $0xFFFFE000  }
0x1f3: {  	[spmem:s2] =	stream.indirect.scatter.add.f32 [tilespmem:s10], [sflag:$0x9], $0x80, s12, s1, $0xb8;
	[tilespmem:$0x1E800] =	vst v63  }
.Ltmp10:
0x1f4: {  	(pc) =	sbr.rel .LBB2_13-.Ltmp10, $4  }
0x1f5: {  	_ =	swait.ge [sflag:s21], $0x2000  }
0x1f6: {  	[sflag:s21] =	ssyncset.done $0x0  }
0x1f7: {  	s0 =	sadd.s32 $0x500, s26;
	s25 =	sadd.s32 $0x800, s25;
	[sflag:s21] =	ssyncadd.s32 $0xFFFFE000  }
0x1f8: {  	[tilespmem:s6], [sflag:$0x4] =	stream.indirect.gather [hbm4b:s4+s1], $0x80, s0, s1, $0xb8;
	[tilespmem:$0x1E800] =	vst v63  }
.LBB2_16:
0x1f9: {  	_ =	sfence.sel $0x180000  }
0x1fa: {  	[bflag:$0x0] =	sbarrier.arrive $0xFFFF  }
0x1fb: {  	_ =	strace $0x9000004A  }
0x1fc: {  	s0 =	stileid.u32;
	[bflag:$0x2] =	sbarrier.arrive $0xFFFF  }
0x1fd: {  	p0 =	sne.s32 s0, $0x0;
	s0 =	rddreg [dreg:$0x2]  }
0x1fe: {  	s0 =	sadd.s32 @!p0 $0x100000, s0  }
0x1ff: {  	[sflag:s0] =	ssyncadd.tile.s32 @!p0 $0x1;
	_ =	shalt  }
.Lfunc_end2:
_tile_overlayer_lowered:
.L_overlay_start_2:
0x200: {  	(tag) =	ssettag $0x2  }
0x201: {  	s0 =	rddreg [dreg:$0x0];
	s2 =	stileid.u32  }
0x202: {  	s1 =	rddreg [dreg:$0x1];
	p0 =	sne.s32 s2, $0x0  }
0x203: {  	s3 =	rddreg [dreg:$0x2];
	[bflag:$0x3] =	sbarrier.arrive $0xFFFF;
	s2 =	simm.s32 @!p0 $0x1C0A  }
0x204: {  	[timem:s3], [sflag:s2] =	dma.local @!p0 [hbm:s0], s1  }
0x205: {  	s0 =	simm.s32 @!p0 $0xA  }
0x206: {  	_ =	swait.ge @!p0 [sflag:s0], s1  }
0x207: {  	s1 =	ssub.s32 @!p0 $0x0, s1;
	[sflag:s0] =	ssyncset.done @!p0 $0x0  }
0x208: {  	[sflag:s0] =	ssyncadd.s32 @!p0 s1  }
0x209: {  	[bflag:$0x3] =	sbarrier.arrive $0xFFFF  }
0x20a: {  	_ =	shalt  }

// kernel: kernel.7.cloned.1.call-start
scs
__scs_entry_jumppad:
0x0: {  	(pc) =	sbr.rel $0x88, $3  }
0x1: {  	(tag) =	ssettag $0x0;
	lr =	simm.s32 $0x1  }
0x2: {  	[smem:$0x3F8D] =	sst lr;
	_ =	strace $0xD0000000  }
0x3: {  	_ = 	snop  }
0x4: {  	_ = 	snop  }
0x5: {  	_ = 	snop  }
0x6: {  	_ = 	snop  }
0x7: {  	_ = 	snop  }
__scs_overlays_trampoline_lowered:
0x8: {  	[smem:$0x3F9C] =	sst s0  }
0x9: {  	[smem:$0x3F9D] =	sst s1  }
0xa: {  	[smem:$0x3F9E] =	sst s2  }
0xb: {  	[smem:$0x3F9F] =	sst s3  }
0xc: {  	[smem:$0x3FA0] =	sst s4  }
0xd: {  	[smem:$0x3FA1] =	sst s5  }
0xe: {  	[smem:$0x3FA2] =	sst s6  }
0xf: {  	[smem:$0x3FA3] =	sst s7  }
0x10: {  	[smem:$0x3FA4] =	sst s8  }
0x11: {  	[smem:$0x3FA5] =	sst s9;
	s0 =	simm.s32 @!p0 $0x0  }
0x12: {  	s1 =	sld [smem:$0x3F8B];
	s0 =	simm.s32 @p0 $0x1  }
0x13: {  	[smem:$0x3FA6] =	sst s0;
	s0 =	simm.s32 @!p1 $0x0  }
0x14: {  	s2 =	sld [smem:$0x3F8A];
	s0 =	simm.s32 @p1 $0x1  }
0x15: {  	[smem:$0x3FA7] =	sst s0;
	s0 =	simm.s32 @!p2 $0x0  }
0x16: {  	s3 =	sld [smem:$0x3FDB];
	s0 =	simm.s32 @p2 $0x1  }
0x17: {  	s4 =	simm.s32 $0x1BF5;
	[smem:$0x3FA9] =	sst s0  }
0x18: {  	s0 =	sld [smem:$0x3F8C];
	_ =	swait.ge [sflag:s4], $0x0  }
0x19: {  	s7 =	sld [smem:$0x3F8D]  }
0x1a: {  	s8 =	sadd.s32 $0xFFFFE003, lr  }
0x1b: {  	s9 =	sadd.s32 $0xFFFFFEF7, lr;
	s5 =	simm.s32 $0xFFFFFFFF;
	p2 =	slt.u32 s8, $0xFFFFF086  }
0x1c: {  	p1 =	slt.u32 s9, $0xF7A;
	s5 =	simm.s32 @!p2 $0x0  }
0x1d: {  	s5 =	simm.s32 @p1 $0x1;
	p0 =	seq.s32 s7, s2  }
0x1e: {  	s7 =	smul.u32 @!p0 $0xF7A, s2;
	p2 =	seq.s32 @!p0 s5, $0x0  }
0x1f: {  	s9 =	smul.u32 $0xF7A, s1;
	s8 =	simm.s32 @!p0 $0x1BF5;
	p2 =	por !p2, p0  }
0x20: {  	[sflag:s8] =	ssyncset.s32 @!p0 $0xFFFFF086;
	s6 =	sadd.s32 @!p0 s3, s7;
	s7 =	simm.s32 @!p0 $0x108  }
0x21: {  	s3 =	sadd.s32 s3, s9;
	s6 =	sadd.s32 @!p0 $0x88, s6;
	s7 =	simm.s32 @p2 $0x1082  }
0x22: {  	[simem:s7], [sflag:s8] =	dma.local @!p0 [hbm:s6], $0xF7A  }
0x23: {  	s9 =	sor.u32 $0xD0000000, s2;
	s6 =	simm.s32 $0x108;
	_ =	swait.ge @!p0 [sflag:s8], $0x0  }
0x24: {  	s3 =	sadd.s32 $0x88, s3;
	s6 =	simm.s32 @!p1 $0x1082;
	[sflag:s4] =	ssyncset.s32 $0xFFFFF086  }
0x25: {  	[simem:s6], [sflag:s4] =	dma.local [hbm:s3], $0xF7A  }
0x26: {  	[smem:$0x3F8D] =	sst s1;
	(tag) =	ssettag s2;
	_ =	strace s9  }
0x27: {  	s1 =	sld [smem:$0x3F9D]  }
0x28: {  	s2 =	sld [smem:$0x3F9E]  }
0x29: {  	s4 =	sld [smem:$0x3FA0]  }
0x2a: {  	p0 =	seq.s32 s5, $0x0;
	s5 =	sld [smem:$0x3FA1]  }
0x2b: {  	s6 =	sld [smem:$0x3FA2]  }
0x2c: {  	s7 =	sld [smem:$0x3FA3]  }
0x2d: {  	s3 =	simm.s32 $0x108;
	s8 =	sld [smem:$0x3FA4]  }
0x2e: {  	s3 =	simm.s32 @!p0 $0x1082;
	s9 =	sld [smem:$0x3FA5]  }
0x2f: {  	lr =	sadd.s32 s0, s3;
	s0 =	sld [smem:$0x3F9C]  }
0x30: {  	s3 =	sld [smem:$0x3F9F]  }
0x31: {  	[smem:$0x3FA8] =	sst s10  }
0x32: {  	s10 =	sld [smem:$0x3FA6];
	_ =	sdelay $0x3  }
0x33: {  	p0 =	seq.s32 s10, $0x1;
	s10 =	sld [smem:$0x3FA8];
	_ =	sdelay $0x3  }
0x34: {  	[smem:$0x3FA8] =	sst s10  }
0x35: {  	s10 =	sld [smem:$0x3FA7];
	_ =	sdelay $0x3  }
0x36: {  	p1 =	seq.s32 s10, $0x1;
	s10 =	sld [smem:$0x3FA8];
	_ =	sdelay $0x3  }
0x37: {  	[smem:$0x3FA8] =	sst s10  }
0x38: {  	s10 =	sld [smem:$0x3FA9]  }
0x39: {  	_ = 	snop;
	(pc) =	sbr.ind lr, $3  }
0x3a: {  	_ = 	snop  }
0x3b: {  	_ = 	snop  }
0x3c: {  	p2 =	seq.s32 s10, $0x1;
	s10 =	sld [smem:$0x3FA8]  }
0x3d: {  	_ =	shalt  }
0x3e: {  	_ =	shalt  }
0x3f: {  	_ =	shalt  }
0x40: {  	_ =	shalt  }
0x41: {  	_ =	shalt  }
0x42: {  	_ =	shalt  }
0x43: {  	_ =	shalt  }
0x44: {  	_ =	shalt  }
0x45: {  	_ =	shalt  }
0x46: {  	_ =	shalt  }
0x47: {  	_ =	shalt  }
0x48: {  	_ =	shalt  }
0x49: {  	_ =	shalt  }
0x4a: {  	_ =	shalt  }
0x4b: {  	_ =	shalt  }
0x4c: {  	_ =	shalt  }
0x4d: {  	_ =	shalt  }
0x4e: {  	_ =	shalt  }
0x4f: {  	_ =	shalt  }
0x50: {  	_ =	shalt  }
0x51: {  	_ =	shalt  }
0x52: {  	_ =	shalt  }
0x53: {  	_ =	shalt  }
0x54: {  	_ =	shalt  }
0x55: {  	_ =	shalt  }
0x56: {  	_ =	shalt  }
0x57: {  	_ =	shalt  }
0x58: {  	_ =	shalt  }
0x59: {  	_ =	shalt  }
0x5a: {  	_ =	shalt  }
0x5b: {  	_ =	shalt  }
0x5c: {  	_ =	shalt  }
0x5d: {  	_ =	shalt  }
0x5e: {  	_ =	shalt  }
0x5f: {  	_ =	shalt  }
0x60: {  	_ =	shalt  }
0x61: {  	_ =	shalt  }
0x62: {  	_ =	shalt  }
0x63: {  	_ =	shalt  }
0x64: {  	_ =	shalt  }
0x65: {  	_ =	shalt  }
0x66: {  	_ =	shalt  }
0x67: {  	_ =	shalt  }
0x68: {  	_ =	shalt  }
0x69: {  	_ =	shalt  }
0x6a: {  	_ =	shalt  }
0x6b: {  	_ =	shalt  }
0x6c: {  	_ =	shalt  }
0x6d: {  	_ =	shalt  }
0x6e: {  	_ =	shalt  }
0x6f: {  	_ =	shalt  }
0x70: {  	_ =	shalt  }
0x71: {  	_ =	shalt  }
0x72: {  	_ =	shalt  }
0x73: {  	_ =	shalt  }
0x74: {  	_ =	shalt  }
0x75: {  	_ =	shalt  }
0x76: {  	_ =	shalt  }
0x77: {  	_ =	shalt  }
0x78: {  	_ =	shalt  }
0x79: {  	_ =	shalt  }
0x7a: {  	_ =	shalt  }
0x7b: {  	_ =	shalt  }
0x7c: {  	_ =	shalt  }
0x7d: {  	_ =	shalt  }
0x7e: {  	_ =	shalt  }
0x7f: {  	_ =	shalt  }
0x80: {  	_ =	shalt  }
0x81: {  	_ =	shalt  }
0x82: {  	_ =	shalt  }
0x83: {  	_ =	shalt  }
0x84: {  	_ =	shalt  }
0x85: {  	_ =	shalt  }
0x86: {  	_ =	shalt  }
0x87: {  	_ =	shalt  }
.Lfunc_end0:
.L_simem_size_0:
called_computation_lowered:
.L_overlay_start_0:
0x88: {  	s2 =	sld [smem:$0x3FD9]  }
0x89: {  	s3 =	sld [smem:$0x3FFE];
	_ =	sdelay $0x1  }
0x8a: {  	s1 =	srdreg.scid  }
0x8b: {  	s0 =	sand.u32 $0x1, s1  }
0x8c: {  	s17 =	sshll.u32 s0, $0xA;
	s2 =	sadd.s32 s3, s2  }
0x8d: {  	s2 =	sadd.s32 s2, s17  }
0x8e: {  	[smem:$0x3FB4] =	sst s2  }
0x8f: {  	_ = 	snop  }
0x90: {  	s2 =	sld [smem:$0x3FC9]  }
0x91: {  	s18 =	sld [smem:$0x3FD0];
	(tm) =	ssettm $0x1  }
0x92: {  	s4 =	sld [smem:$0x3FFB];
	_ =	sdelay $0x3  }
0x93: {  	_ =	strace s4  }
0x94: {  	s4 =	sld [smem:$0x3FFC];
	_ =	sdelay $0x3  }
0x95: {  	_ =	strace s4  }
0x96: {  	s4 =	sld [smem:$0x3FFD];
	_ =	sdelay $0x3  }
0x97: {  	_ =	strace s4  }
0x98: {  	_ =	strace $0x8FFFFFFF  }
0x99: {  	s19 =	sld [smem:$0x3FDB];
	_ =	sdelay $0x1  }
0x9a: {  	s5 =	simm.s32 $_scs_section_size  }
0x9b: {  	s6 =	simm.s32 $_size__tile_overlayer_lowered;
	s7 =	simm.s32 $_tile_overlayer_lowered  }
0x9c: {  	s22 =	simm.s32 $0x1BFF;
	s21 =	sshll.u32 s7, $0x1;
	s4 =	sadd.s32 s5, s19  }
0x9d: {  	s8 =	simm.s32 $0x0;
	s20 =	sshll.u32 s6, $0x1;
	s6 =	sadd.s32 s21, s4  }
0x9e: {  	[timem:s8], [sflag:s22] =	dma.local [hbm:s6], s20  }
0x9f: {  	_ =	swait.ge [sflag:s22], s20  }
0xa0: {  	s5 =	ssub.s32 $0x0, s20;
	[sflag:s22] =	ssyncset.done $0x0  }
0xa1: {  	[sflag:s22] =	ssyncadd.s32 s5;
	_ =	sdelay $0x1  }
0xa2: {  	s23 =	simm.s32 $0x1B8B  }
0xa3: {  	_ =	swait.ge [sflag:s23], $0x1  }
0xa4: {  	[sflag:s23] =	ssyncset.done $0x0  }
0xa5: {  	s25 =	simm.s32 $0x1B8E;
	s24 =	sld [smem:$0x3FFE];
	[sflag:s23] =	ssyncadd.s32 $0xFFFFFFFF  }
0xa6: {  	s26 =	simm.s32 $execute0_lowered;
	[smem:$0x3FD2] =	sst s25  }
0xa7: {  	s6 =	sshll.u32 s26, $0x1;
	_ =	strace $0x80000046;
	[dreg:$0x1] =	wrdreg $0xFFFFFFFF  }
0xa8: {  	s28 =	simm.s32 $_size_execute0_lowered;
	s4 =	sadd.s32 s4, s6;
	[dreg:$0x0] =	wrdreg $0x0  }
0xa9: {  	s6 =	sshll.u32 s28, $0x1;
	[dreg:$0x2] =	wrdreg s4  }
0xaa: {  	[dreg:$0x3] =	wrdreg s6  }
0xab: {  	[dreg:$0x4] =	wrdreg $0xC0  }
0xac: {  	_ =	task [dreg:s8], $0x5FFFF  }
0xad: {  	[dreg:$0x1] =	wrdreg $0xFFFFFFFF  }
0xae: {  	[dreg:$0x0] =	wrdreg $0x60  }
0xaf: {  	[dreg:$0x2] =	wrdreg s2  }
0xb0: {  	[dreg:$0x3] =	wrdreg s24  }
0xb1: {  	[dreg:$0x4] =	wrdreg s18  }
0xb2: {  	[dreg:$0x5] =	wrdreg $0xA8000  }
0xb3: {  	[dreg:$0x6] =	wrdreg $0x9  }
0xb4: {  	_ =	task.clear_ibuf [dreg:s8], $0x7FFFF;
	_ =	strace $0x90000046  }
0xb5: {  	s29 =	simm.s32 $0x9;
	_ =	strace $0x80000048  }
0xb6: {  	_ =	swait.ge [sflag:s29], $0x1  }
0xb7: {  	[sflag:s29] =	ssyncadd.s32 $0xFFFFFFFF  }
0xb8: {  	_ =	strace $0x90000048  }
0xb9: {  	_ =	sfence  }
0xba: {  	s30 =	sld [smem:$0x0];
	_ =	sdelay $0x2  }
0xbb: {  	s31 =	sshll.u32 s1, $0xD;
	s1 =	sshrl.u32 s1, $0x2  }
0xbc: {  	s3 =	sand.u32 $0x4000, s31;
	s1 =	sadd.s32 s1, s30  }
0xbd: {  	s0 =	sor.u32 s3, s0;
	s1 =	sshll.u32 s1, $0x11  }
0xbe: {  	s0 =	sor.u32 s1, s0  }
0xbf: {  	s0 =	sadd.s32 $0x8F2B, s0  }
0xc0: {  	[sflag:s0] =	ssyncadd.remote.s32 $0x1  }
0xc1: {  	_ =	sfence.sel $0xFFFF  }
0xc2: {  	[dreg:$0x0] =	wrdreg $0xFFFFFFFF;
	(pc) =	sbr.abs _section_cstart, $3  }
0xc3: {  	[dreg:$0x1] =	wrdreg $0xFFFFFFFF  }
0xc4: {  	_ =	task.clear_ibuf [dreg:s8], $0x2FFFF;
	_ =	strace $0x9FFFFFFF  }
0xc5: {  	(tm) =	ssettm $0x7FFFFFFF  }
tec
execute0_lowered:
.L_overlay_start_1:
0x0: {  	(tag) =	ssettag $0x1  }
0x1: {  	s1 =	rddreg [dreg:$0x0]  }
0x2: {  	s0 =	rddreg [dreg:$0x1]  }
0x3: {  	s2 =	srdreg.scid;
	s4 =	rddreg [dreg:$0x2]  }
0x4: {  	s9 =	stileid.u32;
	s3 =	rddreg [dreg:$0x3];
	s6 =	simm.s32 $0x0  }
0x5: {  	s28 =	simm.s32 $0x1400;
	s29 =	simm.s32 $0x2800;
	s30 =	simm.s32 $0xA  }
0x6: {  	s31 =	simm.s32 $0x1;
	s2 =	sand.u32 $0x1, s2;
	s8 =	smul.u32 $0x50000, s9  }
0x7: {  	s5 =	sshll.u32 s9, $0x1;
	[smem:$0x7FF] =	sst s6;
	s26 =	smul.u32 $0x14000, s9  }
0x8: {  	p0 =	seq.s32 s9, $0xF;
	s5 =	sor.u32 s2, s5;
	s21 =	ssub.s32 $0x2, s2  }
0x9: {  	_ =	strace $0x80000047;
	s2 =	smul.u32 $0x138800, s2;
	s7 =	sshrl.u32 s21, $0x1  }
0xa: {  	s5 =	smul.u32 $0x5000, s5;
	s24 =	sshrl.u32 s8, $0x2;
	s22 =	ssub.s32 s21, s7  }
0xb: {  	s8 =	simm.s32 $0x2;
	s7 =	sadd.s32 s24, s3;
	s17 =	smax.u32 s22, $0x1  }
0xc: {  	s6 =	sadd.s32 s26, s2;
	s18 =	sadd.s32 $0x2000, s7;
	[dreg:$0xf] =	wrdreg s17  }
0xd: {  	s2 =	sshrl.u32 s2, $0x3;
	s19 =	sadd.s32 $0x4000, s7;
	[dreg:$0x10] =	wrdreg s18  }
0xe: {  	s5 =	sshrl.u32 s5, $0x3;
	s20 =	sadd.s32 $0x6000, s7;
	[dreg:$0x11] =	wrdreg s19  }
0xf: {  	s6 =	sshrl.u32 s6, $0x3;
	s21 =	sadd.s32 $0x8000, s7;
	[dreg:$0x12] =	wrdreg s20  }
0x10: {  	s2 =	sadd.s32 s4, s2;
	s22 =	sadd.s32 $0xA000, s7;
	[dreg:$0x13] =	wrdreg s21  }
0x11: {  	s24 =	sadd.s32 $0xE000, s7;
	s26 =	sadd.s32 $0x12000, s7;
	[dreg:$0x14] =	wrdreg s22  }
0x12: {  	s0 =	sadd.s32 s5, s0;
	s15 =	sadd.s32 s4, s6;
	[dreg:$0x16] =	wrdreg s24  }
0x13: {  	s16 =	sadd.s32 $0x25800, s2;
	[dreg:$0x19] =	wrdreg s26;
	s2 =	simm.s32 $0x40  }
0x14: {  	s4 =	simm.s32 $0x4800;
	s6 =	simm.s32 $0x6800;
	[dreg:$0xd] =	wrdreg s15  }
0x15: {  	s17 =	simm.s32 $0x7;
	s23 =	sadd.s32 $0x3800, s0;
	[dreg:$0xe] =	wrdreg s16  }
0x16: {  	s18 =	simm.s32 $0x280;
	s25 =	sadd.s32 $0x17800, s0;
	[dreg:$0x5] =	wrdreg s23  }
0x17: {  	s19 =	simm.s32 $0x5;
	s10 =	sadd.s32 $0x3A80, s0;
	[dreg:$0x6] =	wrdreg s25  }
0x18: {  	s20 =	simm.s32 $0x1580;
	s11 =	sadd.s32 $0x17A80, s0;
	[dreg:$0x7] =	wrdreg s10  }
0x19: {  	s21 =	simm.s32 $0x8;
	s12 =	sadd.s32 $0x3D00, s0;
	[dreg:$0x8] =	wrdreg s11  }
0x1a: {  	s22 =	simm.s32 $0x300;
	s13 =	sadd.s32 $0x17D00, s0;
	[dreg:$0x9] =	wrdreg s12  }
0x1b: {  	s24 =	simm.s32 $0x0;
	s14 =	sadd.s32 $0x3F80, s0;
	[dreg:$0xa] =	wrdreg s13  }
0x1c: {  	s0 =	sadd.s32 $0x17F80, s0;
	s15 =	simm.s32 $0x4;
	[dreg:$0xb] =	wrdreg s14  }
.Ltmp0:
0x1d: {  	s16 =	simm.s32 $0x1500;
	[dreg:$0xc] =	wrdreg s0;
	(pc) =	sbr.rel .LBB2_1-.Ltmp0, $4  }
0x1e: {  	s0 =	sadd.s32 $0x12C000, s3;
	s23 =	sadd.s32 $0xC000, s7;
	s25 =	sadd.s32 $0x10000, s7  }
0x1f: {  	s10 =	simm.s32 $0x8800;
	s11 =	simm.s32 $0x3;
	[dreg:$0x15] =	wrdreg s23  }
0x20: {  	s13 =	simm.s32 $0x6;
	[dreg:$0x17] =	wrdreg s25;
	s0 =	sshrl.u32 @p0 s0, $0x3  }
0x21: {  	v0 =	vimm.f32 $0.0e+00;
	s14 =	simm.s32 $0x200;
	s23 =	simm.s32 $0x9;
	[dreg:$0x18] =	wrdreg s0  }
.LBB2_15:
0x22: {  	_ =	swait.ge [sflag:s13], $0x2000  }
0x23: {  	[sflag:s13] =	ssyncset.done $0x0  }
0x24: {  	[sflag:s13] =	ssyncadd.s32 $0xFFFFE000  }
0x25: {  	_ =	swait.ge [sflag:s17], $0x2000  }
0x26: {  	[sflag:s17] =	ssyncset.done $0x0  }
0x27: {  	[sflag:s17] =	ssyncadd.s32 $0xFFFFE000  }
0x28: {  	_ =	swait.ge [sflag:s21], $0x2000  }
0x29: {  	[sflag:s21] =	ssyncset.done $0x0  }
0x2a: {  	[sflag:s21] =	ssyncadd.s32 $0xFFFFE000  }
0x2b: {  	_ =	swait.ge [sflag:s23], $0x2000  }
0x2c: {  	[sflag:s23] =	ssyncset.done $0x0  }
0x2d: {  	[sflag:s23] =	ssyncadd.s32 $0xFFFFE000  }
0x2e: {  	[bflag:$0x0] =	sbarrier.arrive $0xFFFF  }
0x2f: {  	s5 =	rddreg [dreg:$0xe]  }
0x30: {  	s0 =	simm.s32 @p0 $0x1FCA;
	s9 =	rddreg [dreg:$0x18]  }
0x31: {  	[hbm:s5], [sflag:s0] =	dma.local @p0 [spmem:s9], $0x1900  }
0x32: {  	s0 =	simm.s32 @p0 $0xA  }
0x33: {  	s5 =	stileid.u32;
	_ =	swait.ge @p0 [sflag:s0], $0x1900  }
0x34: {  	s5 =	sshll.u32 @!p0 s5, $0x6;
	[sflag:s0] =	ssyncset.done @p0 $0x0;
	s9 =	rddreg [dreg:$0xd]  }
0x35: {  	[sflag:s0] =	ssyncadd.s32 @p0 $0xFFFFE700;
	s0 =	sor.u32 @!p0 $0x1C0A, s5;
	s5 =	sshrl.u32 @!p0 s7, $0x3  }
0x36: {  	[hbm:s9], [sflag:s0] =	dma.local @!p0 [spmem:s5], $0x2800  }
0x37: {  	s0 =	simm.s32 @!p0 $0xA  }
0x38: {  	_ =	swait.ge @!p0 [sflag:s0], $0x2800  }
0x39: {  	s24 =	sadd.s32 $0x1, s24;
	s26 =	rddreg [dreg:$0xf]  }
0x3a: {  	p1 =	sne.s32 s24, s26  }
.Ltmp1:
0x3b: {  	_ = 	snop;
	(pc) =	sbr.rel @!p1 .LBB2_16-.Ltmp1, $3  }
0x3c: {  	_ =	sdelay $0x1  }
0x3d: {  	[sflag:s0] =	ssyncset.done @!p0 $0x0  }
0x3e: {  	[sflag:s0] =	ssyncadd.s32 @!p0 $0xFFFFD800  }
.LBB2_1:
0x3f: {  	s0 =	simm.s32 $0x0;
	s5 =	rddreg [dreg:$0x5]  }
0x40: {  	[tilespmem:s0], [sflag:$0x1] =	stream.linear.gather [hbm4b:s5+s0], $0x1400, $0x38;
	[tilespmem:$0x1E800] =	vst v63  }
0x41: {  	s26 =	rddreg [dreg:$0x6]  }
0x42: {  	[tilespmem:s28], [sflag:$0x1] =	stream.linear.gather [hbm4b:s26+s0], $0x1400, $0x38;
	[tilespmem:$0x1E800] =	vst v63  }
0x43: {  	s25 =	simm.s32 $0x0;
	s26 =	simm.s32 $0x200  }
.LBB2_2:
0x44: {  	p1 =	sne.s32 s26, $0x7E00;
	[tilespmem:s25+$0x2870] =	vst v0  }
0x45: {  	[tilespmem:s25+$0x2800] =	vst v0  }
0x46: {  	[tilespmem:s25+$0x2810] =	vst v0  }
.Ltmp2:
0x47: {  	[tilespmem:s25+$0x2820] =	vst v0;
	(pc) =	sbr.rel @p1 .LBB2_2-.Ltmp2, $4  }
0x48: {  	[tilespmem:s25+$0x2830] =	vst v0  }
0x49: {  	[tilespmem:s25+$0x2840] =	vst v0  }
0x4a: {  	[tilespmem:s25+$0x2850] =	vst v0  }
0x4b: {  	[tilespmem:s25+$0x2860] =	vst v0;
	s25 =	sshra.s32 s26, $0x2;
	s26 =	sadd.s32 $0x200, s26  }
0x4c: {  	[tilespmem:s25+$0x2870] =	vst v0  }
0x4d: {  	[tilespmem:s25+$0x2800] =	vst v0  }
0x4e: {  	[tilespmem:s25+$0x2810] =	vst v0  }
0x4f: {  	[tilespmem:s25+$0x2820] =	vst v0  }
0x50: {  	[tilespmem:s25+$0x2830] =	vst v0  }
0x51: {  	[tilespmem:s25+$0x2840] =	vst v0  }
0x52: {  	[tilespmem:s25+$0x2850] =	vst v0  }
0x53: {  	[tilespmem:s25+$0x2860] =	vst v0  }
0x54: {  	[spmem:s7] =	stream.linear.scatter [tilespmem:s29], [sflag:$0xA], $0x2000, $0x38;
	[tilespmem:$0x1E800] =	vst v63  }
0x55: {  	_ =	swait.ge [sflag:s30], $0x2000  }
0x56: {  	[sflag:s30] =	ssyncset.done $0x0  }
0x57: {  	s0 =	rddreg [dreg:$0x10];
	[sflag:s30] =	ssyncadd.s32 $0xFFFFE000  }
0x58: {  	[spmem:s0] =	stream.linear.scatter [tilespmem:s29], [sflag:$0xA], $0x2000, $0x38;
	[tilespmem:$0x1E800] =	vst v63  }
0x59: {  	_ =	swait.ge [sflag:s30], $0x2000  }
0x5a: {  	[sflag:s30] =	ssyncset.done $0x0  }
0x5b: {  	s12 =	rddreg [dreg:$0x11];
	[sflag:s30] =	ssyncadd.s32 $0xFFFFE000  }
0x5c: {  	[spmem:s12] =	stream.linear.scatter [tilespmem:s29], [sflag:$0xA], $0x2000, $0x38;
	[tilespmem:$0x1E800] =	vst v63  }
0x5d: {  	_ =	swait.ge [sflag:s30], $0x2000  }
0x5e: {  	[sflag:s30] =	ssyncset.done $0x0  }
0x5f: {  	s25 =	rddreg [dreg:$0x12];
	[sflag:s30] =	ssyncadd.s32 $0xFFFFE000  }
0x60: {  	[spmem:s25] =	stream.linear.scatter [tilespmem:s29], [sflag:$0xA], $0x2000, $0x38;
	[tilespmem:$0x1E800] =	vst v63  }
0x61: {  	_ =	swait.ge [sflag:s30], $0x2000  }
0x62: {  	[sflag:s30] =	ssyncset.done $0x0  }
0x63: {  	s26 =	rddreg [dreg:$0x13];
	[sflag:s30] =	ssyncadd.s32 $0xFFFFE000  }
0x64: {  	[spmem:s26] =	stream.linear.scatter [tilespmem:s29], [sflag:$0xA], $0x2000, $0x38;
	[tilespmem:$0x1E800] =	vst v63  }
0x65: {  	_ =	swait.ge [sflag:s30], $0x2000  }
0x66: {  	[sflag:s30] =	ssyncset.done $0x0  }
0x67: {  	s5 =	rddreg [dreg:$0x14];
	[sflag:s30] =	ssyncadd.s32 $0xFFFFE000  }
0x68: {  	[spmem:s5] =	stream.linear.scatter [tilespmem:s29], [sflag:$0xA], $0x2000, $0x38;
	[tilespmem:$0x1E800] =	vst v63  }
0x69: {  	_ =	swait.ge [sflag:s30], $0x2000  }
0x6a: {  	[sflag:s30] =	ssyncset.done $0x0  }
0x6b: {  	s9 =	rddreg [dreg:$0x15];
	[sflag:s30] =	ssyncadd.s32 $0xFFFFE000  }
0x6c: {  	[spmem:s9] =	stream.linear.scatter [tilespmem:s29], [sflag:$0xA], $0x2000, $0x38;
	[tilespmem:$0x1E800] =	vst v63  }
0x6d: {  	_ =	swait.ge [sflag:s30], $0x2000  }
0x6e: {  	[sflag:s30] =	ssyncset.done $0x0  }
0x6f: {  	s12 =	rddreg [dreg:$0x16];
	[sflag:s30] =	ssyncadd.s32 $0xFFFFE000  }
0x70: {  	[spmem:s12] =	stream.linear.scatter [tilespmem:s29], [sflag:$0xA], $0x2000, $0x38;
	[tilespmem:$0x1E800] =	vst v63  }
0x71: {  	_ =	swait.ge [sflag:s30], $0x2000  }
0x72: {  	[sflag:s30] =	ssyncset.done $0x0  }
0x73: {  	s25 =	rddreg [dreg:$0x17];
	[sflag:s30] =	ssyncadd.s32 $0xFFFFE000  }
0x74: {  	[spmem:s25] =	stream.linear.scatter [tilespmem:s29], [sflag:$0xA], $0x2000, $0x38;
	[tilespmem:$0x1E800] =	vst v63  }
0x75: {  	_ =	swait.ge [sflag:s30], $0x2000  }
0x76: {  	[sflag:s30] =	ssyncset.done $0x0  }
0x77: {  	s26 =	rddreg [dreg:$0x19];
	[sflag:s30] =	ssyncadd.s32 $0xFFFFE000  }
0x78: {  	[spmem:s26] =	stream.linear.scatter [tilespmem:s29], [sflag:$0xA], $0x2000, $0x38;
	[tilespmem:$0x1E800] =	vst v63  }
0x79: {  	_ =	swait.ge [sflag:s30], $0x2000  }
0x7a: {  	[sflag:s30] =	ssyncset.done $0x0  }
0x7b: {  	[sflag:s30] =	ssyncadd.s32 $0xFFFFE000  }
0x7c: {  	_ =	swait.ge [sflag:s31], $0x1400  }
0x7d: {  	[sflag:s31] =	ssyncset.done $0x0  }
0x7e: {  	[sflag:s31] =	ssyncadd.s32 $0xFFFFEC00  }
0x7f: {  	_ =	swait.ge [sflag:s31], $0x1400  }
0x80: {  	[sflag:s31] =	ssyncset.done $0x0  }
0x81: {  	[sflag:s31] =	ssyncadd.s32 $0xFFFFEC00  }
0x82: {  	s25 =	simm.s32 $0x0;
	[bflag:$0x0] =	sbarrier.arrive $0xFFFF  }
0x83: {  	[tilespmem:s29], [sflag:$0x2] =	stream.indirect.gather [hbm4b:s1+s2], $0x80, s25, s2, $0xb8;
	[tilespmem:$0x1E800] =	vst v63  }
0x84: {  	s5 =	simm.s32 $0x80  }
0x85: {  	[tilespmem:s4], [sflag:$0x3] =	stream.indirect.gather [hbm4b:s1+s2], $0x80, s5, s2, $0xb8;
	[tilespmem:$0x1E800] =	vst v63  }
0x86: {  	s9 =	simm.s32 $0x100  }
0x87: {  	[tilespmem:s6], [sflag:$0x4] =	stream.indirect.gather [hbm4b:s1+s2], $0x80, s9, s2, $0xb8;
	[tilespmem:$0x1E800] =	vst v63  }
0x88: {  	_ =	swait.ge [sflag:s8], $0x2000  }
0x89: {  	[sflag:s8] =	ssyncset.done $0x0  }
0x8a: {  	[sflag:s8] =	ssyncadd.s32 $0xFFFFE000  }
0x8b: {  	[spmem:s3] =	stream.indirect.scatter.add.f32 [tilespmem:s29], [sflag:$0x6], $0x80, s28, s2, $0xb8;
	[tilespmem:$0x1E800] =	vst v63  }
0x8c: {  	s12 =	simm.s32 $0x180  }
0x8d: {  	[tilespmem:s10], [sflag:$0x5] =	stream.indirect.gather [hbm4b:s1+s2], $0x80, s12, s2, $0xb8;
	[tilespmem:$0x1E800] =	vst v63  }
0x8e: {  	_ =	swait.ge [sflag:s11], $0x2000  }
0x8f: {  	[sflag:s11] =	ssyncset.done $0x0  }
0x90: {  	s26 =	simm.s32 $0x1480;
	[sflag:s11] =	ssyncadd.s32 $0xFFFFE000  }
0x91: {  	[spmem:s3] =	stream.indirect.scatter.add.f32 [tilespmem:s4], [sflag:$0x7], $0x80, s26, s2, $0xb8;
	[tilespmem:$0x1E800] =	vst v63  }
0x92: {  	_ =	swait.ge [sflag:s13], $0x2000  }
0x93: {  	[sflag:s13] =	ssyncset.done $0x0  }
0x94: {  	[sflag:s13] =	ssyncadd.s32 $0xFFFFE000  }
0x95: {  	[tilespmem:s29], [sflag:$0x2] =	stream.indirect.gather [hbm4b:s1+s2], $0x80, s14, s2, $0xb8;
	[tilespmem:$0x1E800] =	vst v63  }
0x96: {  	_ =	swait.ge [sflag:s15], $0x2000  }
0x97: {  	[sflag:s15] =	ssyncset.done $0x0  }
0x98: {  	[sflag:s15] =	ssyncadd.s32 $0xFFFFE000  }
0x99: {  	[spmem:s3] =	stream.indirect.scatter.add.f32 [tilespmem:s6], [sflag:$0x8], $0x80, s16, s2, $0xb8;
	[tilespmem:$0x1E800] =	vst v63  }
0x9a: {  	_ =	swait.ge [sflag:s17], $0x2000  }
0x9b: {  	[sflag:s17] =	ssyncset.done $0x0  }
0x9c: {  	[sflag:s17] =	ssyncadd.s32 $0xFFFFE000  }
0x9d: {  	[tilespmem:s4], [sflag:$0x3] =	stream.indirect.gather [hbm4b:s1+s2], $0x80, s18, s2, $0xb8;
	[tilespmem:$0x1E800] =	vst v63  }
0x9e: {  	_ =	swait.ge [sflag:s19], $0x2000  }
0x9f: {  	[sflag:s19] =	ssyncset.done $0x0  }
0xa0: {  	[sflag:s19] =	ssyncadd.s32 $0xFFFFE000  }
0xa1: {  	[spmem:s3] =	stream.indirect.scatter.add.f32 [tilespmem:s10], [sflag:$0x9], $0x80, s20, s2, $0xb8;
	[tilespmem:$0x1E800] =	vst v63  }
0xa2: {  	_ =	swait.ge [sflag:s21], $0x2000  }
0xa3: {  	[sflag:s21] =	ssyncset.done $0x0  }
0xa4: {  	[sflag:s21] =	ssyncadd.s32 $0xFFFFE000  }
0xa5: {  	[tilespmem:s6], [sflag:$0x4] =	stream.indirect.gather [hbm4b:s1+s2], $0x80, s22, s2, $0xb8;
	[tilespmem:$0x1E800] =	vst v63  }
.LBB2_4:
0xa6: {  	_ =	swait.ge [sflag:s8], $0x2000  }
0xa7: {  	s26 =	sshra.s32 s25, $0x2;
	[sflag:s8] =	ssyncset.done $0x0  }
0xa8: {  	s0 =	sadd.s32 $0x1600, s26;
	[sflag:s8] =	ssyncadd.s32 $0xFFFFE000  }
0xa9: {  	[spmem:s3] =	stream.indirect.scatter.add.f32 [tilespmem:s29], [sflag:$0x6], $0x80, s0, s2, $0xb8;
	[tilespmem:$0x1E800] =	vst v63  }
0xaa: {  	_ =	swait.ge [sflag:s23], $0x2000  }
0xab: {  	[sflag:s23] =	ssyncset.done $0x0  }
0xac: {  	s5 =	sadd.s32 $0x380, s26;
	[sflag:s23] =	ssyncadd.s32 $0xFFFFE000  }
0xad: {  	[tilespmem:s10], [sflag:$0x5] =	stream.indirect.gather [hbm4b:s1+s2], $0x80, s5, s2, $0xb8;
	[tilespmem:$0x1E800] =	vst v63  }
0xae: {  	_ =	swait.ge [sflag:s11], $0x2000  }
0xaf: {  	p1 =	seq.s32 s25, $0x4000;
	[sflag:s11] =	ssyncset.done $0x0  }
0xb0: {  	s9 =	sadd.s32 $0x1680, s26;
	s0 =	simm.s32 @p1 $0x4;
	[sflag:s11] =	ssyncadd.s32 $0xFFFFE000  }
0xb1: {  	[spmem:s3] =	stream.indirect.scatter.add.f32 [tilespmem:s4], [sflag:$0x7], $0x80, s9, s2, $0xb8;
	[tilespmem:$0x1E800] =	vst v63  }
0xb2: {  	_ =	swait.ge @p1 [sflag:s0], $0x2000  }
0xb3: {  	[sflag:s0] =	ssyncset.done @p1 $0x0  }
0xb4: {  	[sflag:s0] =	ssyncadd.s32 @p1 $0xFFFFE000;
	s0 =	sshra.s32 @p1 s25, $0x2  }
0xb5: {  	s5 =	simm.s32 @p1 $0x40;
	s9 =	simm.s32 @p1 $0x6800;
	s0 =	sadd.s32 @p1 $0x1700, s0  }
0xb6: {  	[spmem:s3] =	stream.indirect.scatter.add.f32 @p1 [tilespmem:s9], [sflag:$0x8], $0x80, s0, s5, $0xb8;
	[tilespmem:$0x1E800] =	vst v63  }
0xb7: {  	s0 =	simm.s32 @!p1 $0x6  }
0xb8: {  	_ =	swait.ge @!p1 [sflag:s0], $0x2000  }
0xb9: {  	[sflag:s0] =	ssyncset.done @!p1 $0x0  }
0xba: {  	[sflag:s0] =	ssyncadd.s32 @!p1 $0xFFFFE000;
	s0 =	sshra.s32 @!p1 s25, $0x2  }
0xbb: {  	s12 =	simm.s32 @!p1 $0x2800;
	s9 =	simm.s32 @!p1 $0x40;
	s5 =	sadd.s32 @!p1 $0x400, s0  }
0xbc: {  	[tilespmem:s12], [sflag:$0x2] =	stream.indirect.gather @!p1 [hbm4b:s1+s9], $0x80, s5, s9, $0xb8;
	[tilespmem:$0x1E800] =	vst v63  }
0xbd: {  	s5 =	simm.s32 @!p1 $0x4  }
0xbe: {  	_ =	swait.ge @!p1 [sflag:s5], $0x2000  }
0xbf: {  	[sflag:s5] =	ssyncset.done @!p1 $0x0  }
0xc0: {  	s12 =	simm.s32 @!p1 $0x6800;
	[sflag:s5] =	ssyncadd.s32 @!p1 $0xFFFFE000;
	s5 =	sadd.s32 @!p1 $0x1700, s0  }
0xc1: {  	[spmem:s3] =	stream.indirect.scatter.add.f32 @!p1 [tilespmem:s12], [sflag:$0x8], $0x80, s5, s9, $0xb8;
	[tilespmem:$0x1E800] =	vst v63  }
0xc2: {  	s5 =	simm.s32 @!p1 $0x7  }
0xc3: {  	_ =	swait.ge @!p1 [sflag:s5], $0x2000  }
0xc4: {  	[sflag:s5] =	ssyncset.done @!p1 $0x0  }
0xc5: {  	s0 =	sadd.s32 @!p1 $0x480, s0;
	[sflag:s5] =	ssyncadd.s32 @!p1 $0xFFFFE000;
	s5 =	simm.s32 @!p1 $0x4800  }
0xc6: {  	[tilespmem:s5], [sflag:$0x3] =	stream.indirect.gather @!p1 [hbm4b:s1+s9], $0x80, s0, s9, $0xb8;
	[tilespmem:$0x1E800] =	vst v63  }
.Ltmp3:
0xc7: {  	_ = 	snop;
	(pc) =	sbr.rel @p1 .LBB2_6-.Ltmp3, $4  }
0xc8: {  	_ =	swait.ge [sflag:s19], $0x2000  }
0xc9: {  	[sflag:s19] =	ssyncset.done $0x0  }
0xca: {  	s12 =	sadd.s32 $0x1780, s26;
	[sflag:s19] =	ssyncadd.s32 $0xFFFFE000  }
0xcb: {  	[spmem:s3] =	stream.indirect.scatter.add.f32 [tilespmem:s10], [sflag:$0x9], $0x80, s12, s2, $0xb8;
	[tilespmem:$0x1E800] =	vst v63  }
.Ltmp4:
0xcc: {  	(pc) =	sbr.rel .LBB2_4-.Ltmp4, $4  }
0xcd: {  	_ =	swait.ge [sflag:s21], $0x2000  }
0xce: {  	[sflag:s21] =	ssyncset.done $0x0  }
0xcf: {  	s0 =	sadd.s32 $0x500, s26;
	s25 =	sadd.s32 $0x800, s25;
	[sflag:s21] =	ssyncadd.s32 $0xFFFFE000  }
0xd0: {  	[tilespmem:s6], [sflag:$0x4] =	stream.indirect.gather [hbm4b:s1+s2], $0x80, s0, s2, $0xb8;
	[tilespmem:$0x1E800] =	vst v63  }
.LBB2_6:
0xd1: {  	_ =	swait.ge [sflag:s13], $0x2000  }
0xd2: {  	[sflag:s13] =	ssyncset.done $0x0  }
0xd3: {  	[sflag:s13] =	ssyncadd.s32 $0xFFFFE000  }
0xd4: {  	_ =	swait.ge [sflag:s17], $0x2000  }
0xd5: {  	[sflag:s17] =	ssyncset.done $0x0  }
0xd6: {  	[sflag:s17] =	ssyncadd.s32 $0xFFFFE000  }
0xd7: {  	_ =	swait.ge [sflag:s21], $0x2000  }
0xd8: {  	[sflag:s21] =	ssyncset.done $0x0  }
0xd9: {  	[sflag:s21] =	ssyncadd.s32 $0xFFFFE000  }
0xda: {  	_ =	swait.ge [sflag:s23], $0x2000  }
0xdb: {  	[sflag:s23] =	ssyncset.done $0x0  }
0xdc: {  	s25 =	simm.s32 $0x0;
	s0 =	rddreg [dreg:$0x7];
	[sflag:s23] =	ssyncadd.s32 $0xFFFFE000  }
0xdd: {  	[tilespmem:s25], [sflag:$0x1] =	stream.linear.gather [hbm4b:s0+s25], $0x1400, $0x38;
	[tilespmem:$0x1E800] =	vst v63  }
0xde: {  	s26 =	rddreg [dreg:$0x8]  }
0xdf: {  	[tilespmem:s28], [sflag:$0x1] =	stream.linear.gather [hbm4b:s26+s25], $0x1400, $0x38;
	[tilespmem:$0x1E800] =	vst v63  }
0xe0: {  	_ =	swait.ge [sflag:s31], $0x1400  }
0xe1: {  	[sflag:s31] =	ssyncset.done $0x0  }
0xe2: {  	[sflag:s31] =	ssyncadd.s32 $0xFFFFEC00  }
0xe3: {  	_ =	swait.ge [sflag:s31], $0x1400  }
0xe4: {  	[sflag:s31] =	ssyncset.done $0x0  }
0xe5: {  	[sflag:s31] =	ssyncadd.s32 $0xFFFFEC00  }
0xe6: {  	[tilespmem:s29], [sflag:$0x2] =	stream.indirect.gather [hbm4b:s1+s2], $0x80, s25, s2, $0xb8;
	[tilespmem:$0x1E800] =	vst v63  }
0xe7: {  	s5 =	simm.s32 $0x80  }
0xe8: {  	[tilespmem:s4], [sflag:$0x3] =	stream.indirect.gather [hbm4b:s1+s2], $0x80, s5, s2, $0xb8;
	[tilespmem:$0x1E800] =	vst v63  }
0xe9: {  	s9 =	simm.s32 $0x100  }
0xea: {  	[tilespmem:s6], [sflag:$0x4] =	stream.indirect.gather [hbm4b:s1+s2], $0x80, s9, s2, $0xb8;
	[tilespmem:$0x1E800] =	vst v63  }
0xeb: {  	_ =	swait.ge [sflag:s8], $0x2000  }
0xec: {  	[sflag:s8] =	ssyncset.done $0x0  }
0xed: {  	[sflag:s8] =	ssyncadd.s32 $0xFFFFE000  }
0xee: {  	[spmem:s3] =	stream.indirect.scatter.add.f32 [tilespmem:s29], [sflag:$0x6], $0x80, s28, s2, $0xb8;
	[tilespmem:$0x1E800] =	vst v63  }
0xef: {  	s12 =	simm.s32 $0x180  }
0xf0: {  	[tilespmem:s10], [sflag:$0x5] =	stream.indirect.gather [hbm4b:s1+s2], $0x80, s12, s2, $0xb8;
	[tilespmem:$0x1E800] =	vst v63  }
0xf1: {  	_ =	swait.ge [sflag:s11], $0x2000  }
0xf2: {  	[sflag:s11] =	ssyncset.done $0x0  }
0xf3: {  	s26 =	simm.s32 $0x1480;
	[sflag:s11] =	ssyncadd.s32 $0xFFFFE000  }
0xf4: {  	[spmem:s3] =	stream.indirect.scatter.add.f32 [tilespmem:s4], [sflag:$0x7], $0x80, s26, s2, $0xb8;
	[tilespmem:$0x1E800] =	vst v63  }
0xf5: {  	_ =	swait.ge [sflag:s13], $0x2000  }
0xf6: {  	[sflag:s13] =	ssyncset.done $0x0  }
0xf7: {  	[sflag:s13] =	ssyncadd.s32 $0xFFFFE000  }
0xf8: {  	[tilespmem:s29], [sflag:$0x2] =	stream.indirect.gather [hbm4b:s1+s2], $0x80, s14, s2, $0xb8;
	[tilespmem:$0x1E800] =	vst v63  }
0xf9: {  	_ =	swait.ge [sflag:s15], $0x2000  }
0xfa: {  	[sflag:s15] =	ssyncset.done $0x0  }
0xfb: {  	[sflag:s15] =	ssyncadd.s32 $0xFFFFE000  }
0xfc: {  	[spmem:s3] =	stream.indirect.scatter.add.f32 [tilespmem:s6], [sflag:$0x8], $0x80, s16, s2, $0xb8;
	[tilespmem:$0x1E800] =	vst v63  }
0xfd: {  	_ =	swait.ge [sflag:s17], $0x2000  }
0xfe: {  	[sflag:s17] =	ssyncset.done $0x0  }
0xff: {  	[sflag:s17] =	ssyncadd.s32 $0xFFFFE000  }
0x100: {  	[tilespmem:s4], [sflag:$0x3] =	stream.indirect.gather [hbm4b:s1+s2], $0x80, s18, s2, $0xb8;
	[tilespmem:$0x1E800] =	vst v63  }
0x101: {  	_ =	swait.ge [sflag:s19], $0x2000  }
0x102: {  	[sflag:s19] =	ssyncset.done $0x0  }
0x103: {  	[sflag:s19] =	ssyncadd.s32 $0xFFFFE000  }
0x104: {  	[spmem:s3] =	stream.indirect.scatter.add.f32 [tilespmem:s10], [sflag:$0x9], $0x80, s20, s2, $0xb8;
	[tilespmem:$0x1E800] =	vst v63  }
0x105: {  	_ =	swait.ge [sflag:s21], $0x2000  }
0x106: {  	[sflag:s21] =	ssyncset.done $0x0  }
0x107: {  	[sflag:s21] =	ssyncadd.s32 $0xFFFFE000  }
0x108: {  	[tilespmem:s6], [sflag:$0x4] =	stream.indirect.gather [hbm4b:s1+s2], $0x80, s22, s2, $0xb8;
	[tilespmem:$0x1E800] =	vst v63  }
.LBB2_7:
0x109: {  	_ =	swait.ge [sflag:s8], $0x2000  }
0x10a: {  	s26 =	sshra.s32 s25, $0x2;
	[sflag:s8] =	ssyncset.done $0x0  }
0x10b: {  	s0 =	sadd.s32 $0x1600, s26;
	[sflag:s8] =	ssyncadd.s32 $0xFFFFE000  }
0x10c: {  	[spmem:s3] =	stream.indirect.scatter.add.f32 [tilespmem:s29], [sflag:$0x6], $0x80, s0, s2, $0xb8;
	[tilespmem:$0x1E800] =	vst v63  }
0x10d: {  	_ =	swait.ge [sflag:s23], $0x2000  }
0x10e: {  	[sflag:s23] =	ssyncset.done $0x0  }
0x10f: {  	s5 =	sadd.s32 $0x380, s26;
	[sflag:s23] =	ssyncadd.s32 $0xFFFFE000  }
0x110: {  	[tilespmem:s10], [sflag:$0x5] =	stream.indirect.gather [hbm4b:s1+s2], $0x80, s5, s2, $0xb8;
	[tilespmem:$0x1E800] =	vst v63  }
0x111: {  	_ =	swait.ge [sflag:s11], $0x2000  }
0x112: {  	p1 =	seq.s32 s25, $0x4000;
	[sflag:s11] =	ssyncset.done $0x0  }
0x113: {  	s9 =	sadd.s32 $0x1680, s26;
	s0 =	simm.s32 @p1 $0x4;
	[sflag:s11] =	ssyncadd.s32 $0xFFFFE000  }
0x114: {  	[spmem:s3] =	stream.indirect.scatter.add.f32 [tilespmem:s4], [sflag:$0x7], $0x80, s9, s2, $0xb8;
	[tilespmem:$0x1E800] =	vst v63  }
0x115: {  	_ =	swait.ge @p1 [sflag:s0], $0x2000  }
0x116: {  	[sflag:s0] =	ssyncset.done @p1 $0x0  }
0x117: {  	[sflag:s0] =	ssyncadd.s32 @p1 $0xFFFFE000;
	s0 =	sshra.s32 @p1 s25, $0x2  }
0x118: {  	s5 =	simm.s32 @p1 $0x40;
	s9 =	simm.s32 @p1 $0x6800;
	s0 =	sadd.s32 @p1 $0x1700, s0  }
0x119: {  	[spmem:s3] =	stream.indirect.scatter.add.f32 @p1 [tilespmem:s9], [sflag:$0x8], $0x80, s0, s5, $0xb8;
	[tilespmem:$0x1E800] =	vst v63  }
0x11a: {  	s0 =	simm.s32 @!p1 $0x6  }
0x11b: {  	_ =	swait.ge @!p1 [sflag:s0], $0x2000  }
0x11c: {  	[sflag:s0] =	ssyncset.done @!p1 $0x0  }
0x11d: {  	[sflag:s0] =	ssyncadd.s32 @!p1 $0xFFFFE000;
	s0 =	sshra.s32 @!p1 s25, $0x2  }
0x11e: {  	s12 =	simm.s32 @!p1 $0x2800;
	s9 =	simm.s32 @!p1 $0x40;
	s5 =	sadd.s32 @!p1 $0x400, s0  }
0x11f: {  	[tilespmem:s12], [sflag:$0x2] =	stream.indirect.gather @!p1 [hbm4b:s1+s9], $0x80, s5, s9, $0xb8;
	[tilespmem:$0x1E800] =	vst v63  }
0x120: {  	s5 =	simm.s32 @!p1 $0x4  }
0x121: {  	_ =	swait.ge @!p1 [sflag:s5], $0x2000  }
0x122: {  	[sflag:s5] =	ssyncset.done @!p1 $0x0  }
0x123: {  	s12 =	simm.s32 @!p1 $0x6800;
	[sflag:s5] =	ssyncadd.s32 @!p1 $0xFFFFE000;
	s5 =	sadd.s32 @!p1 $0x1700, s0  }
0x124: {  	[spmem:s3] =	stream.indirect.scatter.add.f32 @!p1 [tilespmem:s12], [sflag:$0x8], $0x80, s5, s9, $0xb8;
	[tilespmem:$0x1E800] =	vst v63  }
0x125: {  	s5 =	simm.s32 @!p1 $0x7  }
0x126: {  	_ =	swait.ge @!p1 [sflag:s5], $0x2000  }
0x127: {  	[sflag:s5] =	ssyncset.done @!p1 $0x0  }
0x128: {  	s0 =	sadd.s32 @!p1 $0x480, s0;
	[sflag:s5] =	ssyncadd.s32 @!p1 $0xFFFFE000;
	s5 =	simm.s32 @!p1 $0x4800  }
0x129: {  	[tilespmem:s5], [sflag:$0x3] =	stream.indirect.gather @!p1 [hbm4b:s1+s9], $0x80, s0, s9, $0xb8;
	[tilespmem:$0x1E800] =	vst v63  }
.Ltmp5:
0x12a: {  	_ = 	snop;
	(pc) =	sbr.rel @p1 .LBB2_9-.Ltmp5, $4  }
0x12b: {  	_ =	swait.ge [sflag:s19], $0x2000  }
0x12c: {  	[sflag:s19] =	ssyncset.done $0x0  }
0x12d: {  	s12 =	sadd.s32 $0x1780, s26;
	[sflag:s19] =	ssyncadd.s32 $0xFFFFE000  }
0x12e: {  	[spmem:s3] =	stream.indirect.scatter.add.f32 [tilespmem:s10], [sflag:$0x9], $0x80, s12, s2, $0xb8;
	[tilespmem:$0x1E800] =	vst v63  }
.Ltmp6:
0x12f: {  	(pc) =	sbr.rel .LBB2_7-.Ltmp6, $4  }
0x130: {  	_ =	swait.ge [sflag:s21], $0x2000  }
0x131: {  	[sflag:s21] =	ssyncset.done $0x0  }
0x132: {  	s0 =	sadd.s32 $0x500, s26;
	s25 =	sadd.s32 $0x800, s25;
	[sflag:s21] =	ssyncadd.s32 $0xFFFFE000  }
0x133: {  	[tilespmem:s6], [sflag:$0x4] =	stream.indirect.gather [hbm4b:s1+s2], $0x80, s0, s2, $0xb8;
	[tilespmem:$0x1E800] =	vst v63  }
.LBB2_9:
0x134: {  	_ =	swait.ge [sflag:s13], $0x2000  }
0x135: {  	[sflag:s13] =	ssyncset.done $0x0  }
0x136: {  	[sflag:s13] =	ssyncadd.s32 $0xFFFFE000  }
0x137: {  	_ =	swait.ge [sflag:s17], $0x2000  }
0x138: {  	[sflag:s17] =	ssyncset.done $0x0  }
0x139: {  	[sflag:s17] =	ssyncadd.s32 $0xFFFFE000  }
0x13a: {  	_ =	swait.ge [sflag:s21], $0x2000  }
0x13b: {  	[sflag:s21] =	ssyncset.done $0x0  }
0x13c: {  	[sflag:s21] =	ssyncadd.s32 $0xFFFFE000  }
0x13d: {  	_ =	swait.ge [sflag:s23], $0x2000  }
0x13e: {  	[sflag:s23] =	ssyncset.done $0x0  }
0x13f: {  	s25 =	simm.s32 $0x0;
	s0 =	rddreg [dreg:$0x9];
	[sflag:s23] =	ssyncadd.s32 $0xFFFFE000  }
0x140: {  	[tilespmem:s25], [sflag:$0x1] =	stream.linear.gather [hbm4b:s0+s25], $0x1400, $0x38;
	[tilespmem:$0x1E800] =	vst v63  }
0x141: {  	s26 =	rddreg [dreg:$0xa]  }
0x142: {  	[tilespmem:s28], [sflag:$0x1] =	stream.linear.gather [hbm4b:s26+s25], $0x1400, $0x38;
	[tilespmem:$0x1E800] =	vst v63  }
0x143: {  	_ =	swait.ge [sflag:s31], $0x1400  }
0x144: {  	[sflag:s31] =	ssyncset.done $0x0  }
0x145: {  	[sflag:s31] =	ssyncadd.s32 $0xFFFFEC00  }
0x146: {  	_ =	swait.ge [sflag:s31], $0x1400  }
0x147: {  	[sflag:s31] =	ssyncset.done $0x0  }
0x148: {  	[sflag:s31] =	ssyncadd.s32 $0xFFFFEC00  }
0x149: {  	[tilespmem:s29], [sflag:$0x2] =	stream.indirect.gather [hbm4b:s1+s2], $0x80, s25, s2, $0xb8;
	[tilespmem:$0x1E800] =	vst v63  }
0x14a: {  	s5 =	simm.s32 $0x80  }
0x14b: {  	[tilespmem:s4], [sflag:$0x3] =	stream.indirect.gather [hbm4b:s1+s2], $0x80, s5, s2, $0xb8;
	[tilespmem:$0x1E800] =	vst v63  }
0x14c: {  	s9 =	simm.s32 $0x100  }
0x14d: {  	[tilespmem:s6], [sflag:$0x4] =	stream.indirect.gather [hbm4b:s1+s2], $0x80, s9, s2, $0xb8;
	[tilespmem:$0x1E800] =	vst v63  }
0x14e: {  	_ =	swait.ge [sflag:s8], $0x2000  }
0x14f: {  	[sflag:s8] =	ssyncset.done $0x0  }
0x150: {  	[sflag:s8] =	ssyncadd.s32 $0xFFFFE000  }
0x151: {  	[spmem:s3] =	stream.indirect.scatter.add.f32 [tilespmem:s29], [sflag:$0x6], $0x80, s28, s2, $0xb8;
	[tilespmem:$0x1E800] =	vst v63  }
0x152: {  	s12 =	simm.s32 $0x180  }
0x153: {  	[tilespmem:s10], [sflag:$0x5] =	stream.indirect.gather [hbm4b:s1+s2], $0x80, s12, s2, $0xb8;
	[tilespmem:$0x1E800] =	vst v63  }
0x154: {  	_ =	swait.ge [sflag:s11], $0x2000  }
0x155: {  	[sflag:s11] =	ssyncset.done $0x0  }
0x156: {  	s26 =	simm.s32 $0x1480;
	[sflag:s11] =	ssyncadd.s32 $0xFFFFE000  }
0x157: {  	[spmem:s3] =	stream.indirect.scatter.add.f32 [tilespmem:s4], [sflag:$0x7], $0x80, s26, s2, $0xb8;
	[tilespmem:$0x1E800] =	vst v63  }
0x158: {  	_ =	swait.ge [sflag:s13], $0x2000  }
0x159: {  	[sflag:s13] =	ssyncset.done $0x0  }
0x15a: {  	[sflag:s13] =	ssyncadd.s32 $0xFFFFE000  }
0x15b: {  	[tilespmem:s29], [sflag:$0x2] =	stream.indirect.gather [hbm4b:s1+s2], $0x80, s14, s2, $0xb8;
	[tilespmem:$0x1E800] =	vst v63  }
0x15c: {  	_ =	swait.ge [sflag:s15], $0x2000  }
0x15d: {  	[sflag:s15] =	ssyncset.done $0x0  }
0x15e: {  	[sflag:s15] =	ssyncadd.s32 $0xFFFFE000  }
0x15f: {  	[spmem:s3] =	stream.indirect.scatter.add.f32 [tilespmem:s6], [sflag:$0x8], $0x80, s16, s2, $0xb8;
	[tilespmem:$0x1E800] =	vst v63  }
0x160: {  	_ =	swait.ge [sflag:s17], $0x2000  }
0x161: {  	[sflag:s17] =	ssyncset.done $0x0  }
0x162: {  	[sflag:s17] =	ssyncadd.s32 $0xFFFFE000  }
0x163: {  	[tilespmem:s4], [sflag:$0x3] =	stream.indirect.gather [hbm4b:s1+s2], $0x80, s18, s2, $0xb8;
	[tilespmem:$0x1E800] =	vst v63  }
0x164: {  	_ =	swait.ge [sflag:s19], $0x2000  }
0x165: {  	[sflag:s19] =	ssyncset.done $0x0  }
0x166: {  	[sflag:s19] =	ssyncadd.s32 $0xFFFFE000  }
0x167: {  	[spmem:s3] =	stream.indirect.scatter.add.f32 [tilespmem:s10], [sflag:$0x9], $0x80, s20, s2, $0xb8;
	[tilespmem:$0x1E800] =	vst v63  }
0x168: {  	_ =	swait.ge [sflag:s21], $0x2000  }
0x169: {  	[sflag:s21] =	ssyncset.done $0x0  }
0x16a: {  	[sflag:s21] =	ssyncadd.s32 $0xFFFFE000  }
0x16b: {  	[tilespmem:s6], [sflag:$0x4] =	stream.indirect.gather [hbm4b:s1+s2], $0x80, s22, s2, $0xb8;
	[tilespmem:$0x1E800] =	vst v63  }
.LBB2_10:
0x16c: {  	_ =	swait.ge [sflag:s8], $0x2000  }
0x16d: {  	s26 =	sshra.s32 s25, $0x2;
	[sflag:s8] =	ssyncset.done $0x0  }
0x16e: {  	s0 =	sadd.s32 $0x1600, s26;
	[sflag:s8] =	ssyncadd.s32 $0xFFFFE000  }
0x16f: {  	[spmem:s3] =	stream.indirect.scatter.add.f32 [tilespmem:s29], [sflag:$0x6], $0x80, s0, s2, $0xb8;
	[tilespmem:$0x1E800] =	vst v63  }
0x170: {  	_ =	swait.ge [sflag:s23], $0x2000  }
0x171: {  	[sflag:s23] =	ssyncset.done $0x0  }
0x172: {  	s5 =	sadd.s32 $0x380, s26;
	[sflag:s23] =	ssyncadd.s32 $0xFFFFE000  }
0x173: {  	[tilespmem:s10], [sflag:$0x5] =	stream.indirect.gather [hbm4b:s1+s2], $0x80, s5, s2, $0xb8;
	[tilespmem:$0x1E800] =	vst v63  }
0x174: {  	_ =	swait.ge [sflag:s11], $0x2000  }
0x175: {  	p1 =	seq.s32 s25, $0x4000;
	[sflag:s11] =	ssyncset.done $0x0  }
0x176: {  	s9 =	sadd.s32 $0x1680, s26;
	s0 =	simm.s32 @p1 $0x4;
	[sflag:s11] =	ssyncadd.s32 $0xFFFFE000  }
0x177: {  	[spmem:s3] =	stream.indirect.scatter.add.f32 [tilespmem:s4], [sflag:$0x7], $0x80, s9, s2, $0xb8;
	[tilespmem:$0x1E800] =	vst v63  }
0x178: {  	_ =	swait.ge @p1 [sflag:s0], $0x2000  }
0x179: {  	[sflag:s0] =	ssyncset.done @p1 $0x0  }
0x17a: {  	[sflag:s0] =	ssyncadd.s32 @p1 $0xFFFFE000;
	s0 =	sshra.s32 @p1 s25, $0x2  }
0x17b: {  	s5 =	simm.s32 @p1 $0x40;
	s9 =	simm.s32 @p1 $0x6800;
	s0 =	sadd.s32 @p1 $0x1700, s0  }
0x17c: {  	[spmem:s3] =	stream.indirect.scatter.add.f32 @p1 [tilespmem:s9], [sflag:$0x8], $0x80, s0, s5, $0xb8;
	[tilespmem:$0x1E800] =	vst v63  }
0x17d: {  	s0 =	simm.s32 @!p1 $0x6  }
0x17e: {  	_ =	swait.ge @!p1 [sflag:s0], $0x2000  }
0x17f: {  	[sflag:s0] =	ssyncset.done @!p1 $0x0  }
0x180: {  	[sflag:s0] =	ssyncadd.s32 @!p1 $0xFFFFE000;
	s0 =	sshra.s32 @!p1 s25, $0x2  }
0x181: {  	s12 =	simm.s32 @!p1 $0x2800;
	s9 =	simm.s32 @!p1 $0x40;
	s5 =	sadd.s32 @!p1 $0x400, s0  }
0x182: {  	[tilespmem:s12], [sflag:$0x2] =	stream.indirect.gather @!p1 [hbm4b:s1+s9], $0x80, s5, s9, $0xb8;
	[tilespmem:$0x1E800] =	vst v63  }
0x183: {  	s5 =	simm.s32 @!p1 $0x4  }
0x184: {  	_ =	swait.ge @!p1 [sflag:s5], $0x2000  }
0x185: {  	[sflag:s5] =	ssyncset.done @!p1 $0x0  }
0x186: {  	s12 =	simm.s32 @!p1 $0x6800;
	[sflag:s5] =	ssyncadd.s32 @!p1 $0xFFFFE000;
	s5 =	sadd.s32 @!p1 $0x1700, s0  }
0x187: {  	[spmem:s3] =	stream.indirect.scatter.add.f32 @!p1 [tilespmem:s12], [sflag:$0x8], $0x80, s5, s9, $0xb8;
	[tilespmem:$0x1E800] =	vst v63  }
0x188: {  	s5 =	simm.s32 @!p1 $0x7  }
0x189: {  	_ =	swait.ge @!p1 [sflag:s5], $0x2000  }
0x18a: {  	[sflag:s5] =	ssyncset.done @!p1 $0x0  }
0x18b: {  	s0 =	sadd.s32 @!p1 $0x480, s0;
	[sflag:s5] =	ssyncadd.s32 @!p1 $0xFFFFE000;
	s5 =	simm.s32 @!p1 $0x4800  }
0x18c: {  	[tilespmem:s5], [sflag:$0x3] =	stream.indirect.gather @!p1 [hbm4b:s1+s9], $0x80, s0, s9, $0xb8;
	[tilespmem:$0x1E800] =	vst v63  }
.Ltmp7:
0x18d: {  	_ = 	snop;
	(pc) =	sbr.rel @p1 .LBB2_12-.Ltmp7, $4  }
0x18e: {  	_ =	swait.ge [sflag:s19], $0x2000  }
0x18f: {  	[sflag:s19] =	ssyncset.done $0x0  }
0x190: {  	s12 =	sadd.s32 $0x1780, s26;
	[sflag:s19] =	ssyncadd.s32 $0xFFFFE000  }
0x191: {  	[spmem:s3] =	stream.indirect.scatter.add.f32 [tilespmem:s10], [sflag:$0x9], $0x80, s12, s2, $0xb8;
	[tilespmem:$0x1E800] =	vst v63  }
.Ltmp8:
0x192: {  	(pc) =	sbr.rel .LBB2_10-.Ltmp8, $4  }
0x193: {  	_ =	swait.ge [sflag:s21], $0x2000  }
0x194: {  	[sflag:s21] =	ssyncset.done $0x0  }
0x195: {  	s0 =	sadd.s32 $0x500, s26;
	s25 =	sadd.s32 $0x800, s25;
	[sflag:s21] =	ssyncadd.s32 $0xFFFFE000  }
0x196: {  	[tilespmem:s6], [sflag:$0x4] =	stream.indirect.gather [hbm4b:s1+s2], $0x80, s0, s2, $0xb8;
	[tilespmem:$0x1E800] =	vst v63  }
.LBB2_12:
0x197: {  	_ =	swait.ge [sflag:s13], $0x2000  }
0x198: {  	[sflag:s13] =	ssyncset.done $0x0  }
0x199: {  	[sflag:s13] =	ssyncadd.s32 $0xFFFFE000  }
0x19a: {  	_ =	swait.ge [sflag:s17], $0x2000  }
0x19b: {  	[sflag:s17] =	ssyncset.done $0x0  }
0x19c: {  	[sflag:s17] =	ssyncadd.s32 $0xFFFFE000  }
0x19d: {  	_ =	swait.ge [sflag:s21], $0x2000  }
0x19e: {  	[sflag:s21] =	ssyncset.done $0x0  }
0x19f: {  	[sflag:s21] =	ssyncadd.s32 $0xFFFFE000  }
0x1a0: {  	_ =	swait.ge [sflag:s23], $0x2000  }
0x1a1: {  	[sflag:s23] =	ssyncset.done $0x0  }
0x1a2: {  	s25 =	simm.s32 $0x0;
	s0 =	rddreg [dreg:$0xb];
	[sflag:s23] =	ssyncadd.s32 $0xFFFFE000  }
0x1a3: {  	[tilespmem:s25], [sflag:$0x1] =	stream.linear.gather [hbm4b:s0+s25], $0x1400, $0x38;
	[tilespmem:$0x1E800] =	vst v63  }
0x1a4: {  	s26 =	rddreg [dreg:$0xc]  }
0x1a5: {  	[tilespmem:s28], [sflag:$0x1] =	stream.linear.gather [hbm4b:s26+s25], $0x1400, $0x38;
	[tilespmem:$0x1E800] =	vst v63  }
0x1a6: {  	_ =	swait.ge [sflag:s31], $0x1400  }
0x1a7: {  	[sflag:s31] =	ssyncset.done $0x0  }
0x1a8: {  	[sflag:s31] =	ssyncadd.s32 $0xFFFFEC00  }
0x1a9: {  	_ =	swait.ge [sflag:s31], $0x1400  }
0x1aa: {  	[sflag:s31] =	ssyncset.done $0x0  }
0x1ab: {  	[sflag:s31] =	ssyncadd.s32 $0xFFFFEC00  }
0x1ac: {  	[tilespmem:s29], [sflag:$0x2] =	stream.indirect.gather [hbm4b:s1+s2], $0x80, s25, s2, $0xb8;
	[tilespmem:$0x1E800] =	vst v63  }
0x1ad: {  	s5 =	simm.s32 $0x80  }
0x1ae: {  	[tilespmem:s4], [sflag:$0x3] =	stream.indirect.gather [hbm4b:s1+s2], $0x80, s5, s2, $0xb8;
	[tilespmem:$0x1E800] =	vst v63  }
0x1af: {  	s9 =	simm.s32 $0x100  }
0x1b0: {  	[tilespmem:s6], [sflag:$0x4] =	stream.indirect.gather [hbm4b:s1+s2], $0x80, s9, s2, $0xb8;
	[tilespmem:$0x1E800] =	vst v63  }
0x1b1: {  	_ =	swait.ge [sflag:s8], $0x2000  }
0x1b2: {  	[sflag:s8] =	ssyncset.done $0x0  }
0x1b3: {  	[sflag:s8] =	ssyncadd.s32 $0xFFFFE000  }
0x1b4: {  	[spmem:s3] =	stream.indirect.scatter.add.f32 [tilespmem:s29], [sflag:$0x6], $0x80, s28, s2, $0xb8;
	[tilespmem:$0x1E800] =	vst v63  }
0x1b5: {  	s12 =	simm.s32 $0x180  }
0x1b6: {  	[tilespmem:s10], [sflag:$0x5] =	stream.indirect.gather [hbm4b:s1+s2], $0x80, s12, s2, $0xb8;
	[tilespmem:$0x1E800] =	vst v63  }
0x1b7: {  	_ =	swait.ge [sflag:s11], $0x2000  }
0x1b8: {  	[sflag:s11] =	ssyncset.done $0x0  }
0x1b9: {  	s26 =	simm.s32 $0x1480;
	[sflag:s11] =	ssyncadd.s32 $0xFFFFE000  }
0x1ba: {  	[spmem:s3] =	stream.indirect.scatter.add.f32 [tilespmem:s4], [sflag:$0x7], $0x80, s26, s2, $0xb8;
	[tilespmem:$0x1E800] =	vst v63  }
0x1bb: {  	_ =	swait.ge [sflag:s13], $0x2000  }
0x1bc: {  	[sflag:s13] =	ssyncset.done $0x0  }
0x1bd: {  	[sflag:s13] =	ssyncadd.s32 $0xFFFFE000  }
0x1be: {  	[tilespmem:s29], [sflag:$0x2] =	stream.indirect.gather [hbm4b:s1+s2], $0x80, s14, s2, $0xb8;
	[tilespmem:$0x1E800] =	vst v63  }
0x1bf: {  	_ =	swait.ge [sflag:s15], $0x2000  }
0x1c0: {  	[sflag:s15] =	ssyncset.done $0x0  }
0x1c1: {  	[sflag:s15] =	ssyncadd.s32 $0xFFFFE000  }
0x1c2: {  	[spmem:s3] =	stream.indirect.scatter.add.f32 [tilespmem:s6], [sflag:$0x8], $0x80, s16, s2, $0xb8;
	[tilespmem:$0x1E800] =	vst v63  }
0x1c3: {  	_ =	swait.ge [sflag:s17], $0x2000  }
0x1c4: {  	[sflag:s17] =	ssyncset.done $0x0  }
0x1c5: {  	[sflag:s17] =	ssyncadd.s32 $0xFFFFE000  }
0x1c6: {  	[tilespmem:s4], [sflag:$0x3] =	stream.indirect.gather [hbm4b:s1+s2], $0x80, s18, s2, $0xb8;
	[tilespmem:$0x1E800] =	vst v63  }
0x1c7: {  	_ =	swait.ge [sflag:s19], $0x2000  }
0x1c8: {  	[sflag:s19] =	ssyncset.done $0x0  }
0x1c9: {  	[sflag:s19] =	ssyncadd.s32 $0xFFFFE000  }
0x1ca: {  	[spmem:s3] =	stream.indirect.scatter.add.f32 [tilespmem:s10], [sflag:$0x9], $0x80, s20, s2, $0xb8;
	[tilespmem:$0x1E800] =	vst v63  }
0x1cb: {  	_ =	swait.ge [sflag:s21], $0x2000  }
0x1cc: {  	[sflag:s21] =	ssyncset.done $0x0  }
0x1cd: {  	[sflag:s21] =	ssyncadd.s32 $0xFFFFE000  }
0x1ce: {  	[tilespmem:s6], [sflag:$0x4] =	stream.indirect.gather [hbm4b:s1+s2], $0x80, s22, s2, $0xb8;
	[tilespmem:$0x1E800] =	vst v63  }
.LBB2_13:
0x1cf: {  	_ =	swait.ge [sflag:s8], $0x2000  }
0x1d0: {  	s26 =	sshra.s32 s25, $0x2;
	[sflag:s8] =	ssyncset.done $0x0  }
0x1d1: {  	s0 =	sadd.s32 $0x1600, s26;
	[sflag:s8] =	ssyncadd.s32 $0xFFFFE000  }
0x1d2: {  	[spmem:s3] =	stream.indirect.scatter.add.f32 [tilespmem:s29], [sflag:$0x6], $0x80, s0, s2, $0xb8;
	[tilespmem:$0x1E800] =	vst v63  }
0x1d3: {  	_ =	swait.ge [sflag:s23], $0x2000  }
0x1d4: {  	[sflag:s23] =	ssyncset.done $0x0  }
0x1d5: {  	s5 =	sadd.s32 $0x380, s26;
	[sflag:s23] =	ssyncadd.s32 $0xFFFFE000  }
0x1d6: {  	[tilespmem:s10], [sflag:$0x5] =	stream.indirect.gather [hbm4b:s1+s2], $0x80, s5, s2, $0xb8;
	[tilespmem:$0x1E800] =	vst v63  }
0x1d7: {  	_ =	swait.ge [sflag:s11], $0x2000  }
0x1d8: {  	p1 =	seq.s32 s25, $0x4000;
	[sflag:s11] =	ssyncset.done $0x0  }
0x1d9: {  	s9 =	sadd.s32 $0x1680, s26;
	s0 =	simm.s32 @p1 $0x4;
	[sflag:s11] =	ssyncadd.s32 $0xFFFFE000  }
0x1da: {  	[spmem:s3] =	stream.indirect.scatter.add.f32 [tilespmem:s4], [sflag:$0x7], $0x80, s9, s2, $0xb8;
	[tilespmem:$0x1E800] =	vst v63  }
0x1db: {  	_ =	swait.ge @p1 [sflag:s0], $0x2000  }
0x1dc: {  	[sflag:s0] =	ssyncset.done @p1 $0x0  }
0x1dd: {  	[sflag:s0] =	ssyncadd.s32 @p1 $0xFFFFE000;
	s0 =	sshra.s32 @p1 s25, $0x2  }
0x1de: {  	s5 =	simm.s32 @p1 $0x40;
	s9 =	simm.s32 @p1 $0x6800;
	s0 =	sadd.s32 @p1 $0x1700, s0  }
0x1df: {  	[spmem:s3] =	stream.indirect.scatter.add.f32 @p1 [tilespmem:s9], [sflag:$0x8], $0x80, s0, s5, $0xb8;
	[tilespmem:$0x1E800] =	vst v63  }
0x1e0: {  	s0 =	simm.s32 @!p1 $0x6  }
0x1e1: {  	_ =	swait.ge @!p1 [sflag:s0], $0x2000  }
0x1e2: {  	[sflag:s0] =	ssyncset.done @!p1 $0x0  }
0x1e3: {  	[sflag:s0] =	ssyncadd.s32 @!p1 $0xFFFFE000;
	s0 =	sshra.s32 @!p1 s25, $0x2  }
0x1e4: {  	s12 =	simm.s32 @!p1 $0x2800;
	s9 =	simm.s32 @!p1 $0x40;
	s5 =	sadd.s32 @!p1 $0x400, s0  }
0x1e5: {  	[tilespmem:s12], [sflag:$0x2] =	stream.indirect.gather @!p1 [hbm4b:s1+s9], $0x80, s5, s9, $0xb8;
	[tilespmem:$0x1E800] =	vst v63  }
0x1e6: {  	s5 =	simm.s32 @!p1 $0x4  }
0x1e7: {  	_ =	swait.ge @!p1 [sflag:s5], $0x2000  }
0x1e8: {  	[sflag:s5] =	ssyncset.done @!p1 $0x0  }
0x1e9: {  	s12 =	simm.s32 @!p1 $0x6800;
	[sflag:s5] =	ssyncadd.s32 @!p1 $0xFFFFE000;
	s5 =	sadd.s32 @!p1 $0x1700, s0  }
0x1ea: {  	[spmem:s3] =	stream.indirect.scatter.add.f32 @!p1 [tilespmem:s12], [sflag:$0x8], $0x80, s5, s9, $0xb8;
	[tilespmem:$0x1E800] =	vst v63  }
0x1eb: {  	s5 =	simm.s32 @!p1 $0x7  }
0x1ec: {  	_ =	swait.ge @!p1 [sflag:s5], $0x2000  }
0x1ed: {  	[sflag:s5] =	ssyncset.done @!p1 $0x0  }
0x1ee: {  	s0 =	sadd.s32 @!p1 $0x480, s0;
	[sflag:s5] =	ssyncadd.s32 @!p1 $0xFFFFE000;
	s5 =	simm.s32 @!p1 $0x4800  }
0x1ef: {  	[tilespmem:s5], [sflag:$0x3] =	stream.indirect.gather @!p1 [hbm4b:s1+s9], $0x80, s0, s9, $0xb8;
	[tilespmem:$0x1E800] =	vst v63  }
.Ltmp9:
0x1f0: {  	_ = 	snop;
	(pc) =	sbr.rel @p1 .LBB2_15-.Ltmp9, $4  }
0x1f1: {  	_ =	swait.ge [sflag:s19], $0x2000  }
0x1f2: {  	[sflag:s19] =	ssyncset.done $0x0  }
0x1f3: {  	s12 =	sadd.s32 $0x1780, s26;
	[sflag:s19] =	ssyncadd.s32 $0xFFFFE000  }
0x1f4: {  	[spmem:s3] =	stream.indirect.scatter.add.f32 [tilespmem:s10], [sflag:$0x9], $0x80, s12, s2, $0xb8;
	[tilespmem:$0x1E800] =	vst v63  }
.Ltmp10:
0x1f5: {  	(pc) =	sbr.rel .LBB2_13-.Ltmp10, $4  }
0x1f6: {  	_ =	swait.ge [sflag:s21], $0x2000  }
0x1f7: {  	[sflag:s21] =	ssyncset.done $0x0  }
0x1f8: {  	s0 =	sadd.s32 $0x500, s26;
	s25 =	sadd.s32 $0x800, s25;
	[sflag:s21] =	ssyncadd.s32 $0xFFFFE000  }
0x1f9: {  	[tilespmem:s6], [sflag:$0x4] =	stream.indirect.gather [hbm4b:s1+s2], $0x80, s0, s2, $0xb8;
	[tilespmem:$0x1E800] =	vst v63  }
.LBB2_16:
0x1fa: {  	_ =	sfence.sel $0x180000  }
0x1fb: {  	[bflag:$0x0] =	sbarrier.arrive $0xFFFF  }
0x1fc: {  	_ =	strace $0x90000047  }
0x1fd: {  	s0 =	stileid.u32;
	[bflag:$0x2] =	sbarrier.arrive $0xFFFF  }
0x1fe: {  	p0 =	sne.s32 s0, $0x0;
	s0 =	rddreg [dreg:$0x4]  }
0x1ff: {  	s0 =	sadd.s32 @!p0 $0x100000, s0  }
0x200: {  	[sflag:s0] =	ssyncadd.tile.s32 @!p0 $0x1;
	_ =	shalt  }
.Lfunc_end2:
_tile_overlayer_lowered:
.L_overlay_start_2:
0x201: {  	(tag) =	ssettag $0x2  }
0x202: {  	s0 =	rddreg [dreg:$0x0];
	s2 =	stileid.u32  }
0x203: {  	s1 =	rddreg [dreg:$0x1];
	p0 =	sne.s32 s2, $0x0  }
0x204: {  	s3 =	rddreg [dreg:$0x2];
	[bflag:$0x3] =	sbarrier.arrive $0xFFFF;
	s2 =	simm.s32 @!p0 $0x1C0A  }
0x205: {  	[timem:s3], [sflag:s2] =	dma.local @!p0 [hbm:s0], s1  }
0x206: {  	s0 =	simm.s32 @!p0 $0xA  }
0x207: {  	_ =	swait.ge @!p0 [sflag:s0], s1  }
0x208: {  	s1 =	ssub.s32 @!p0 $0x0, s1;
	[sflag:s0] =	ssyncset.done @!p0 $0x0  }
0x209: {  	[sflag:s0] =	ssyncadd.s32 @!p0 s1  }
0x20a: {  	[bflag:$0x3] =	sbarrier.arrive $0xFFFF  }
0x20b: {  	_ =	shalt  }

</sc_bundles>
